<compile_context>
chip_gen: v7x
topology: tpu7x:2x2x1
jax: 0.10.2.dev20260603
libtpu: 0.0.44.dev20260713+nightly
codegen_flags: <defaults>
</compile_context>

<pallas_src>
import functools

import jax
import jax.numpy as jnp
from jax import lax
from jax.experimental import pallas as pl
from jax.experimental.pallas import tpu as pltpu
from jax.experimental.pallas import tpu_sc as plsc

N = 10000
E = 320000
D = 128
DE = 16

N_PAD = 10112
NW = 32
E_PER_W = E // NW
CHUNK = 80
EPW_PAD = 10000
N_CHUNKS = EPW_PAD // CHUNK
E_IDX_PAD = NW * EPW_PAD



def _edge_mlp_body(ea_ref, we_ref, be_ref, out_ref):
    out_ref[...] = (
        jnp.dot(ea_ref[...], we_ref[...], preferred_element_type=jnp.float32)
        + be_ref[...]
    )


def _edge_mlp(edge_attr, We, be):
    blk = 8000
    grid = E // blk
    return pl.pallas_call(
        _edge_mlp_body,
        grid=(grid,),
        in_specs=[
            pl.BlockSpec((blk, DE), lambda i: (i, 0)),
            pl.BlockSpec((DE, D), lambda i: (0, 0)),
            pl.BlockSpec((1, D), lambda i: (0, 0)),
        ],
        out_specs=pl.BlockSpec((blk, D), lambda i: (i, 0)),
        out_shape=jax.ShapeDtypeStruct((E, D), jnp.float32),
    )(edge_attr, We, be.reshape(1, D))



def _sc_msgpass_body(x_hbm, e_hbm, src_hbm, dst_hbm, out_hbm,
                     sv0, sv1, dv0, dv1, xg0, xg1, ev0, ev1,
                     zbuf, aggr, isem0, isem1, gsem0, gsem1, esem0, esem1):
    c = lax.axis_index("c")
    s = lax.axis_index("s")
    wid = s * 2 + c
    ibase = wid * EPW_PAD
    ebase = wid * E_PER_W

    xg = (xg0, xg1)
    ev = (ev0, ev1)
    sv = (sv0, sv1)
    dv = (dv0, dv1)
    isem = (isem0, isem1)
    gsem = (gsem0, gsem1)
    esem = (esem0, esem1)

    def zrow(i, _):
        for j in range(D // 16):
            zbuf[i, pl.ds(j * 16, 16)] = jnp.zeros((16,), jnp.float32)
        return 0
    lax.fori_loop(0, 8, zrow, 0)

    rows_per_sub = N_PAD // 16
    def zcp(t, _):
        pltpu.sync_copy(zbuf, aggr.at[pl.ds(s * rows_per_sub + t * 8, 8)])
        return 0
    lax.fori_loop(0, rows_per_sub // 8, zcp, 0)

    plsc.subcore_barrier()

    def issue_idx(g, slot):
        pltpu.async_copy(src_hbm.at[pl.ds(ibase + g * CHUNK, CHUNK)],
                         sv[slot], isem[slot])
        pltpu.async_copy(dst_hbm.at[pl.ds(ibase + g * CHUNK, CHUNK)],
                         dv[slot], isem[slot])

    def wait_idx(slot):
        pltpu.make_async_copy(src_hbm.at[pl.ds(0, CHUNK)], sv[slot],
                              isem[slot]).wait()
        pltpu.make_async_copy(dst_hbm.at[pl.ds(0, CHUNK)], dv[slot],
                              isem[slot]).wait()

    def issue_data(g, slot):
        pltpu.async_copy(x_hbm.at[sv[slot]], xg[slot], gsem[slot])
        pltpu.async_copy(e_hbm.at[pl.ds(ebase + g * CHUNK, CHUNK)],
                         ev[slot], esem[slot])

    def wait_data(slot):
        pltpu.make_async_copy(x_hbm.at[sv[slot]], xg[slot], gsem[slot]).wait()
        pltpu.make_async_copy(e_hbm.at[pl.ds(0, CHUNK)], ev[slot],
                              esem[slot]).wait()

    def compute_scatter(slot):
        xgs, evs = xg[slot], ev[slot]
        def row(i, _):
            for j in range(D // 16):
                sl = pl.ds(j * 16, 16)
                xgs[i, sl] = jnp.maximum(xgs[i, sl] + evs[i, sl], 0.0)
            return 0
        lax.fori_loop(0, CHUNK, row, 0)
        pltpu.sync_copy(xgs, aggr.at[dv[slot]], add=True)

    def half(g, p, q, prefetch_idx):
        wait_idx(q)
        issue_data(g + 1, q)
        wait_data(p)
        compute_scatter(p)
        if prefetch_idx:
            issue_idx(g + 2, p)

    issue_idx(0, 0)
    issue_idx(1, 1)
    wait_idx(0)
    issue_data(0, 0)

    def pair(t, _):
        half(2 * t, 0, 1, True)
        half(2 * t + 1, 1, 0, True)
        return 0
    lax.fori_loop(0, (N_CHUNKS - 3) // 2, pair, 0)
    half(N_CHUNKS - 3, 0, 1, True)
    half(N_CHUNKS - 2, 1, 0, False)
    wait_data(0)
    compute_scatter(0)

    plsc.subcore_barrier()

    def cpout(t, _):
        r = s * rows_per_sub + t * 64
        pltpu.sync_copy(aggr.at[pl.ds(r, 64)], out_hbm.at[c, pl.ds(r, 64)])
        return 0
    lax.fori_loop(0, rows_per_sub // 64, cpout, 0)
    r_tail = s * rows_per_sub + (rows_per_sub // 64) * 64
    pltpu.sync_copy(aggr.at[pl.ds(r_tail, rows_per_sub % 64)],
                    out_hbm.at[c, pl.ds(r_tail, rows_per_sub % 64)])


def _sc_msgpass(x, e, src_pad, dst_pad):
    mesh = plsc.VectorSubcoreMesh(core_axis_name="c", subcore_axis_name="s")
    f = pl.kernel(
        _sc_msgpass_body,
        out_type=jax.ShapeDtypeStruct((2, N_PAD, D), jnp.float32),
        mesh=mesh,
        scratch_types=[
            pltpu.VMEM((CHUNK,), jnp.int32),
            pltpu.VMEM((CHUNK,), jnp.int32),
            pltpu.VMEM((CHUNK,), jnp.int32),
            pltpu.VMEM((CHUNK,), jnp.int32),
            pltpu.VMEM((CHUNK, D), jnp.float32),
            pltpu.VMEM((CHUNK, D), jnp.float32),
            pltpu.VMEM((CHUNK, D), jnp.float32),
            pltpu.VMEM((CHUNK, D), jnp.float32),
            pltpu.VMEM((8, D), jnp.float32),
            pltpu.VMEM_SHARED((N_PAD, D), jnp.float32),
            pltpu.SemaphoreType.DMA,
            pltpu.SemaphoreType.DMA,
            pltpu.SemaphoreType.DMA,
            pltpu.SemaphoreType.DMA,
            pltpu.SemaphoreType.DMA,
            pltpu.SemaphoreType.DMA,
        ],
    )
    return f(x, e, src_pad, dst_pad)



def _node_mlp_body(eps_ref, x_ref, p_ref, w1_ref, b1_ref, w2_ref, b2_ref,
                   out_ref):
    p = p_ref[0] + p_ref[1]
    h = (1.0 + eps_ref[0, 0]) * x_ref[...] + p
    t = jnp.dot(h, w1_ref[...], preferred_element_type=jnp.float32) + b1_ref[...]
    t = 0.5 * t * (1.0 + lax.erf(t * 0.7071067811865476))
    out_ref[...] = (
        jnp.dot(t, w2_ref[...], preferred_element_type=jnp.float32) + b2_ref[...]
    )


def _node_mlp(eps, x, partial, W1, b1, W2, b2):
    blk = 2000
    grid = N // blk
    return pl.pallas_call(
        _node_mlp_body,
        grid=(grid,),
        in_specs=[
            pl.BlockSpec(memory_space=pltpu.SMEM),
            pl.BlockSpec((blk, D), lambda i: (i, 0)),
            pl.BlockSpec((2, blk, D), lambda i: (0, i, 0)),
            pl.BlockSpec((D, D), lambda i: (0, 0)),
            pl.BlockSpec((1, D), lambda i: (0, 0)),
            pl.BlockSpec((D, D), lambda i: (0, 0)),
            pl.BlockSpec((1, D), lambda i: (0, 0)),
        ],
        out_specs=pl.BlockSpec((blk, D), lambda i: (i, 0)),
        out_shape=jax.ShapeDtypeStruct((N, D), jnp.float32),
    )(eps.reshape(1, 1), x, partial, W1, b1.reshape(1, D), W2, b2.reshape(1, D))



def kernel(x, edge_attr, edge_idx, eps0, We0, be0, W10, b10, W20, b20,
           eps1, We1, be1, W11, b11, W21, b21):
    src = edge_idx[0]
    dst = edge_idx[1]

    e0 = _edge_mlp(edge_attr, We0, be0)
    e1 = _edge_mlp(edge_attr, We1, be1)

    p0 = _sc_msgpass(x, e0, src, dst)
    h = _node_mlp(eps0, x, p0, W10, b10, W20, b20)

    p1 = _sc_msgpass(h, e1, src, dst)
    out = _node_mlp(eps1, h, p1, W11, b11, W21, b21)
    return out

# --- scband reference (transcript-rebuilt; emitter-appended) ---
"""Pipeline reference for scband-gine-36910948942292 (READ-ONLY COPY).

The authoritative reference and input builder live on the scoring server;
editing this copy changes nothing except your own understanding.
"""

import jax, jax.numpy as jnp
import numpy as np

N = 10000
E = 320000
D = 128
DE = 16
DEPTH = 2


def _gine_layer(x, edge_attr, src, dst, eps, We, be, W1, b1, W2, b2):
    # GINEConv (PyG): message = ReLU(x_j + lin(edge_attr)); aggregate = sum at dst
    e = edge_attr @ We + be
    m = jax.nn.relu(x[src] + e)
    aggr = jax.ops.segment_sum(m, dst, num_segments=N)
    h = (1.0 + eps) * x + aggr
    # nn = Linear -> GELU -> Dropout(eval: identity) -> Linear
    h = h @ W1 + b1
    h = jax.nn.gelu(h, approximate=False)
    h = h @ W2 + b2
    return h


def setup_inputs(seed: int = 0):
    key = jax.random.key(seed)
    ks = jax.random.split(key, 32)
    inp = {}
    inp["x"] = jax.random.normal(ks[0], (N, D), dtype=jnp.float32)
    inp["edge_attr"] = jax.random.normal(ks[1], (E, DE), dtype=jnp.float32)
    inp["edge_idx"] = jax.random.randint(ks[2], (2, E), 0, N, dtype=jnp.int32)
    for i in range(DEPTH):
        o = 3 + i * 5
        inp[f"eps{i}"] = jnp.array(0.0, dtype=jnp.float32)
        inp[f"We{i}"] = jax.random.normal(ks[o], (DE, D), dtype=jnp.float32) * (1.0 / np.sqrt(DE))
        inp[f"be{i}"] = jnp.zeros((D,), dtype=jnp.float32)
        inp[f"W1{i}"] = jax.random.normal(ks[o + 1], (D, D), dtype=jnp.float32) * (1.0 / np.sqrt(D))
        inp[f"b1{i}"] = jnp.zeros((D,), dtype=jnp.float32)
        inp[f"W2{i}"] = jax.random.normal(ks[o + 2], (D, D), dtype=jnp.float32) * (1.0 / np.sqrt(D))
        inp[f"b2{i}"] = jnp.zeros((D,), dtype=jnp.float32)
    return inp


def reference(x, edge_attr, edge_idx, eps0, We0, be0, W10, b10, W20, b20, eps1, We1, be1, W11, b11, W21, b21):
    src = edge_idx[0]
    dst = edge_idx[1]
    h = _gine_layer(x, edge_attr, src, dst, eps0, We0, be0, W10, b10, W20, b20)
    h = _gine_layer(h, edge_attr, src, dst, eps1, We1, be1, W11, b11, W21, b21)
    return h

if __name__ == "__main__":
    import jax
    _d = setup_inputs()
    print(jax.jit(kernel)(*tuple(_d.values())))

</pallas_src>

<mosaic_0001>
#map = affine_map<(d0, d1) -> (0, 0)>
#map1 = affine_map<(d0, d1) -> (0)>
#map2 = affine_map<(d0, d1) -> (0, 0, 0)>
module attributes {stable_mosaic.version = 14 : i64} {
  func.func @_sc_msgpass_body(%arg0: i32, %arg1: i32, %arg2: memref<10000x128xf32, #tpu.memory_space<hbm>>, %arg3: memref<320000x128xf32, #tpu.memory_space<hbm>>, %arg4: memref<320000xi32, #tpu.memory_space<hbm>>, %arg5: memref<320000xi32, #tpu.memory_space<hbm>>, %arg6: memref<2x10112x128xf32, #tpu.memory_space<hbm>>, %arg7: memref<80xi32, #tpu.memory_space<vmem>>, %arg8: memref<80xi32, #tpu.memory_space<vmem>>, %arg9: memref<80xi32, #tpu.memory_space<vmem>>, %arg10: memref<80xi32, #tpu.memory_space<vmem>>, %arg11: memref<80x128xf32, #tpu.memory_space<vmem>>, %arg12: memref<80x128xf32, #tpu.memory_space<vmem>>, %arg13: memref<80x128xf32, #tpu.memory_space<vmem>>, %arg14: memref<80x128xf32, #tpu.memory_space<vmem>>, %arg15: memref<8x128xf32, #tpu.memory_space<vmem>>, %arg16: memref<10112x128xf32, #tpu.memory_space<vmem_shared>>, %arg17: memref<!tpu.dma_semaphore, #tpu.memory_space<semaphore_mem>>, %arg18: memref<!tpu.dma_semaphore, #tpu.memory_space<semaphore_mem>>, %arg19: memref<!tpu.dma_semaphore, #tpu.memory_space<semaphore_mem>>, %arg20: memref<!tpu.dma_semaphore, #tpu.memory_space<semaphore_mem>>, %arg21: memref<!tpu.dma_semaphore, #tpu.memory_space<semaphore_mem>>, %arg22: memref<!tpu.dma_semaphore, #tpu.memory_space<semaphore_mem>>) attributes {dimension_semantics = [#tpu.dimension_semantics<core_parallel>, #tpu.dimension_semantics<subcore_parallel>], iteration_bounds = array<i64: 2, 16>, scalar_prefetch = 0 : i64, scratch_operands = 16 : i64, tpu.core_type = #tpu.core_type<sc_vector_subcore>, window_params = [{transform_indices = #map}, {transform_indices = #map}, {transform_indices = #map1}, {transform_indices = #map1}, {transform_indices = #map2}]} {
    %mul3A = arith.constant 2 : i32
    %mul3A_0 = arith.muli %arg1, %mul3A : i32
    %add3A = arith.addi %mul3A_0, %arg0 : i32
    %mul3A_1 = arith.constant 10000 : i32
    %mul3A_2 = arith.muli %add3A, %mul3A_1 : i32
    %mul3A_3 = arith.constant 10000 : i32
    %mul3A_4 = arith.muli %add3A, %mul3A_3 : i32
    %scan3A = arith.constant 0 : i32
    %scan3A_5 = arith.constant 0 : i32
    %scan3A_6 = arith.constant 8 : i32
    %scan3A_7 = arith.addi %scan3A_5, %scan3A_6 : i32
    %scan3A_8 = arith.constant 1 : i32
    %scan3A_9 = scf.for %scan3A_158 = %scan3A_5 to %scan3A_7 step %scan3A_8 iter_args(%scan3A_159 = %scan3A) -> (i32)  : i32 {
      %broadcast_in_dim3A = arith.constant 0.000000e+00 : f32
      %broadcast_in_dim3A_160 = vector.broadcast %broadcast_in_dim3A : f32 to vector<16xf32>
      %swap3A = arith.index_cast %scan3A_158 : i32 to index
      %swap3A_161 = arith.constant 0 : index
      %swap3A_162 = tpu.vector_load %arg15[%swap3A, %swap3A_161] {strides = array<i32>} : memref<8x128xf32, #tpu.memory_space<vmem>>, vector<1x16xf32>,
      %swap3A_163 = vector.shape_cast %swap3A_162 : vector<1x16xf32> to vector<16xf32>
      %swap3A_164 = vector.shape_cast %broadcast_in_dim3A_160 : vector<16xf32> to vector<1x16xf32>
      tpu.vector_store %arg15[%swap3A, %swap3A_161], %swap3A_164 {strides = array<i32>} : memref<8x128xf32, #tpu.memory_space<vmem>>, vector<1x16xf32>,
      %broadcast_in_dim3A_165 = arith.constant 0.000000e+00 : f32
      %broadcast_in_dim3A_166 = vector.broadcast %broadcast_in_dim3A_165 : f32 to vector<16xf32>
      %swap3A_167 = arith.index_cast %scan3A_158 : i32 to index
      %swap3A_168 = arith.constant 16 : index
      %swap3A_169 = tpu.vector_load %arg15[%swap3A_167, %swap3A_168] {strides = array<i32>} : memref<8x128xf32, #tpu.memory_space<vmem>>, vector<1x16xf32>,
      %swap3A_170 = vector.shape_cast %swap3A_169 : vector<1x16xf32> to vector<16xf32>
      %swap3A_171 = vector.shape_cast %broadcast_in_dim3A_166 : vector<16xf32> to vector<1x16xf32>
      tpu.vector_store %arg15[%swap3A_167, %swap3A_168], %swap3A_171 {strides = array<i32>} : memref<8x128xf32, #tpu.memory_space<vmem>>, vector<1x16xf32>,
      %broadcast_in_dim3A_172 = arith.constant 0.000000e+00 : f32
      %broadcast_in_dim3A_173 = vector.broadcast %broadcast_in_dim3A_172 : f32 to vector<16xf32>
      %swap3A_174 = arith.index_cast %scan3A_158 : i32 to index
      %swap3A_175 = arith.constant 32 : index
      %swap3A_176 = tpu.vector_load %arg15[%swap3A_174, %swap3A_175] {strides = array<i32>} : memref<8x128xf32, #tpu.memory_space<vmem>>, vector<1x16xf32>,
      %swap3A_177 = vector.shape_cast %swap3A_176 : vector<1x16xf32> to vector<16xf32>
      %swap3A_178 = vector.shape_cast %broadcast_in_dim3A_173 : vector<16xf32> to vector<1x16xf32>
      tpu.vector_store %arg15[%swap3A_174, %swap3A_175], %swap3A_178 {strides = array<i32>} : memref<8x128xf32, #tpu.memory_space<vmem>>, vector<1x16xf32>,
      %broadcast_in_dim3A_179 = arith.constant 0.000000e+00 : f32
      %broadcast_in_dim3A_180 = vector.broadcast %broadcast_in_dim3A_179 : f32 to vector<16xf32>
      %swap3A_181 = arith.index_cast %scan3A_158 : i32 to index
      %swap3A_182 = arith.constant 48 : index
      %swap3A_183 = tpu.vector_load %arg15[%swap3A_181, %swap3A_182] {strides = array<i32>} : memref<8x128xf32, #tpu.memory_space<vmem>>, vector<1x16xf32>,
      %swap3A_184 = vector.shape_cast %swap3A_183 : vector<1x16xf32> to vector<16xf32>
      %swap3A_185 = vector.shape_cast %broadcast_in_dim3A_180 : vector<16xf32> to vector<1x16xf32>
      tpu.vector_store %arg15[%swap3A_181, %swap3A_182], %swap3A_185 {strides = array<i32>} : memref<8x128xf32, #tpu.memory_space<vmem>>, vector<1x16xf32>,
      %broadcast_in_dim3A_186 = arith.constant 0.000000e+00 : f32
      %broadcast_in_dim3A_187 = vector.broadcast %broadcast_in_dim3A_186 : f32 to vector<16xf32>
      %swap3A_188 = arith.index_cast %scan3A_158 : i32 to index
      %swap3A_189 = arith.constant 64 : index
      %swap3A_190 = tpu.vector_load %arg15[%swap3A_188, %swap3A_189] {strides = array<i32>} : memref<8x128xf32, #tpu.memory_space<vmem>>, vector<1x16xf32>,
      %swap3A_191 = vector.shape_cast %swap3A_190 : vector<1x16xf32> to vector<16xf32>
      %swap3A_192 = vector.shape_cast %broadcast_in_dim3A_187 : vector<16xf32> to vector<1x16xf32>
      tpu.vector_store %arg15[%swap3A_188, %swap3A_189], %swap3A_192 {strides = array<i32>} : memref<8x128xf32, #tpu.memory_space<vmem>>, vector<1x16xf32>,
      %broadcast_in_dim3A_193 = arith.constant 0.000000e+00 : f32
      %broadcast_in_dim3A_194 = vector.broadcast %broadcast_in_dim3A_193 : f32 to vector<16xf32>
      %swap3A_195 = arith.index_cast %scan3A_158 : i32 to index
      %swap3A_196 = arith.constant 80 : index
      %swap3A_197 = tpu.vector_load %arg15[%swap3A_195, %swap3A_196] {strides = array<i32>} : memref<8x128xf32, #tpu.memory_space<vmem>>, vector<1x16xf32>,
      %swap3A_198 = vector.shape_cast %swap3A_197 : vector<1x16xf32> to vector<16xf32>
      %swap3A_199 = vector.shape_cast %broadcast_in_dim3A_194 : vector<16xf32> to vector<1x16xf32>
      tpu.vector_store %arg15[%swap3A_195, %swap3A_196], %swap3A_199 {strides = array<i32>} : memref<8x128xf32, #tpu.memory_space<vmem>>, vector<1x16xf32>,
      %broadcast_in_dim3A_200 = arith.constant 0.000000e+00 : f32
      %broadcast_in_dim3A_201 = vector.broadcast %broadcast_in_dim3A_200 : f32 to vector<16xf32>
      %swap3A_202 = arith.index_cast %scan3A_158 : i32 to index
      %swap3A_203 = arith.constant 96 : index
      %swap3A_204 = tpu.vector_load %arg15[%swap3A_202, %swap3A_203] {strides = array<i32>} : memref<8x128xf32, #tpu.memory_space<vmem>>, vector<1x16xf32>,
      %swap3A_205 = vector.shape_cast %swap3A_204 : vector<1x16xf32> to vector<16xf32>
      %swap3A_206 = vector.shape_cast %broadcast_in_dim3A_201 : vector<16xf32> to vector<1x16xf32>
      tpu.vector_store %arg15[%swap3A_202, %swap3A_203], %swap3A_206 {strides = array<i32>} : memref<8x128xf32, #tpu.memory_space<vmem>>, vector<1x16xf32>,
      %broadcast_in_dim3A_207 = arith.constant 0.000000e+00 : f32
      %broadcast_in_dim3A_208 = vector.broadcast %broadcast_in_dim3A_207 : f32 to vector<16xf32>
      %swap3A_209 = arith.index_cast %scan3A_158 : i32 to index
      %swap3A_210 = arith.constant 112 : index
      %swap3A_211 = tpu.vector_load %arg15[%swap3A_209, %swap3A_210] {strides = array<i32>} : memref<8x128xf32, #tpu.memory_space<vmem>>, vector<1x16xf32>,
      %swap3A_212 = vector.shape_cast %swap3A_211 : vector<1x16xf32> to vector<16xf32>
      %swap3A_213 = vector.shape_cast %broadcast_in_dim3A_208 : vector<16xf32> to vector<1x16xf32>
      tpu.vector_store %arg15[%swap3A_209, %swap3A_210], %swap3A_213 {strides = array<i32>} : memref<8x128xf32, #tpu.memory_space<vmem>>, vector<1x16xf32>,
      %scan3A_214 = arith.constant 0 : i32
      scf.yield %scan3A_214 : i32
    }
    %scan3A_10 = arith.constant 8 : i32
    %scan3A_11 = arith.constant 0 : i32
    %scan3A_12 = arith.constant 0 : i32
    %scan3A_13 = arith.constant 79 : i32
    %scan3A_14 = arith.addi %scan3A_12, %scan3A_13 : i32
    %scan3A_15 = arith.constant 1 : i32
    %scan3A_16 = scf.for %scan3A_158 = %scan3A_12 to %scan3A_14 step %scan3A_15 iter_args(%scan3A_159 = %scan3A_11) -> (i32)  : i32 {
      %mul3A_160 = arith.constant 632 : i32
      %mul3A_161 = arith.muli %arg1, %mul3A_160 : i32
      %mul3A_162 = arith.constant 8 : i32
      %mul3A_163 = arith.muli %scan3A_158, %mul3A_162 : i32
      %add3A_164 = arith.addi %mul3A_161, %mul3A_163 : i32
      "tpu.region"() ({
        %run_scoped3A = tpu.sem_alloc : memref<!tpu.dma_semaphore, #tpu.memory_space<semaphore_mem>>
        %dma_start3A_166 = arith.constant 0 : i32
        %dma_start3A_167 = tpu.memref_slice %arg16[%add3A_164, %dma_start3A_166] : memref<10112x128xf32, #tpu.memory_space<vmem_shared>> -> memref<8x128xf32, #tpu.memory_space<vmem_shared>>
        %dma_start3A_168 = arith.constant 0 : i32
        %dma_start3A_169 = tpu.memref_slice %arg16[%add3A_164, %dma_start3A_168] : memref<10112x128xf32, #tpu.memory_space<vmem_shared>> -> memref<8x128xf32, #tpu.memory_space<vmem_shared>>
        tpu.enqueue_dma source(%arg15 : memref<8x128xf32, #tpu.memory_space<vmem>>) target(%dma_start3A_169 : memref<8x128xf32, #tpu.memory_space<vmem_shared>>) target_semaphore(%run_scoped3A : memref<!tpu.dma_semaphore, #tpu.memory_space<semaphore_mem>>)
        %dma_wait3A_170 = arith.constant 0 : i32
        %dma_wait3A_171 = tpu.memref_slice %arg16[%add3A_164, %dma_wait3A_170] : memref<10112x128xf32, #tpu.memory_space<vmem_shared>> -> memref<8x128xf32, #tpu.memory_space<vmem_shared>>
        %dma_wait3A_172 = arith.constant 0 : i32
        %dma_wait3A_173 = tpu.memref_slice %arg16[%add3A_164, %dma_wait3A_172] : memref<10112x128xf32, #tpu.memory_space<vmem_shared>> -> memref<8x128xf32, #tpu.memory_space<vmem_shared>>
        tpu.wait_dma2 semaphore(%run_scoped3A : memref<!tpu.dma_semaphore, #tpu.memory_space<semaphore_mem>>) src(%arg15 : memref<8x128xf32, #tpu.memory_space<vmem>>) dst(%dma_wait3A_173 : memref<8x128xf32, #tpu.memory_space<vmem_shared>>)
        tpu.yield
      }) : () -> ()
      %scan3A_165 = arith.constant 0 : i32
      scf.yield %scan3A_165 : i32
    }
    %scan3A_17 = arith.constant 79 : i32
    %barrier3A = arith.constant 0 : index
    tpu.barrier barrier_id(%barrier3A)
    %add3A_18 = arith.constant 0 : i32
    %add3A_19 = arith.addi %mul3A_2, %add3A_18 : i32
    %dma_start3A = tpu.memref_slice %arg4[%add3A_19] : memref<320000xi32, #tpu.memory_space<hbm>> -> memref<80xi32, #tpu.memory_space<hbm>>
    %dma_start3A_20 = tpu.memref_slice %arg4[%add3A_19] : memref<320000xi32, #tpu.memory_space<hbm>> -> memref<80xi32, #tpu.memory_space<hbm>>
    tpu.enqueue_dma source(%dma_start3A_20 : memref<80xi32, #tpu.memory_space<hbm>>) target(%arg7 : memref<80xi32, #tpu.memory_space<vmem>>) target_semaphore(%arg17 : memref<!tpu.dma_semaphore, #tpu.memory_space<semaphore_mem>>)
    %add3A_21 = arith.constant 0 : i32
    %add3A_22 = arith.addi %mul3A_2, %add3A_21 : i32
    %dma_start3A_23 = tpu.memref_slice %arg5[%add3A_22] : memref<320000xi32, #tpu.memory_space<hbm>> -> memref<80xi32, #tpu.memory_space<hbm>>
    %dma_start3A_24 = tpu.memref_slice %arg5[%add3A_22] : memref<320000xi32, #tpu.memory_space<hbm>> -> memref<80xi32, #tpu.memory_space<hbm>>
    tpu.enqueue_dma source(%dma_start3A_24 : memref<80xi32, #tpu.memory_space<hbm>>) target(%arg9 : memref<80xi32, #tpu.memory_space<vmem>>) target_semaphore(%arg17 : memref<!tpu.dma_semaphore, #tpu.memory_space<semaphore_mem>>)
    %add3A_25 = arith.constant 80 : i32
    %add3A_26 = arith.addi %mul3A_2, %add3A_25 : i32
    %dma_start3A_27 = tpu.memref_slice %arg4[%add3A_26] : memref<320000xi32, #tpu.memory_space<hbm>> -> memref<80xi32, #tpu.memory_space<hbm>>
    %dma_start3A_28 = tpu.memref_slice %arg4[%add3A_26] : memref<320000xi32, #tpu.memory_space<hbm>> -> memref<80xi32, #tpu.memory_space<hbm>>
    tpu.enqueue_dma source(%dma_start3A_28 : memref<80xi32, #tpu.memory_space<hbm>>) target(%arg8 : memref<80xi32, #tpu.memory_space<vmem>>) target_semaphore(%arg18 : memref<!tpu.dma_semaphore, #tpu.memory_space<semaphore_mem>>)
    %add3A_29 = arith.constant 80 : i32
    %add3A_30 = arith.addi %mul3A_2, %add3A_29 : i32
    %dma_start3A_31 = tpu.memref_slice %arg5[%add3A_30] : memref<320000xi32, #tpu.memory_space<hbm>> -> memref<80xi32, #tpu.memory_space<hbm>>
    %dma_start3A_32 = tpu.memref_slice %arg5[%add3A_30] : memref<320000xi32, #tpu.memory_space<hbm>> -> memref<80xi32, #tpu.memory_space<hbm>>
    tpu.enqueue_dma source(%dma_start3A_32 : memref<80xi32, #tpu.memory_space<hbm>>) target(%arg10 : memref<80xi32, #tpu.memory_space<vmem>>) target_semaphore(%arg18 : memref<!tpu.dma_semaphore, #tpu.memory_space<semaphore_mem>>)
    %dma_wait3A = arith.constant 0 : i32
    %dma_wait3A_33 = tpu.memref_slice %arg4[%dma_wait3A] : memref<320000xi32, #tpu.memory_space<hbm>> -> memref<80xi32, #tpu.memory_space<hbm>>
    %dma_wait3A_34 = arith.constant 0 : i32
    %dma_wait3A_35 = tpu.memref_slice %arg4[%dma_wait3A_34] : memref<320000xi32, #tpu.memory_space<hbm>> -> memref<80xi32, #tpu.memory_space<hbm>>
    tpu.wait_dma2 semaphore(%arg17 : memref<!tpu.dma_semaphore, #tpu.memory_space<semaphore_mem>>) src(%dma_wait3A_35 : memref<80xi32, #tpu.memory_space<hbm>>) dst(%arg7 : memref<80xi32, #tpu.memory_space<vmem>>)
    %dma_wait3A_36 = arith.constant 0 : i32
    %dma_wait3A_37 = tpu.memref_slice %arg5[%dma_wait3A_36] : memref<320000xi32, #tpu.memory_space<hbm>> -> memref<80xi32, #tpu.memory_space<hbm>>
    %dma_wait3A_38 = arith.constant 0 : i32
    %dma_wait3A_39 = tpu.memref_slice %arg5[%dma_wait3A_38] : memref<320000xi32, #tpu.memory_space<hbm>> -> memref<80xi32, #tpu.memory_space<hbm>>
    tpu.wait_dma2 semaphore(%arg17 : memref<!tpu.dma_semaphore, #tpu.memory_space<semaphore_mem>>) src(%dma_wait3A_39 : memref<80xi32, #tpu.memory_space<hbm>>) dst(%arg9 : memref<80xi32, #tpu.memory_space<vmem>>)
    %dma_start3A_40 = arith.constant 0 : i32
    %dma_start3A_41 = arith.constant 0 : i32
    %dma_start3A_42 = tpu.memref_slice %arg2[%dma_start3A_40, %dma_start3A_41] : memref<10000x128xf32, #tpu.memory_space<hbm>> -> memref<10000x128xf32, #tpu.memory_space<hbm>>
    tpu.enqueue_indirect_dma source(%dma_start3A_42 : memref<10000x128xf32, #tpu.memory_space<hbm>>) target(%arg11 : memref<80x128xf32, #tpu.memory_space<vmem>>) offsets(%arg7 : memref<80xi32, #tpu.memory_space<vmem>>) semaphore(%arg19 : memref<!tpu.dma_semaphore, #tpu.memory_space<semaphore_mem>>)
    %add3A_43 = arith.constant 0 : i32
    %add3A_44 = arith.addi %mul3A_4, %add3A_43 : i32
    %dma_start3A_45 = arith.constant 0 : i32
    %dma_start3A_46 = tpu.memref_slice %arg3[%add3A_44, %dma_start3A_45] : memref<320000x128xf32, #tpu.memory_space<hbm>> -> memref<80x128xf32, #tpu.memory_space<hbm>>
    %dma_start3A_47 = arith.constant 0 : i32
    %dma_start3A_48 = tpu.memref_slice %arg3[%add3A_44, %dma_start3A_47] : memref<320000x128xf32, #tpu.memory_space<hbm>> -> memref<80x128xf32, #tpu.memory_space<hbm>>
    tpu.enqueue_dma source(%dma_start3A_48 : memref<80x128xf32, #tpu.memory_space<hbm>>) target(%arg13 : memref<80x128xf32, #tpu.memory_space<vmem>>) target_semaphore(%arg21 : memref<!tpu.dma_semaphore, #tpu.memory_space<semaphore_mem>>)
    %scan3A_49 = arith.constant 0 : i32
    %scan3A_50 = arith.constant 0 : i32
    %scan3A_51 = arith.constant 61 : i32
    %scan3A_52 = arith.addi %scan3A_50, %scan3A_51 : i32
    %scan3A_53 = arith.constant 1 : i32
    %scan3A_54 = scf.for %scan3A_158 = %scan3A_50 to %scan3A_52 step %scan3A_53 iter_args(%scan3A_159 = %scan3A_49) -> (i32)  : i32 {
      %mul3A_160 = arith.constant 2 : i32
      %mul3A_161 = arith.muli %mul3A_160, %scan3A_158 : i32
      %dma_wait3A_162 = arith.constant 0 : i32
      %dma_wait3A_163 = tpu.memref_slice %arg4[%dma_wait3A_162] : memref<320000xi32, #tpu.memory_space<hbm>> -> memref<80xi32, #tpu.memory_space<hbm>>
      %dma_wait3A_164 = arith.constant 0 : i32
      %dma_wait3A_165 = tpu.memref_slice %arg4[%dma_wait3A_164] : memref<320000xi32, #tpu.memory_space<hbm>> -> memref<80xi32, #tpu.memory_space<hbm>>
      tpu.wait_dma2 semaphore(%arg18 : memref<!tpu.dma_semaphore, #tpu.memory_space<semaphore_mem>>) src(%dma_wait3A_165 : memref<80xi32, #tpu.memory_space<hbm>>) dst(%arg8 : memref<80xi32, #tpu.memory_space<vmem>>)
      %dma_wait3A_166 = arith.constant 0 : i32
      %dma_wait3A_167 = tpu.memref_slice %arg5[%dma_wait3A_166] : memref<320000xi32, #tpu.memory_space<hbm>> -> memref<80xi32, #tpu.memory_space<hbm>>
      %dma_wait3A_168 = arith.constant 0 : i32
      %dma_wait3A_169 = tpu.memref_slice %arg5[%dma_wait3A_168] : memref<320000xi32, #tpu.memory_space<hbm>> -> memref<80xi32, #tpu.memory_space<hbm>>
      tpu.wait_dma2 semaphore(%arg18 : memref<!tpu.dma_semaphore, #tpu.memory_space<semaphore_mem>>) src(%dma_wait3A_169 : memref<80xi32, #tpu.memory_space<hbm>>) dst(%arg10 : memref<80xi32, #tpu.memory_space<vmem>>)
      %add3A_170 = arith.constant 1 : i32
      %add3A_171 = arith.addi %mul3A_161, %add3A_170 : i32
      %dma_start3A_172 = arith.constant 0 : i32
      %dma_start3A_173 = arith.constant 0 : i32
      %dma_start3A_174 = tpu.memref_slice %arg2[%dma_start3A_172, %dma_start3A_173] : memref<10000x128xf32, #tpu.memory_space<hbm>> -> memref<10000x128xf32, #tpu.memory_space<hbm>>
      tpu.enqueue_indirect_dma source(%dma_start3A_174 : memref<10000x128xf32, #tpu.memory_space<hbm>>) target(%arg12 : memref<80x128xf32, #tpu.memory_space<vmem>>) offsets(%arg8 : memref<80xi32, #tpu.memory_space<vmem>>) semaphore(%arg20 : memref<!tpu.dma_semaphore, #tpu.memory_space<semaphore_mem>>)
      %mul3A_175 = arith.constant 80 : i32
      %mul3A_176 = arith.muli %add3A_171, %mul3A_175 : i32
      %add3A_177 = arith.addi %mul3A_4, %mul3A_176 : i32
      %dma_start3A_178 = arith.constant 0 : i32
      %dma_start3A_179 = tpu.memref_slice %arg3[%add3A_177, %dma_start3A_178] : memref<320000x128xf32, #tpu.memory_space<hbm>> -> memref<80x128xf32, #tpu.memory_space<hbm>>
      %dma_start3A_180 = arith.constant 0 : i32
      %dma_start3A_181 = tpu.memref_slice %arg3[%add3A_177, %dma_start3A_180] : memref<320000x128xf32, #tpu.memory_space<hbm>> -> memref<80x128xf32, #tpu.memory_space<hbm>>
      tpu.enqueue_dma source(%dma_start3A_181 : memref<80x128xf32, #tpu.memory_space<hbm>>) target(%arg14 : memref<80x128xf32, #tpu.memory_space<vmem>>) target_semaphore(%arg22 : memref<!tpu.dma_semaphore, #tpu.memory_space<semaphore_mem>>)
      %dma_wait3A_182 = arith.constant 0 : i32
      %dma_wait3A_183 = arith.constant 0 : i32
      %dma_wait3A_184 = tpu.memref_slice %arg2[%dma_wait3A_182, %dma_wait3A_183] : memref<10000x128xf32, #tpu.memory_space<hbm>> -> memref<10000x128xf32, #tpu.memory_space<hbm>>
      tpu.wait_indirect_dma semaphore(%arg19 : memref<!tpu.dma_semaphore, #tpu.memory_space<semaphore_mem>>) src(%dma_wait3A_184 : memref<10000x128xf32, #tpu.memory_space<hbm>>) dst(%arg11 : memref<80x128xf32, #tpu.memory_space<vmem>>)
      %dma_wait3A_185 = arith.constant 0 : i32
      %dma_wait3A_186 = arith.constant 0 : i32
      %dma_wait3A_187 = tpu.memref_slice %arg3[%dma_wait3A_185, %dma_wait3A_186] : memref<320000x128xf32, #tpu.memory_space<hbm>> -> memref<80x128xf32, #tpu.memory_space<hbm>>
      %dma_wait3A_188 = arith.constant 0 : i32
      %dma_wait3A_189 = arith.constant 0 : i32
      %dma_wait3A_190 = tpu.memref_slice %arg3[%dma_wait3A_188, %dma_wait3A_189] : memref<320000x128xf32, #tpu.memory_space<hbm>> -> memref<80x128xf32, #tpu.memory_space<hbm>>
      tpu.wait_dma2 semaphore(%arg21 : memref<!tpu.dma_semaphore, #tpu.memory_space<semaphore_mem>>) src(%dma_wait3A_190 : memref<80x128xf32, #tpu.memory_space<hbm>>) dst(%arg13 : memref<80x128xf32, #tpu.memory_space<vmem>>)
      %scan3A_191 = arith.constant 0 : i32
      %scan3A_192 = arith.constant 0 : i32
      %scan3A_193 = arith.constant 80 : i32
      %scan3A_194 = arith.addi %scan3A_192, %scan3A_193 : i32
      %scan3A_195 = arith.constant 1 : i32
      %scan3A_196 = scf.for %scan3A_263 = %scan3A_192 to %scan3A_194 step %scan3A_195 iter_args(%scan3A_264 = %scan3A_191) -> (i32)  : i32 {
        %get3A = arith.index_cast %scan3A_263 : i32 to index
        %get3A_265 = arith.constant 0 : index
        %get3A_266 = tpu.vector_load %arg11[%get3A, %get3A_265] {strides = array<i32>} : memref<80x128xf32, #tpu.memory_space<vmem>>, vector<1x16xf32>,
        %get3A_267 = vector.shape_cast %get3A_266 : vector<1x16xf32> to vector<16xf32>
        %get3A_268 = arith.index_cast %scan3A_263 : i32 to index
        %get3A_269 = arith.constant 0 : index
        %get3A_270 = tpu.vector_load %arg13[%get3A_268, %get3A_269] {strides = array<i32>} : memref<80x128xf32, #tpu.memory_space<vmem>>, vector<1x16xf32>,
        %get3A_271 = vector.shape_cast %get3A_270 : vector<1x16xf32> to vector<16xf32>
        %add3A_272 = arith.addf %get3A_267, %get3A_271 : vector<16xf32>
        %max3A = arith.constant 0.000000e+00 : f32
        %max3A_273 = vector.broadcast %max3A : f32 to vector<16xf32>
        %max3A_274 = arith.maximumf %add3A_272, %max3A_273 : vector<16xf32>
        %swap3A = arith.index_cast %scan3A_263 : i32 to index
        %swap3A_275 = arith.constant 0 : index
        %swap3A_276 = tpu.vector_load %arg11[%swap3A, %swap3A_275] {strides = array<i32>} : memref<80x128xf32, #tpu.memory_space<vmem>>, vector<1x16xf32>,
        %swap3A_277 = vector.shape_cast %swap3A_276 : vector<1x16xf32> to vector<16xf32>
        %swap3A_278 = vector.shape_cast %max3A_274 : vector<16xf32> to vector<1x16xf32>
        tpu.vector_store %arg11[%swap3A, %swap3A_275], %swap3A_278 {strides = array<i32>} : memref<80x128xf32, #tpu.memory_space<vmem>>, vector<1x16xf32>,
        %get3A_279 = arith.index_cast %scan3A_263 : i32 to index
        %get3A_280 = arith.constant 16 : index
        %get3A_281 = tpu.vector_load %arg11[%get3A_279, %get3A_280] {strides = array<i32>} : memref<80x128xf32, #tpu.memory_space<vmem>>, vector<1x16xf32>,
        %get3A_282 = vector.shape_cast %get3A_281 : vector<1x16xf32> to vector<16xf32>
        %get3A_283 = arith.index_cast %scan3A_263 : i32 to index
        %get3A_284 = arith.constant 16 : index
        %get3A_285 = tpu.vector_load %arg13[%get3A_283, %get3A_284] {strides = array<i32>} : memref<80x128xf32, #tpu.memory_space<vmem>>, vector<1x16xf32>,
        %get3A_286 = vector.shape_cast %get3A_285 : vector<1x16xf32> to vector<16xf32>
        %add3A_287 = arith.addf %get3A_282, %get3A_286 : vector<16xf32>
        %max3A_288 = arith.constant 0.000000e+00 : f32
        %max3A_289 = vector.broadcast %max3A_288 : f32 to vector<16xf32>
        %max3A_290 = arith.maximumf %add3A_287, %max3A_289 : vector<16xf32>
        %swap3A_291 = arith.index_cast %scan3A_263 : i32 to index
        %swap3A_292 = arith.constant 16 : index
        %swap3A_293 = tpu.vector_load %arg11[%swap3A_291, %swap3A_292] {strides = array<i32>} : memref<80x128xf32, #tpu.memory_space<vmem>>, vector<1x16xf32>,
        %swap3A_294 = vector.shape_cast %swap3A_293 : vector<1x16xf32> to vector<16xf32>
        %swap3A_295 = vector.shape_cast %max3A_290 : vector<16xf32> to vector<1x16xf32>
        tpu.vector_store %arg11[%swap3A_291, %swap3A_292], %swap3A_295 {strides = array<i32>} : memref<80x128xf32, #tpu.memory_space<vmem>>, vector<1x16xf32>,
        %get3A_296 = arith.index_cast %scan3A_263 : i32 to index
        %get3A_297 = arith.constant 32 : index
        %get3A_298 = tpu.vector_load %arg11[%get3A_296, %get3A_297] {strides = array<i32>} : memref<80x128xf32, #tpu.memory_space<vmem>>, vector<1x16xf32>,
        %get3A_299 = vector.shape_cast %get3A_298 : vector<1x16xf32> to vector<16xf32>
        %get3A_300 = arith.index_cast %scan3A_263 : i32 to index
        %get3A_301 = arith.constant 32 : index
        %get3A_302 = tpu.vector_load %arg13[%get3A_300, %get3A_301] {strides = array<i32>} : memref<80x128xf32, #tpu.memory_space<vmem>>, vector<1x16xf32>,
        %get3A_303 = vector.shape_cast %get3A_302 : vector<1x16xf32> to vector<16xf32>
        %add3A_304 = arith.addf %get3A_299, %get3A_303 : vector<16xf32>
        %max3A_305 = arith.constant 0.000000e+00 : f32
        %max3A_306 = vector.broadcast %max3A_305 : f32 to vector<16xf32>
        %max3A_307 = arith.maximumf %add3A_304, %max3A_306 : vector<16xf32>
        %swap3A_308 = arith.index_cast %scan3A_263 : i32 to index
        %swap3A_309 = arith.constant 32 : index
        %swap3A_310 = tpu.vector_load %arg11[%swap3A_308, %swap3A_309] {strides = array<i32>} : memref<80x128xf32, #tpu.memory_space<vmem>>, vector<1x16xf32>,
        %swap3A_311 = vector.shape_cast %swap3A_310 : vector<1x16xf32> to vector<16xf32>
        %swap3A_312 = vector.shape_cast %max3A_307 : vector<16xf32> to vector<1x16xf32>
        tpu.vector_store %arg11[%swap3A_308, %swap3A_309], %swap3A_312 {strides = array<i32>} : memref<80x128xf32, #tpu.memory_space<vmem>>, vector<1x16xf32>,
        %get3A_313 = arith.index_cast %scan3A_263 : i32 to index
        %get3A_314 = arith.constant 48 : index
        %get3A_315 = tpu.vector_load %arg11[%get3A_313, %get3A_314] {strides = array<i32>} : memref<80x128xf32, #tpu.memory_space<vmem>>, vector<1x16xf32>,
        %get3A_316 = vector.shape_cast %get3A_315 : vector<1x16xf32> to vector<16xf32>
        %get3A_317 = arith.index_cast %scan3A_263 : i32 to index
        %get3A_318 = arith.constant 48 : index
        %get3A_319 = tpu.vector_load %arg13[%get3A_317, %get3A_318] {strides = array<i32>} : memref<80x128xf32, #tpu.memory_space<vmem>>, vector<1x16xf32>,
        %get3A_320 = vector.shape_cast %get3A_319 : vector<1x16xf32> to vector<16xf32>
        %add3A_321 = arith.addf %get3A_316, %get3A_320 : vector<16xf32>
        %max3A_322 = arith.constant 0.000000e+00 : f32
        %max3A_323 = vector.broadcast %max3A_322 : f32 to vector<16xf32>
        %max3A_324 = arith.maximumf %add3A_321, %max3A_323 : vector<16xf32>
        %swap3A_325 = arith.index_cast %scan3A_263 : i32 to index
        %swap3A_326 = arith.constant 48 : index
        %swap3A_327 = tpu.vector_load %arg11[%swap3A_325, %swap3A_326] {strides = array<i32>} : memref<80x128xf32, #tpu.memory_space<vmem>>, vector<1x16xf32>,
        %swap3A_328 = vector.shape_cast %swap3A_327 : vector<1x16xf32> to vector<16xf32>
        %swap3A_329 = vector.shape_cast %max3A_324 : vector<16xf32> to vector<1x16xf32>
        tpu.vector_store %arg11[%swap3A_325, %swap3A_326], %swap3A_329 {strides = array<i32>} : memref<80x128xf32, #tpu.memory_space<vmem>>, vector<1x16xf32>,
        %get3A_330 = arith.index_cast %scan3A_263 : i32 to index
        %get3A_331 = arith.constant 64 : index
        %get3A_332 = tpu.vector_load %arg11[%get3A_330, %get3A_331] {strides = array<i32>} : memref<80x128xf32, #tpu.memory_space<vmem>>, vector<1x16xf32>,
        %get3A_333 = vector.shape_cast %get3A_332 : vector<1x16xf32> to vector<16xf32>
        %get3A_334 = arith.index_cast %scan3A_263 : i32 to index
        %get3A_335 = arith.constant 64 : index
        %get3A_336 = tpu.vector_load %arg13[%get3A_334, %get3A_335] {strides = array<i32>} : memref<80x128xf32, #tpu.memory_space<vmem>>, vector<1x16xf32>,
        %get3A_337 = vector.shape_cast %get3A_336 : vector<1x16xf32> to vector<16xf32>
        %add3A_338 = arith.addf %get3A_333, %get3A_337 : vector<16xf32>
        %max3A_339 = arith.constant 0.000000e+00 : f32
        %max3A_340 = vector.broadcast %max3A_339 : f32 to vector<16xf32>
        %max3A_341 = arith.maximumf %add3A_338, %max3A_340 : vector<16xf32>
        %swap3A_342 = arith.index_cast %scan3A_263 : i32 to index
        %swap3A_343 = arith.constant 64 : index
        %swap3A_344 = tpu.vector_load %arg11[%swap3A_342, %swap3A_343] {strides = array<i32>} : memref<80x128xf32, #tpu.memory_space<vmem>>, vector<1x16xf32>,
        %swap3A_345 = vector.shape_cast %swap3A_344 : vector<1x16xf32> to vector<16xf32>
        %swap3A_346 = vector.shape_cast %max3A_341 : vector<16xf32> to vector<1x16xf32>
        tpu.vector_store %arg11[%swap3A_342, %swap3A_343], %swap3A_346 {strides = array<i32>} : memref<80x128xf32, #tpu.memory_space<vmem>>, vector<1x16xf32>,
        %get3A_347 = arith.index_cast %scan3A_263 : i32 to index
        %get3A_348 = arith.constant 80 : index
        %get3A_349 = tpu.vector_load %arg11[%get3A_347, %get3A_348] {strides = array<i32>} : memref<80x128xf32, #tpu.memory_space<vmem>>, vector<1x16xf32>,
        %get3A_350 = vector.shape_cast %get3A_349 : vector<1x16xf32> to vector<16xf32>
        %get3A_351 = arith.index_cast %scan3A_263 : i32 to index
        %get3A_352 = arith.constant 80 : index
        %get3A_353 = tpu.vector_load %arg13[%get3A_351, %get3A_352] {strides = array<i32>} : memref<80x128xf32, #tpu.memory_space<vmem>>, vector<1x16xf32>,
        %get3A_354 = vector.shape_cast %get3A_353 : vector<1x16xf32> to vector<16xf32>
        %add3A_355 = arith.addf %get3A_350, %get3A_354 : vector<16xf32>
        %max3A_356 = arith.constant 0.000000e+00 : f32
        %max3A_357 = vector.broadcast %max3A_356 : f32 to vector<16xf32>
        %max3A_358 = arith.maximumf %add3A_355, %max3A_357 : vector<16xf32>
        %swap3A_359 = arith.index_cast %scan3A_263 : i32 to index
        %swap3A_360 = arith.constant 80 : index
        %swap3A_361 = tpu.vector_load %arg11[%swap3A_359, %swap3A_360] {strides = array<i32>} : memref<80x128xf32, #tpu.memory_space<vmem>>, vector<1x16xf32>,
        %swap3A_362 = vector.shape_cast %swap3A_361 : vector<1x16xf32> to vector<16xf32>
        %swap3A_363 = vector.shape_cast %max3A_358 : vector<16xf32> to vector<1x16xf32>
        tpu.vector_store %arg11[%swap3A_359, %swap3A_360], %swap3A_363 {strides = array<i32>} : memref<80x128xf32, #tpu.memory_space<vmem>>, vector<1x16xf32>,
        %get3A_364 = arith.index_cast %scan3A_263 : i32 to index
        %get3A_365 = arith.constant 96 : index
        %get3A_366 = tpu.vector_load %arg11[%get3A_364, %get3A_365] {strides = array<i32>} : memref<80x128xf32, #tpu.memory_space<vmem>>, vector<1x16xf32>,
        %get3A_367 = vector.shape_cast %get3A_366 : vector<1x16xf32> to vector<16xf32>
        %get3A_368 = arith.index_cast %scan3A_263 : i32 to index
        %get3A_369 = arith.constant 96 : index
        %get3A_370 = tpu.vector_load %arg13[%get3A_368, %get3A_369] {strides = array<i32>} : memref<80x128xf32, #tpu.memory_space<vmem>>, vector<1x16xf32>,
        %get3A_371 = vector.shape_cast %get3A_370 : vector<1x16xf32> to vector<16xf32>
        %add3A_372 = arith.addf %get3A_367, %get3A_371 : vector<16xf32>
        %max3A_373 = arith.constant 0.000000e+00 : f32
        %max3A_374 = vector.broadcast %max3A_373 : f32 to vector<16xf32>
        %max3A_375 = arith.maximumf %add3A_372, %max3A_374 : vector<16xf32>
        %swap3A_376 = arith.index_cast %scan3A_263 : i32 to index
        %swap3A_377 = arith.constant 96 : index
        %swap3A_378 = tpu.vector_load %arg11[%swap3A_376, %swap3A_377] {strides = array<i32>} : memref<80x128xf32, #tpu.memory_space<vmem>>, vector<1x16xf32>,
        %swap3A_379 = vector.shape_cast %swap3A_378 : vector<1x16xf32> to vector<16xf32>
        %swap3A_380 = vector.shape_cast %max3A_375 : vector<16xf32> to vector<1x16xf32>
        tpu.vector_store %arg11[%swap3A_376, %swap3A_377], %swap3A_380 {strides = array<i32>} : memref<80x128xf32, #tpu.memory_space<vmem>>, vector<1x16xf32>,
        %get3A_381 = arith.index_cast %scan3A_263 : i32 to index
        %get3A_382 = arith.constant 112 : index
        %get3A_383 = tpu.vector_load %arg11[%get3A_381, %get3A_382] {strides = array<i32>} : memref<80x128xf32, #tpu.memory_space<vmem>>, vector<1x16xf32>,
        %get3A_384 = vector.shape_cast %get3A_383 : vector<1x16xf32> to vector<16xf32>
        %get3A_385 = arith.index_cast %scan3A_263 : i32 to index
        %get3A_386 = arith.constant 112 : index
        %get3A_387 = tpu.vector_load %arg13[%get3A_385, %get3A_386] {strides = array<i32>} : memref<80x128xf32, #tpu.memory_space<vmem>>, vector<1x16xf32>,
        %get3A_388 = vector.shape_cast %get3A_387 : vector<1x16xf32> to vector<16xf32>
        %add3A_389 = arith.addf %get3A_384, %get3A_388 : vector<16xf32>
        %max3A_390 = arith.constant 0.000000e+00 : f32
        %max3A_391 = vector.broadcast %max3A_390 : f32 to vector<16xf32>
        %max3A_392 = arith.maximumf %add3A_389, %max3A_391 : vector<16xf32>
        %swap3A_393 = arith.index_cast %scan3A_263 : i32 to index
        %swap3A_394 = arith.constant 112 : index
        %swap3A_395 = tpu.vector_load %arg11[%swap3A_393, %swap3A_394] {strides = array<i32>} : memref<80x128xf32, #tpu.memory_space<vmem>>, vector<1x16xf32>,
        %swap3A_396 = vector.shape_cast %swap3A_395 : vector<1x16xf32> to vector<16xf32>
        %swap3A_397 = vector.shape_cast %max3A_392 : vector<16xf32> to vector<1x16xf32>
        tpu.vector_store %arg11[%swap3A_393, %swap3A_394], %swap3A_397 {strides = array<i32>} : memref<80x128xf32, #tpu.memory_space<vmem>>, vector<1x16xf32>,
        %scan3A_398 = arith.constant 0 : i32
        scf.yield %scan3A_398 : i32
      }
      %scan3A_197 = arith.constant 80 : i32
      "tpu.region"() ({
        %run_scoped3A = tpu.sem_alloc : memref<!tpu.dma_semaphore, #tpu.memory_space<semaphore_mem>>
        %dma_start3A_263 = arith.constant 0 : i32
        %dma_start3A_264 = arith.constant 0 : i32
        %dma_start3A_265 = tpu.memref_slice %arg16[%dma_start3A_263, %dma_start3A_264] : memref<10112x128xf32, #tpu.memory_space<vmem_shared>> -> memref<10112x128xf32, #tpu.memory_space<vmem_shared>>
        tpu.enqueue_indirect_dma source(%arg11 : memref<80x128xf32, #tpu.memory_space<vmem>>) target(%dma_start3A_265 : memref<10112x128xf32, #tpu.memory_space<vmem_shared>>) offsets(%arg9 : memref<80xi32, #tpu.memory_space<vmem>>) semaphore(%run_scoped3A : memref<!tpu.dma_semaphore, #tpu.memory_space<semaphore_mem>>) {add = true}
        %dma_wait3A_266 = arith.constant 0 : i32
        %dma_wait3A_267 = arith.constant 0 : i32
        %dma_wait3A_268 = tpu.memref_slice %arg16[%dma_wait3A_266, %dma_wait3A_267] : memref<10112x128xf32, #tpu.memory_space<vmem_shared>> -> memref<10112x128xf32, #tpu.memory_space<vmem_shared>>
        tpu.wait_indirect_dma semaphore(%run_scoped3A : memref<!tpu.dma_semaphore, #tpu.memory_space<semaphore_mem>>) src(%arg11 : memref<80x128xf32, #tpu.memory_space<vmem>>) dst(%dma_wait3A_268 : memref<10112x128xf32, #tpu.memory_space<vmem_shared>>)
        tpu.yield
      }) : () -> ()
      %add3A_198 = arith.constant 2 : i32
      %add3A_199 = arith.addi %mul3A_161, %add3A_198 : i32
      %mul3A_200 = arith.constant 80 : i32
      %mul3A_201 = arith.muli %add3A_199, %mul3A_200 : i32
      %add3A_202 = arith.addi %mul3A_2, %mul3A_201 : i32
      %dma_start3A_203 = tpu.memref_slice %arg4[%add3A_202] : memref<320000xi32, #tpu.memory_space<hbm>> -> memref<80xi32, #tpu.memory_space<hbm>>
      %dma_start3A_204 = tpu.memref_slice %arg4[%add3A_202] : memref<320000xi32, #tpu.memory_space<hbm>> -> memref<80xi32, #tpu.memory_space<hbm>>
      tpu.enqueue_dma source(%dma_start3A_204 : memref<80xi32, #tpu.memory_space<hbm>>) target(%arg7 : memref<80xi32, #tpu.memory_space<vmem>>) target_semaphore(%arg17 : memref<!tpu.dma_semaphore, #tpu.memory_space<semaphore_mem>>)
      %mul3A_205 = arith.constant 80 : i32
      %mul3A_206 = arith.muli %add3A_199, %mul3A_205 : i32
      %add3A_207 = arith.addi %mul3A_2, %mul3A_206 : i32
      %dma_start3A_208 = tpu.memref_slice %arg5[%add3A_207] : memref<320000xi32, #tpu.memory_space<hbm>> -> memref<80xi32, #tpu.memory_space<hbm>>
      %dma_start3A_209 = tpu.memref_slice %arg5[%add3A_207] : memref<320000xi32, #tpu.memory_space<hbm>> -> memref<80xi32, #tpu.memory_space<hbm>>
      tpu.enqueue_dma source(%dma_start3A_209 : memref<80xi32, #tpu.memory_space<hbm>>) target(%arg9 : memref<80xi32, #tpu.memory_space<vmem>>) target_semaphore(%arg17 : memref<!tpu.dma_semaphore, #tpu.memory_space<semaphore_mem>>)
      %mul3A_210 = arith.constant 2 : i32
      %mul3A_211 = arith.muli %mul3A_210, %scan3A_158 : i32
      %add3A_212 = arith.constant 1 : i32
      %add3A_213 = arith.addi %mul3A_211, %add3A_212 : i32
      %dma_wait3A_214 = arith.constant 0 : i32
      %dma_wait3A_215 = tpu.memref_slice %arg4[%dma_wait3A_214] : memref<320000xi32, #tpu.memory_space<hbm>> -> memref<80xi32, #tpu.memory_space<hbm>>
      %dma_wait3A_216 = arith.constant 0 : i32
      %dma_wait3A_217 = tpu.memref_slice %arg4[%dma_wait3A_216] : memref<320000xi32, #tpu.memory_space<hbm>> -> memref<80xi32, #tpu.memory_space<hbm>>
      tpu.wait_dma2 semaphore(%arg17 : memref<!tpu.dma_semaphore, #tpu.memory_space<semaphore_mem>>) src(%dma_wait3A_217 : memref<80xi32, #tpu.memory_space<hbm>>) dst(%arg7 : memref<80xi32, #tpu.memory_space<vmem>>)
      %dma_wait3A_218 = arith.constant 0 : i32
      %dma_wait3A_219 = tpu.memref_slice %arg5[%dma_wait3A_218] : memref<320000xi32, #tpu.memory_space<hbm>> -> memref<80xi32, #tpu.memory_space<hbm>>
      %dma_wait3A_220 = arith.constant 0 : i32
      %dma_wait3A_221 = tpu.memref_slice %arg5[%dma_wait3A_220] : memref<320000xi32, #tpu.memory_space<hbm>> -> memref<80xi32, #tpu.memory_space<hbm>>
      tpu.wait_dma2 semaphore(%arg17 : memref<!tpu.dma_semaphore, #tpu.memory_space<semaphore_mem>>) src(%dma_wait3A_221 : memref<80xi32, #tpu.memory_space<hbm>>) dst(%arg9 : memref<80xi32, #tpu.memory_space<vmem>>)
      %add3A_222 = arith.constant 1 : i32
      %add3A_223 = arith.addi %add3A_213, %add3A_222 : i32
      %dma_start3A_224 = arith.constant 0 : i32
      %dma_start3A_225 = arith.constant 0 : i32
      %dma_start3A_226 = tpu.memref_slice %arg2[%dma_start3A_224, %dma_start3A_225] : memref<10000x128xf32, #tpu.memory_space<hbm>> -> memref<10000x128xf32, #tpu.memory_space<hbm>>
      tpu.enqueue_indirect_dma source(%dma_start3A_226 : memref<10000x128xf32, #tpu.memory_space<hbm>>) target(%arg11 : memref<80x128xf32, #tpu.memory_space<vmem>>) offsets(%arg7 : memref<80xi32, #tpu.memory_space<vmem>>) semaphore(%arg19 : memref<!tpu.dma_semaphore, #tpu.memory_space<semaphore_mem>>)
      %mul3A_227 = arith.constant 80 : i32
      %mul3A_228 = arith.muli %add3A_223, %mul3A_227 : i32
      %add3A_229 = arith.addi %mul3A_4, %mul3A_228 : i32
      %dma_start3A_230 = arith.constant 0 : i32
      %dma_start3A_231 = tpu.memref_slice %arg3[%add3A_229, %dma_start3A_230] : memref<320000x128xf32, #tpu.memory_space<hbm>> -> memref<80x128xf32, #tpu.memory_space<hbm>>
      %dma_start3A_232 = arith.constant 0 : i32
      %dma_start3A_233 = tpu.memref_slice %arg3[%add3A_229, %dma_start3A_232] : memref<320000x128xf32, #tpu.memory_space<hbm>> -> memref<80x128xf32, #tpu.memory_space<hbm>>
      tpu.enqueue_dma source(%dma_start3A_233 : memref<80x128xf32, #tpu.memory_space<hbm>>) target(%arg13 : memref<80x128xf32, #tpu.memory_space<vmem>>) target_semaphore(%arg21 : memref<!tpu.dma_semaphore, #tpu.memory_space<semaphore_mem>>)
      %dma_wait3A_234 = arith.constant 0 : i32
      %dma_wait3A_235 = arith.constant 0 : i32
      %dma_wait3A_236 = tpu.memref_slice %arg2[%dma_wait3A_234, %dma_wait3A_235] : memref<10000x128xf32, #tpu.memory_space<hbm>> -> memref<10000x128xf32, #tpu.memory_space<hbm>>
      tpu.wait_indirect_dma semaphore(%arg20 : memref<!tpu.dma_semaphore, #tpu.memory_space<semaphore_mem>>) src(%dma_wait3A_236 : memref<10000x128xf32, #tpu.memory_space<hbm>>) dst(%arg12 : memref<80x128xf32, #tpu.memory_space<vmem>>)
      %dma_wait3A_237 = arith.constant 0 : i32
      %dma_wait3A_238 = arith.constant 0 : i32
      %dma_wait3A_239 = tpu.memref_slice %arg3[%dma_wait3A_237, %dma_wait3A_238] : memref<320000x128xf32, #tpu.memory_space<hbm>> -> memref<80x128xf32, #tpu.memory_space<hbm>>
      %dma_wait3A_240 = arith.constant 0 : i32
      %dma_wait3A_241 = arith.constant 0 : i32
      %dma_wait3A_242 = tpu.memref_slice %arg3[%dma_wait3A_240, %dma_wait3A_241] : memref<320000x128xf32, #tpu.memory_space<hbm>> -> memref<80x128xf32, #tpu.memory_space<hbm>>
      tpu.wait_dma2 semaphore(%arg22 : memref<!tpu.dma_semaphore, #tpu.memory_space<semaphore_mem>>) src(%dma_wait3A_242 : memref<80x128xf32, #tpu.memory_space<hbm>>) dst(%arg14 : memref<80x128xf32, #tpu.memory_space<vmem>>)
      %scan3A_243 = arith.constant 0 : i32
      %scan3A_244 = arith.constant 0 : i32
      %scan3A_245 = arith.constant 80 : i32
      %scan3A_246 = arith.addi %scan3A_244, %scan3A_245 : i32
      %scan3A_247 = arith.constant 1 : i32
      %scan3A_248 = scf.for %scan3A_263 = %scan3A_244 to %scan3A_246 step %scan3A_247 iter_args(%scan3A_264 = %scan3A_243) -> (i32)  : i32 {
        %get3A = arith.index_cast %scan3A_263 : i32 to index
        %get3A_265 = arith.constant 0 : index
        %get3A_266 = tpu.vector_load %arg12[%get3A, %get3A_265] {strides = array<i32>} : memref<80x128xf32, #tpu.memory_space<vmem>>, vector<1x16xf32>,
        %get3A_267 = vector.shape_cast %get3A_266 : vector<1x16xf32> to vector<16xf32>
        %get3A_268 = arith.index_cast %scan3A_263 : i32 to index
        %get3A_269 = arith.constant 0 : index
        %get3A_270 = tpu.vector_load %arg14[%get3A_268, %get3A_269] {strides = array<i32>} : memref<80x128xf32, #tpu.memory_space<vmem>>, vector<1x16xf32>,
        %get3A_271 = vector.shape_cast %get3A_270 : vector<1x16xf32> to vector<16xf32>
        %add3A_272 = arith.addf %get3A_267, %get3A_271 : vector<16xf32>
        %max3A = arith.constant 0.000000e+00 : f32
        %max3A_273 = vector.broadcast %max3A : f32 to vector<16xf32>
        %max3A_274 = arith.maximumf %add3A_272, %max3A_273 : vector<16xf32>
        %swap3A = arith.index_cast %scan3A_263 : i32 to index
        %swap3A_275 = arith.constant 0 : index
        %swap3A_276 = tpu.vector_load %arg12[%swap3A, %swap3A_275] {strides = array<i32>} : memref<80x128xf32, #tpu.memory_space<vmem>>, vector<1x16xf32>,
        %swap3A_277 = vector.shape_cast %swap3A_276 : vector<1x16xf32> to vector<16xf32>
        %swap3A_278 = vector.shape_cast %max3A_274 : vector<16xf32> to vector<1x16xf32>
        tpu.vector_store %arg12[%swap3A, %swap3A_275], %swap3A_278 {strides = array<i32>} : memref<80x128xf32, #tpu.memory_space<vmem>>, vector<1x16xf32>,
        %get3A_279 = arith.index_cast %scan3A_263 : i32 to index
        %get3A_280 = arith.constant 16 : index
        %get3A_281 = tpu.vector_load %arg12[%get3A_279, %get3A_280] {strides = array<i32>} : memref<80x128xf32, #tpu.memory_space<vmem>>, vector<1x16xf32>,
        %get3A_282 = vector.shape_cast %get3A_281 : vector<1x16xf32> to vector<16xf32>
        %get3A_283 = arith.index_cast %scan3A_263 : i32 to index
        %get3A_284 = arith.constant 16 : index
        %get3A_285 = tpu.vector_load %arg14[%get3A_283, %get3A_284] {strides = array<i32>} : memref<80x128xf32, #tpu.memory_space<vmem>>, vector<1x16xf32>,
        %get3A_286 = vector.shape_cast %get3A_285 : vector<1x16xf32> to vector<16xf32>
        %add3A_287 = arith.addf %get3A_282, %get3A_286 : vector<16xf32>
        %max3A_288 = arith.constant 0.000000e+00 : f32
        %max3A_289 = vector.broadcast %max3A_288 : f32 to vector<16xf32>
        %max3A_290 = arith.maximumf %add3A_287, %max3A_289 : vector<16xf32>
        %swap3A_291 = arith.index_cast %scan3A_263 : i32 to index
        %swap3A_292 = arith.constant 16 : index
        %swap3A_293 = tpu.vector_load %arg12[%swap3A_291, %swap3A_292] {strides = array<i32>} : memref<80x128xf32, #tpu.memory_space<vmem>>, vector<1x16xf32>,
        %swap3A_294 = vector.shape_cast %swap3A_293 : vector<1x16xf32> to vector<16xf32>
        %swap3A_295 = vector.shape_cast %max3A_290 : vector<16xf32> to vector<1x16xf32>
        tpu.vector_store %arg12[%swap3A_291, %swap3A_292], %swap3A_295 {strides = array<i32>} : memref<80x128xf32, #tpu.memory_space<vmem>>, vector<1x16xf32>,
        %get3A_296 = arith.index_cast %scan3A_263 : i32 to index
        %get3A_297 = arith.constant 32 : index
        %get3A_298 = tpu.vector_load %arg12[%get3A_296, %get3A_297] {strides = array<i32>} : memref<80x128xf32, #tpu.memory_space<vmem>>, vector<1x16xf32>,
        %get3A_299 = vector.shape_cast %get3A_298 : vector<1x16xf32> to vector<16xf32>
        %get3A_300 = arith.index_cast %scan3A_263 : i32 to index
        %get3A_301 = arith.constant 32 : index
        %get3A_302 = tpu.vector_load %arg14[%get3A_300, %get3A_301] {strides = array<i32>} : memref<80x128xf32, #tpu.memory_space<vmem>>, vector<1x16xf32>,
        %get3A_303 = vector.shape_cast %get3A_302 : vector<1x16xf32> to vector<16xf32>
        %add3A_304 = arith.addf %get3A_299, %get3A_303 : vector<16xf32>
        %max3A_305 = arith.constant 0.000000e+00 : f32
        %max3A_306 = vector.broadcast %max3A_305 : f32 to vector<16xf32>
        %max3A_307 = arith.maximumf %add3A_304, %max3A_306 : vector<16xf32>
        %swap3A_308 = arith.index_cast %scan3A_263 : i32 to index
        %swap3A_309 = arith.constant 32 : index
        %swap3A_310 = tpu.vector_load %arg12[%swap3A_308, %swap3A_309] {strides = array<i32>} : memref<80x128xf32, #tpu.memory_space<vmem>>, vector<1x16xf32>,
        %swap3A_311 = vector.shape_cast %swap3A_310 : vector<1x16xf32> to vector<16xf32>
        %swap3A_312 = vector.shape_cast %max3A_307 : vector<16xf32> to vector<1x16xf32>
        tpu.vector_store %arg12[%swap3A_308, %swap3A_309], %swap3A_312 {strides = array<i32>} : memref<80x128xf32, #tpu.memory_space<vmem>>, vector<1x16xf32>,
        %get3A_313 = arith.index_cast %scan3A_263 : i32 to index
        %get3A_314 = arith.constant 48 : index
        %get3A_315 = tpu.vector_load %arg12[%get3A_313, %get3A_314] {strides = array<i32>} : memref<80x128xf32, #tpu.memory_space<vmem>>, vector<1x16xf32>,
        %get3A_316 = vector.shape_cast %get3A_315 : vector<1x16xf32> to vector<16xf32>
        %get3A_317 = arith.index_cast %scan3A_263 : i32 to index
        %get3A_318 = arith.constant 48 : index
        %get3A_319 = tpu.vector_load %arg14[%get3A_317, %get3A_318] {strides = array<i32>} : memref<80x128xf32, #tpu.memory_space<vmem>>, vector<1x16xf32>,
        %get3A_320 = vector.shape_cast %get3A_319 : vector<1x16xf32> to vector<16xf32>
        %add3A_321 = arith.addf %get3A_316, %get3A_320 : vector<16xf32>
        %max3A_322 = arith.constant 0.000000e+00 : f32
        %max3A_323 = vector.broadcast %max3A_322 : f32 to vector<16xf32>
        %max3A_324 = arith.maximumf %add3A_321, %max3A_323 : vector<16xf32>
        %swap3A_325 = arith.index_cast %scan3A_263 : i32 to index
        %swap3A_326 = arith.constant 48 : index
        %swap3A_327 = tpu.vector_load %arg12[%swap3A_325, %swap3A_326] {strides = array<i32>} : memref<80x128xf32, #tpu.memory_space<vmem>>, vector<1x16xf32>,
        %swap3A_328 = vector.shape_cast %swap3A_327 : vector<1x16xf32> to vector<16xf32>
        %swap3A_329 = vector.shape_cast %max3A_324 : vector<16xf32> to vector<1x16xf32>
        tpu.vector_store %arg12[%swap3A_325, %swap3A_326], %swap3A_329 {strides = array<i32>} : memref<80x128xf32, #tpu.memory_space<vmem>>, vector<1x16xf32>,
        %get3A_330 = arith.index_cast %scan3A_263 : i32 to index
        %get3A_331 = arith.constant 64 : index
        %get3A_332 = tpu.vector_load %arg12[%get3A_330, %get3A_331] {strides = array<i32>} : memref<80x128xf32, #tpu.memory_space<vmem>>, vector<1x16xf32>,
        %get3A_333 = vector.shape_cast %get3A_332 : vector<1x16xf32> to vector<16xf32>
        %get3A_334 = arith.index_cast %scan3A_263 : i32 to index
        %get3A_335 = arith.constant 64 : index
        %get3A_336 = tpu.vector_load %arg14[%get3A_334, %get3A_335] {strides = array<i32>} : memref<80x128xf32, #tpu.memory_space<vmem>>, vector<1x16xf32>,
        %get3A_337 = vector.shape_cast %get3A_336 : vector<1x16xf32> to vector<16xf32>
        %add3A_338 = arith.addf %get3A_333, %get3A_337 : vector<16xf32>
        %max3A_339 = arith.constant 0.000000e+00 : f32
        %max3A_340 = vector.broadcast %max3A_339 : f32 to vector<16xf32>
        %max3A_341 = arith.maximumf %add3A_338, %max3A_340 : vector<16xf32>
        %swap3A_342 = arith.index_cast %scan3A_263 : i32 to index
        %swap3A_343 = arith.constant 64 : index
        %swap3A_344 = tpu.vector_load %arg12[%swap3A_342, %swap3A_343] {strides = array<i32>} : memref<80x128xf32, #tpu.memory_space<vmem>>, vector<1x16xf32>,
        %swap3A_345 = vector.shape_cast %swap3A_344 : vector<1x16xf32> to vector<16xf32>
        %swap3A_346 = vector.shape_cast %max3A_341 : vector<16xf32> to vector<1x16xf32>
        tpu.vector_store %arg12[%swap3A_342, %swap3A_343], %swap3A_346 {strides = array<i32>} : memref<80x128xf32, #tpu.memory_space<vmem>>, vector<1x16xf32>,
        %get3A_347 = arith.index_cast %scan3A_263 : i32 to index
        %get3A_348 = arith.constant 80 : index
        %get3A_349 = tpu.vector_load %arg12[%get3A_347, %get3A_348] {strides = array<i32>} : memref<80x128xf32, #tpu.memory_space<vmem>>, vector<1x16xf32>,
        %get3A_350 = vector.shape_cast %get3A_349 : vector<1x16xf32> to vector<16xf32>
        %get3A_351 = arith.index_cast %scan3A_263 : i32 to index
        %get3A_352 = arith.constant 80 : index
        %get3A_353 = tpu.vector_load %arg14[%get3A_351, %get3A_352] {strides = array<i32>} : memref<80x128xf32, #tpu.memory_space<vmem>>, vector<1x16xf32>,
        %get3A_354 = vector.shape_cast %get3A_353 : vector<1x16xf32> to vector<16xf32>
        %add3A_355 = arith.addf %get3A_350, %get3A_354 : vector<16xf32>
        %max3A_356 = arith.constant 0.000000e+00 : f32
        %max3A_357 = vector.broadcast %max3A_356 : f32 to vector<16xf32>
        %max3A_358 = arith.maximumf %add3A_355, %max3A_357 : vector<16xf32>
        %swap3A_359 = arith.index_cast %scan3A_263 : i32 to index
        %swap3A_360 = arith.constant 80 : index
        %swap3A_361 = tpu.vector_load %arg12[%swap3A_359, %swap3A_360] {strides = array<i32>} : memref<80x128xf32, #tpu.memory_space<vmem>>, vector<1x16xf32>,
        %swap3A_362 = vector.shape_cast %swap3A_361 : vector<1x16xf32> to vector<16xf32>
        %swap3A_363 = vector.shape_cast %max3A_358 : vector<16xf32> to vector<1x16xf32>
        tpu.vector_store %arg12[%swap3A_359, %swap3A_360], %swap3A_363 {strides = array<i32>} : memref<80x128xf32, #tpu.memory_space<vmem>>, vector<1x16xf32>,
        %get3A_364 = arith.index_cast %scan3A_263 : i32 to index
        %get3A_365 = arith.constant 96 : index
        %get3A_366 = tpu.vector_load %arg12[%get3A_364, %get3A_365] {strides = array<i32>} : memref<80x128xf32, #tpu.memory_space<vmem>>, vector<1x16xf32>,
        %get3A_367 = vector.shape_cast %get3A_366 : vector<1x16xf32> to vector<16xf32>
        %get3A_368 = arith.index_cast %scan3A_263 : i32 to index
        %get3A_369 = arith.constant 96 : index
        %get3A_370 = tpu.vector_load %arg14[%get3A_368, %get3A_369] {strides = array<i32>} : memref<80x128xf32, #tpu.memory_space<vmem>>, vector<1x16xf32>,
        %get3A_371 = vector.shape_cast %get3A_370 : vector<1x16xf32> to vector<16xf32>
        %add3A_372 = arith.addf %get3A_367, %get3A_371 : vector<16xf32>
        %max3A_373 = arith.constant 0.000000e+00 : f32
        %max3A_374 = vector.broadcast %max3A_373 : f32 to vector<16xf32>
        %max3A_375 = arith.maximumf %add3A_372, %max3A_374 : vector<16xf32>
        %swap3A_376 = arith.index_cast %scan3A_263 : i32 to index
        %swap3A_377 = arith.constant 96 : index
        %swap3A_378 = tpu.vector_load %arg12[%swap3A_376, %swap3A_377] {strides = array<i32>} : memref<80x128xf32, #tpu.memory_space<vmem>>, vector<1x16xf32>,
        %swap3A_379 = vector.shape_cast %swap3A_378 : vector<1x16xf32> to vector<16xf32>
        %swap3A_380 = vector.shape_cast %max3A_375 : vector<16xf32> to vector<1x16xf32>
        tpu.vector_store %arg12[%swap3A_376, %swap3A_377], %swap3A_380 {strides = array<i32>} : memref<80x128xf32, #tpu.memory_space<vmem>>, vector<1x16xf32>,
        %get3A_381 = arith.index_cast %scan3A_263 : i32 to index
        %get3A_382 = arith.constant 112 : index
        %get3A_383 = tpu.vector_load %arg12[%get3A_381, %get3A_382] {strides = array<i32>} : memref<80x128xf32, #tpu.memory_space<vmem>>, vector<1x16xf32>,
        %get3A_384 = vector.shape_cast %get3A_383 : vector<1x16xf32> to vector<16xf32>
        %get3A_385 = arith.index_cast %scan3A_263 : i32 to index
        %get3A_386 = arith.constant 112 : index
        %get3A_387 = tpu.vector_load %arg14[%get3A_385, %get3A_386] {strides = array<i32>} : memref<80x128xf32, #tpu.memory_space<vmem>>, vector<1x16xf32>,
        %get3A_388 = vector.shape_cast %get3A_387 : vector<1x16xf32> to vector<16xf32>
        %add3A_389 = arith.addf %get3A_384, %get3A_388 : vector<16xf32>
        %max3A_390 = arith.constant 0.000000e+00 : f32
        %max3A_391 = vector.broadcast %max3A_390 : f32 to vector<16xf32>
        %max3A_392 = arith.maximumf %add3A_389, %max3A_391 : vector<16xf32>
        %swap3A_393 = arith.index_cast %scan3A_263 : i32 to index
        %swap3A_394 = arith.constant 112 : index
        %swap3A_395 = tpu.vector_load %arg12[%swap3A_393, %swap3A_394] {strides = array<i32>} : memref<80x128xf32, #tpu.memory_space<vmem>>, vector<1x16xf32>,
        %swap3A_396 = vector.shape_cast %swap3A_395 : vector<1x16xf32> to vector<16xf32>
        %swap3A_397 = vector.shape_cast %max3A_392 : vector<16xf32> to vector<1x16xf32>
        tpu.vector_store %arg12[%swap3A_393, %swap3A_394], %swap3A_397 {strides = array<i32>} : memref<80x128xf32, #tpu.memory_space<vmem>>, vector<1x16xf32>,
        %scan3A_398 = arith.constant 0 : i32
        scf.yield %scan3A_398 : i32
      }
      %scan3A_249 = arith.constant 80 : i32
      "tpu.region"() ({
        %run_scoped3A = tpu.sem_alloc : memref<!tpu.dma_semaphore, #tpu.memory_space<semaphore_mem>>
        %dma_start3A_263 = arith.constant 0 : i32
        %dma_start3A_264 = arith.constant 0 : i32
        %dma_start3A_265 = tpu.memref_slice %arg16[%dma_start3A_263, %dma_start3A_264] : memref<10112x128xf32, #tpu.memory_space<vmem_shared>> -> memref<10112x128xf32, #tpu.memory_space<vmem_shared>>
        tpu.enqueue_indirect_dma source(%arg12 : memref<80x128xf32, #tpu.memory_space<vmem>>) target(%dma_start3A_265 : memref<10112x128xf32, #tpu.memory_space<vmem_shared>>) offsets(%arg10 : memref<80xi32, #tpu.memory_space<vmem>>) semaphore(%run_scoped3A : memref<!tpu.dma_semaphore, #tpu.memory_space<semaphore_mem>>) {add = true}
        %dma_wait3A_266 = arith.constant 0 : i32
        %dma_wait3A_267 = arith.constant 0 : i32
        %dma_wait3A_268 = tpu.memref_slice %arg16[%dma_wait3A_266, %dma_wait3A_267] : memref<10112x128xf32, #tpu.memory_space<vmem_shared>> -> memref<10112x128xf32, #tpu.memory_space<vmem_shared>>
        tpu.wait_indirect_dma semaphore(%run_scoped3A : memref<!tpu.dma_semaphore, #tpu.memory_space<semaphore_mem>>) src(%arg12 : memref<80x128xf32, #tpu.memory_space<vmem>>) dst(%dma_wait3A_268 : memref<10112x128xf32, #tpu.memory_space<vmem_shared>>)
        tpu.yield
      }) : () -> ()
      %add3A_250 = arith.constant 2 : i32
      %add3A_251 = arith.addi %add3A_213, %add3A_250 : i32
      %mul3A_252 = arith.constant 80 : i32
      %mul3A_253 = arith.muli %add3A_251, %mul3A_252 : i32
      %add3A_254 = arith.addi %mul3A_2, %mul3A_253 : i32
      %dma_start3A_255 = tpu.memref_slice %arg4[%add3A_254] : memref<320000xi32, #tpu.memory_space<hbm>> -> memref<80xi32, #tpu.memory_space<hbm>>
      %dma_start3A_256 = tpu.memref_slice %arg4[%add3A_254] : memref<320000xi32, #tpu.memory_space<hbm>> -> memref<80xi32, #tpu.memory_space<hbm>>
      tpu.enqueue_dma source(%dma_start3A_256 : memref<80xi32, #tpu.memory_space<hbm>>) target(%arg8 : memref<80xi32, #tpu.memory_space<vmem>>) target_semaphore(%arg18 : memref<!tpu.dma_semaphore, #tpu.memory_space<semaphore_mem>>)
      %mul3A_257 = arith.constant 80 : i32
      %mul3A_258 = arith.muli %add3A_251, %mul3A_257 : i32
      %add3A_259 = arith.addi %mul3A_2, %mul3A_258 : i32
      %dma_start3A_260 = tpu.memref_slice %arg5[%add3A_259] : memref<320000xi32, #tpu.memory_space<hbm>> -> memref<80xi32, #tpu.memory_space<hbm>>
      %dma_start3A_261 = tpu.memref_slice %arg5[%add3A_259] : memref<320000xi32, #tpu.memory_space<hbm>> -> memref<80xi32, #tpu.memory_space<hbm>>
      tpu.enqueue_dma source(%dma_start3A_261 : memref<80xi32, #tpu.memory_space<hbm>>) target(%arg10 : memref<80xi32, #tpu.memory_space<vmem>>) target_semaphore(%arg18 : memref<!tpu.dma_semaphore, #tpu.memory_space<semaphore_mem>>)
      %scan3A_262 = arith.constant 0 : i32
      scf.yield %scan3A_262 : i32
    }
    %scan3A_55 = arith.constant 61 : i32
    %dma_wait3A_56 = arith.constant 0 : i32
    %dma_wait3A_57 = tpu.memref_slice %arg4[%dma_wait3A_56] : memref<320000xi32, #tpu.memory_space<hbm>> -> memref<80xi32, #tpu.memory_space<hbm>>
    %dma_wait3A_58 = arith.constant 0 : i32
    %dma_wait3A_59 = tpu.memref_slice %arg4[%dma_wait3A_58] : memref<320000xi32, #tpu.memory_space<hbm>> -> memref<80xi32, #tpu.memory_space<hbm>>
    tpu.wait_dma2 semaphore(%arg18 : memref<!tpu.dma_semaphore, #tpu.memory_space<semaphore_mem>>) src(%dma_wait3A_59 : memref<80xi32, #tpu.memory_space<hbm>>) dst(%arg8 : memref<80xi32, #tpu.memory_space<vmem>>)
    %dma_wait3A_60 = arith.constant 0 : i32
    %dma_wait3A_61 = tpu.memref_slice %arg5[%dma_wait3A_60] : memref<320000xi32, #tpu.memory_space<hbm>> -> memref<80xi32, #tpu.memory_space<hbm>>
    %dma_wait3A_62 = arith.constant 0 : i32
    %dma_wait3A_63 = tpu.memref_slice %arg5[%dma_wait3A_62] : memref<320000xi32, #tpu.memory_space<hbm>> -> memref<80xi32, #tpu.memory_space<hbm>>
    tpu.wait_dma2 semaphore(%arg18 : memref<!tpu.dma_semaphore, #tpu.memory_space<semaphore_mem>>) src(%dma_wait3A_63 : memref<80xi32, #tpu.memory_space<hbm>>) dst(%arg10 : memref<80xi32, #tpu.memory_space<vmem>>)
    %dma_start3A_64 = arith.constant 0 : i32
    %dma_start3A_65 = arith.constant 0 : i32
    %dma_start3A_66 = tpu.memref_slice %arg2[%dma_start3A_64, %dma_start3A_65] : memref<10000x128xf32, #tpu.memory_space<hbm>> -> memref<10000x128xf32, #tpu.memory_space<hbm>>
    tpu.enqueue_indirect_dma source(%dma_start3A_66 : memref<10000x128xf32, #tpu.memory_space<hbm>>) target(%arg12 : memref<80x128xf32, #tpu.memory_space<vmem>>) offsets(%arg8 : memref<80xi32, #tpu.memory_space<vmem>>) semaphore(%arg20 : memref<!tpu.dma_semaphore, #tpu.memory_space<semaphore_mem>>)
    %add3A_67 = arith.constant 9840 : i32
    %add3A_68 = arith.addi %mul3A_4, %add3A_67 : i32
    %dma_start3A_69 = arith.constant 0 : i32
    %dma_start3A_70 = tpu.memref_slice %arg3[%add3A_68, %dma_start3A_69] : memref<320000x128xf32, #tpu.memory_space<hbm>> -> memref<80x128xf32, #tpu.memory_space<hbm>>
    %dma_start3A_71 = arith.constant 0 : i32
    %dma_start3A_72 = tpu.memref_slice %arg3[%add3A_68, %dma_start3A_71] : memref<320000x128xf32, #tpu.memory_space<hbm>> -> memref<80x128xf32, #tpu.memory_space<hbm>>
    tpu.enqueue_dma source(%dma_start3A_72 : memref<80x128xf32, #tpu.memory_space<hbm>>) target(%arg14 : memref<80x128xf32, #tpu.memory_space<vmem>>) target_semaphore(%arg22 : memref<!tpu.dma_semaphore, #tpu.memory_space<semaphore_mem>>)
    %dma_wait3A_73 = arith.constant 0 : i32
    %dma_wait3A_74 = arith.constant 0 : i32
    %dma_wait3A_75 = tpu.memref_slice %arg2[%dma_wait3A_73, %dma_wait3A_74] : memref<10000x128xf32, #tpu.memory_space<hbm>> -> memref<10000x128xf32, #tpu.memory_space<hbm>>
    tpu.wait_indirect_dma semaphore(%arg19 : memref<!tpu.dma_semaphore, #tpu.memory_space<semaphore_mem>>) src(%dma_wait3A_75 : memref<10000x128xf32, #tpu.memory_space<hbm>>) dst(%arg11 : memref<80x128xf32, #tpu.memory_space<vmem>>)
    %dma_wait3A_76 = arith.constant 0 : i32
    %dma_wait3A_77 = arith.constant 0 : i32
    %dma_wait3A_78 = tpu.memref_slice %arg3[%dma_wait3A_76, %dma_wait3A_77] : memref<320000x128xf32, #tpu.memory_space<hbm>> -> memref<80x128xf32, #tpu.memory_space<hbm>>
    %dma_wait3A_79 = arith.constant 0 : i32
    %dma_wait3A_80 = arith.constant 0 : i32
    %dma_wait3A_81 = tpu.memref_slice %arg3[%dma_wait3A_79, %dma_wait3A_80] : memref<320000x128xf32, #tpu.memory_space<hbm>> -> memref<80x128xf32, #tpu.memory_space<hbm>>
    tpu.wait_dma2 semaphore(%arg21 : memref<!tpu.dma_semaphore, #tpu.memory_space<semaphore_mem>>) src(%dma_wait3A_81 : memref<80x128xf32, #tpu.memory_space<hbm>>) dst(%arg13 : memref<80x128xf32, #tpu.memory_space<vmem>>)
    %scan3A_82 = arith.constant 0 : i32
    %scan3A_83 = arith.constant 0 : i32
    %scan3A_84 = arith.constant 80 : i32
    %scan3A_85 = arith.addi %scan3A_83, %scan3A_84 : i32
    %scan3A_86 = arith.constant 1 : i32
    %scan3A_87 = scf.for %scan3A_158 = %scan3A_83 to %scan3A_85 step %scan3A_86 iter_args(%scan3A_159 = %scan3A_82) -> (i32)  : i32 {
      %get3A = arith.index_cast %scan3A_158 : i32 to index
      %get3A_160 = arith.constant 0 : index
      %get3A_161 = tpu.vector_load %arg11[%get3A, %get3A_160] {strides = array<i32>} : memref<80x128xf32, #tpu.memory_space<vmem>>, vector<1x16xf32>,
      %get3A_162 = vector.shape_cast %get3A_161 : vector<1x16xf32> to vector<16xf32>
      %get3A_163 = arith.index_cast %scan3A_158 : i32 to index
      %get3A_164 = arith.constant 0 : index
      %get3A_165 = tpu.vector_load %arg13[%get3A_163, %get3A_164] {strides = array<i32>} : memref<80x128xf32, #tpu.memory_space<vmem>>, vector<1x16xf32>,
      %get3A_166 = vector.shape_cast %get3A_165 : vector<1x16xf32> to vector<16xf32>
      %add3A_167 = arith.addf %get3A_162, %get3A_166 : vector<16xf32>
      %max3A = arith.constant 0.000000e+00 : f32
      %max3A_168 = vector.broadcast %max3A : f32 to vector<16xf32>
      %max3A_169 = arith.maximumf %add3A_167, %max3A_168 : vector<16xf32>
      %swap3A = arith.index_cast %scan3A_158 : i32 to index
      %swap3A_170 = arith.constant 0 : index
      %swap3A_171 = tpu.vector_load %arg11[%swap3A, %swap3A_170] {strides = array<i32>} : memref<80x128xf32, #tpu.memory_space<vmem>>, vector<1x16xf32>,
      %swap3A_172 = vector.shape_cast %swap3A_171 : vector<1x16xf32> to vector<16xf32>
      %swap3A_173 = vector.shape_cast %max3A_169 : vector<16xf32> to vector<1x16xf32>
      tpu.vector_store %arg11[%swap3A, %swap3A_170], %swap3A_173 {strides = array<i32>} : memref<80x128xf32, #tpu.memory_space<vmem>>, vector<1x16xf32>,
      %get3A_174 = arith.index_cast %scan3A_158 : i32 to index
      %get3A_175 = arith.constant 16 : index
      %get3A_176 = tpu.vector_load %arg11[%get3A_174, %get3A_175] {strides = array<i32>} : memref<80x128xf32, #tpu.memory_space<vmem>>, vector<1x16xf32>,
      %get3A_177 = vector.shape_cast %get3A_176 : vector<1x16xf32> to vector<16xf32>
      %get3A_178 = arith.index_cast %scan3A_158 : i32 to index
      %get3A_179 = arith.constant 16 : index
      %get3A_180 = tpu.vector_load %arg13[%get3A_178, %get3A_179] {strides = array<i32>} : memref<80x128xf32, #tpu.memory_space<vmem>>, vector<1x16xf32>,
      %get3A_181 = vector.shape_cast %get3A_180 : vector<1x16xf32> to vector<16xf32>
      %add3A_182 = arith.addf %get3A_177, %get3A_181 : vector<16xf32>
      %max3A_183 = arith.constant 0.000000e+00 : f32
      %max3A_184 = vector.broadcast %max3A_183 : f32 to vector<16xf32>
      %max3A_185 = arith.maximumf %add3A_182, %max3A_184 : vector<16xf32>
      %swap3A_186 = arith.index_cast %scan3A_158 : i32 to index
      %swap3A_187 = arith.constant 16 : index
      %swap3A_188 = tpu.vector_load %arg11[%swap3A_186, %swap3A_187] {strides = array<i32>} : memref<80x128xf32, #tpu.memory_space<vmem>>, vector<1x16xf32>,
      %swap3A_189 = vector.shape_cast %swap3A_188 : vector<1x16xf32> to vector<16xf32>
      %swap3A_190 = vector.shape_cast %max3A_185 : vector<16xf32> to vector<1x16xf32>
      tpu.vector_store %arg11[%swap3A_186, %swap3A_187], %swap3A_190 {strides = array<i32>} : memref<80x128xf32, #tpu.memory_space<vmem>>, vector<1x16xf32>,
      %get3A_191 = arith.index_cast %scan3A_158 : i32 to index
      %get3A_192 = arith.constant 32 : index
      %get3A_193 = tpu.vector_load %arg11[%get3A_191, %get3A_192] {strides = array<i32>} : memref<80x128xf32, #tpu.memory_space<vmem>>, vector<1x16xf32>,
      %get3A_194 = vector.shape_cast %get3A_193 : vector<1x16xf32> to vector<16xf32>
      %get3A_195 = arith.index_cast %scan3A_158 : i32 to index
      %get3A_196 = arith.constant 32 : index
      %get3A_197 = tpu.vector_load %arg13[%get3A_195, %get3A_196] {strides = array<i32>} : memref<80x128xf32, #tpu.memory_space<vmem>>, vector<1x16xf32>,
      %get3A_198 = vector.shape_cast %get3A_197 : vector<1x16xf32> to vector<16xf32>
      %add3A_199 = arith.addf %get3A_194, %get3A_198 : vector<16xf32>
      %max3A_200 = arith.constant 0.000000e+00 : f32
      %max3A_201 = vector.broadcast %max3A_200 : f32 to vector<16xf32>
      %max3A_202 = arith.maximumf %add3A_199, %max3A_201 : vector<16xf32>
      %swap3A_203 = arith.index_cast %scan3A_158 : i32 to index
      %swap3A_204 = arith.constant 32 : index
      %swap3A_205 = tpu.vector_load %arg11[%swap3A_203, %swap3A_204] {strides = array<i32>} : memref<80x128xf32, #tpu.memory_space<vmem>>, vector<1x16xf32>,
      %swap3A_206 = vector.shape_cast %swap3A_205 : vector<1x16xf32> to vector<16xf32>
      %swap3A_207 = vector.shape_cast %max3A_202 : vector<16xf32> to vector<1x16xf32>
      tpu.vector_store %arg11[%swap3A_203, %swap3A_204], %swap3A_207 {strides = array<i32>} : memref<80x128xf32, #tpu.memory_space<vmem>>, vector<1x16xf32>,
      %get3A_208 = arith.index_cast %scan3A_158 : i32 to index
      %get3A_209 = arith.constant 48 : index
      %get3A_210 = tpu.vector_load %arg11[%get3A_208, %get3A_209] {strides = array<i32>} : memref<80x128xf32, #tpu.memory_space<vmem>>, vector<1x16xf32>,
      %get3A_211 = vector.shape_cast %get3A_210 : vector<1x16xf32> to vector<16xf32>
      %get3A_212 = arith.index_cast %scan3A_158 : i32 to index
      %get3A_213 = arith.constant 48 : index
      %get3A_214 = tpu.vector_load %arg13[%get3A_212, %get3A_213] {strides = array<i32>} : memref<80x128xf32, #tpu.memory_space<vmem>>, vector<1x16xf32>,
      %get3A_215 = vector.shape_cast %get3A_214 : vector<1x16xf32> to vector<16xf32>
      %add3A_216 = arith.addf %get3A_211, %get3A_215 : vector<16xf32>
      %max3A_217 = arith.constant 0.000000e+00 : f32
      %max3A_218 = vector.broadcast %max3A_217 : f32 to vector<16xf32>
      %max3A_219 = arith.maximumf %add3A_216, %max3A_218 : vector<16xf32>
      %swap3A_220 = arith.index_cast %scan3A_158 : i32 to index
      %swap3A_221 = arith.constant 48 : index
      %swap3A_222 = tpu.vector_load %arg11[%swap3A_220, %swap3A_221] {strides = array<i32>} : memref<80x128xf32, #tpu.memory_space<vmem>>, vector<1x16xf32>,
      %swap3A_223 = vector.shape_cast %swap3A_222 : vector<1x16xf32> to vector<16xf32>
      %swap3A_224 = vector.shape_cast %max3A_219 : vector<16xf32> to vector<1x16xf32>
      tpu.vector_store %arg11[%swap3A_220, %swap3A_221], %swap3A_224 {strides = array<i32>} : memref<80x128xf32, #tpu.memory_space<vmem>>, vector<1x16xf32>,
      %get3A_225 = arith.index_cast %scan3A_158 : i32 to index
      %get3A_226 = arith.constant 64 : index
      %get3A_227 = tpu.vector_load %arg11[%get3A_225, %get3A_226] {strides = array<i32>} : memref<80x128xf32, #tpu.memory_space<vmem>>, vector<1x16xf32>,
      %get3A_228 = vector.shape_cast %get3A_227 : vector<1x16xf32> to vector<16xf32>
      %get3A_229 = arith.index_cast %scan3A_158 : i32 to index
      %get3A_230 = arith.constant 64 : index
      %get3A_231 = tpu.vector_load %arg13[%get3A_229, %get3A_230] {strides = array<i32>} : memref<80x128xf32, #tpu.memory_space<vmem>>, vector<1x16xf32>,
      %get3A_232 = vector.shape_cast %get3A_231 : vector<1x16xf32> to vector<16xf32>
      %add3A_233 = arith.addf %get3A_228, %get3A_232 : vector<16xf32>
      %max3A_234 = arith.constant 0.000000e+00 : f32
      %max3A_235 = vector.broadcast %max3A_234 : f32 to vector<16xf32>
      %max3A_236 = arith.maximumf %add3A_233, %max3A_235 : vector<16xf32>
      %swap3A_237 = arith.index_cast %scan3A_158 : i32 to index
      %swap3A_238 = arith.constant 64 : index
      %swap3A_239 = tpu.vector_load %arg11[%swap3A_237, %swap3A_238] {strides = array<i32>} : memref<80x128xf32, #tpu.memory_space<vmem>>, vector<1x16xf32>,
      %swap3A_240 = vector.shape_cast %swap3A_239 : vector<1x16xf32> to vector<16xf32>
      %swap3A_241 = vector.shape_cast %max3A_236 : vector<16xf32> to vector<1x16xf32>
      tpu.vector_store %arg11[%swap3A_237, %swap3A_238], %swap3A_241 {strides = array<i32>} : memref<80x128xf32, #tpu.memory_space<vmem>>, vector<1x16xf32>,
      %get3A_242 = arith.index_cast %scan3A_158 : i32 to index
      %get3A_243 = arith.constant 80 : index
      %get3A_244 = tpu.vector_load %arg11[%get3A_242, %get3A_243] {strides = array<i32>} : memref<80x128xf32, #tpu.memory_space<vmem>>, vector<1x16xf32>,
      %get3A_245 = vector.shape_cast %get3A_244 : vector<1x16xf32> to vector<16xf32>
      %get3A_246 = arith.index_cast %scan3A_158 : i32 to index
      %get3A_247 = arith.constant 80 : index
      %get3A_248 = tpu.vector_load %arg13[%get3A_246, %get3A_247] {strides = array<i32>} : memref<80x128xf32, #tpu.memory_space<vmem>>, vector<1x16xf32>,
      %get3A_249 = vector.shape_cast %get3A_248 : vector<1x16xf32> to vector<16xf32>
      %add3A_250 = arith.addf %get3A_245, %get3A_249 : vector<16xf32>
      %max3A_251 = arith.constant 0.000000e+00 : f32
      %max3A_252 = vector.broadcast %max3A_251 : f32 to vector<16xf32>
      %max3A_253 = arith.maximumf %add3A_250, %max3A_252 : vector<16xf32>
      %swap3A_254 = arith.index_cast %scan3A_158 : i32 to index
      %swap3A_255 = arith.constant 80 : index
      %swap3A_256 = tpu.vector_load %arg11[%swap3A_254, %swap3A_255] {strides = array<i32>} : memref<80x128xf32, #tpu.memory_space<vmem>>, vector<1x16xf32>,
      %swap3A_257 = vector.shape_cast %swap3A_256 : vector<1x16xf32> to vector<16xf32>
      %swap3A_258 = vector.shape_cast %max3A_253 : vector<16xf32> to vector<1x16xf32>
      tpu.vector_store %arg11[%swap3A_254, %swap3A_255], %swap3A_258 {strides = array<i32>} : memref<80x128xf32, #tpu.memory_space<vmem>>, vector<1x16xf32>,
      %get3A_259 = arith.index_cast %scan3A_158 : i32 to index
      %get3A_260 = arith.constant 96 : index
      %get3A_261 = tpu.vector_load %arg11[%get3A_259, %get3A_260] {strides = array<i32>} : memref<80x128xf32, #tpu.memory_space<vmem>>, vector<1x16xf32>,
      %get3A_262 = vector.shape_cast %get3A_261 : vector<1x16xf32> to vector<16xf32>
      %get3A_263 = arith.index_cast %scan3A_158 : i32 to index
      %get3A_264 = arith.constant 96 : index
      %get3A_265 = tpu.vector_load %arg13[%get3A_263, %get3A_264] {strides = array<i32>} : memref<80x128xf32, #tpu.memory_space<vmem>>, vector<1x16xf32>,
      %get3A_266 = vector.shape_cast %get3A_265 : vector<1x16xf32> to vector<16xf32>
      %add3A_267 = arith.addf %get3A_262, %get3A_266 : vector<16xf32>
      %max3A_268 = arith.constant 0.000000e+00 : f32
      %max3A_269 = vector.broadcast %max3A_268 : f32 to vector<16xf32>
      %max3A_270 = arith.maximumf %add3A_267, %max3A_269 : vector<16xf32>
      %swap3A_271 = arith.index_cast %scan3A_158 : i32 to index
      %swap3A_272 = arith.constant 96 : index
      %swap3A_273 = tpu.vector_load %arg11[%swap3A_271, %swap3A_272] {strides = array<i32>} : memref<80x128xf32, #tpu.memory_space<vmem>>, vector<1x16xf32>,
      %swap3A_274 = vector.shape_cast %swap3A_273 : vector<1x16xf32> to vector<16xf32>
      %swap3A_275 = vector.shape_cast %max3A_270 : vector<16xf32> to vector<1x16xf32>
      tpu.vector_store %arg11[%swap3A_271, %swap3A_272], %swap3A_275 {strides = array<i32>} : memref<80x128xf32, #tpu.memory_space<vmem>>, vector<1x16xf32>,
      %get3A_276 = arith.index_cast %scan3A_158 : i32 to index
      %get3A_277 = arith.constant 112 : index
      %get3A_278 = tpu.vector_load %arg11[%get3A_276, %get3A_277] {strides = array<i32>} : memref<80x128xf32, #tpu.memory_space<vmem>>, vector<1x16xf32>,
      %get3A_279 = vector.shape_cast %get3A_278 : vector<1x16xf32> to vector<16xf32>
      %get3A_280 = arith.index_cast %scan3A_158 : i32 to index
      %get3A_281 = arith.constant 112 : index
      %get3A_282 = tpu.vector_load %arg13[%get3A_280, %get3A_281] {strides = array<i32>} : memref<80x128xf32, #tpu.memory_space<vmem>>, vector<1x16xf32>,
      %get3A_283 = vector.shape_cast %get3A_282 : vector<1x16xf32> to vector<16xf32>
      %add3A_284 = arith.addf %get3A_279, %get3A_283 : vector<16xf32>
      %max3A_285 = arith.constant 0.000000e+00 : f32
      %max3A_286 = vector.broadcast %max3A_285 : f32 to vector<16xf32>
      %max3A_287 = arith.maximumf %add3A_284, %max3A_286 : vector<16xf32>
      %swap3A_288 = arith.index_cast %scan3A_158 : i32 to index
      %swap3A_289 = arith.constant 112 : index
      %swap3A_290 = tpu.vector_load %arg11[%swap3A_288, %swap3A_289] {strides = array<i32>} : memref<80x128xf32, #tpu.memory_space<vmem>>, vector<1x16xf32>,
      %swap3A_291 = vector.shape_cast %swap3A_290 : vector<1x16xf32> to vector<16xf32>
      %swap3A_292 = vector.shape_cast %max3A_287 : vector<16xf32> to vector<1x16xf32>
      tpu.vector_store %arg11[%swap3A_288, %swap3A_289], %swap3A_292 {strides = array<i32>} : memref<80x128xf32, #tpu.memory_space<vmem>>, vector<1x16xf32>,
      %scan3A_293 = arith.constant 0 : i32
      scf.yield %scan3A_293 : i32
    }
    %scan3A_88 = arith.constant 80 : i32
    "tpu.region"() ({
      %run_scoped3A = tpu.sem_alloc : memref<!tpu.dma_semaphore, #tpu.memory_space<semaphore_mem>>
      %dma_start3A_158 = arith.constant 0 : i32
      %dma_start3A_159 = arith.constant 0 : i32
      %dma_start3A_160 = tpu.memref_slice %arg16[%dma_start3A_158, %dma_start3A_159] : memref<10112x128xf32, #tpu.memory_space<vmem_shared>> -> memref<10112x128xf32, #tpu.memory_space<vmem_shared>>
      tpu.enqueue_indirect_dma source(%arg11 : memref<80x128xf32, #tpu.memory_space<vmem>>) target(%dma_start3A_160 : memref<10112x128xf32, #tpu.memory_space<vmem_shared>>) offsets(%arg9 : memref<80xi32, #tpu.memory_space<vmem>>) semaphore(%run_scoped3A : memref<!tpu.dma_semaphore, #tpu.memory_space<semaphore_mem>>) {add = true}
      %dma_wait3A_161 = arith.constant 0 : i32
      %dma_wait3A_162 = arith.constant 0 : i32
      %dma_wait3A_163 = tpu.memref_slice %arg16[%dma_wait3A_161, %dma_wait3A_162] : memref<10112x128xf32, #tpu.memory_space<vmem_shared>> -> memref<10112x128xf32, #tpu.memory_space<vmem_shared>>
      tpu.wait_indirect_dma semaphore(%run_scoped3A : memref<!tpu.dma_semaphore, #tpu.memory_space<semaphore_mem>>) src(%arg11 : memref<80x128xf32, #tpu.memory_space<vmem>>) dst(%dma_wait3A_163 : memref<10112x128xf32, #tpu.memory_space<vmem_shared>>)
      tpu.yield
    }) : () -> ()
    %add3A_89 = arith.constant 9920 : i32
    %add3A_90 = arith.addi %mul3A_2, %add3A_89 : i32
    %dma_start3A_91 = tpu.memref_slice %arg4[%add3A_90] : memref<320000xi32, #tpu.memory_space<hbm>> -> memref<80xi32, #tpu.memory_space<hbm>>
    %dma_start3A_92 = tpu.memref_slice %arg4[%add3A_90] : memref<320000xi32, #tpu.memory_space<hbm>> -> memref<80xi32, #tpu.memory_space<hbm>>
    tpu.enqueue_dma source(%dma_start3A_92 : memref<80xi32, #tpu.memory_space<hbm>>) target(%arg7 : memref<80xi32, #tpu.memory_space<vmem>>) target_semaphore(%arg17 : memref<!tpu.dma_semaphore, #tpu.memory_space<semaphore_mem>>)
    %add3A_93 = arith.constant 9920 : i32
    %add3A_94 = arith.addi %mul3A_2, %add3A_93 : i32
    %dma_start3A_95 = tpu.memref_slice %arg5[%add3A_94] : memref<320000xi32, #tpu.memory_space<hbm>> -> memref<80xi32, #tpu.memory_space<hbm>>
    %dma_start3A_96 = tpu.memref_slice %arg5[%add3A_94] : memref<320000xi32, #tpu.memory_space<hbm>> -> memref<80xi32, #tpu.memory_space<hbm>>
    tpu.enqueue_dma source(%dma_start3A_96 : memref<80xi32, #tpu.memory_space<hbm>>) target(%arg9 : memref<80xi32, #tpu.memory_space<vmem>>) target_semaphore(%arg17 : memref<!tpu.dma_semaphore, #tpu.memory_space<semaphore_mem>>)
    %dma_wait3A_97 = arith.constant 0 : i32
    %dma_wait3A_98 = tpu.memref_slice %arg4[%dma_wait3A_97] : memref<320000xi32, #tpu.memory_space<hbm>> -> memref<80xi32, #tpu.memory_space<hbm>>
    %dma_wait3A_99 = arith.constant 0 : i32
    %dma_wait3A_100 = tpu.memref_slice %arg4[%dma_wait3A_99] : memref<320000xi32, #tpu.memory_space<hbm>> -> memref<80xi32, #tpu.memory_space<hbm>>
    tpu.wait_dma2 semaphore(%arg17 : memref<!tpu.dma_semaphore, #tpu.memory_space<semaphore_mem>>) src(%dma_wait3A_100 : memref<80xi32, #tpu.memory_space<hbm>>) dst(%arg7 : memref<80xi32, #tpu.memory_space<vmem>>)
    %dma_wait3A_101 = arith.constant 0 : i32
    %dma_wait3A_102 = tpu.memref_slice %arg5[%dma_wait3A_101] : memref<320000xi32, #tpu.memory_space<hbm>> -> memref<80xi32, #tpu.memory_space<hbm>>
    %dma_wait3A_103 = arith.constant 0 : i32
    %dma_wait3A_104 = tpu.memref_slice %arg5[%dma_wait3A_103] : memref<320000xi32, #tpu.memory_space<hbm>> -> memref<80xi32, #tpu.memory_space<hbm>>
    tpu.wait_dma2 semaphore(%arg17 : memref<!tpu.dma_semaphore, #tpu.memory_space<semaphore_mem>>) src(%dma_wait3A_104 : memref<80xi32, #tpu.memory_space<hbm>>) dst(%arg9 : memref<80xi32, #tpu.memory_space<vmem>>)
    %dma_start3A_105 = arith.constant 0 : i32
    %dma_start3A_106 = arith.constant 0 : i32
    %dma_start3A_107 = tpu.memref_slice %arg2[%dma_start3A_105, %dma_start3A_106] : memref<10000x128xf32, #tpu.memory_space<hbm>> -> memref<10000x128xf32, #tpu.memory_space<hbm>>
    tpu.enqueue_indirect_dma source(%dma_start3A_107 : memref<10000x128xf32, #tpu.memory_space<hbm>>) target(%arg11 : memref<80x128xf32, #tpu.memory_space<vmem>>) offsets(%arg7 : memref<80xi32, #tpu.memory_space<vmem>>) semaphore(%arg19 : memref<!tpu.dma_semaphore, #tpu.memory_space<semaphore_mem>>)
    %add3A_108 = arith.constant 9920 : i32
    %add3A_109 = arith.addi %mul3A_4, %add3A_108 : i32
    %dma_start3A_110 = arith.constant 0 : i32
    %dma_start3A_111 = tpu.memref_slice %arg3[%add3A_109, %dma_start3A_110] : memref<320000x128xf32, #tpu.memory_space<hbm>> -> memref<80x128xf32, #tpu.memory_space<hbm>>
    %dma_start3A_112 = arith.constant 0 : i32
    %dma_start3A_113 = tpu.memref_slice %arg3[%add3A_109, %dma_start3A_112] : memref<320000x128xf32, #tpu.memory_space<hbm>> -> memref<80x128xf32, #tpu.memory_space<hbm>>
    tpu.enqueue_dma source(%dma_start3A_113 : memref<80x128xf32, #tpu.memory_space<hbm>>) target(%arg13 : memref<80x128xf32, #tpu.memory_space<vmem>>) target_semaphore(%arg21 : memref<!tpu.dma_semaphore, #tpu.memory_space<semaphore_mem>>)
    %dma_wait3A_114 = arith.constant 0 : i32
    %dma_wait3A_115 = arith.constant 0 : i32
    %dma_wait3A_116 = tpu.memref_slice %arg2[%dma_wait3A_114, %dma_wait3A_115] : memref<10000x128xf32, #tpu.memory_space<hbm>> -> memref<10000x128xf32, #tpu.memory_space<hbm>>
    tpu.wait_indirect_dma semaphore(%arg20 : memref<!tpu.dma_semaphore, #tpu.memory_space<semaphore_mem>>) src(%dma_wait3A_116 : memref<10000x128xf32, #tpu.memory_space<hbm>>) dst(%arg12 : memref<80x128xf32, #tpu.memory_space<vmem>>)
    %dma_wait3A_117 = arith.constant 0 : i32
    %dma_wait3A_118 = arith.constant 0 : i32
    %dma_wait3A_119 = tpu.memref_slice %arg3[%dma_wait3A_117, %dma_wait3A_118] : memref<320000x128xf32, #tpu.memory_space<hbm>> -> memref<80x128xf32, #tpu.memory_space<hbm>>
    %dma_wait3A_120 = arith.constant 0 : i32
    %dma_wait3A_121 = arith.constant 0 : i32
    %dma_wait3A_122 = tpu.memref_slice %arg3[%dma_wait3A_120, %dma_wait3A_121] : memref<320000x128xf32, #tpu.memory_space<hbm>> -> memref<80x128xf32, #tpu.memory_space<hbm>>
    tpu.wait_dma2 semaphore(%arg22 : memref<!tpu.dma_semaphore, #tpu.memory_space<semaphore_mem>>) src(%dma_wait3A_122 : memref<80x128xf32, #tpu.memory_space<hbm>>) dst(%arg14 : memref<80x128xf32, #tpu.memory_space<vmem>>)
    %scan3A_123 = arith.constant 0 : i32
    %scan3A_124 = arith.constant 0 : i32
    %scan3A_125 = arith.constant 80 : i32
    %scan3A_126 = arith.addi %scan3A_124, %scan3A_125 : i32
    %scan3A_127 = arith.constant 1 : i32
    %scan3A_128 = scf.for %scan3A_158 = %scan3A_124 to %scan3A_126 step %scan3A_127 iter_args(%scan3A_159 = %scan3A_123) -> (i32)  : i32 {
      %get3A = arith.index_cast %scan3A_158 : i32 to index
      %get3A_160 = arith.constant 0 : index
      %get3A_161 = tpu.vector_load %arg12[%get3A, %get3A_160] {strides = array<i32>} : memref<80x128xf32, #tpu.memory_space<vmem>>, vector<1x16xf32>,
      %get3A_162 = vector.shape_cast %get3A_161 : vector<1x16xf32> to vector<16xf32>
      %get3A_163 = arith.index_cast %scan3A_158 : i32 to index
      %get3A_164 = arith.constant 0 : index
      %get3A_165 = tpu.vector_load %arg14[%get3A_163, %get3A_164] {strides = array<i32>} : memref<80x128xf32, #tpu.memory_space<vmem>>, vector<1x16xf32>,
      %get3A_166 = vector.shape_cast %get3A_165 : vector<1x16xf32> to vector<16xf32>
      %add3A_167 = arith.addf %get3A_162, %get3A_166 : vector<16xf32>
      %max3A = arith.constant 0.000000e+00 : f32
      %max3A_168 = vector.broadcast %max3A : f32 to vector<16xf32>
      %max3A_169 = arith.maximumf %add3A_167, %max3A_168 : vector<16xf32>
      %swap3A = arith.index_cast %scan3A_158 : i32 to index
      %swap3A_170 = arith.constant 0 : index
      %swap3A_171 = tpu.vector_load %arg12[%swap3A, %swap3A_170] {strides = array<i32>} : memref<80x128xf32, #tpu.memory_space<vmem>>, vector<1x16xf32>,
      %swap3A_172 = vector.shape_cast %swap3A_171 : vector<1x16xf32> to vector<16xf32>
      %swap3A_173 = vector.shape_cast %max3A_169 : vector<16xf32> to vector<1x16xf32>
      tpu.vector_store %arg12[%swap3A, %swap3A_170], %swap3A_173 {strides = array<i32>} : memref<80x128xf32, #tpu.memory_space<vmem>>, vector<1x16xf32>,
      %get3A_174 = arith.index_cast %scan3A_158 : i32 to index
      %get3A_175 = arith.constant 16 : index
      %get3A_176 = tpu.vector_load %arg12[%get3A_174, %get3A_175] {strides = array<i32>} : memref<80x128xf32, #tpu.memory_space<vmem>>, vector<1x16xf32>,
      %get3A_177 = vector.shape_cast %get3A_176 : vector<1x16xf32> to vector<16xf32>
      %get3A_178 = arith.index_cast %scan3A_158 : i32 to index
      %get3A_179 = arith.constant 16 : index
      %get3A_180 = tpu.vector_load %arg14[%get3A_178, %get3A_179] {strides = array<i32>} : memref<80x128xf32, #tpu.memory_space<vmem>>, vector<1x16xf32>,
      %get3A_181 = vector.shape_cast %get3A_180 : vector<1x16xf32> to vector<16xf32>
      %add3A_182 = arith.addf %get3A_177, %get3A_181 : vector<16xf32>
      %max3A_183 = arith.constant 0.000000e+00 : f32
      %max3A_184 = vector.broadcast %max3A_183 : f32 to vector<16xf32>
      %max3A_185 = arith.maximumf %add3A_182, %max3A_184 : vector<16xf32>
      %swap3A_186 = arith.index_cast %scan3A_158 : i32 to index
      %swap3A_187 = arith.constant 16 : index
      %swap3A_188 = tpu.vector_load %arg12[%swap3A_186, %swap3A_187] {strides = array<i32>} : memref<80x128xf32, #tpu.memory_space<vmem>>, vector<1x16xf32>,
      %swap3A_189 = vector.shape_cast %swap3A_188 : vector<1x16xf32> to vector<16xf32>
      %swap3A_190 = vector.shape_cast %max3A_185 : vector<16xf32> to vector<1x16xf32>
      tpu.vector_store %arg12[%swap3A_186, %swap3A_187], %swap3A_190 {strides = array<i32>} : memref<80x128xf32, #tpu.memory_space<vmem>>, vector<1x16xf32>,
      %get3A_191 = arith.index_cast %scan3A_158 : i32 to index
      %get3A_192 = arith.constant 32 : index
      %get3A_193 = tpu.vector_load %arg12[%get3A_191, %get3A_192] {strides = array<i32>} : memref<80x128xf32, #tpu.memory_space<vmem>>, vector<1x16xf32>,
      %get3A_194 = vector.shape_cast %get3A_193 : vector<1x16xf32> to vector<16xf32>
      %get3A_195 = arith.index_cast %scan3A_158 : i32 to index
      %get3A_196 = arith.constant 32 : index
      %get3A_197 = tpu.vector_load %arg14[%get3A_195, %get3A_196] {strides = array<i32>} : memref<80x128xf32, #tpu.memory_space<vmem>>, vector<1x16xf32>,
      %get3A_198 = vector.shape_cast %get3A_197 : vector<1x16xf32> to vector<16xf32>
      %add3A_199 = arith.addf %get3A_194, %get3A_198 : vector<16xf32>
      %max3A_200 = arith.constant 0.000000e+00 : f32
      %max3A_201 = vector.broadcast %max3A_200 : f32 to vector<16xf32>
      %max3A_202 = arith.maximumf %add3A_199, %max3A_201 : vector<16xf32>
      %swap3A_203 = arith.index_cast %scan3A_158 : i32 to index
      %swap3A_204 = arith.constant 32 : index
      %swap3A_205 = tpu.vector_load %arg12[%swap3A_203, %swap3A_204] {strides = array<i32>} : memref<80x128xf32, #tpu.memory_space<vmem>>, vector<1x16xf32>,
      %swap3A_206 = vector.shape_cast %swap3A_205 : vector<1x16xf32> to vector<16xf32>
      %swap3A_207 = vector.shape_cast %max3A_202 : vector<16xf32> to vector<1x16xf32>
      tpu.vector_store %arg12[%swap3A_203, %swap3A_204], %swap3A_207 {strides = array<i32>} : memref<80x128xf32, #tpu.memory_space<vmem>>, vector<1x16xf32>,
      %get3A_208 = arith.index_cast %scan3A_158 : i32 to index
      %get3A_209 = arith.constant 48 : index
      %get3A_210 = tpu.vector_load %arg12[%get3A_208, %get3A_209] {strides = array<i32>} : memref<80x128xf32, #tpu.memory_space<vmem>>, vector<1x16xf32>,
      %get3A_211 = vector.shape_cast %get3A_210 : vector<1x16xf32> to vector<16xf32>
      %get3A_212 = arith.index_cast %scan3A_158 : i32 to index
      %get3A_213 = arith.constant 48 : index
      %get3A_214 = tpu.vector_load %arg14[%get3A_212, %get3A_213] {strides = array<i32>} : memref<80x128xf32, #tpu.memory_space<vmem>>, vector<1x16xf32>,
      %get3A_215 = vector.shape_cast %get3A_214 : vector<1x16xf32> to vector<16xf32>
      %add3A_216 = arith.addf %get3A_211, %get3A_215 : vector<16xf32>
      %max3A_217 = arith.constant 0.000000e+00 : f32
      %max3A_218 = vector.broadcast %max3A_217 : f32 to vector<16xf32>
      %max3A_219 = arith.maximumf %add3A_216, %max3A_218 : vector<16xf32>
      %swap3A_220 = arith.index_cast %scan3A_158 : i32 to index
      %swap3A_221 = arith.constant 48 : index
      %swap3A_222 = tpu.vector_load %arg12[%swap3A_220, %swap3A_221] {strides = array<i32>} : memref<80x128xf32, #tpu.memory_space<vmem>>, vector<1x16xf32>,
      %swap3A_223 = vector.shape_cast %swap3A_222 : vector<1x16xf32> to vector<16xf32>
      %swap3A_224 = vector.shape_cast %max3A_219 : vector<16xf32> to vector<1x16xf32>
      tpu.vector_store %arg12[%swap3A_220, %swap3A_221], %swap3A_224 {strides = array<i32>} : memref<80x128xf32, #tpu.memory_space<vmem>>, vector<1x16xf32>,
      %get3A_225 = arith.index_cast %scan3A_158 : i32 to index
      %get3A_226 = arith.constant 64 : index
      %get3A_227 = tpu.vector_load %arg12[%get3A_225, %get3A_226] {strides = array<i32>} : memref<80x128xf32, #tpu.memory_space<vmem>>, vector<1x16xf32>,
      %get3A_228 = vector.shape_cast %get3A_227 : vector<1x16xf32> to vector<16xf32>
      %get3A_229 = arith.index_cast %scan3A_158 : i32 to index
      %get3A_230 = arith.constant 64 : index
      %get3A_231 = tpu.vector_load %arg14[%get3A_229, %get3A_230] {strides = array<i32>} : memref<80x128xf32, #tpu.memory_space<vmem>>, vector<1x16xf32>,
      %get3A_232 = vector.shape_cast %get3A_231 : vector<1x16xf32> to vector<16xf32>
      %add3A_233 = arith.addf %get3A_228, %get3A_232 : vector<16xf32>
      %max3A_234 = arith.constant 0.000000e+00 : f32
      %max3A_235 = vector.broadcast %max3A_234 : f32 to vector<16xf32>
      %max3A_236 = arith.maximumf %add3A_233, %max3A_235 : vector<16xf32>
      %swap3A_237 = arith.index_cast %scan3A_158 : i32 to index
      %swap3A_238 = arith.constant 64 : index
      %swap3A_239 = tpu.vector_load %arg12[%swap3A_237, %swap3A_238] {strides = array<i32>} : memref<80x128xf32, #tpu.memory_space<vmem>>, vector<1x16xf32>,
      %swap3A_240 = vector.shape_cast %swap3A_239 : vector<1x16xf32> to vector<16xf32>
      %swap3A_241 = vector.shape_cast %max3A_236 : vector<16xf32> to vector<1x16xf32>
      tpu.vector_store %arg12[%swap3A_237, %swap3A_238], %swap3A_241 {strides = array<i32>} : memref<80x128xf32, #tpu.memory_space<vmem>>, vector<1x16xf32>,
      %get3A_242 = arith.index_cast %scan3A_158 : i32 to index
      %get3A_243 = arith.constant 80 : index
      %get3A_244 = tpu.vector_load %arg12[%get3A_242, %get3A_243] {strides = array<i32>} : memref<80x128xf32, #tpu.memory_space<vmem>>, vector<1x16xf32>,
      %get3A_245 = vector.shape_cast %get3A_244 : vector<1x16xf32> to vector<16xf32>
      %get3A_246 = arith.index_cast %scan3A_158 : i32 to index
      %get3A_247 = arith.constant 80 : index
      %get3A_248 = tpu.vector_load %arg14[%get3A_246, %get3A_247] {strides = array<i32>} : memref<80x128xf32, #tpu.memory_space<vmem>>, vector<1x16xf32>,
      %get3A_249 = vector.shape_cast %get3A_248 : vector<1x16xf32> to vector<16xf32>
      %add3A_250 = arith.addf %get3A_245, %get3A_249 : vector<16xf32>
      %max3A_251 = arith.constant 0.000000e+00 : f32
      %max3A_252 = vector.broadcast %max3A_251 : f32 to vector<16xf32>
      %max3A_253 = arith.maximumf %add3A_250, %max3A_252 : vector<16xf32>
      %swap3A_254 = arith.index_cast %scan3A_158 : i32 to index
      %swap3A_255 = arith.constant 80 : index
      %swap3A_256 = tpu.vector_load %arg12[%swap3A_254, %swap3A_255] {strides = array<i32>} : memref<80x128xf32, #tpu.memory_space<vmem>>, vector<1x16xf32>,
      %swap3A_257 = vector.shape_cast %swap3A_256 : vector<1x16xf32> to vector<16xf32>
      %swap3A_258 = vector.shape_cast %max3A_253 : vector<16xf32> to vector<1x16xf32>
      tpu.vector_store %arg12[%swap3A_254, %swap3A_255], %swap3A_258 {strides = array<i32>} : memref<80x128xf32, #tpu.memory_space<vmem>>, vector<1x16xf32>,
      %get3A_259 = arith.index_cast %scan3A_158 : i32 to index
      %get3A_260 = arith.constant 96 : index
      %get3A_261 = tpu.vector_load %arg12[%get3A_259, %get3A_260] {strides = array<i32>} : memref<80x128xf32, #tpu.memory_space<vmem>>, vector<1x16xf32>,
      %get3A_262 = vector.shape_cast %get3A_261 : vector<1x16xf32> to vector<16xf32>
      %get3A_263 = arith.index_cast %scan3A_158 : i32 to index
      %get3A_264 = arith.constant 96 : index
      %get3A_265 = tpu.vector_load %arg14[%get3A_263, %get3A_264] {strides = array<i32>} : memref<80x128xf32, #tpu.memory_space<vmem>>, vector<1x16xf32>,
      %get3A_266 = vector.shape_cast %get3A_265 : vector<1x16xf32> to vector<16xf32>
      %add3A_267 = arith.addf %get3A_262, %get3A_266 : vector<16xf32>
      %max3A_268 = arith.constant 0.000000e+00 : f32
      %max3A_269 = vector.broadcast %max3A_268 : f32 to vector<16xf32>
      %max3A_270 = arith.maximumf %add3A_267, %max3A_269 : vector<16xf32>
      %swap3A_271 = arith.index_cast %scan3A_158 : i32 to index
      %swap3A_272 = arith.constant 96 : index
      %swap3A_273 = tpu.vector_load %arg12[%swap3A_271, %swap3A_272] {strides = array<i32>} : memref<80x128xf32, #tpu.memory_space<vmem>>, vector<1x16xf32>,
      %swap3A_274 = vector.shape_cast %swap3A_273 : vector<1x16xf32> to vector<16xf32>
      %swap3A_275 = vector.shape_cast %max3A_270 : vector<16xf32> to vector<1x16xf32>
      tpu.vector_store %arg12[%swap3A_271, %swap3A_272], %swap3A_275 {strides = array<i32>} : memref<80x128xf32, #tpu.memory_space<vmem>>, vector<1x16xf32>,
      %get3A_276 = arith.index_cast %scan3A_158 : i32 to index
      %get3A_277 = arith.constant 112 : index
      %get3A_278 = tpu.vector_load %arg12[%get3A_276, %get3A_277] {strides = array<i32>} : memref<80x128xf32, #tpu.memory_space<vmem>>, vector<1x16xf32>,
      %get3A_279 = vector.shape_cast %get3A_278 : vector<1x16xf32> to vector<16xf32>
      %get3A_280 = arith.index_cast %scan3A_158 : i32 to index
      %get3A_281 = arith.constant 112 : index
      %get3A_282 = tpu.vector_load %arg14[%get3A_280, %get3A_281] {strides = array<i32>} : memref<80x128xf32, #tpu.memory_space<vmem>>, vector<1x16xf32>,
      %get3A_283 = vector.shape_cast %get3A_282 : vector<1x16xf32> to vector<16xf32>
      %add3A_284 = arith.addf %get3A_279, %get3A_283 : vector<16xf32>
      %max3A_285 = arith.constant 0.000000e+00 : f32
      %max3A_286 = vector.broadcast %max3A_285 : f32 to vector<16xf32>
      %max3A_287 = arith.maximumf %add3A_284, %max3A_286 : vector<16xf32>
      %swap3A_288 = arith.index_cast %scan3A_158 : i32 to index
      %swap3A_289 = arith.constant 112 : index
      %swap3A_290 = tpu.vector_load %arg12[%swap3A_288, %swap3A_289] {strides = array<i32>} : memref<80x128xf32, #tpu.memory_space<vmem>>, vector<1x16xf32>,
      %swap3A_291 = vector.shape_cast %swap3A_290 : vector<1x16xf32> to vector<16xf32>
      %swap3A_292 = vector.shape_cast %max3A_287 : vector<16xf32> to vector<1x16xf32>
      tpu.vector_store %arg12[%swap3A_288, %swap3A_289], %swap3A_292 {strides = array<i32>} : memref<80x128xf32, #tpu.memory_space<vmem>>, vector<1x16xf32>,
      %scan3A_293 = arith.constant 0 : i32
      scf.yield %scan3A_293 : i32
    }
    %scan3A_129 = arith.constant 80 : i32
    "tpu.region"() ({
      %run_scoped3A = tpu.sem_alloc : memref<!tpu.dma_semaphore, #tpu.memory_space<semaphore_mem>>
      %dma_start3A_158 = arith.constant 0 : i32
      %dma_start3A_159 = arith.constant 0 : i32
      %dma_start3A_160 = tpu.memref_slice %arg16[%dma_start3A_158, %dma_start3A_159] : memref<10112x128xf32, #tpu.memory_space<vmem_shared>> -> memref<10112x128xf32, #tpu.memory_space<vmem_shared>>
      tpu.enqueue_indirect_dma source(%arg12 : memref<80x128xf32, #tpu.memory_space<vmem>>) target(%dma_start3A_160 : memref<10112x128xf32, #tpu.memory_space<vmem_shared>>) offsets(%arg10 : memref<80xi32, #tpu.memory_space<vmem>>) semaphore(%run_scoped3A : memref<!tpu.dma_semaphore, #tpu.memory_space<semaphore_mem>>) {add = true}
      %dma_wait3A_161 = arith.constant 0 : i32
      %dma_wait3A_162 = arith.constant 0 : i32
      %dma_wait3A_163 = tpu.memref_slice %arg16[%dma_wait3A_161, %dma_wait3A_162] : memref<10112x128xf32, #tpu.memory_space<vmem_shared>> -> memref<10112x128xf32, #tpu.memory_space<vmem_shared>>
      tpu.wait_indirect_dma semaphore(%run_scoped3A : memref<!tpu.dma_semaphore, #tpu.memory_space<semaphore_mem>>) src(%arg12 : memref<80x128xf32, #tpu.memory_space<vmem>>) dst(%dma_wait3A_163 : memref<10112x128xf32, #tpu.memory_space<vmem_shared>>)
      tpu.yield
    }) : () -> ()
    %dma_wait3A_130 = arith.constant 0 : i32
    %dma_wait3A_131 = arith.constant 0 : i32
    %dma_wait3A_132 = tpu.memref_slice %arg2[%dma_wait3A_130, %dma_wait3A_131] : memref<10000x128xf32, #tpu.memory_space<hbm>> -> memref<10000x128xf32, #tpu.memory_space<hbm>>
    tpu.wait_indirect_dma semaphore(%arg19 : memref<!tpu.dma_semaphore, #tpu.memory_space<semaphore_mem>>) src(%dma_wait3A_132 : memref<10000x128xf32, #tpu.memory_space<hbm>>) dst(%arg11 : memref<80x128xf32, #tpu.memory_space<vmem>>)
    %dma_wait3A_133 = arith.constant 0 : i32
    %dma_wait3A_134 = arith.constant 0 : i32
    %dma_wait3A_135 = tpu.memref_slice %arg3[%dma_wait3A_133, %dma_wait3A_134] : memref<320000x128xf32, #tpu.memory_space<hbm>> -> memref<80x128xf32, #tpu.memory_space<hbm>>
    %dma_wait3A_136 = arith.constant 0 : i32
    %dma_wait3A_137 = arith.constant 0 : i32
    %dma_wait3A_138 = tpu.memref_slice %arg3[%dma_wait3A_136, %dma_wait3A_137] : memref<320000x128xf32, #tpu.memory_space<hbm>> -> memref<80x128xf32, #tpu.memory_space<hbm>>
    tpu.wait_dma2 semaphore(%arg21 : memref<!tpu.dma_semaphore, #tpu.memory_space<semaphore_mem>>) src(%dma_wait3A_138 : memref<80x128xf32, #tpu.memory_space<hbm>>) dst(%arg13 : memref<80x128xf32, #tpu.memory_space<vmem>>)
    %scan3A_139 = arith.constant 0 : i32
    %scan3A_140 = arith.constant 0 : i32
    %scan3A_141 = arith.constant 80 : i32
    %scan3A_142 = arith.addi %scan3A_140, %scan3A_141 : i32
    %scan3A_143 = arith.constant 1 : i32
    %scan3A_144 = scf.for %scan3A_158 = %scan3A_140 to %scan3A_142 step %scan3A_143 iter_args(%scan3A_159 = %scan3A_139) -> (i32)  : i32 {
      %get3A = arith.index_cast %scan3A_158 : i32 to index
      %get3A_160 = arith.constant 0 : index
      %get3A_161 = tpu.vector_load %arg11[%get3A, %get3A_160] {strides = array<i32>} : memref<80x128xf32, #tpu.memory_space<vmem>>, vector<1x16xf32>,
      %get3A_162 = vector.shape_cast %get3A_161 : vector<1x16xf32> to vector<16xf32>
      %get3A_163 = arith.index_cast %scan3A_158 : i32 to index
      %get3A_164 = arith.constant 0 : index
      %get3A_165 = tpu.vector_load %arg13[%get3A_163, %get3A_164] {strides = array<i32>} : memref<80x128xf32, #tpu.memory_space<vmem>>, vector<1x16xf32>,
      %get3A_166 = vector.shape_cast %get3A_165 : vector<1x16xf32> to vector<16xf32>
      %add3A_167 = arith.addf %get3A_162, %get3A_166 : vector<16xf32>
      %max3A = arith.constant 0.000000e+00 : f32
      %max3A_168 = vector.broadcast %max3A : f32 to vector<16xf32>
      %max3A_169 = arith.maximumf %add3A_167, %max3A_168 : vector<16xf32>
      %swap3A = arith.index_cast %scan3A_158 : i32 to index
      %swap3A_170 = arith.constant 0 : index
      %swap3A_171 = tpu.vector_load %arg11[%swap3A, %swap3A_170] {strides = array<i32>} : memref<80x128xf32, #tpu.memory_space<vmem>>, vector<1x16xf32>,
      %swap3A_172 = vector.shape_cast %swap3A_171 : vector<1x16xf32> to vector<16xf32>
      %swap3A_173 = vector.shape_cast %max3A_169 : vector<16xf32> to vector<1x16xf32>
      tpu.vector_store %arg11[%swap3A, %swap3A_170], %swap3A_173 {strides = array<i32>} : memref<80x128xf32, #tpu.memory_space<vmem>>, vector<1x16xf32>,
      %get3A_174 = arith.index_cast %scan3A_158 : i32 to index
      %get3A_175 = arith.constant 16 : index
      %get3A_176 = tpu.vector_load %arg11[%get3A_174, %get3A_175] {strides = array<i32>} : memref<80x128xf32, #tpu.memory_space<vmem>>, vector<1x16xf32>,
      %get3A_177 = vector.shape_cast %get3A_176 : vector<1x16xf32> to vector<16xf32>
      %get3A_178 = arith.index_cast %scan3A_158 : i32 to index
      %get3A_179 = arith.constant 16 : index
      %get3A_180 = tpu.vector_load %arg13[%get3A_178, %get3A_179] {strides = array<i32>} : memref<80x128xf32, #tpu.memory_space<vmem>>, vector<1x16xf32>,
      %get3A_181 = vector.shape_cast %get3A_180 : vector<1x16xf32> to vector<16xf32>
      %add3A_182 = arith.addf %get3A_177, %get3A_181 : vector<16xf32>
      %max3A_183 = arith.constant 0.000000e+00 : f32
      %max3A_184 = vector.broadcast %max3A_183 : f32 to vector<16xf32>
      %max3A_185 = arith.maximumf %add3A_182, %max3A_184 : vector<16xf32>
      %swap3A_186 = arith.index_cast %scan3A_158 : i32 to index
      %swap3A_187 = arith.constant 16 : index
      %swap3A_188 = tpu.vector_load %arg11[%swap3A_186, %swap3A_187] {strides = array<i32>} : memref<80x128xf32, #tpu.memory_space<vmem>>, vector<1x16xf32>,
      %swap3A_189 = vector.shape_cast %swap3A_188 : vector<1x16xf32> to vector<16xf32>
      %swap3A_190 = vector.shape_cast %max3A_185 : vector<16xf32> to vector<1x16xf32>
      tpu.vector_store %arg11[%swap3A_186, %swap3A_187], %swap3A_190 {strides = array<i32>} : memref<80x128xf32, #tpu.memory_space<vmem>>, vector<1x16xf32>,
      %get3A_191 = arith.index_cast %scan3A_158 : i32 to index
      %get3A_192 = arith.constant 32 : index
      %get3A_193 = tpu.vector_load %arg11[%get3A_191, %get3A_192] {strides = array<i32>} : memref<80x128xf32, #tpu.memory_space<vmem>>, vector<1x16xf32>,
      %get3A_194 = vector.shape_cast %get3A_193 : vector<1x16xf32> to vector<16xf32>
      %get3A_195 = arith.index_cast %scan3A_158 : i32 to index
      %get3A_196 = arith.constant 32 : index
      %get3A_197 = tpu.vector_load %arg13[%get3A_195, %get3A_196] {strides = array<i32>} : memref<80x128xf32, #tpu.memory_space<vmem>>, vector<1x16xf32>,
      %get3A_198 = vector.shape_cast %get3A_197 : vector<1x16xf32> to vector<16xf32>
      %add3A_199 = arith.addf %get3A_194, %get3A_198 : vector<16xf32>
      %max3A_200 = arith.constant 0.000000e+00 : f32
      %max3A_201 = vector.broadcast %max3A_200 : f32 to vector<16xf32>
      %max3A_202 = arith.maximumf %add3A_199, %max3A_201 : vector<16xf32>
      %swap3A_203 = arith.index_cast %scan3A_158 : i32 to index
      %swap3A_204 = arith.constant 32 : index
      %swap3A_205 = tpu.vector_load %arg11[%swap3A_203, %swap3A_204] {strides = array<i32>} : memref<80x128xf32, #tpu.memory_space<vmem>>, vector<1x16xf32>,
      %swap3A_206 = vector.shape_cast %swap3A_205 : vector<1x16xf32> to vector<16xf32>
      %swap3A_207 = vector.shape_cast %max3A_202 : vector<16xf32> to vector<1x16xf32>
      tpu.vector_store %arg11[%swap3A_203, %swap3A_204], %swap3A_207 {strides = array<i32>} : memref<80x128xf32, #tpu.memory_space<vmem>>, vector<1x16xf32>,
      %get3A_208 = arith.index_cast %scan3A_158 : i32 to index
      %get3A_209 = arith.constant 48 : index
      %get3A_210 = tpu.vector_load %arg11[%get3A_208, %get3A_209] {strides = array<i32>} : memref<80x128xf32, #tpu.memory_space<vmem>>, vector<1x16xf32>,
      %get3A_211 = vector.shape_cast %get3A_210 : vector<1x16xf32> to vector<16xf32>
      %get3A_212 = arith.index_cast %scan3A_158 : i32 to index
      %get3A_213 = arith.constant 48 : index
      %get3A_214 = tpu.vector_load %arg13[%get3A_212, %get3A_213] {strides = array<i32>} : memref<80x128xf32, #tpu.memory_space<vmem>>, vector<1x16xf32>,
      %get3A_215 = vector.shape_cast %get3A_214 : vector<1x16xf32> to vector<16xf32>
      %add3A_216 = arith.addf %get3A_211, %get3A_215 : vector<16xf32>
      %max3A_217 = arith.constant 0.000000e+00 : f32
      %max3A_218 = vector.broadcast %max3A_217 : f32 to vector<16xf32>
      %max3A_219 = arith.maximumf %add3A_216, %max3A_218 : vector<16xf32>
      %swap3A_220 = arith.index_cast %scan3A_158 : i32 to index
      %swap3A_221 = arith.constant 48 : index
      %swap3A_222 = tpu.vector_load %arg11[%swap3A_220, %swap3A_221] {strides = array<i32>} : memref<80x128xf32, #tpu.memory_space<vmem>>, vector<1x16xf32>,
      %swap3A_223 = vector.shape_cast %swap3A_222 : vector<1x16xf32> to vector<16xf32>
      %swap3A_224 = vector.shape_cast %max3A_219 : vector<16xf32> to vector<1x16xf32>
      tpu.vector_store %arg11[%swap3A_220, %swap3A_221], %swap3A_224 {strides = array<i32>} : memref<80x128xf32, #tpu.memory_space<vmem>>, vector<1x16xf32>,
      %get3A_225 = arith.index_cast %scan3A_158 : i32 to index
      %get3A_226 = arith.constant 64 : index
      %get3A_227 = tpu.vector_load %arg11[%get3A_225, %get3A_226] {strides = array<i32>} : memref<80x128xf32, #tpu.memory_space<vmem>>, vector<1x16xf32>,
      %get3A_228 = vector.shape_cast %get3A_227 : vector<1x16xf32> to vector<16xf32>
      %get3A_229 = arith.index_cast %scan3A_158 : i32 to index
      %get3A_230 = arith.constant 64 : index
      %get3A_231 = tpu.vector_load %arg13[%get3A_229, %get3A_230] {strides = array<i32>} : memref<80x128xf32, #tpu.memory_space<vmem>>, vector<1x16xf32>,
      %get3A_232 = vector.shape_cast %get3A_231 : vector<1x16xf32> to vector<16xf32>
      %add3A_233 = arith.addf %get3A_228, %get3A_232 : vector<16xf32>
      %max3A_234 = arith.constant 0.000000e+00 : f32
      %max3A_235 = vector.broadcast %max3A_234 : f32 to vector<16xf32>
      %max3A_236 = arith.maximumf %add3A_233, %max3A_235 : vector<16xf32>
      %swap3A_237 = arith.index_cast %scan3A_158 : i32 to index
      %swap3A_238 = arith.constant 64 : index
      %swap3A_239 = tpu.vector_load %arg11[%swap3A_237, %swap3A_238] {strides = array<i32>} : memref<80x128xf32, #tpu.memory_space<vmem>>, vector<1x16xf32>,
      %swap3A_240 = vector.shape_cast %swap3A_239 : vector<1x16xf32> to vector<16xf32>
      %swap3A_241 = vector.shape_cast %max3A_236 : vector<16xf32> to vector<1x16xf32>
      tpu.vector_store %arg11[%swap3A_237, %swap3A_238], %swap3A_241 {strides = array<i32>} : memref<80x128xf32, #tpu.memory_space<vmem>>, vector<1x16xf32>,
      %get3A_242 = arith.index_cast %scan3A_158 : i32 to index
      %get3A_243 = arith.constant 80 : index
      %get3A_244 = tpu.vector_load %arg11[%get3A_242, %get3A_243] {strides = array<i32>} : memref<80x128xf32, #tpu.memory_space<vmem>>, vector<1x16xf32>,
      %get3A_245 = vector.shape_cast %get3A_244 : vector<1x16xf32> to vector<16xf32>
      %get3A_246 = arith.index_cast %scan3A_158 : i32 to index
      %get3A_247 = arith.constant 80 : index
      %get3A_248 = tpu.vector_load %arg13[%get3A_246, %get3A_247] {strides = array<i32>} : memref<80x128xf32, #tpu.memory_space<vmem>>, vector<1x16xf32>,
      %get3A_249 = vector.shape_cast %get3A_248 : vector<1x16xf32> to vector<16xf32>
      %add3A_250 = arith.addf %get3A_245, %get3A_249 : vector<16xf32>
      %max3A_251 = arith.constant 0.000000e+00 : f32
      %max3A_252 = vector.broadcast %max3A_251 : f32 to vector<16xf32>
      %max3A_253 = arith.maximumf %add3A_250, %max3A_252 : vector<16xf32>
      %swap3A_254 = arith.index_cast %scan3A_158 : i32 to index
      %swap3A_255 = arith.constant 80 : index
      %swap3A_256 = tpu.vector_load %arg11[%swap3A_254, %swap3A_255] {strides = array<i32>} : memref<80x128xf32, #tpu.memory_space<vmem>>, vector<1x16xf32>,
      %swap3A_257 = vector.shape_cast %swap3A_256 : vector<1x16xf32> to vector<16xf32>
      %swap3A_258 = vector.shape_cast %max3A_253 : vector<16xf32> to vector<1x16xf32>
      tpu.vector_store %arg11[%swap3A_254, %swap3A_255], %swap3A_258 {strides = array<i32>} : memref<80x128xf32, #tpu.memory_space<vmem>>, vector<1x16xf32>,
      %get3A_259 = arith.index_cast %scan3A_158 : i32 to index
      %get3A_260 = arith.constant 96 : index
      %get3A_261 = tpu.vector_load %arg11[%get3A_259, %get3A_260] {strides = array<i32>} : memref<80x128xf32, #tpu.memory_space<vmem>>, vector<1x16xf32>,
      %get3A_262 = vector.shape_cast %get3A_261 : vector<1x16xf32> to vector<16xf32>
      %get3A_263 = arith.index_cast %scan3A_158 : i32 to index
      %get3A_264 = arith.constant 96 : index
      %get3A_265 = tpu.vector_load %arg13[%get3A_263, %get3A_264] {strides = array<i32>} : memref<80x128xf32, #tpu.memory_space<vmem>>, vector<1x16xf32>,
      %get3A_266 = vector.shape_cast %get3A_265 : vector<1x16xf32> to vector<16xf32>
      %add3A_267 = arith.addf %get3A_262, %get3A_266 : vector<16xf32>
      %max3A_268 = arith.constant 0.000000e+00 : f32
      %max3A_269 = vector.broadcast %max3A_268 : f32 to vector<16xf32>
      %max3A_270 = arith.maximumf %add3A_267, %max3A_269 : vector<16xf32>
      %swap3A_271 = arith.index_cast %scan3A_158 : i32 to index
      %swap3A_272 = arith.constant 96 : index
      %swap3A_273 = tpu.vector_load %arg11[%swap3A_271, %swap3A_272] {strides = array<i32>} : memref<80x128xf32, #tpu.memory_space<vmem>>, vector<1x16xf32>,
      %swap3A_274 = vector.shape_cast %swap3A_273 : vector<1x16xf32> to vector<16xf32>
      %swap3A_275 = vector.shape_cast %max3A_270 : vector<16xf32> to vector<1x16xf32>
      tpu.vector_store %arg11[%swap3A_271, %swap3A_272], %swap3A_275 {strides = array<i32>} : memref<80x128xf32, #tpu.memory_space<vmem>>, vector<1x16xf32>,
      %get3A_276 = arith.index_cast %scan3A_158 : i32 to index
      %get3A_277 = arith.constant 112 : index
      %get3A_278 = tpu.vector_load %arg11[%get3A_276, %get3A_277] {strides = array<i32>} : memref<80x128xf32, #tpu.memory_space<vmem>>, vector<1x16xf32>,
      %get3A_279 = vector.shape_cast %get3A_278 : vector<1x16xf32> to vector<16xf32>
      %get3A_280 = arith.index_cast %scan3A_158 : i32 to index
      %get3A_281 = arith.constant 112 : index
      %get3A_282 = tpu.vector_load %arg13[%get3A_280, %get3A_281] {strides = array<i32>} : memref<80x128xf32, #tpu.memory_space<vmem>>, vector<1x16xf32>,
      %get3A_283 = vector.shape_cast %get3A_282 : vector<1x16xf32> to vector<16xf32>
      %add3A_284 = arith.addf %get3A_279, %get3A_283 : vector<16xf32>
      %max3A_285 = arith.constant 0.000000e+00 : f32
      %max3A_286 = vector.broadcast %max3A_285 : f32 to vector<16xf32>
      %max3A_287 = arith.maximumf %add3A_284, %max3A_286 : vector<16xf32>
      %swap3A_288 = arith.index_cast %scan3A_158 : i32 to index
      %swap3A_289 = arith.constant 112 : index
      %swap3A_290 = tpu.vector_load %arg11[%swap3A_288, %swap3A_289] {strides = array<i32>} : memref<80x128xf32, #tpu.memory_space<vmem>>, vector<1x16xf32>,
      %swap3A_291 = vector.shape_cast %swap3A_290 : vector<1x16xf32> to vector<16xf32>
      %swap3A_292 = vector.shape_cast %max3A_287 : vector<16xf32> to vector<1x16xf32>
      tpu.vector_store %arg11[%swap3A_288, %swap3A_289], %swap3A_292 {strides = array<i32>} : memref<80x128xf32, #tpu.memory_space<vmem>>, vector<1x16xf32>,
      %scan3A_293 = arith.constant 0 : i32
      scf.yield %scan3A_293 : i32
    }
    %scan3A_145 = arith.constant 80 : i32
    "tpu.region"() ({
      %run_scoped3A = tpu.sem_alloc : memref<!tpu.dma_semaphore, #tpu.memory_space<semaphore_mem>>
      %dma_start3A_158 = arith.constant 0 : i32
      %dma_start3A_159 = arith.constant 0 : i32
      %dma_start3A_160 = tpu.memref_slice %arg16[%dma_start3A_158, %dma_start3A_159] : memref<10112x128xf32, #tpu.memory_space<vmem_shared>> -> memref<10112x128xf32, #tpu.memory_space<vmem_shared>>
      tpu.enqueue_indirect_dma source(%arg11 : memref<80x128xf32, #tpu.memory_space<vmem>>) target(%dma_start3A_160 : memref<10112x128xf32, #tpu.memory_space<vmem_shared>>) offsets(%arg9 : memref<80xi32, #tpu.memory_space<vmem>>) semaphore(%run_scoped3A : memref<!tpu.dma_semaphore, #tpu.memory_space<semaphore_mem>>) {add = true}
      %dma_wait3A_161 = arith.constant 0 : i32
      %dma_wait3A_162 = arith.constant 0 : i32
      %dma_wait3A_163 = tpu.memref_slice %arg16[%dma_wait3A_161, %dma_wait3A_162] : memref<10112x128xf32, #tpu.memory_space<vmem_shared>> -> memref<10112x128xf32, #tpu.memory_space<vmem_shared>>
      tpu.wait_indirect_dma semaphore(%run_scoped3A : memref<!tpu.dma_semaphore, #tpu.memory_space<semaphore_mem>>) src(%arg11 : memref<80x128xf32, #tpu.memory_space<vmem>>) dst(%dma_wait3A_163 : memref<10112x128xf32, #tpu.memory_space<vmem_shared>>)
      tpu.yield
    }) : () -> ()
    %barrier3A_146 = arith.constant 0 : index
    tpu.barrier barrier_id(%barrier3A_146)
    %scan3A_147 = arith.constant 0 : i32
    %scan3A_148 = arith.constant 0 : i32
    %scan3A_149 = arith.constant 9 : i32
    %scan3A_150 = arith.addi %scan3A_148, %scan3A_149 : i32
    %scan3A_151 = arith.constant 1 : i32
    %scan3A_152 = scf.for %scan3A_158 = %scan3A_148 to %scan3A_150 step %scan3A_151 iter_args(%scan3A_159 = %scan3A_147) -> (i32)  : i32 {
      %mul3A_160 = arith.constant 632 : i32
      %mul3A_161 = arith.muli %arg1, %mul3A_160 : i32
      %mul3A_162 = arith.constant 64 : i32
      %mul3A_163 = arith.muli %scan3A_158, %mul3A_162 : i32
      %add3A_164 = arith.addi %mul3A_161, %mul3A_163 : i32
      "tpu.region"() ({
        %run_scoped3A = tpu.sem_alloc : memref<!tpu.dma_semaphore, #tpu.memory_space<semaphore_mem>>
        %dma_start3A_166 = arith.constant 0 : i32
        %dma_start3A_167 = tpu.memref_slice %arg6[%arg0, %add3A_164, %dma_start3A_166] : memref<2x10112x128xf32, #tpu.memory_space<hbm>> -> memref<1x64x128xf32, #tpu.memory_space<hbm>>
        %dma_start3A_168 = tpu.memref_squeeze %dma_start3A_167 : memref<1x64x128xf32, #tpu.memory_space<hbm>> -> memref<64x128xf32, #tpu.memory_space<hbm>>
        %dma_start3A_169 = arith.constant 0 : i32
        %dma_start3A_170 = tpu.memref_slice %arg16[%add3A_164, %dma_start3A_169] : memref<10112x128xf32, #tpu.memory_space<vmem_shared>> -> memref<64x128xf32, #tpu.memory_space<vmem_shared>>
        tpu.enqueue_dma source(%dma_start3A_170 : memref<64x128xf32, #tpu.memory_space<vmem_shared>>) target(%dma_start3A_168 : memref<64x128xf32, #tpu.memory_space<hbm>>) target_semaphore(%run_scoped3A : memref<!tpu.dma_semaphore, #tpu.memory_space<semaphore_mem>>)
        %dma_wait3A_171 = arith.constant 0 : i32
        %dma_wait3A_172 = tpu.memref_slice %arg6[%arg0, %add3A_164, %dma_wait3A_171] : memref<2x10112x128xf32, #tpu.memory_space<hbm>> -> memref<1x64x128xf32, #tpu.memory_space<hbm>>
        %dma_wait3A_173 = tpu.memref_squeeze %dma_wait3A_172 : memref<1x64x128xf32, #tpu.memory_space<hbm>> -> memref<64x128xf32, #tpu.memory_space<hbm>>
        %dma_wait3A_174 = arith.constant 0 : i32
        %dma_wait3A_175 = tpu.memref_slice %arg16[%add3A_164, %dma_wait3A_174] : memref<10112x128xf32, #tpu.memory_space<vmem_shared>> -> memref<64x128xf32, #tpu.memory_space<vmem_shared>>
        tpu.wait_dma2 semaphore(%run_scoped3A : memref<!tpu.dma_semaphore, #tpu.memory_space<semaphore_mem>>) src(%dma_wait3A_175 : memref<64x128xf32, #tpu.memory_space<vmem_shared>>) dst(%dma_wait3A_173 : memref<64x128xf32, #tpu.memory_space<hbm>>)
        tpu.yield
      }) : () -> ()
      %scan3A_165 = arith.constant 0 : i32
      scf.yield %scan3A_165 : i32
    }
    %scan3A_153 = arith.constant 9 : i32
    %mul3A_154 = arith.constant 632 : i32
    %mul3A_155 = arith.muli %arg1, %mul3A_154 : i32
    %add3A_156 = arith.constant 576 : i32
    %add3A_157 = arith.addi %mul3A_155, %add3A_156 : i32
    "tpu.region"() ({
      %run_scoped3A = tpu.sem_alloc : memref<!tpu.dma_semaphore, #tpu.memory_space<semaphore_mem>>
      %dma_start3A_158 = arith.constant 0 : i32
      %dma_start3A_159 = tpu.memref_slice %arg6[%arg0, %add3A_157, %dma_start3A_158] : memref<2x10112x128xf32, #tpu.memory_space<hbm>> -> memref<1x56x128xf32, #tpu.memory_space<hbm>>
      %dma_start3A_160 = tpu.memref_squeeze %dma_start3A_159 : memref<1x56x128xf32, #tpu.memory_space<hbm>> -> memref<56x128xf32, #tpu.memory_space<hbm>>
      %dma_start3A_161 = arith.constant 0 : i32
      %dma_start3A_162 = tpu.memref_slice %arg16[%add3A_157, %dma_start3A_161] : memref<10112x128xf32, #tpu.memory_space<vmem_shared>> -> memref<56x128xf32, #tpu.memory_space<vmem_shared>>
      tpu.enqueue_dma source(%dma_start3A_162 : memref<56x128xf32, #tpu.memory_space<vmem_shared>>) target(%dma_start3A_160 : memref<56x128xf32, #tpu.memory_space<hbm>>) target_semaphore(%run_scoped3A : memref<!tpu.dma_semaphore, #tpu.memory_space<semaphore_mem>>)
      %dma_wait3A_163 = arith.constant 0 : i32
      %dma_wait3A_164 = tpu.memref_slice %arg6[%arg0, %add3A_157, %dma_wait3A_163] : memref<2x10112x128xf32, #tpu.memory_space<hbm>> -> memref<1x56x128xf32, #tpu.memory_space<hbm>>
      %dma_wait3A_165 = tpu.memref_squeeze %dma_wait3A_164 : memref<1x56x128xf32, #tpu.memory_space<hbm>> -> memref<56x128xf32, #tpu.memory_space<hbm>>
      %dma_wait3A_166 = arith.constant 0 : i32
      %dma_wait3A_167 = tpu.memref_slice %arg16[%add3A_157, %dma_wait3A_166] : memref<10112x128xf32, #tpu.memory_space<vmem_shared>> -> memref<56x128xf32, #tpu.memory_space<vmem_shared>>
      tpu.wait_dma2 semaphore(%run_scoped3A : memref<!tpu.dma_semaphore, #tpu.memory_space<semaphore_mem>>) src(%dma_wait3A_167 : memref<56x128xf32, #tpu.memory_space<vmem_shared>>) dst(%dma_wait3A_165 : memref<56x128xf32, #tpu.memory_space<hbm>>)
      tpu.yield
    }) : () -> ()
    return
  }
}

#map = affine_map<(d0, d1) -> (0, 0)>
#map1 = affine_map<(d0, d1) -> (0)>
#map2 = affine_map<(d0, d1) -> (0, 0, 0)>
module attributes {stable_mosaic.version = 14 : i64} {
  func.func @_sc_msgpass_body(%arg0: i32, %arg1: i32, %arg2: memref<10000x128xf32, #tpu.memory_space<hbm>>, %arg3: memref<320000x128xf32, #tpu.memory_space<hbm>>, %arg4: memref<320000xi32, #tpu.memory_space<hbm>>, %arg5: memref<320000xi32, #tpu.memory_space<hbm>>, %arg6: memref<2x10112x128xf32, #tpu.memory_space<hbm>>, %arg7: memref<80xi32, #tpu.memory_space<vmem>>, %arg8: memref<80xi32, #tpu.memory_space<vmem>>, %arg9: memref<80xi32, #tpu.memory_space<vmem>>, %arg10: memref<80xi32, #tpu.memory_space<vmem>>, %arg11: memref<80x128xf32, #tpu.memory_space<vmem>>, %arg12: memref<80x128xf32, #tpu.memory_space<vmem>>, %arg13: memref<80x128xf32, #tpu.memory_space<vmem>>, %arg14: memref<80x128xf32, #tpu.memory_space<vmem>>, %arg15: memref<8x128xf32, #tpu.memory_space<vmem>>, %arg16: memref<10112x128xf32, #tpu.memory_space<vmem_shared>>, %arg17: memref<!tpu.dma_semaphore, #tpu.memory_space<semaphore_mem>>, %arg18: memref<!tpu.dma_semaphore, #tpu.memory_space<semaphore_mem>>, %arg19: memref<!tpu.dma_semaphore, #tpu.memory_space<semaphore_mem>>, %arg20: memref<!tpu.dma_semaphore, #tpu.memory_space<semaphore_mem>>, %arg21: memref<!tpu.dma_semaphore, #tpu.memory_space<semaphore_mem>>, %arg22: memref<!tpu.dma_semaphore, #tpu.memory_space<semaphore_mem>>) attributes {dimension_semantics = [#tpu.dimension_semantics<core_parallel>, #tpu.dimension_semantics<subcore_parallel>], iteration_bounds = array<i64: 2, 16>, scalar_prefetch = 0 : i64, scratch_operands = 16 : i64, tpu.core_type = #tpu.core_type<sc_vector_subcore>, window_params = [{transform_indices = #map}, {transform_indices = #map}, {transform_indices = #map1}, {transform_indices = #map1}, {transform_indices = #map2}]} {
    %mul3A = arith.constant 2 : i32
    %mul3A_0 = arith.muli %arg1, %mul3A : i32
    %add3A = arith.addi %mul3A_0, %arg0 : i32
    %mul3A_1 = arith.constant 10000 : i32
    %mul3A_2 = arith.muli %add3A, %mul3A_1 : i32
    %mul3A_3 = arith.constant 10000 : i32
    %mul3A_4 = arith.muli %add3A, %mul3A_3 : i32
    %scan3A = arith.constant 0 : i32
    %scan3A_5 = arith.constant 0 : i32
    %scan3A_6 = arith.constant 8 : i32
    %scan3A_7 = arith.addi %scan3A_5, %scan3A_6 : i32
    %scan3A_8 = arith.constant 1 : i32
    %scan3A_9 = scf.for %scan3A_158 = %scan3A_5 to %scan3A_7 step %scan3A_8 iter_args(%scan3A_159 = %scan3A) -> (i32)  : i32 {
      %broadcast_in_dim3A = arith.constant 0.000000e+00 : f32
      %broadcast_in_dim3A_160 = vector.broadcast %broadcast_in_dim3A : f32 to vector<16xf32>
      %swap3A = arith.index_cast %scan3A_158 : i32 to index
      %swap3A_161 = arith.constant 0 : index
      %swap3A_162 = tpu.vector_load %arg15[%swap3A, %swap3A_161] {strides = array<i32>} : memref<8x128xf32, #tpu.memory_space<vmem>>, vector<1x16xf32>,
      %swap3A_163 = vector.shape_cast %swap3A_162 : vector<1x16xf32> to vector<16xf32>
      %swap3A_164 = vector.shape_cast %broadcast_in_dim3A_160 : vector<16xf32> to vector<1x16xf32>
      tpu.vector_store %arg15[%swap3A, %swap3A_161], %swap3A_164 {strides = array<i32>} : memref<8x128xf32, #tpu.memory_space<vmem>>, vector<1x16xf32>,
      %broadcast_in_dim3A_165 = arith.constant 0.000000e+00 : f32
      %broadcast_in_dim3A_166 = vector.broadcast %broadcast_in_dim3A_165 : f32 to vector<16xf32>
      %swap3A_167 = arith.index_cast %scan3A_158 : i32 to index
      %swap3A_168 = arith.constant 16 : index
      %swap3A_169 = tpu.vector_load %arg15[%swap3A_167, %swap3A_168] {strides = array<i32>} : memref<8x128xf32, #tpu.memory_space<vmem>>, vector<1x16xf32>,
      %swap3A_170 = vector.shape_cast %swap3A_169 : vector<1x16xf32> to vector<16xf32>
      %swap3A_171 = vector.shape_cast %broadcast_in_dim3A_166 : vector<16xf32> to vector<1x16xf32>
      tpu.vector_store %arg15[%swap3A_167, %swap3A_168], %swap3A_171 {strides = array<i32>} : memref<8x128xf32, #tpu.memory_space<vmem>>, vector<1x16xf32>,
      %broadcast_in_dim3A_172 = arith.constant 0.000000e+00 : f32
      %broadcast_in_dim3A_173 = vector.broadcast %broadcast_in_dim3A_172 : f32 to vector<16xf32>
      %swap3A_174 = arith.index_cast %scan3A_158 : i32 to index
      %swap3A_175 = arith.constant 32 : index
      %swap3A_176 = tpu.vector_load %arg15[%swap3A_174, %swap3A_175] {strides = array<i32>} : memref<8x128xf32, #tpu.memory_space<vmem>>, vector<1x16xf32>,
      %swap3A_177 = vector.shape_cast %swap3A_176 : vector<1x16xf32> to vector<16xf32>
      %swap3A_178 = vector.shape_cast %broadcast_in_dim3A_173 : vector<16xf32> to vector<1x16xf32>
      tpu.vector_store %arg15[%swap3A_174, %swap3A_175], %swap3A_178 {strides = array<i32>} : memref<8x128xf32, #tpu.memory_space<vmem>>, vector<1x16xf32>,
      %broadcast_in_dim3A_179 = arith.constant 0.000000e+00 : f32
      %broadcast_in_dim3A_180 = vector.broadcast %broadcast_in_dim3A_179 : f32 to vector<16xf32>
      %swap3A_181 = arith.index_cast %scan3A_158 : i32 to index
      %swap3A_182 = arith.constant 48 : index
      %swap3A_183 = tpu.vector_load %arg15[%swap3A_181, %swap3A_182] {strides = array<i32>} : memref<8x128xf32, #tpu.memory_space<vmem>>, vector<1x16xf32>,
      %swap3A_184 = vector.shape_cast %swap3A_183 : vector<1x16xf32> to vector<16xf32>
      %swap3A_185 = vector.shape_cast %broadcast_in_dim3A_180 : vector<16xf32> to vector<1x16xf32>
      tpu.vector_store %arg15[%swap3A_181, %swap3A_182], %swap3A_185 {strides = array<i32>} : memref<8x128xf32, #tpu.memory_space<vmem>>, vector<1x16xf32>,
      %broadcast_in_dim3A_186 = arith.constant 0.000000e+00 : f32
      %broadcast_in_dim3A_187 = vector.broadcast %broadcast_in_dim3A_186 : f32 to vector<16xf32>
      %swap3A_188 = arith.index_cast %scan3A_158 : i32 to index
      %swap3A_189 = arith.constant 64 : index
      %swap3A_190 = tpu.vector_load %arg15[%swap3A_188, %swap3A_189] {strides = array<i32>} : memref<8x128xf32, #tpu.memory_space<vmem>>, vector<1x16xf32>,
      %swap3A_191 = vector.shape_cast %swap3A_190 : vector<1x16xf32> to vector<16xf32>
      %swap3A_192 = vector.shape_cast %broadcast_in_dim3A_187 : vector<16xf32> to vector<1x16xf32>
      tpu.vector_store %arg15[%swap3A_188, %swap3A_189], %swap3A_192 {strides = array<i32>} : memref<8x128xf32, #tpu.memory_space<vmem>>, vector<1x16xf32>,
      %broadcast_in_dim3A_193 = arith.constant 0.000000e+00 : f32
      %broadcast_in_dim3A_194 = vector.broadcast %broadcast_in_dim3A_193 : f32 to vector<16xf32>
      %swap3A_195 = arith.index_cast %scan3A_158 : i32 to index
      %swap3A_196 = arith.constant 80 : index
      %swap3A_197 = tpu.vector_load %arg15[%swap3A_195, %swap3A_196] {strides = array<i32>} : memref<8x128xf32, #tpu.memory_space<vmem>>, vector<1x16xf32>,
      %swap3A_198 = vector.shape_cast %swap3A_197 : vector<1x16xf32> to vector<16xf32>
      %swap3A_199 = vector.shape_cast %broadcast_in_dim3A_194 : vector<16xf32> to vector<1x16xf32>
      tpu.vector_store %arg15[%swap3A_195, %swap3A_196], %swap3A_199 {strides = array<i32>} : memref<8x128xf32, #tpu.memory_space<vmem>>, vector<1x16xf32>,
      %broadcast_in_dim3A_200 = arith.constant 0.000000e+00 : f32
      %broadcast_in_dim3A_201 = vector.broadcast %broadcast_in_dim3A_200 : f32 to vector<16xf32>
      %swap3A_202 = arith.index_cast %scan3A_158 : i32 to index
      %swap3A_203 = arith.constant 96 : index
      %swap3A_204 = tpu.vector_load %arg15[%swap3A_202, %swap3A_203] {strides = array<i32>} : memref<8x128xf32, #tpu.memory_space<vmem>>, vector<1x16xf32>,
      %swap3A_205 = vector.shape_cast %swap3A_204 : vector<1x16xf32> to vector<16xf32>
      %swap3A_206 = vector.shape_cast %broadcast_in_dim3A_201 : vector<16xf32> to vector<1x16xf32>
      tpu.vector_store %arg15[%swap3A_202, %swap3A_203], %swap3A_206 {strides = array<i32>} : memref<8x128xf32, #tpu.memory_space<vmem>>, vector<1x16xf32>,
      %broadcast_in_dim3A_207 = arith.constant 0.000000e+00 : f32
      %broadcast_in_dim3A_208 = vector.broadcast %broadcast_in_dim3A_207 : f32 to vector<16xf32>
      %swap3A_209 = arith.index_cast %scan3A_158 : i32 to index
      %swap3A_210 = arith.constant 112 : index
      %swap3A_211 = tpu.vector_load %arg15[%swap3A_209, %swap3A_210] {strides = array<i32>} : memref<8x128xf32, #tpu.memory_space<vmem>>, vector<1x16xf32>,
      %swap3A_212 = vector.shape_cast %swap3A_211 : vector<1x16xf32> to vector<16xf32>
      %swap3A_213 = vector.shape_cast %broadcast_in_dim3A_208 : vector<16xf32> to vector<1x16xf32>
      tpu.vector_store %arg15[%swap3A_209, %swap3A_210], %swap3A_213 {strides = array<i32>} : memref<8x128xf32, #tpu.memory_space<vmem>>, vector<1x16xf32>,
      %scan3A_214 = arith.constant 0 : i32
      scf.yield %scan3A_214 : i32
    }
    %scan3A_10 = arith.constant 8 : i32
    %scan3A_11 = arith.constant 0 : i32
    %scan3A_12 = arith.constant 0 : i32
    %scan3A_13 = arith.constant 79 : i32
    %scan3A_14 = arith.addi %scan3A_12, %scan3A_13 : i32
    %scan3A_15 = arith.constant 1 : i32
    %scan3A_16 = scf.for %scan3A_158 = %scan3A_12 to %scan3A_14 step %scan3A_15 iter_args(%scan3A_159 = %scan3A_11) -> (i32)  : i32 {
      %mul3A_160 = arith.constant 632 : i32
      %mul3A_161 = arith.muli %arg1, %mul3A_160 : i32
      %mul3A_162 = arith.constant 8 : i32
      %mul3A_163 = arith.muli %scan3A_158, %mul3A_162 : i32
      %add3A_164 = arith.addi %mul3A_161, %mul3A_163 : i32
      "tpu.region"() ({
        %run_scoped3A = tpu.sem_alloc : memref<!tpu.dma_semaphore, #tpu.memory_space<semaphore_mem>>
        %dma_start3A_166 = arith.constant 0 : i32
        %dma_start3A_167 = tpu.memref_slice %arg16[%add3A_164, %dma_start3A_166] : memref<10112x128xf32, #tpu.memory_space<vmem_shared>> -> memref<8x128xf32, #tpu.memory_space<vmem_shared>>
        %dma_start3A_168 = arith.constant 0 : i32
        %dma_start3A_169 = tpu.memref_slice %arg16[%add3A_164, %dma_start3A_168] : memref<10112x128xf32, #tpu.memory_space<vmem_shared>> -> memref<8x128xf32, #tpu.memory_space<vmem_shared>>
        tpu.enqueue_dma source(%arg15 : memref<8x128xf32, #tpu.memory_space<vmem>>) target(%dma_start3A_169 : memref<8x128xf32, #tpu.memory_space<vmem_shared>>) target_semaphore(%run_scoped3A : memref<!tpu.dma_semaphore, #tpu.memory_space<semaphore_mem>>)
        %dma_wait3A_170 = arith.constant 0 : i32
        %dma_wait3A_171 = tpu.memref_slice %arg16[%add3A_164, %dma_wait3A_170] : memref<10112x128xf32, #tpu.memory_space<vmem_shared>> -> memref<8x128xf32, #tpu.memory_space<vmem_shared>>
        %dma_wait3A_172 = arith.constant 0 : i32
        %dma_wait3A_173 = tpu.memref_slice %arg16[%add3A_164, %dma_wait3A_172] : memref<10112x128xf32, #tpu.memory_space<vmem_shared>> -> memref<8x128xf32, #tpu.memory_space<vmem_shared>>
        tpu.wait_dma2 semaphore(%run_scoped3A : memref<!tpu.dma_semaphore, #tpu.memory_space<semaphore_mem>>) src(%arg15 : memref<8x128xf32, #tpu.memory_space<vmem>>) dst(%dma_wait3A_173 : memref<8x128xf32, #tpu.memory_space<vmem_shared>>)
        tpu.yield
      }) : () -> ()
      %scan3A_165 = arith.constant 0 : i32
      scf.yield %scan3A_165 : i32
    }
    %scan3A_17 = arith.constant 79 : i32
    %barrier3A = arith.constant 0 : index
    tpu.barrier barrier_id(%barrier3A)
    %add3A_18 = arith.constant 0 : i32
    %add3A_19 = arith.addi %mul3A_2, %add3A_18 : i32
    %dma_start3A = tpu.memref_slice %arg4[%add3A_19] : memref<320000xi32, #tpu.memory_space<hbm>> -> memref<80xi32, #tpu.memory_space<hbm>>
    %dma_start3A_20 = tpu.memref_slice %arg4[%add3A_19] : memref<320000xi32, #tpu.memory_space<hbm>> -> memref<80xi32, #tpu.memory_space<hbm>>
    tpu.enqueue_dma source(%dma_start3A_20 : memref<80xi32, #tpu.memory_space<hbm>>) target(%arg7 : memref<80xi32, #tpu.memory_space<vmem>>) target_semaphore(%arg17 : memref<!tpu.dma_semaphore, #tpu.memory_space<semaphore_mem>>)
    %add3A_21 = arith.constant 0 : i32
    %add3A_22 = arith.addi %mul3A_2, %add3A_21 : i32
    %dma_start3A_23 = tpu.memref_slice %arg5[%add3A_22] : memref<320000xi32, #tpu.memory_space<hbm>> -> memref<80xi32, #tpu.memory_space<hbm>>
    %dma_start3A_24 = tpu.memref_slice %arg5[%add3A_22] : memref<320000xi32, #tpu.memory_space<hbm>> -> memref<80xi32, #tpu.memory_space<hbm>>
    tpu.enqueue_dma source(%dma_start3A_24 : memref<80xi32, #tpu.memory_space<hbm>>) target(%arg9 : memref<80xi32, #tpu.memory_space<vmem>>) target_semaphore(%arg17 : memref<!tpu.dma_semaphore, #tpu.memory_space<semaphore_mem>>)
    %add3A_25 = arith.constant 80 : i32
    %add3A_26 = arith.addi %mul3A_2, %add3A_25 : i32
    %dma_start3A_27 = tpu.memref_slice %arg4[%add3A_26] : memref<320000xi32, #tpu.memory_space<hbm>> -> memref<80xi32, #tpu.memory_space<hbm>>
    %dma_start3A_28 = tpu.memref_slice %arg4[%add3A_26] : memref<320000xi32, #tpu.memory_space<hbm>> -> memref<80xi32, #tpu.memory_space<hbm>>
    tpu.enqueue_dma source(%dma_start3A_28 : memref<80xi32, #tpu.memory_space<hbm>>) target(%arg8 : memref<80xi32, #tpu.memory_space<vmem>>) target_semaphore(%arg18 : memref<!tpu.dma_semaphore, #tpu.memory_space<semaphore_mem>>)
    %add3A_29 = arith.constant 80 : i32
    %add3A_30 = arith.addi %mul3A_2, %add3A_29 : i32
    %dma_start3A_31 = tpu.memref_slice %arg5[%add3A_30] : memref<320000xi32, #tpu.memory_space<hbm>> -> memref<80xi32, #tpu.memory_space<hbm>>
    %dma_start3A_32 = tpu.memref_slice %arg5[%add3A_30] : memref<320000xi32, #tpu.memory_space<hbm>> -> memref<80xi32, #tpu.memory_space<hbm>>
    tpu.enqueue_dma source(%dma_start3A_32 : memref<80xi32, #tpu.memory_space<hbm>>) target(%arg10 : memref<80xi32, #tpu.memory_space<vmem>>) target_semaphore(%arg18 : memref<!tpu.dma_semaphore, #tpu.memory_space<semaphore_mem>>)
    %dma_wait3A = arith.constant 0 : i32
    %dma_wait3A_33 = tpu.memref_slice %arg4[%dma_wait3A] : memref<320000xi32, #tpu.memory_space<hbm>> -> memref<80xi32, #tpu.memory_space<hbm>>
    %dma_wait3A_34 = arith.constant 0 : i32
    %dma_wait3A_35 = tpu.memref_slice %arg4[%dma_wait3A_34] : memref<320000xi32, #tpu.memory_space<hbm>> -> memref<80xi32, #tpu.memory_space<hbm>>
    tpu.wait_dma2 semaphore(%arg17 : memref<!tpu.dma_semaphore, #tpu.memory_space<semaphore_mem>>) src(%dma_wait3A_35 : memref<80xi32, #tpu.memory_space<hbm>>) dst(%arg7 : memref<80xi32, #tpu.memory_space<vmem>>)
    %dma_wait3A_36 = arith.constant 0 : i32
    %dma_wait3A_37 = tpu.memref_slice %arg5[%dma_wait3A_36] : memref<320000xi32, #tpu.memory_space<hbm>> -> memref<80xi32, #tpu.memory_space<hbm>>
    %dma_wait3A_38 = arith.constant 0 : i32
    %dma_wait3A_39 = tpu.memref_slice %arg5[%dma_wait3A_38] : memref<320000xi32, #tpu.memory_space<hbm>> -> memref<80xi32, #tpu.memory_space<hbm>>
    tpu.wait_dma2 semaphore(%arg17 : memref<!tpu.dma_semaphore, #tpu.memory_space<semaphore_mem>>) src(%dma_wait3A_39 : memref<80xi32, #tpu.memory_space<hbm>>) dst(%arg9 : memref<80xi32, #tpu.memory_space<vmem>>)
    %dma_start3A_40 = arith.constant 0 : i32
    %dma_start3A_41 = arith.constant 0 : i32
    %dma_start3A_42 = tpu.memref_slice %arg2[%dma_start3A_40, %dma_start3A_41] : memref<10000x128xf32, #tpu.memory_space<hbm>> -> memref<10000x128xf32, #tpu.memory_space<hbm>>
    tpu.enqueue_indirect_dma source(%dma_start3A_42 : memref<10000x128xf32, #tpu.memory_space<hbm>>) target(%arg11 : memref<80x128xf32, #tpu.memory_space<vmem>>) offsets(%arg7 : memref<80xi32, #tpu.memory_space<vmem>>) semaphore(%arg19 : memref<!tpu.dma_semaphore, #tpu.memory_space<semaphore_mem>>)
    %add3A_43 = arith.constant 0 : i32
    %add3A_44 = arith.addi %mul3A_4, %add3A_43 : i32
    %dma_start3A_45 = arith.constant 0 : i32
    %dma_start3A_46 = tpu.memref_slice %arg3[%add3A_44, %dma_start3A_45] : memref<320000x128xf32, #tpu.memory_space<hbm>> -> memref<80x128xf32, #tpu.memory_space<hbm>>
    %dma_start3A_47 = arith.constant 0 : i32
    %dma_start3A_48 = tpu.memref_slice %arg3[%add3A_44, %dma_start3A_47] : memref<320000x128xf32, #tpu.memory_space<hbm>> -> memref<80x128xf32, #tpu.memory_space<hbm>>
    tpu.enqueue_dma source(%dma_start3A_48 : memref<80x128xf32, #tpu.memory_space<hbm>>) target(%arg13 : memref<80x128xf32, #tpu.memory_space<vmem>>) target_semaphore(%arg21 : memref<!tpu.dma_semaphore, #tpu.memory_space<semaphore_mem>>)
    %scan3A_49 = arith.constant 0 : i32
    %scan3A_50 = arith.constant 0 : i32
    %scan3A_51 = arith.constant 61 : i32
    %scan3A_52 = arith.addi %scan3A_50, %scan3A_51 : i32
    %scan3A_53 = arith.constant 1 : i32
    %scan3A_54 = scf.for %scan3A_158 = %scan3A_50 to %scan3A_52 step %scan3A_53 iter_args(%scan3A_159 = %scan3A_49) -> (i32)  : i32 {
      %mul3A_160 = arith.constant 2 : i32
      %mul3A_161 = arith.muli %mul3A_160, %scan3A_158 : i32
      %dma_wait3A_162 = arith.constant 0 : i32
      %dma_wait3A_163 = tpu.memref_slice %arg4[%dma_wait3A_162] : memref<320000xi32, #tpu.memory_space<hbm>> -> memref<80xi32, #tpu.memory_space<hbm>>
      %dma_wait3A_164 = arith.constant 0 : i32
      %dma_wait3A_165 = tpu.memref_slice %arg4[%dma_wait3A_164] : memref<320000xi32, #tpu.memory_space<hbm>> -> memref<80xi32, #tpu.memory_space<hbm>>
      tpu.wait_dma2 semaphore(%arg18 : memref<!tpu.dma_semaphore, #tpu.memory_space<semaphore_mem>>) src(%dma_wait3A_165 : memref<80xi32, #tpu.memory_space<hbm>>) dst(%arg8 : memref<80xi32, #tpu.memory_space<vmem>>)
      %dma_wait3A_166 = arith.constant 0 : i32
      %dma_wait3A_167 = tpu.memref_slice %arg5[%dma_wait3A_166] : memref<320000xi32, #tpu.memory_space<hbm>> -> memref<80xi32, #tpu.memory_space<hbm>>
      %dma_wait3A_168 = arith.constant 0 : i32
      %dma_wait3A_169 = tpu.memref_slice %arg5[%dma_wait3A_168] : memref<320000xi32, #tpu.memory_space<hbm>> -> memref<80xi32, #tpu.memory_space<hbm>>
      tpu.wait_dma2 semaphore(%arg18 : memref<!tpu.dma_semaphore, #tpu.memory_space<semaphore_mem>>) src(%dma_wait3A_169 : memref<80xi32, #tpu.memory_space<hbm>>) dst(%arg10 : memref<80xi32, #tpu.memory_space<vmem>>)
      %add3A_170 = arith.constant 1 : i32
      %add3A_171 = arith.addi %mul3A_161, %add3A_170 : i32
      %dma_start3A_172 = arith.constant 0 : i32
      %dma_start3A_173 = arith.constant 0 : i32
      %dma_start3A_174 = tpu.memref_slice %arg2[%dma_start3A_172, %dma_start3A_173] : memref<10000x128xf32, #tpu.memory_space<hbm>> -> memref<10000x128xf32, #tpu.memory_space<hbm>>
      tpu.enqueue_indirect_dma source(%dma_start3A_174 : memref<10000x128xf32, #tpu.memory_space<hbm>>) target(%arg12 : memref<80x128xf32, #tpu.memory_space<vmem>>) offsets(%arg8 : memref<80xi32, #tpu.memory_space<vmem>>) semaphore(%arg20 : memref<!tpu.dma_semaphore, #tpu.memory_space<semaphore_mem>>)
      %mul3A_175 = arith.constant 80 : i32
      %mul3A_176 = arith.muli %add3A_171, %mul3A_175 : i32
      %add3A_177 = arith.addi %mul3A_4, %mul3A_176 : i32
      %dma_start3A_178 = arith.constant 0 : i32
      %dma_start3A_179 = tpu.memref_slice %arg3[%add3A_177, %dma_start3A_178] : memref<320000x128xf32, #tpu.memory_space<hbm>> -> memref<80x128xf32, #tpu.memory_space<hbm>>
      %dma_start3A_180 = arith.constant 0 : i32
      %dma_start3A_181 = tpu.memref_slice %arg3[%add3A_177, %dma_start3A_180] : memref<320000x128xf32, #tpu.memory_space<hbm>> -> memref<80x128xf32, #tpu.memory_space<hbm>>
      tpu.enqueue_dma source(%dma_start3A_181 : memref<80x128xf32, #tpu.memory_space<hbm>>) target(%arg14 : memref<80x128xf32, #tpu.memory_space<vmem>>) target_semaphore(%arg22 : memref<!tpu.dma_semaphore, #tpu.memory_space<semaphore_mem>>)
      %dma_wait3A_182 = arith.constant 0 : i32
      %dma_wait3A_183 = arith.constant 0 : i32
      %dma_wait3A_184 = tpu.memref_slice %arg2[%dma_wait3A_182, %dma_wait3A_183] : memref<10000x128xf32, #tpu.memory_space<hbm>> -> memref<10000x128xf32, #tpu.memory_space<hbm>>
      tpu.wait_indirect_dma semaphore(%arg19 : memref<!tpu.dma_semaphore, #tpu.memory_space<semaphore_mem>>) src(%dma_wait3A_184 : memref<10000x128xf32, #tpu.memory_space<hbm>>) dst(%arg11 : memref<80x128xf32, #tpu.memory_space<vmem>>)
      %dma_wait3A_185 = arith.constant 0 : i32
      %dma_wait3A_186 = arith.constant 0 : i32
      %dma_wait3A_187 = tpu.memref_slice %arg3[%dma_wait3A_185, %dma_wait3A_186] : memref<320000x128xf32, #tpu.memory_space<hbm>> -> memref<80x128xf32, #tpu.memory_space<hbm>>
      %dma_wait3A_188 = arith.constant 0 : i32
      %dma_wait3A_189 = arith.constant 0 : i32
      %dma_wait3A_190 = tpu.memref_slice %arg3[%dma_wait3A_188, %dma_wait3A_189] : memref<320000x128xf32, #tpu.memory_space<hbm>> -> memref<80x128xf32, #tpu.memory_space<hbm>>
      tpu.wait_dma2 semaphore(%arg21 : memref<!tpu.dma_semaphore, #tpu.memory_space<semaphore_mem>>) src(%dma_wait3A_190 : memref<80x128xf32, #tpu.memory_space<hbm>>) dst(%arg13 : memref<80x128xf32, #tpu.memory_space<vmem>>)
      %scan3A_191 = arith.constant 0 : i32
      %scan3A_192 = arith.constant 0 : i32
      %scan3A_193 = arith.constant 80 : i32
      %scan3A_194 = arith.addi %scan3A_192, %scan3A_193 : i32
      %scan3A_195 = arith.constant 1 : i32
      %scan3A_196 = scf.for %scan3A_263 = %scan3A_192 to %scan3A_194 step %scan3A_195 iter_args(%scan3A_264 = %scan3A_191) -> (i32)  : i32 {
        %get3A = arith.index_cast %scan3A_263 : i32 to index
        %get3A_265 = arith.constant 0 : index
        %get3A_266 = tpu.vector_load %arg11[%get3A, %get3A_265] {strides = array<i32>} : memref<80x128xf32, #tpu.memory_space<vmem>>, vector<1x16xf32>,
        %get3A_267 = vector.shape_cast %get3A_266 : vector<1x16xf32> to vector<16xf32>
        %get3A_268 = arith.index_cast %scan3A_263 : i32 to index
        %get3A_269 = arith.constant 0 : index
        %get3A_270 = tpu.vector_load %arg13[%get3A_268, %get3A_269] {strides = array<i32>} : memref<80x128xf32, #tpu.memory_space<vmem>>, vector<1x16xf32>,
        %get3A_271 = vector.shape_cast %get3A_270 : vector<1x16xf32> to vector<16xf32>
        %add3A_272 = arith.addf %get3A_267, %get3A_271 : vector<16xf32>
        %max3A = arith.constant 0.000000e+00 : f32
        %max3A_273 = vector.broadcast %max3A : f32 to vector<16xf32>
        %max3A_274 = arith.maximumf %add3A_272, %max3A_273 : vector<16xf32>
        %swap3A = arith.index_cast %scan3A_263 : i32 to index
        %swap3A_275 = arith.constant 0 : index
        %swap3A_276 = tpu.vector_load %arg11[%swap3A, %swap3A_275] {strides = array<i32>} : memref<80x128xf32, #tpu.memory_space<vmem>>, vector<1x16xf32>,
        %swap3A_277 = vector.shape_cast %swap3A_276 : vector<1x16xf32> to vector<16xf32>
        %swap3A_278 = vector.shape_cast %max3A_274 : vector<16xf32> to vector<1x16xf32>
        tpu.vector_store %arg11[%swap3A, %swap3A_275], %swap3A_278 {strides = array<i32>} : memref<80x128xf32, #tpu.memory_space<vmem>>, vector<1x16xf32>,
        %get3A_279 = arith.index_cast %scan3A_263 : i32 to index
        %get3A_280 = arith.constant 16 : index
        %get3A_281 = tpu.vector_load %arg11[%get3A_279, %get3A_280] {strides = array<i32>} : memref<80x128xf32, #tpu.memory_space<vmem>>, vector<1x16xf32>,
        %get3A_282 = vector.shape_cast %get3A_281 : vector<1x16xf32> to vector<16xf32>
        %get3A_283 = arith.index_cast %scan3A_263 : i32 to index
        %get3A_284 = arith.constant 16 : index
        %get3A_285 = tpu.vector_load %arg13[%get3A_283, %get3A_284] {strides = array<i32>} : memref<80x128xf32, #tpu.memory_space<vmem>>, vector<1x16xf32>,
        %get3A_286 = vector.shape_cast %get3A_285 : vector<1x16xf32> to vector<16xf32>
        %add3A_287 = arith.addf %get3A_282, %get3A_286 : vector<16xf32>
        %max3A_288 = arith.constant 0.000000e+00 : f32
        %max3A_289 = vector.broadcast %max3A_288 : f32 to vector<16xf32>
        %max3A_290 = arith.maximumf %add3A_287, %max3A_289 : vector<16xf32>
        %swap3A_291 = arith.index_cast %scan3A_263 : i32 to index
        %swap3A_292 = arith.constant 16 : index
        %swap3A_293 = tpu.vector_load %arg11[%swap3A_291, %swap3A_292] {strides = array<i32>} : memref<80x128xf32, #tpu.memory_space<vmem>>, vector<1x16xf32>,
        %swap3A_294 = vector.shape_cast %swap3A_293 : vector<1x16xf32> to vector<16xf32>
        %swap3A_295 = vector.shape_cast %max3A_290 : vector<16xf32> to vector<1x16xf32>
        tpu.vector_store %arg11[%swap3A_291, %swap3A_292], %swap3A_295 {strides = array<i32>} : memref<80x128xf32, #tpu.memory_space<vmem>>, vector<1x16xf32>,
        %get3A_296 = arith.index_cast %scan3A_263 : i32 to index
        %get3A_297 = arith.constant 32 : index
        %get3A_298 = tpu.vector_load %arg11[%get3A_296, %get3A_297] {strides = array<i32>} : memref<80x128xf32, #tpu.memory_space<vmem>>, vector<1x16xf32>,
        %get3A_299 = vector.shape_cast %get3A_298 : vector<1x16xf32> to vector<16xf32>
        %get3A_300 = arith.index_cast %scan3A_263 : i32 to index
        %get3A_301 = arith.constant 32 : index
        %get3A_302 = tpu.vector_load %arg13[%get3A_300, %get3A_301] {strides = array<i32>} : memref<80x128xf32, #tpu.memory_space<vmem>>, vector<1x16xf32>,
        %get3A_303 = vector.shape_cast %get3A_302 : vector<1x16xf32> to vector<16xf32>
        %add3A_304 = arith.addf %get3A_299, %get3A_303 : vector<16xf32>
        %max3A_305 = arith.constant 0.000000e+00 : f32
        %max3A_306 = vector.broadcast %max3A_305 : f32 to vector<16xf32>
        %max3A_307 = arith.maximumf %add3A_304, %max3A_306 : vector<16xf32>
        %swap3A_308 = arith.index_cast %scan3A_263 : i32 to index
        %swap3A_309 = arith.constant 32 : index
        %swap3A_310 = tpu.vector_load %arg11[%swap3A_308, %swap3A_309] {strides = array<i32>} : memref<80x128xf32, #tpu.memory_space<vmem>>, vector<1x16xf32>,
        %swap3A_311 = vector.shape_cast %swap3A_310 : vector<1x16xf32> to vector<16xf32>
        %swap3A_312 = vector.shape_cast %max3A_307 : vector<16xf32> to vector<1x16xf32>
        tpu.vector_store %arg11[%swap3A_308, %swap3A_309], %swap3A_312 {strides = array<i32>} : memref<80x128xf32, #tpu.memory_space<vmem>>, vector<1x16xf32>,
        %get3A_313 = arith.index_cast %scan3A_263 : i32 to index
        %get3A_314 = arith.constant 48 : index
        %get3A_315 = tpu.vector_load %arg11[%get3A_313, %get3A_314] {strides = array<i32>} : memref<80x128xf32, #tpu.memory_space<vmem>>, vector<1x16xf32>,
        %get3A_316 = vector.shape_cast %get3A_315 : vector<1x16xf32> to vector<16xf32>
        %get3A_317 = arith.index_cast %scan3A_263 : i32 to index
        %get3A_318 = arith.constant 48 : index
        %get3A_319 = tpu.vector_load %arg13[%get3A_317, %get3A_318] {strides = array<i32>} : memref<80x128xf32, #tpu.memory_space<vmem>>, vector<1x16xf32>,
        %get3A_320 = vector.shape_cast %get3A_319 : vector<1x16xf32> to vector<16xf32>
        %add3A_321 = arith.addf %get3A_316, %get3A_320 : vector<16xf32>
        %max3A_322 = arith.constant 0.000000e+00 : f32
        %max3A_323 = vector.broadcast %max3A_322 : f32 to vector<16xf32>
        %max3A_324 = arith.maximumf %add3A_321, %max3A_323 : vector<16xf32>
        %swap3A_325 = arith.index_cast %scan3A_263 : i32 to index
        %swap3A_326 = arith.constant 48 : index
        %swap3A_327 = tpu.vector_load %arg11[%swap3A_325, %swap3A_326] {strides = array<i32>} : memref<80x128xf32, #tpu.memory_space<vmem>>, vector<1x16xf32>,
        %swap3A_328 = vector.shape_cast %swap3A_327 : vector<1x16xf32> to vector<16xf32>
        %swap3A_329 = vector.shape_cast %max3A_324 : vector<16xf32> to vector<1x16xf32>
        tpu.vector_store %arg11[%swap3A_325, %swap3A_326], %swap3A_329 {strides = array<i32>} : memref<80x128xf32, #tpu.memory_space<vmem>>, vector<1x16xf32>,
        %get3A_330 = arith.index_cast %scan3A_263 : i32 to index
        %get3A_331 = arith.constant 64 : index
        %get3A_332 = tpu.vector_load %arg11[%get3A_330, %get3A_331] {strides = array<i32>} : memref<80x128xf32, #tpu.memory_space<vmem>>, vector<1x16xf32>,
        %get3A_333 = vector.shape_cast %get3A_332 : vector<1x16xf32> to vector<16xf32>
        %get3A_334 = arith.index_cast %scan3A_263 : i32 to index
        %get3A_335 = arith.constant 64 : index
        %get3A_336 = tpu.vector_load %arg13[%get3A_334, %get3A_335] {strides = array<i32>} : memref<80x128xf32, #tpu.memory_space<vmem>>, vector<1x16xf32>,
        %get3A_337 = vector.shape_cast %get3A_336 : vector<1x16xf32> to vector<16xf32>
        %add3A_338 = arith.addf %get3A_333, %get3A_337 : vector<16xf32>
        %max3A_339 = arith.constant 0.000000e+00 : f32
        %max3A_340 = vector.broadcast %max3A_339 : f32 to vector<16xf32>
        %max3A_341 = arith.maximumf %add3A_338, %max3A_340 : vector<16xf32>
        %swap3A_342 = arith.index_cast %scan3A_263 : i32 to index
        %swap3A_343 = arith.constant 64 : index
        %swap3A_344 = tpu.vector_load %arg11[%swap3A_342, %swap3A_343] {strides = array<i32>} : memref<80x128xf32, #tpu.memory_space<vmem>>, vector<1x16xf32>,
        %swap3A_345 = vector.shape_cast %swap3A_344 : vector<1x16xf32> to vector<16xf32>
        %swap3A_346 = vector.shape_cast %max3A_341 : vector<16xf32> to vector<1x16xf32>
        tpu.vector_store %arg11[%swap3A_342, %swap3A_343], %swap3A_346 {strides = array<i32>} : memref<80x128xf32, #tpu.memory_space<vmem>>, vector<1x16xf32>,
        %get3A_347 = arith.index_cast %scan3A_263 : i32 to index
        %get3A_348 = arith.constant 80 : index
        %get3A_349 = tpu.vector_load %arg11[%get3A_347, %get3A_348] {strides = array<i32>} : memref<80x128xf32, #tpu.memory_space<vmem>>, vector<1x16xf32>,
        %get3A_350 = vector.shape_cast %get3A_349 : vector<1x16xf32> to vector<16xf32>
        %get3A_351 = arith.index_cast %scan3A_263 : i32 to index
        %get3A_352 = arith.constant 80 : index
        %get3A_353 = tpu.vector_load %arg13[%get3A_351, %get3A_352] {strides = array<i32>} : memref<80x128xf32, #tpu.memory_space<vmem>>, vector<1x16xf32>,
        %get3A_354 = vector.shape_cast %get3A_353 : vector<1x16xf32> to vector<16xf32>
        %add3A_355 = arith.addf %get3A_350, %get3A_354 : vector<16xf32>
        %max3A_356 = arith.constant 0.000000e+00 : f32
        %max3A_357 = vector.broadcast %max3A_356 : f32 to vector<16xf32>
        %max3A_358 = arith.maximumf %add3A_355, %max3A_357 : vector<16xf32>
        %swap3A_359 = arith.index_cast %scan3A_263 : i32 to index
        %swap3A_360 = arith.constant 80 : index
        %swap3A_361 = tpu.vector_load %arg11[%swap3A_359, %swap3A_360] {strides = array<i32>} : memref<80x128xf32, #tpu.memory_space<vmem>>, vector<1x16xf32>,
        %swap3A_362 = vector.shape_cast %swap3A_361 : vector<1x16xf32> to vector<16xf32>
        %swap3A_363 = vector.shape_cast %max3A_358 : vector<16xf32> to vector<1x16xf32>
        tpu.vector_store %arg11[%swap3A_359, %swap3A_360], %swap3A_363 {strides = array<i32>} : memref<80x128xf32, #tpu.memory_space<vmem>>, vector<1x16xf32>,
        %get3A_364 = arith.index_cast %scan3A_263 : i32 to index
        %get3A_365 = arith.constant 96 : index
        %get3A_366 = tpu.vector_load %arg11[%get3A_364, %get3A_365] {strides = array<i32>} : memref<80x128xf32, #tpu.memory_space<vmem>>, vector<1x16xf32>,
        %get3A_367 = vector.shape_cast %get3A_366 : vector<1x16xf32> to vector<16xf32>
        %get3A_368 = arith.index_cast %scan3A_263 : i32 to index
        %get3A_369 = arith.constant 96 : index
        %get3A_370 = tpu.vector_load %arg13[%get3A_368, %get3A_369] {strides = array<i32>} : memref<80x128xf32, #tpu.memory_space<vmem>>, vector<1x16xf32>,
        %get3A_371 = vector.shape_cast %get3A_370 : vector<1x16xf32> to vector<16xf32>
        %add3A_372 = arith.addf %get3A_367, %get3A_371 : vector<16xf32>
        %max3A_373 = arith.constant 0.000000e+00 : f32
        %max3A_374 = vector.broadcast %max3A_373 : f32 to vector<16xf32>
        %max3A_375 = arith.maximumf %add3A_372, %max3A_374 : vector<16xf32>
        %swap3A_376 = arith.index_cast %scan3A_263 : i32 to index
        %swap3A_377 = arith.constant 96 : index
        %swap3A_378 = tpu.vector_load %arg11[%swap3A_376, %swap3A_377] {strides = array<i32>} : memref<80x128xf32, #tpu.memory_space<vmem>>, vector<1x16xf32>,
        %swap3A_379 = vector.shape_cast %swap3A_378 : vector<1x16xf32> to vector<16xf32>
        %swap3A_380 = vector.shape_cast %max3A_375 : vector<16xf32> to vector<1x16xf32>
        tpu.vector_store %arg11[%swap3A_376, %swap3A_377], %swap3A_380 {strides = array<i32>} : memref<80x128xf32, #tpu.memory_space<vmem>>, vector<1x16xf32>,
        %get3A_381 = arith.index_cast %scan3A_263 : i32 to index
        %get3A_382 = arith.constant 112 : index
        %get3A_383 = tpu.vector_load %arg11[%get3A_381, %get3A_382] {strides = array<i32>} : memref<80x128xf32, #tpu.memory_space<vmem>>, vector<1x16xf32>,
        %get3A_384 = vector.shape_cast %get3A_383 : vector<1x16xf32> to vector<16xf32>
        %get3A_385 = arith.index_cast %scan3A_263 : i32 to index
        %get3A_386 = arith.constant 112 : index
        %get3A_387 = tpu.vector_load %arg13[%get3A_385, %get3A_386] {strides = array<i32>} : memref<80x128xf32, #tpu.memory_space<vmem>>, vector<1x16xf32>,
        %get3A_388 = vector.shape_cast %get3A_387 : vector<1x16xf32> to vector<16xf32>
        %add3A_389 = arith.addf %get3A_384, %get3A_388 : vector<16xf32>
        %max3A_390 = arith.constant 0.000000e+00 : f32
        %max3A_391 = vector.broadcast %max3A_390 : f32 to vector<16xf32>
        %max3A_392 = arith.maximumf %add3A_389, %max3A_391 : vector<16xf32>
        %swap3A_393 = arith.index_cast %scan3A_263 : i32 to index
        %swap3A_394 = arith.constant 112 : index
        %swap3A_395 = tpu.vector_load %arg11[%swap3A_393, %swap3A_394] {strides = array<i32>} : memref<80x128xf32, #tpu.memory_space<vmem>>, vector<1x16xf32>,
        %swap3A_396 = vector.shape_cast %swap3A_395 : vector<1x16xf32> to vector<16xf32>
        %swap3A_397 = vector.shape_cast %max3A_392 : vector<16xf32> to vector<1x16xf32>
        tpu.vector_store %arg11[%swap3A_393, %swap3A_394], %swap3A_397 {strides = array<i32>} : memref<80x128xf32, #tpu.memory_space<vmem>>, vector<1x16xf32>,
        %scan3A_398 = arith.constant 0 : i32
        scf.yield %scan3A_398 : i32
      }
      %scan3A_197 = arith.constant 80 : i32
      "tpu.region"() ({
        %run_scoped3A = tpu.sem_alloc : memref<!tpu.dma_semaphore, #tpu.memory_space<semaphore_mem>>
        %dma_start3A_263 = arith.constant 0 : i32
        %dma_start3A_264 = arith.constant 0 : i32
        %dma_start3A_265 = tpu.memref_slice %arg16[%dma_start3A_263, %dma_start3A_264] : memref<10112x128xf32, #tpu.memory_space<vmem_shared>> -> memref<10112x128xf32, #tpu.memory_space<vmem_shared>>
        tpu.enqueue_indirect_dma source(%arg11 : memref<80x128xf32, #tpu.memory_space<vmem>>) target(%dma_start3A_265 : memref<10112x128xf32, #tpu.memory_space<vmem_shared>>) offsets(%arg9 : memref<80xi32, #tpu.memory_space<vmem>>) semaphore(%run_scoped3A : memref<!tpu.dma_semaphore, #tpu.memory_space<semaphore_mem>>) {add = true}
        %dma_wait3A_266 = arith.constant 0 : i32
        %dma_wait3A_267 = arith.constant 0 : i32
        %dma_wait3A_268 = tpu.memref_slice %arg16[%dma_wait3A_266, %dma_wait3A_267] : memref<10112x128xf32, #tpu.memory_space<vmem_shared>> -> memref<10112x128xf32, #tpu.memory_space<vmem_shared>>
        tpu.wait_indirect_dma semaphore(%run_scoped3A : memref<!tpu.dma_semaphore, #tpu.memory_space<semaphore_mem>>) src(%arg11 : memref<80x128xf32, #tpu.memory_space<vmem>>) dst(%dma_wait3A_268 : memref<10112x128xf32, #tpu.memory_space<vmem_shared>>)
        tpu.yield
      }) : () -> ()
      %add3A_198 = arith.constant 2 : i32
      %add3A_199 = arith.addi %mul3A_161, %add3A_198 : i32
      %mul3A_200 = arith.constant 80 : i32
      %mul3A_201 = arith.muli %add3A_199, %mul3A_200 : i32
      %add3A_202 = arith.addi %mul3A_2, %mul3A_201 : i32
      %dma_start3A_203 = tpu.memref_slice %arg4[%add3A_202] : memref<320000xi32, #tpu.memory_space<hbm>> -> memref<80xi32, #tpu.memory_space<hbm>>
      %dma_start3A_204 = tpu.memref_slice %arg4[%add3A_202] : memref<320000xi32, #tpu.memory_space<hbm>> -> memref<80xi32, #tpu.memory_space<hbm>>
      tpu.enqueue_dma source(%dma_start3A_204 : memref<80xi32, #tpu.memory_space<hbm>>) target(%arg7 : memref<80xi32, #tpu.memory_space<vmem>>) target_semaphore(%arg17 : memref<!tpu.dma_semaphore, #tpu.memory_space<semaphore_mem>>)
      %mul3A_205 = arith.constant 80 : i32
      %mul3A_206 = arith.muli %add3A_199, %mul3A_205 : i32
      %add3A_207 = arith.addi %mul3A_2, %mul3A_206 : i32
      %dma_start3A_208 = tpu.memref_slice %arg5[%add3A_207] : memref<320000xi32, #tpu.memory_space<hbm>> -> memref<80xi32, #tpu.memory_space<hbm>>
      %dma_start3A_209 = tpu.memref_slice %arg5[%add3A_207] : memref<320000xi32, #tpu.memory_space<hbm>> -> memref<80xi32, #tpu.memory_space<hbm>>
      tpu.enqueue_dma source(%dma_start3A_209 : memref<80xi32, #tpu.memory_space<hbm>>) target(%arg9 : memref<80xi32, #tpu.memory_space<vmem>>) target_semaphore(%arg17 : memref<!tpu.dma_semaphore, #tpu.memory_space<semaphore_mem>>)
      %mul3A_210 = arith.constant 2 : i32
      %mul3A_211 = arith.muli %mul3A_210, %scan3A_158 : i32
      %add3A_212 = arith.constant 1 : i32
      %add3A_213 = arith.addi %mul3A_211, %add3A_212 : i32
      %dma_wait3A_214 = arith.constant 0 : i32
      %dma_wait3A_215 = tpu.memref_slice %arg4[%dma_wait3A_214] : memref<320000xi32, #tpu.memory_space<hbm>> -> memref<80xi32, #tpu.memory_space<hbm>>
      %dma_wait3A_216 = arith.constant 0 : i32
      %dma_wait3A_217 = tpu.memref_slice %arg4[%dma_wait3A_216] : memref<320000xi32, #tpu.memory_space<hbm>> -> memref<80xi32, #tpu.memory_space<hbm>>
      tpu.wait_dma2 semaphore(%arg17 : memref<!tpu.dma_semaphore, #tpu.memory_space<semaphore_mem>>) src(%dma_wait3A_217 : memref<80xi32, #tpu.memory_space<hbm>>) dst(%arg7 : memref<80xi32, #tpu.memory_space<vmem>>)
      %dma_wait3A_218 = arith.constant 0 : i32
      %dma_wait3A_219 = tpu.memref_slice %arg5[%dma_wait3A_218] : memref<320000xi32, #tpu.memory_space<hbm>> -> memref<80xi32, #tpu.memory_space<hbm>>
      %dma_wait3A_220 = arith.constant 0 : i32
      %dma_wait3A_221 = tpu.memref_slice %arg5[%dma_wait3A_220] : memref<320000xi32, #tpu.memory_space<hbm>> -> memref<80xi32, #tpu.memory_space<hbm>>
      tpu.wait_dma2 semaphore(%arg17 : memref<!tpu.dma_semaphore, #tpu.memory_space<semaphore_mem>>) src(%dma_wait3A_221 : memref<80xi32, #tpu.memory_space<hbm>>) dst(%arg9 : memref<80xi32, #tpu.memory_space<vmem>>)
      %add3A_222 = arith.constant 1 : i32
      %add3A_223 = arith.addi %add3A_213, %add3A_222 : i32
      %dma_start3A_224 = arith.constant 0 : i32
      %dma_start3A_225 = arith.constant 0 : i32
      %dma_start3A_226 = tpu.memref_slice %arg2[%dma_start3A_224, %dma_start3A_225] : memref<10000x128xf32, #tpu.memory_space<hbm>> -> memref<10000x128xf32, #tpu.memory_space<hbm>>
      tpu.enqueue_indirect_dma source(%dma_start3A_226 : memref<10000x128xf32, #tpu.memory_space<hbm>>) target(%arg11 : memref<80x128xf32, #tpu.memory_space<vmem>>) offsets(%arg7 : memref<80xi32, #tpu.memory_space<vmem>>) semaphore(%arg19 : memref<!tpu.dma_semaphore, #tpu.memory_space<semaphore_mem>>)
      %mul3A_227 = arith.constant 80 : i32
      %mul3A_228 = arith.muli %add3A_223, %mul3A_227 : i32
      %add3A_229 = arith.addi %mul3A_4, %mul3A_228 : i32
      %dma_start3A_230 = arith.constant 0 : i32
      %dma_start3A_231 = tpu.memref_slice %arg3[%add3A_229, %dma_start3A_230] : memref<320000x128xf32, #tpu.memory_space<hbm>> -> memref<80x128xf32, #tpu.memory_space<hbm>>
      %dma_start3A_232 = arith.constant 0 : i32
      %dma_start3A_233 = tpu.memref_slice %arg3[%add3A_229, %dma_start3A_232] : memref<320000x128xf32, #tpu.memory_space<hbm>> -> memref<80x128xf32, #tpu.memory_space<hbm>>
      tpu.enqueue_dma source(%dma_start3A_233 : memref<80x128xf32, #tpu.memory_space<hbm>>) target(%arg13 : memref<80x128xf32, #tpu.memory_space<vmem>>) target_semaphore(%arg21 : memref<!tpu.dma_semaphore, #tpu.memory_space<semaphore_mem>>)
      %dma_wait3A_234 = arith.constant 0 : i32
      %dma_wait3A_235 = arith.constant 0 : i32
      %dma_wait3A_236 = tpu.memref_slice %arg2[%dma_wait3A_234, %dma_wait3A_235] : memref<10000x128xf32, #tpu.memory_space<hbm>> -> memref<10000x128xf32, #tpu.memory_space<hbm>>
      tpu.wait_indirect_dma semaphore(%arg20 : memref<!tpu.dma_semaphore, #tpu.memory_space<semaphore_mem>>) src(%dma_wait3A_236 : memref<10000x128xf32, #tpu.memory_space<hbm>>) dst(%arg12 : memref<80x128xf32, #tpu.memory_space<vmem>>)
      %dma_wait3A_237 = arith.constant 0 : i32
      %dma_wait3A_238 = arith.constant 0 : i32
      %dma_wait3A_239 = tpu.memref_slice %arg3[%dma_wait3A_237, %dma_wait3A_238] : memref<320000x128xf32, #tpu.memory_space<hbm>> -> memref<80x128xf32, #tpu.memory_space<hbm>>
      %dma_wait3A_240 = arith.constant 0 : i32
      %dma_wait3A_241 = arith.constant 0 : i32
      %dma_wait3A_242 = tpu.memref_slice %arg3[%dma_wait3A_240, %dma_wait3A_241] : memref<320000x128xf32, #tpu.memory_space<hbm>> -> memref<80x128xf32, #tpu.memory_space<hbm>>
      tpu.wait_dma2 semaphore(%arg22 : memref<!tpu.dma_semaphore, #tpu.memory_space<semaphore_mem>>) src(%dma_wait3A_242 : memref<80x128xf32, #tpu.memory_space<hbm>>) dst(%arg14 : memref<80x128xf32, #tpu.memory_space<vmem>>)
      %scan3A_243 = arith.constant 0 : i32
      %scan3A_244 = arith.constant 0 : i32
      %scan3A_245 = arith.constant 80 : i32
      %scan3A_246 = arith.addi %scan3A_244, %scan3A_245 : i32
      %scan3A_247 = arith.constant 1 : i32
      %scan3A_248 = scf.for %scan3A_263 = %scan3A_244 to %scan3A_246 step %scan3A_247 iter_args(%scan3A_264 = %scan3A_243) -> (i32)  : i32 {
        %get3A = arith.index_cast %scan3A_263 : i32 to index
        %get3A_265 = arith.constant 0 : index
        %get3A_266 = tpu.vector_load %arg12[%get3A, %get3A_265] {strides = array<i32>} : memref<80x128xf32, #tpu.memory_space<vmem>>, vector<1x16xf32>,
        %get3A_267 = vector.shape_cast %get3A_266 : vector<1x16xf32> to vector<16xf32>
        %get3A_268 = arith.index_cast %scan3A_263 : i32 to index
        %get3A_269 = arith.constant 0 : index
        %get3A_270 = tpu.vector_load %arg14[%get3A_268, %get3A_269] {strides = array<i32>} : memref<80x128xf32, #tpu.memory_space<vmem>>, vector<1x16xf32>,
        %get3A_271 = vector.shape_cast %get3A_270 : vector<1x16xf32> to vector<16xf32>
        %add3A_272 = arith.addf %get3A_267, %get3A_271 : vector<16xf32>
        %max3A = arith.constant 0.000000e+00 : f32
        %max3A_273 = vector.broadcast %max3A : f32 to vector<16xf32>
        %max3A_274 = arith.maximumf %add3A_272, %max3A_273 : vector<16xf32>
        %swap3A = arith.index_cast %scan3A_263 : i32 to index
        %swap3A_275 = arith.constant 0 : index
        %swap3A_276 = tpu.vector_load %arg12[%swap3A, %swap3A_275] {strides = array<i32>} : memref<80x128xf32, #tpu.memory_space<vmem>>, vector<1x16xf32>,
        %swap3A_277 = vector.shape_cast %swap3A_276 : vector<1x16xf32> to vector<16xf32>
        %swap3A_278 = vector.shape_cast %max3A_274 : vector<16xf32> to vector<1x16xf32>
        tpu.vector_store %arg12[%swap3A, %swap3A_275], %swap3A_278 {strides = array<i32>} : memref<80x128xf32, #tpu.memory_space<vmem>>, vector<1x16xf32>,
        %get3A_279 = arith.index_cast %scan3A_263 : i32 to index
        %get3A_280 = arith.constant 16 : index
        %get3A_281 = tpu.vector_load %arg12[%get3A_279, %get3A_280] {strides = array<i32>} : memref<80x128xf32, #tpu.memory_space<vmem>>, vector<1x16xf32>,
        %get3A_282 = vector.shape_cast %get3A_281 : vector<1x16xf32> to vector<16xf32>
        %get3A_283 = arith.index_cast %scan3A_263 : i32 to index
        %get3A_284 = arith.constant 16 : index
        %get3A_285 = tpu.vector_load %arg14[%get3A_283, %get3A_284] {strides = array<i32>} : memref<80x128xf32, #tpu.memory_space<vmem>>, vector<1x16xf32>,
        %get3A_286 = vector.shape_cast %get3A_285 : vector<1x16xf32> to vector<16xf32>
        %add3A_287 = arith.addf %get3A_282, %get3A_286 : vector<16xf32>
        %max3A_288 = arith.constant 0.000000e+00 : f32
        %max3A_289 = vector.broadcast %max3A_288 : f32 to vector<16xf32>
        %max3A_290 = arith.maximumf %add3A_287, %max3A_289 : vector<16xf32>
        %swap3A_291 = arith.index_cast %scan3A_263 : i32 to index
        %swap3A_292 = arith.constant 16 : index
        %swap3A_293 = tpu.vector_load %arg12[%swap3A_291, %swap3A_292] {strides = array<i32>} : memref<80x128xf32, #tpu.memory_space<vmem>>, vector<1x16xf32>,
        %swap3A_294 = vector.shape_cast %swap3A_293 : vector<1x16xf32> to vector<16xf32>
        %swap3A_295 = vector.shape_cast %max3A_290 : vector<16xf32> to vector<1x16xf32>
        tpu.vector_store %arg12[%swap3A_291, %swap3A_292], %swap3A_295 {strides = array<i32>} : memref<80x128xf32, #tpu.memory_space<vmem>>, vector<1x16xf32>,
        %get3A_296 = arith.index_cast %scan3A_263 : i32 to index
        %get3A_297 = arith.constant 32 : index
        %get3A_298 = tpu.vector_load %arg12[%get3A_296, %get3A_297] {strides = array<i32>} : memref<80x128xf32, #tpu.memory_space<vmem>>, vector<1x16xf32>,
        %get3A_299 = vector.shape_cast %get3A_298 : vector<1x16xf32> to vector<16xf32>
        %get3A_300 = arith.index_cast %scan3A_263 : i32 to index
        %get3A_301 = arith.constant 32 : index
        %get3A_302 = tpu.vector_load %arg14[%get3A_300, %get3A_301] {strides = array<i32>} : memref<80x128xf32, #tpu.memory_space<vmem>>, vector<1x16xf32>,
        %get3A_303 = vector.shape_cast %get3A_302 : vector<1x16xf32> to vector<16xf32>
        %add3A_304 = arith.addf %get3A_299, %get3A_303 : vector<16xf32>
        %max3A_305 = arith.constant 0.000000e+00 : f32
        %max3A_306 = vector.broadcast %max3A_305 : f32 to vector<16xf32>
        %max3A_307 = arith.maximumf %add3A_304, %max3A_306 : vector<16xf32>
        %swap3A_308 = arith.index_cast %scan3A_263 : i32 to index
        %swap3A_309 = arith.constant 32 : index
        %swap3A_310 = tpu.vector_load %arg12[%swap3A_308, %swap3A_309] {strides = array<i32>} : memref<80x128xf32, #tpu.memory_space<vmem>>, vector<1x16xf32>,
        %swap3A_311 = vector.shape_cast %swap3A_310 : vector<1x16xf32> to vector<16xf32>
        %swap3A_312 = vector.shape_cast %max3A_307 : vector<16xf32> to vector<1x16xf32>
        tpu.vector_store %arg12[%swap3A_308, %swap3A_309], %swap3A_312 {strides = array<i32>} : memref<80x128xf32, #tpu.memory_space<vmem>>, vector<1x16xf32>,
        %get3A_313 = arith.index_cast %scan3A_263 : i32 to index
        %get3A_314 = arith.constant 48 : index
        %get3A_315 = tpu.vector_load %arg12[%get3A_313, %get3A_314] {strides = array<i32>} : memref<80x128xf32, #tpu.memory_space<vmem>>, vector<1x16xf32>,
        %get3A_316 = vector.shape_cast %get3A_315 : vector<1x16xf32> to vector<16xf32>
        %get3A_317 = arith.index_cast %scan3A_263 : i32 to index
        %get3A_318 = arith.constant 48 : index
        %get3A_319 = tpu.vector_load %arg14[%get3A_317, %get3A_318] {strides = array<i32>} : memref<80x128xf32, #tpu.memory_space<vmem>>, vector<1x16xf32>,
        %get3A_320 = vector.shape_cast %get3A_319 : vector<1x16xf32> to vector<16xf32>
        %add3A_321 = arith.addf %get3A_316, %get3A_320 : vector<16xf32>
        %max3A_322 = arith.constant 0.000000e+00 : f32
        %max3A_323 = vector.broadcast %max3A_322 : f32 to vector<16xf32>
        %max3A_324 = arith.maximumf %add3A_321, %max3A_323 : vector<16xf32>
        %swap3A_325 = arith.index_cast %scan3A_263 : i32 to index
        %swap3A_326 = arith.constant 48 : index
        %swap3A_327 = tpu.vector_load %arg12[%swap3A_325, %swap3A_326] {strides = array<i32>} : memref<80x128xf32, #tpu.memory_space<vmem>>, vector<1x16xf32>,
        %swap3A_328 = vector.shape_cast %swap3A_327 : vector<1x16xf32> to vector<16xf32>
        %swap3A_329 = vector.shape_cast %max3A_324 : vector<16xf32> to vector<1x16xf32>
        tpu.vector_store %arg12[%swap3A_325, %swap3A_326], %swap3A_329 {strides = array<i32>} : memref<80x128xf32, #tpu.memory_space<vmem>>, vector<1x16xf32>,
        %get3A_330 = arith.index_cast %scan3A_263 : i32 to index
        %get3A_331 = arith.constant 64 : index
        %get3A_332 = tpu.vector_load %arg12[%get3A_330, %get3A_331] {strides = array<i32>} : memref<80x128xf32, #tpu.memory_space<vmem>>, vector<1x16xf32>,
        %get3A_333 = vector.shape_cast %get3A_332 : vector<1x16xf32> to vector<16xf32>
        %get3A_334 = arith.index_cast %scan3A_263 : i32 to index
        %get3A_335 = arith.constant 64 : index
        %get3A_336 = tpu.vector_load %arg14[%get3A_334, %get3A_335] {strides = array<i32>} : memref<80x128xf32, #tpu.memory_space<vmem>>, vector<1x16xf32>,
        %get3A_337 = vector.shape_cast %get3A_336 : vector<1x16xf32> to vector<16xf32>
        %add3A_338 = arith.addf %get3A_333, %get3A_337 : vector<16xf32>
        %max3A_339 = arith.constant 0.000000e+00 : f32
        %max3A_340 = vector.broadcast %max3A_339 : f32 to vector<16xf32>
        %max3A_341 = arith.maximumf %add3A_338, %max3A_340 : vector<16xf32>
        %swap3A_342 = arith.index_cast %scan3A_263 : i32 to index
        %swap3A_343 = arith.constant 64 : index
        %swap3A_344 = tpu.vector_load %arg12[%swap3A_342, %swap3A_343] {strides = array<i32>} : memref<80x128xf32, #tpu.memory_space<vmem>>, vector<1x16xf32>,
        %swap3A_345 = vector.shape_cast %swap3A_344 : vector<1x16xf32> to vector<16xf32>
        %swap3A_346 = vector.shape_cast %max3A_341 : vector<16xf32> to vector<1x16xf32>
        tpu.vector_store %arg12[%swap3A_342, %swap3A_343], %swap3A_346 {strides = array<i32>} : memref<80x128xf32, #tpu.memory_space<vmem>>, vector<1x16xf32>,
        %get3A_347 = arith.index_cast %scan3A_263 : i32 to index
        %get3A_348 = arith.constant 80 : index
        %get3A_349 = tpu.vector_load %arg12[%get3A_347, %get3A_348] {strides = array<i32>} : memref<80x128xf32, #tpu.memory_space<vmem>>, vector<1x16xf32>,
        %get3A_350 = vector.shape_cast %get3A_349 : vector<1x16xf32> to vector<16xf32>
        %get3A_351 = arith.index_cast %scan3A_263 : i32 to index
        %get3A_352 = arith.constant 80 : index
        %get3A_353 = tpu.vector_load %arg14[%get3A_351, %get3A_352] {strides = array<i32>} : memref<80x128xf32, #tpu.memory_space<vmem>>, vector<1x16xf32>,
        %get3A_354 = vector.shape_cast %get3A_353 : vector<1x16xf32> to vector<16xf32>
        %add3A_355 = arith.addf %get3A_350, %get3A_354 : vector<16xf32>
        %max3A_356 = arith.constant 0.000000e+00 : f32
        %max3A_357 = vector.broadcast %max3A_356 : f32 to vector<16xf32>
        %max3A_358 = arith.maximumf %add3A_355, %max3A_357 : vector<16xf32>
        %swap3A_359 = arith.index_cast %scan3A_263 : i32 to index
        %swap3A_360 = arith.constant 80 : index
        %swap3A_361 = tpu.vector_load %arg12[%swap3A_359, %swap3A_360] {strides = array<i32>} : memref<80x128xf32, #tpu.memory_space<vmem>>, vector<1x16xf32>,
        %swap3A_362 = vector.shape_cast %swap3A_361 : vector<1x16xf32> to vector<16xf32>
        %swap3A_363 = vector.shape_cast %max3A_358 : vector<16xf32> to vector<1x16xf32>
        tpu.vector_store %arg12[%swap3A_359, %swap3A_360], %swap3A_363 {strides = array<i32>} : memref<80x128xf32, #tpu.memory_space<vmem>>, vector<1x16xf32>,
        %get3A_364 = arith.index_cast %scan3A_263 : i32 to index
        %get3A_365 = arith.constant 96 : index
        %get3A_366 = tpu.vector_load %arg12[%get3A_364, %get3A_365] {strides = array<i32>} : memref<80x128xf32, #tpu.memory_space<vmem>>, vector<1x16xf32>,
        %get3A_367 = vector.shape_cast %get3A_366 : vector<1x16xf32> to vector<16xf32>
        %get3A_368 = arith.index_cast %scan3A_263 : i32 to index
        %get3A_369 = arith.constant 96 : index
        %get3A_370 = tpu.vector_load %arg14[%get3A_368, %get3A_369] {strides = array<i32>} : memref<80x128xf32, #tpu.memory_space<vmem>>, vector<1x16xf32>,
        %get3A_371 = vector.shape_cast %get3A_370 : vector<1x16xf32> to vector<16xf32>
        %add3A_372 = arith.addf %get3A_367, %get3A_371 : vector<16xf32>
        %max3A_373 = arith.constant 0.000000e+00 : f32
        %max3A_374 = vector.broadcast %max3A_373 : f32 to vector<16xf32>
        %max3A_375 = arith.maximumf %add3A_372, %max3A_374 : vector<16xf32>
        %swap3A_376 = arith.index_cast %scan3A_263 : i32 to index
        %swap3A_377 = arith.constant 96 : index
        %swap3A_378 = tpu.vector_load %arg12[%swap3A_376, %swap3A_377] {strides = array<i32>} : memref<80x128xf32, #tpu.memory_space<vmem>>, vector<1x16xf32>,
        %swap3A_379 = vector.shape_cast %swap3A_378 : vector<1x16xf32> to vector<16xf32>
        %swap3A_380 = vector.shape_cast %max3A_375 : vector<16xf32> to vector<1x16xf32>
        tpu.vector_store %arg12[%swap3A_376, %swap3A_377], %swap3A_380 {strides = array<i32>} : memref<80x128xf32, #tpu.memory_space<vmem>>, vector<1x16xf32>,
        %get3A_381 = arith.index_cast %scan3A_263 : i32 to index
        %get3A_382 = arith.constant 112 : index
        %get3A_383 = tpu.vector_load %arg12[%get3A_381, %get3A_382] {strides = array<i32>} : memref<80x128xf32, #tpu.memory_space<vmem>>, vector<1x16xf32>,
        %get3A_384 = vector.shape_cast %get3A_383 : vector<1x16xf32> to vector<16xf32>
        %get3A_385 = arith.index_cast %scan3A_263 : i32 to index
        %get3A_386 = arith.constant 112 : index
        %get3A_387 = tpu.vector_load %arg14[%get3A_385, %get3A_386] {strides = array<i32>} : memref<80x128xf32, #tpu.memory_space<vmem>>, vector<1x16xf32>,
        %get3A_388 = vector.shape_cast %get3A_387 : vector<1x16xf32> to vector<16xf32>
        %add3A_389 = arith.addf %get3A_384, %get3A_388 : vector<16xf32>
        %max3A_390 = arith.constant 0.000000e+00 : f32
        %max3A_391 = vector.broadcast %max3A_390 : f32 to vector<16xf32>
        %max3A_392 = arith.maximumf %add3A_389, %max3A_391 : vector<16xf32>
        %swap3A_393 = arith.index_cast %scan3A_263 : i32 to index
        %swap3A_394 = arith.constant 112 : index
        %swap3A_395 = tpu.vector_load %arg12[%swap3A_393, %swap3A_394] {strides = array<i32>} : memref<80x128xf32, #tpu.memory_space<vmem>>, vector<1x16xf32>,
        %swap3A_396 = vector.shape_cast %swap3A_395 : vector<1x16xf32> to vector<16xf32>
        %swap3A_397 = vector.shape_cast %max3A_392 : vector<16xf32> to vector<1x16xf32>
        tpu.vector_store %arg12[%swap3A_393, %swap3A_394], %swap3A_397 {strides = array<i32>} : memref<80x128xf32, #tpu.memory_space<vmem>>, vector<1x16xf32>,
        %scan3A_398 = arith.constant 0 : i32
        scf.yield %scan3A_398 : i32
      }
      %scan3A_249 = arith.constant 80 : i32
      "tpu.region"() ({
        %run_scoped3A = tpu.sem_alloc : memref<!tpu.dma_semaphore, #tpu.memory_space<semaphore_mem>>
        %dma_start3A_263 = arith.constant 0 : i32
        %dma_start3A_264 = arith.constant 0 : i32
        %dma_start3A_265 = tpu.memref_slice %arg16[%dma_start3A_263, %dma_start3A_264] : memref<10112x128xf32, #tpu.memory_space<vmem_shared>> -> memref<10112x128xf32, #tpu.memory_space<vmem_shared>>
        tpu.enqueue_indirect_dma source(%arg12 : memref<80x128xf32, #tpu.memory_space<vmem>>) target(%dma_start3A_265 : memref<10112x128xf32, #tpu.memory_space<vmem_shared>>) offsets(%arg10 : memref<80xi32, #tpu.memory_space<vmem>>) semaphore(%run_scoped3A : memref<!tpu.dma_semaphore, #tpu.memory_space<semaphore_mem>>) {add = true}
        %dma_wait3A_266 = arith.constant 0 : i32
        %dma_wait3A_267 = arith.constant 0 : i32
        %dma_wait3A_268 = tpu.memref_slice %arg16[%dma_wait3A_266, %dma_wait3A_267] : memref<10112x128xf32, #tpu.memory_space<vmem_shared>> -> memref<10112x128xf32, #tpu.memory_space<vmem_shared>>
        tpu.wait_indirect_dma semaphore(%run_scoped3A : memref<!tpu.dma_semaphore, #tpu.memory_space<semaphore_mem>>) src(%arg12 : memref<80x128xf32, #tpu.memory_space<vmem>>) dst(%dma_wait3A_268 : memref<10112x128xf32, #tpu.memory_space<vmem_shared>>)
        tpu.yield
      }) : () -> ()
      %add3A_250 = arith.constant 2 : i32
      %add3A_251 = arith.addi %add3A_213, %add3A_250 : i32
      %mul3A_252 = arith.constant 80 : i32
      %mul3A_253 = arith.muli %add3A_251, %mul3A_252 : i32
      %add3A_254 = arith.addi %mul3A_2, %mul3A_253 : i32
      %dma_start3A_255 = tpu.memref_slice %arg4[%add3A_254] : memref<320000xi32, #tpu.memory_space<hbm>> -> memref<80xi32, #tpu.memory_space<hbm>>
      %dma_start3A_256 = tpu.memref_slice %arg4[%add3A_254] : memref<320000xi32, #tpu.memory_space<hbm>> -> memref<80xi32, #tpu.memory_space<hbm>>
      tpu.enqueue_dma source(%dma_start3A_256 : memref<80xi32, #tpu.memory_space<hbm>>) target(%arg8 : memref<80xi32, #tpu.memory_space<vmem>>) target_semaphore(%arg18 : memref<!tpu.dma_semaphore, #tpu.memory_space<semaphore_mem>>)
      %mul3A_257 = arith.constant 80 : i32
      %mul3A_258 = arith.muli %add3A_251, %mul3A_257 : i32
      %add3A_259 = arith.addi %mul3A_2, %mul3A_258 : i32
      %dma_start3A_260 = tpu.memref_slice %arg5[%add3A_259] : memref<320000xi32, #tpu.memory_space<hbm>> -> memref<80xi32, #tpu.memory_space<hbm>>
      %dma_start3A_261 = tpu.memref_slice %arg5[%add3A_259] : memref<320000xi32, #tpu.memory_space<hbm>> -> memref<80xi32, #tpu.memory_space<hbm>>
      tpu.enqueue_dma source(%dma_start3A_261 : memref<80xi32, #tpu.memory_space<hbm>>) target(%arg10 : memref<80xi32, #tpu.memory_space<vmem>>) target_semaphore(%arg18 : memref<!tpu.dma_semaphore, #tpu.memory_space<semaphore_mem>>)
      %scan3A_262 = arith.constant 0 : i32
      scf.yield %scan3A_262 : i32
    }
    %scan3A_55 = arith.constant 61 : i32
    %dma_wait3A_56 = arith.constant 0 : i32
    %dma_wait3A_57 = tpu.memref_slice %arg4[%dma_wait3A_56] : memref<320000xi32, #tpu.memory_space<hbm>> -> memref<80xi32, #tpu.memory_space<hbm>>
    %dma_wait3A_58 = arith.constant 0 : i32
    %dma_wait3A_59 = tpu.memref_slice %arg4[%dma_wait3A_58] : memref<320000xi32, #tpu.memory_space<hbm>> -> memref<80xi32, #tpu.memory_space<hbm>>
    tpu.wait_dma2 semaphore(%arg18 : memref<!tpu.dma_semaphore, #tpu.memory_space<semaphore_mem>>) src(%dma_wait3A_59 : memref<80xi32, #tpu.memory_space<hbm>>) dst(%arg8 : memref<80xi32, #tpu.memory_space<vmem>>)
    %dma_wait3A_60 = arith.constant 0 : i32
    %dma_wait3A_61 = tpu.memref_slice %arg5[%dma_wait3A_60] : memref<320000xi32, #tpu.memory_space<hbm>> -> memref<80xi32, #tpu.memory_space<hbm>>
    %dma_wait3A_62 = arith.constant 0 : i32
    %dma_wait3A_63 = tpu.memref_slice %arg5[%dma_wait3A_62] : memref<320000xi32, #tpu.memory_space<hbm>> -> memref<80xi32, #tpu.memory_space<hbm>>
    tpu.wait_dma2 semaphore(%arg18 : memref<!tpu.dma_semaphore, #tpu.memory_space<semaphore_mem>>) src(%dma_wait3A_63 : memref<80xi32, #tpu.memory_space<hbm>>) dst(%arg10 : memref<80xi32, #tpu.memory_space<vmem>>)
    %dma_start3A_64 = arith.constant 0 : i32
    %dma_start3A_65 = arith.constant 0 : i32
    %dma_start3A_66 = tpu.memref_slice %arg2[%dma_start3A_64, %dma_start3A_65] : memref<10000x128xf32, #tpu.memory_space<hbm>> -> memref<10000x128xf32, #tpu.memory_space<hbm>>
    tpu.enqueue_indirect_dma source(%dma_start3A_66 : memref<10000x128xf32, #tpu.memory_space<hbm>>) target(%arg12 : memref<80x128xf32, #tpu.memory_space<vmem>>) offsets(%arg8 : memref<80xi32, #tpu.memory_space<vmem>>) semaphore(%arg20 : memref<!tpu.dma_semaphore, #tpu.memory_space<semaphore_mem>>)
    %add3A_67 = arith.constant 9840 : i32
    %add3A_68 = arith.addi %mul3A_4, %add3A_67 : i32
    %dma_start3A_69 = arith.constant 0 : i32
    %dma_start3A_70 = tpu.memref_slice %arg3[%add3A_68, %dma_start3A_69] : memref<320000x128xf32, #tpu.memory_space<hbm>> -> memref<80x128xf32, #tpu.memory_space<hbm>>
    %dma_start3A_71 = arith.constant 0 : i32
    %dma_start3A_72 = tpu.memref_slice %arg3[%add3A_68, %dma_start3A_71] : memref<320000x128xf32, #tpu.memory_space<hbm>> -> memref<80x128xf32, #tpu.memory_space<hbm>>
    tpu.enqueue_dma source(%dma_start3A_72 : memref<80x128xf32, #tpu.memory_space<hbm>>) target(%arg14 : memref<80x128xf32, #tpu.memory_space<vmem>>) target_semaphore(%arg22 : memref<!tpu.dma_semaphore, #tpu.memory_space<semaphore_mem>>)
    %dma_wait3A_73 = arith.constant 0 : i32
    %dma_wait3A_74 = arith.constant 0 : i32
    %dma_wait3A_75 = tpu.memref_slice %arg2[%dma_wait3A_73, %dma_wait3A_74] : memref<10000x128xf32, #tpu.memory_space<hbm>> -> memref<10000x128xf32, #tpu.memory_space<hbm>>
    tpu.wait_indirect_dma semaphore(%arg19 : memref<!tpu.dma_semaphore, #tpu.memory_space<semaphore_mem>>) src(%dma_wait3A_75 : memref<10000x128xf32, #tpu.memory_space<hbm>>) dst(%arg11 : memref<80x128xf32, #tpu.memory_space<vmem>>)
    %dma_wait3A_76 = arith.constant 0 : i32
    %dma_wait3A_77 = arith.constant 0 : i32
    %dma_wait3A_78 = tpu.memref_slice %arg3[%dma_wait3A_76, %dma_wait3A_77] : memref<320000x128xf32, #tpu.memory_space<hbm>> -> memref<80x128xf32, #tpu.memory_space<hbm>>
    %dma_wait3A_79 = arith.constant 0 : i32
    %dma_wait3A_80 = arith.constant 0 : i32
    %dma_wait3A_81 = tpu.memref_slice %arg3[%dma_wait3A_79, %dma_wait3A_80] : memref<320000x128xf32, #tpu.memory_space<hbm>> -> memref<80x128xf32, #tpu.memory_space<hbm>>
    tpu.wait_dma2 semaphore(%arg21 : memref<!tpu.dma_semaphore, #tpu.memory_space<semaphore_mem>>) src(%dma_wait3A_81 : memref<80x128xf32, #tpu.memory_space<hbm>>) dst(%arg13 : memref<80x128xf32, #tpu.memory_space<vmem>>)
    %scan3A_82 = arith.constant 0 : i32
    %scan3A_83 = arith.constant 0 : i32
    %scan3A_84 = arith.constant 80 : i32
    %scan3A_85 = arith.addi %scan3A_83, %scan3A_84 : i32
    %scan3A_86 = arith.constant 1 : i32
    %scan3A_87 = scf.for %scan3A_158 = %scan3A_83 to %scan3A_85 step %scan3A_86 iter_args(%scan3A_159 = %scan3A_82) -> (i32)  : i32 {
      %get3A = arith.index_cast %scan3A_158 : i32 to index
      %get3A_160 = arith.constant 0 : index
      %get3A_161 = tpu.vector_load %arg11[%get3A, %get3A_160] {strides = array<i32>} : memref<80x128xf32, #tpu.memory_space<vmem>>, vector<1x16xf32>,
      %get3A_162 = vector.shape_cast %get3A_161 : vector<1x16xf32> to vector<16xf32>
      %get3A_163 = arith.index_cast %scan3A_158 : i32 to index
      %get3A_164 = arith.constant 0 : index
      %get3A_165 = tpu.vector_load %arg13[%get3A_163, %get3A_164] {strides = array<i32>} : memref<80x128xf32, #tpu.memory_space<vmem>>, vector<1x16xf32>,
      %get3A_166 = vector.shape_cast %get3A_165 : vector<1x16xf32> to vector<16xf32>
      %add3A_167 = arith.addf %get3A_162, %get3A_166 : vector<16xf32>
      %max3A = arith.constant 0.000000e+00 : f32
      %max3A_168 = vector.broadcast %max3A : f32 to vector<16xf32>
      %max3A_169 = arith.maximumf %add3A_167, %max3A_168 : vector<16xf32>
      %swap3A = arith.index_cast %scan3A_158 : i32 to index
      %swap3A_170 = arith.constant 0 : index
      %swap3A_171 = tpu.vector_load %arg11[%swap3A, %swap3A_170] {strides = array<i32>} : memref<80x128xf32, #tpu.memory_space<vmem>>, vector<1x16xf32>,
      %swap3A_172 = vector.shape_cast %swap3A_171 : vector<1x16xf32> to vector<16xf32>
      %swap3A_173 = vector.shape_cast %max3A_169 : vector<16xf32> to vector<1x16xf32>
      tpu.vector_store %arg11[%swap3A, %swap3A_170], %swap3A_173 {strides = array<i32>} : memref<80x128xf32, #tpu.memory_space<vmem>>, vector<1x16xf32>,
      %get3A_174 = arith.index_cast %scan3A_158 : i32 to index
      %get3A_175 = arith.constant 16 : index
      %get3A_176 = tpu.vector_load %arg11[%get3A_174, %get3A_175] {strides = array<i32>} : memref<80x128xf32, #tpu.memory_space<vmem>>, vector<1x16xf32>,
      %get3A_177 = vector.shape_cast %get3A_176 : vector<1x16xf32> to vector<16xf32>
      %get3A_178 = arith.index_cast %scan3A_158 : i32 to index
      %get3A_179 = arith.constant 16 : index
      %get3A_180 = tpu.vector_load %arg13[%get3A_178, %get3A_179] {strides = array<i32>} : memref<80x128xf32, #tpu.memory_space<vmem>>, vector<1x16xf32>,
      %get3A_181 = vector.shape_cast %get3A_180 : vector<1x16xf32> to vector<16xf32>
      %add3A_182 = arith.addf %get3A_177, %get3A_181 : vector<16xf32>
      %max3A_183 = arith.constant 0.000000e+00 : f32
      %max3A_184 = vector.broadcast %max3A_183 : f32 to vector<16xf32>
      %max3A_185 = arith.maximumf %add3A_182, %max3A_184 : vector<16xf32>
      %swap3A_186 = arith.index_cast %scan3A_158 : i32 to index
      %swap3A_187 = arith.constant 16 : index
      %swap3A_188 = tpu.vector_load %arg11[%swap3A_186, %swap3A_187] {strides = array<i32>} : memref<80x128xf32, #tpu.memory_space<vmem>>, vector<1x16xf32>,
      %swap3A_189 = vector.shape_cast %swap3A_188 : vector<1x16xf32> to vector<16xf32>
      %swap3A_190 = vector.shape_cast %max3A_185 : vector<16xf32> to vector<1x16xf32>
      tpu.vector_store %arg11[%swap3A_186, %swap3A_187], %swap3A_190 {strides = array<i32>} : memref<80x128xf32, #tpu.memory_space<vmem>>, vector<1x16xf32>,
      %get3A_191 = arith.index_cast %scan3A_158 : i32 to index
      %get3A_192 = arith.constant 32 : index
      %get3A_193 = tpu.vector_load %arg11[%get3A_191, %get3A_192] {strides = array<i32>} : memref<80x128xf32, #tpu.memory_space<vmem>>, vector<1x16xf32>,
      %get3A_194 = vector.shape_cast %get3A_193 : vector<1x16xf32> to vector<16xf32>
      %get3A_195 = arith.index_cast %scan3A_158 : i32 to index
      %get3A_196 = arith.constant 32 : index
      %get3A_197 = tpu.vector_load %arg13[%get3A_195, %get3A_196] {strides = array<i32>} : memref<80x128xf32, #tpu.memory_space<vmem>>, vector<1x16xf32>,
      %get3A_198 = vector.shape_cast %get3A_197 : vector<1x16xf32> to vector<16xf32>
      %add3A_199 = arith.addf %get3A_194, %get3A_198 : vector<16xf32>
      %max3A_200 = arith.constant 0.000000e+00 : f32
      %max3A_201 = vector.broadcast %max3A_200 : f32 to vector<16xf32>
      %max3A_202 = arith.maximumf %add3A_199, %max3A_201 : vector<16xf32>
      %swap3A_203 = arith.index_cast %scan3A_158 : i32 to index
      %swap3A_204 = arith.constant 32 : index
      %swap3A_205 = tpu.vector_load %arg11[%swap3A_203, %swap3A_204] {strides = array<i32>} : memref<80x128xf32, #tpu.memory_space<vmem>>, vector<1x16xf32>,
      %swap3A_206 = vector.shape_cast %swap3A_205 : vector<1x16xf32> to vector<16xf32>
      %swap3A_207 = vector.shape_cast %max3A_202 : vector<16xf32> to vector<1x16xf32>
      tpu.vector_store %arg11[%swap3A_203, %swap3A_204], %swap3A_207 {strides = array<i32>} : memref<80x128xf32, #tpu.memory_space<vmem>>, vector<1x16xf32>,
      %get3A_208 = arith.index_cast %scan3A_158 : i32 to index
      %get3A_209 = arith.constant 48 : index
      %get3A_210 = tpu.vector_load %arg11[%get3A_208, %get3A_209] {strides = array<i32>} : memref<80x128xf32, #tpu.memory_space<vmem>>, vector<1x16xf32>,
      %get3A_211 = vector.shape_cast %get3A_210 : vector<1x16xf32> to vector<16xf32>
      %get3A_212 = arith.index_cast %scan3A_158 : i32 to index
      %get3A_213 = arith.constant 48 : index
      %get3A_214 = tpu.vector_load %arg13[%get3A_212, %get3A_213] {strides = array<i32>} : memref<80x128xf32, #tpu.memory_space<vmem>>, vector<1x16xf32>,
      %get3A_215 = vector.shape_cast %get3A_214 : vector<1x16xf32> to vector<16xf32>
      %add3A_216 = arith.addf %get3A_211, %get3A_215 : vector<16xf32>
      %max3A_217 = arith.constant 0.000000e+00 : f32
      %max3A_218 = vector.broadcast %max3A_217 : f32 to vector<16xf32>
      %max3A_219 = arith.maximumf %add3A_216, %max3A_218 : vector<16xf32>
      %swap3A_220 = arith.index_cast %scan3A_158 : i32 to index
      %swap3A_221 = arith.constant 48 : index
      %swap3A_222 = tpu.vector_load %arg11[%swap3A_220, %swap3A_221] {strides = array<i32>} : memref<80x128xf32, #tpu.memory_space<vmem>>, vector<1x16xf32>,
      %swap3A_223 = vector.shape_cast %swap3A_222 : vector<1x16xf32> to vector<16xf32>
      %swap3A_224 = vector.shape_cast %max3A_219 : vector<16xf32> to vector<1x16xf32>
      tpu.vector_store %arg11[%swap3A_220, %swap3A_221], %swap3A_224 {strides = array<i32>} : memref<80x128xf32, #tpu.memory_space<vmem>>, vector<1x16xf32>,
      %get3A_225 = arith.index_cast %scan3A_158 : i32 to index
      %get3A_226 = arith.constant 64 : index
      %get3A_227 = tpu.vector_load %arg11[%get3A_225, %get3A_226] {strides = array<i32>} : memref<80x128xf32, #tpu.memory_space<vmem>>, vector<1x16xf32>,
      %get3A_228 = vector.shape_cast %get3A_227 : vector<1x16xf32> to vector<16xf32>
      %get3A_229 = arith.index_cast %scan3A_158 : i32 to index
      %get3A_230 = arith.constant 64 : index
      %get3A_231 = tpu.vector_load %arg13[%get3A_229, %get3A_230] {strides = array<i32>} : memref<80x128xf32, #tpu.memory_space<vmem>>, vector<1x16xf32>,
      %get3A_232 = vector.shape_cast %get3A_231 : vector<1x16xf32> to vector<16xf32>
      %add3A_233 = arith.addf %get3A_228, %get3A_232 : vector<16xf32>
      %max3A_234 = arith.constant 0.000000e+00 : f32
      %max3A_235 = vector.broadcast %max3A_234 : f32 to vector<16xf32>
      %max3A_236 = arith.maximumf %add3A_233, %max3A_235 : vector<16xf32>
      %swap3A_237 = arith.index_cast %scan3A_158 : i32 to index
      %swap3A_238 = arith.constant 64 : index
      %swap3A_239 = tpu.vector_load %arg11[%swap3A_237, %swap3A_238] {strides = array<i32>} : memref<80x128xf32, #tpu.memory_space<vmem>>, vector<1x16xf32>,
      %swap3A_240 = vector.shape_cast %swap3A_239 : vector<1x16xf32> to vector<16xf32>
      %swap3A_241 = vector.shape_cast %max3A_236 : vector<16xf32> to vector<1x16xf32>
      tpu.vector_store %arg11[%swap3A_237, %swap3A_238], %swap3A_241 {strides = array<i32>} : memref<80x128xf32, #tpu.memory_space<vmem>>, vector<1x16xf32>,
      %get3A_242 = arith.index_cast %scan3A_158 : i32 to index
      %get3A_243 = arith.constant 80 : index
      %get3A_244 = tpu.vector_load %arg11[%get3A_242, %get3A_243] {strides = array<i32>} : memref<80x128xf32, #tpu.memory_space<vmem>>, vector<1x16xf32>,
      %get3A_245 = vector.shape_cast %get3A_244 : vector<1x16xf32> to vector<16xf32>
      %get3A_246 = arith.index_cast %scan3A_158 : i32 to index
      %get3A_247 = arith.constant 80 : index
      %get3A_248 = tpu.vector_load %arg13[%get3A_246, %get3A_247] {strides = array<i32>} : memref<80x128xf32, #tpu.memory_space<vmem>>, vector<1x16xf32>,
      %get3A_249 = vector.shape_cast %get3A_248 : vector<1x16xf32> to vector<16xf32>
      %add3A_250 = arith.addf %get3A_245, %get3A_249 : vector<16xf32>
      %max3A_251 = arith.constant 0.000000e+00 : f32
      %max3A_252 = vector.broadcast %max3A_251 : f32 to vector<16xf32>
      %max3A_253 = arith.maximumf %add3A_250, %max3A_252 : vector<16xf32>
      %swap3A_254 = arith.index_cast %scan3A_158 : i32 to index
      %swap3A_255 = arith.constant 80 : index
      %swap3A_256 = tpu.vector_load %arg11[%swap3A_254, %swap3A_255] {strides = array<i32>} : memref<80x128xf32, #tpu.memory_space<vmem>>, vector<1x16xf32>,
      %swap3A_257 = vector.shape_cast %swap3A_256 : vector<1x16xf32> to vector<16xf32>
      %swap3A_258 = vector.shape_cast %max3A_253 : vector<16xf32> to vector<1x16xf32>
      tpu.vector_store %arg11[%swap3A_254, %swap3A_255], %swap3A_258 {strides = array<i32>} : memref<80x128xf32, #tpu.memory_space<vmem>>, vector<1x16xf32>,
      %get3A_259 = arith.index_cast %scan3A_158 : i32 to index
      %get3A_260 = arith.constant 96 : index
      %get3A_261 = tpu.vector_load %arg11[%get3A_259, %get3A_260] {strides = array<i32>} : memref<80x128xf32, #tpu.memory_space<vmem>>, vector<1x16xf32>,
      %get3A_262 = vector.shape_cast %get3A_261 : vector<1x16xf32> to vector<16xf32>
      %get3A_263 = arith.index_cast %scan3A_158 : i32 to index
      %get3A_264 = arith.constant 96 : index
      %get3A_265 = tpu.vector_load %arg13[%get3A_263, %get3A_264] {strides = array<i32>} : memref<80x128xf32, #tpu.memory_space<vmem>>, vector<1x16xf32>,
      %get3A_266 = vector.shape_cast %get3A_265 : vector<1x16xf32> to vector<16xf32>
      %add3A_267 = arith.addf %get3A_262, %get3A_266 : vector<16xf32>
      %max3A_268 = arith.constant 0.000000e+00 : f32
      %max3A_269 = vector.broadcast %max3A_268 : f32 to vector<16xf32>
      %max3A_270 = arith.maximumf %add3A_267, %max3A_269 : vector<16xf32>
      %swap3A_271 = arith.index_cast %scan3A_158 : i32 to index
      %swap3A_272 = arith.constant 96 : index
      %swap3A_273 = tpu.vector_load %arg11[%swap3A_271, %swap3A_272] {strides = array<i32>} : memref<80x128xf32, #tpu.memory_space<vmem>>, vector<1x16xf32>,
      %swap3A_274 = vector.shape_cast %swap3A_273 : vector<1x16xf32> to vector<16xf32>
      %swap3A_275 = vector.shape_cast %max3A_270 : vector<16xf32> to vector<1x16xf32>
      tpu.vector_store %arg11[%swap3A_271, %swap3A_272], %swap3A_275 {strides = array<i32>} : memref<80x128xf32, #tpu.memory_space<vmem>>, vector<1x16xf32>,
      %get3A_276 = arith.index_cast %scan3A_158 : i32 to index
      %get3A_277 = arith.constant 112 : index
      %get3A_278 = tpu.vector_load %arg11[%get3A_276, %get3A_277] {strides = array<i32>} : memref<80x128xf32, #tpu.memory_space<vmem>>, vector<1x16xf32>,
      %get3A_279 = vector.shape_cast %get3A_278 : vector<1x16xf32> to vector<16xf32>
      %get3A_280 = arith.index_cast %scan3A_158 : i32 to index
      %get3A_281 = arith.constant 112 : index
      %get3A_282 = tpu.vector_load %arg13[%get3A_280, %get3A_281] {strides = array<i32>} : memref<80x128xf32, #tpu.memory_space<vmem>>, vector<1x16xf32>,
      %get3A_283 = vector.shape_cast %get3A_282 : vector<1x16xf32> to vector<16xf32>
      %add3A_284 = arith.addf %get3A_279, %get3A_283 : vector<16xf32>
      %max3A_285 = arith.constant 0.000000e+00 : f32
      %max3A_286 = vector.broadcast %max3A_285 : f32 to vector<16xf32>
      %max3A_287 = arith.maximumf %add3A_284, %max3A_286 : vector<16xf32>
      %swap3A_288 = arith.index_cast %scan3A_158 : i32 to index
      %swap3A_289 = arith.constant 112 : index
      %swap3A_290 = tpu.vector_load %arg11[%swap3A_288, %swap3A_289] {strides = array<i32>} : memref<80x128xf32, #tpu.memory_space<vmem>>, vector<1x16xf32>,
      %swap3A_291 = vector.shape_cast %swap3A_290 : vector<1x16xf32> to vector<16xf32>
      %swap3A_292 = vector.shape_cast %max3A_287 : vector<16xf32> to vector<1x16xf32>
      tpu.vector_store %arg11[%swap3A_288, %swap3A_289], %swap3A_292 {strides = array<i32>} : memref<80x128xf32, #tpu.memory_space<vmem>>, vector<1x16xf32>,
      %scan3A_293 = arith.constant 0 : i32
      scf.yield %scan3A_293 : i32
    }
    %scan3A_88 = arith.constant 80 : i32
    "tpu.region"() ({
      %run_scoped3A = tpu.sem_alloc : memref<!tpu.dma_semaphore, #tpu.memory_space<semaphore_mem>>
      %dma_start3A_158 = arith.constant 0 : i32
      %dma_start3A_159 = arith.constant 0 : i32
      %dma_start3A_160 = tpu.memref_slice %arg16[%dma_start3A_158, %dma_start3A_159] : memref<10112x128xf32, #tpu.memory_space<vmem_shared>> -> memref<10112x128xf32, #tpu.memory_space<vmem_shared>>
      tpu.enqueue_indirect_dma source(%arg11 : memref<80x128xf32, #tpu.memory_space<vmem>>) target(%dma_start3A_160 : memref<10112x128xf32, #tpu.memory_space<vmem_shared>>) offsets(%arg9 : memref<80xi32, #tpu.memory_space<vmem>>) semaphore(%run_scoped3A : memref<!tpu.dma_semaphore, #tpu.memory_space<semaphore_mem>>) {add = true}
      %dma_wait3A_161 = arith.constant 0 : i32
      %dma_wait3A_162 = arith.constant 0 : i32
      %dma_wait3A_163 = tpu.memref_slice %arg16[%dma_wait3A_161, %dma_wait3A_162] : memref<10112x128xf32, #tpu.memory_space<vmem_shared>> -> memref<10112x128xf32, #tpu.memory_space<vmem_shared>>
      tpu.wait_indirect_dma semaphore(%run_scoped3A : memref<!tpu.dma_semaphore, #tpu.memory_space<semaphore_mem>>) src(%arg11 : memref<80x128xf32, #tpu.memory_space<vmem>>) dst(%dma_wait3A_163 : memref<10112x128xf32, #tpu.memory_space<vmem_shared>>)
      tpu.yield
    }) : () -> ()
    %add3A_89 = arith.constant 9920 : i32
    %add3A_90 = arith.addi %mul3A_2, %add3A_89 : i32
    %dma_start3A_91 = tpu.memref_slice %arg4[%add3A_90] : memref<320000xi32, #tpu.memory_space<hbm>> -> memref<80xi32, #tpu.memory_space<hbm>>
    %dma_start3A_92 = tpu.memref_slice %arg4[%add3A_90] : memref<320000xi32, #tpu.memory_space<hbm>> -> memref<80xi32, #tpu.memory_space<hbm>>
    tpu.enqueue_dma source(%dma_start3A_92 : memref<80xi32, #tpu.memory_space<hbm>>) target(%arg7 : memref<80xi32, #tpu.memory_space<vmem>>) target_semaphore(%arg17 : memref<!tpu.dma_semaphore, #tpu.memory_space<semaphore_mem>>)
    %add3A_93 = arith.constant 9920 : i32
    %add3A_94 = arith.addi %mul3A_2, %add3A_93 : i32
    %dma_start3A_95 = tpu.memref_slice %arg5[%add3A_94] : memref<320000xi32, #tpu.memory_space<hbm>> -> memref<80xi32, #tpu.memory_space<hbm>>
    %dma_start3A_96 = tpu.memref_slice %arg5[%add3A_94] : memref<320000xi32, #tpu.memory_space<hbm>> -> memref<80xi32, #tpu.memory_space<hbm>>
    tpu.enqueue_dma source(%dma_start3A_96 : memref<80xi32, #tpu.memory_space<hbm>>) target(%arg9 : memref<80xi32, #tpu.memory_space<vmem>>) target_semaphore(%arg17 : memref<!tpu.dma_semaphore, #tpu.memory_space<semaphore_mem>>)
    %dma_wait3A_97 = arith.constant 0 : i32
    %dma_wait3A_98 = tpu.memref_slice %arg4[%dma_wait3A_97] : memref<320000xi32, #tpu.memory_space<hbm>> -> memref<80xi32, #tpu.memory_space<hbm>>
    %dma_wait3A_99 = arith.constant 0 : i32
    %dma_wait3A_100 = tpu.memref_slice %arg4[%dma_wait3A_99] : memref<320000xi32, #tpu.memory_space<hbm>> -> memref<80xi32, #tpu.memory_space<hbm>>
    tpu.wait_dma2 semaphore(%arg17 : memref<!tpu.dma_semaphore, #tpu.memory_space<semaphore_mem>>) src(%dma_wait3A_100 : memref<80xi32, #tpu.memory_space<hbm>>) dst(%arg7 : memref<80xi32, #tpu.memory_space<vmem>>)
    %dma_wait3A_101 = arith.constant 0 : i32
    %dma_wait3A_102 = tpu.memref_slice %arg5[%dma_wait3A_101] : memref<320000xi32, #tpu.memory_space<hbm>> -> memref<80xi32, #tpu.memory_space<hbm>>
    %dma_wait3A_103 = arith.constant 0 : i32
    %dma_wait3A_104 = tpu.memref_slice %arg5[%dma_wait3A_103] : memref<320000xi32, #tpu.memory_space<hbm>> -> memref<80xi32, #tpu.memory_space<hbm>>
    tpu.wait_dma2 semaphore(%arg17 : memref<!tpu.dma_semaphore, #tpu.memory_space<semaphore_mem>>) src(%dma_wait3A_104 : memref<80xi32, #tpu.memory_space<hbm>>) dst(%arg9 : memref<80xi32, #tpu.memory_space<vmem>>)
    %dma_start3A_105 = arith.constant 0 : i32
    %dma_start3A_106 = arith.constant 0 : i32
    %dma_start3A_107 = tpu.memref_slice %arg2[%dma_start3A_105, %dma_start3A_106] : memref<10000x128xf32, #tpu.memory_space<hbm>> -> memref<10000x128xf32, #tpu.memory_space<hbm>>
    tpu.enqueue_indirect_dma source(%dma_start3A_107 : memref<10000x128xf32, #tpu.memory_space<hbm>>) target(%arg11 : memref<80x128xf32, #tpu.memory_space<vmem>>) offsets(%arg7 : memref<80xi32, #tpu.memory_space<vmem>>) semaphore(%arg19 : memref<!tpu.dma_semaphore, #tpu.memory_space<semaphore_mem>>)
    %add3A_108 = arith.constant 9920 : i32
    %add3A_109 = arith.addi %mul3A_4, %add3A_108 : i32
    %dma_start3A_110 = arith.constant 0 : i32
    %dma_start3A_111 = tpu.memref_slice %arg3[%add3A_109, %dma_start3A_110] : memref<320000x128xf32, #tpu.memory_space<hbm>> -> memref<80x128xf32, #tpu.memory_space<hbm>>
    %dma_start3A_112 = arith.constant 0 : i32
    %dma_start3A_113 = tpu.memref_slice %arg3[%add3A_109, %dma_start3A_112] : memref<320000x128xf32, #tpu.memory_space<hbm>> -> memref<80x128xf32, #tpu.memory_space<hbm>>
    tpu.enqueue_dma source(%dma_start3A_113 : memref<80x128xf32, #tpu.memory_space<hbm>>) target(%arg13 : memref<80x128xf32, #tpu.memory_space<vmem>>) target_semaphore(%arg21 : memref<!tpu.dma_semaphore, #tpu.memory_space<semaphore_mem>>)
    %dma_wait3A_114 = arith.constant 0 : i32
    %dma_wait3A_115 = arith.constant 0 : i32
    %dma_wait3A_116 = tpu.memref_slice %arg2[%dma_wait3A_114, %dma_wait3A_115] : memref<10000x128xf32, #tpu.memory_space<hbm>> -> memref<10000x128xf32, #tpu.memory_space<hbm>>
    tpu.wait_indirect_dma semaphore(%arg20 : memref<!tpu.dma_semaphore, #tpu.memory_space<semaphore_mem>>) src(%dma_wait3A_116 : memref<10000x128xf32, #tpu.memory_space<hbm>>) dst(%arg12 : memref<80x128xf32, #tpu.memory_space<vmem>>)
    %dma_wait3A_117 = arith.constant 0 : i32
    %dma_wait3A_118 = arith.constant 0 : i32
    %dma_wait3A_119 = tpu.memref_slice %arg3[%dma_wait3A_117, %dma_wait3A_118] : memref<320000x128xf32, #tpu.memory_space<hbm>> -> memref<80x128xf32, #tpu.memory_space<hbm>>
    %dma_wait3A_120 = arith.constant 0 : i32
    %dma_wait3A_121 = arith.constant 0 : i32
    %dma_wait3A_122 = tpu.memref_slice %arg3[%dma_wait3A_120, %dma_wait3A_121] : memref<320000x128xf32, #tpu.memory_space<hbm>> -> memref<80x128xf32, #tpu.memory_space<hbm>>
    tpu.wait_dma2 semaphore(%arg22 : memref<!tpu.dma_semaphore, #tpu.memory_space<semaphore_mem>>) src(%dma_wait3A_122 : memref<80x128xf32, #tpu.memory_space<hbm>>) dst(%arg14 : memref<80x128xf32, #tpu.memory_space<vmem>>)
    %scan3A_123 = arith.constant 0 : i32
    %scan3A_124 = arith.constant 0 : i32
    %scan3A_125 = arith.constant 80 : i32
    %scan3A_126 = arith.addi %scan3A_124, %scan3A_125 : i32
    %scan3A_127 = arith.constant 1 : i32
    %scan3A_128 = scf.for %scan3A_158 = %scan3A_124 to %scan3A_126 step %scan3A_127 iter_args(%scan3A_159 = %scan3A_123) -> (i32)  : i32 {
      %get3A = arith.index_cast %scan3A_158 : i32 to index
      %get3A_160 = arith.constant 0 : index
      %get3A_161 = tpu.vector_load %arg12[%get3A, %get3A_160] {strides = array<i32>} : memref<80x128xf32, #tpu.memory_space<vmem>>, vector<1x16xf32>,
      %get3A_162 = vector.shape_cast %get3A_161 : vector<1x16xf32> to vector<16xf32>
      %get3A_163 = arith.index_cast %scan3A_158 : i32 to index
      %get3A_164 = arith.constant 0 : index
      %get3A_165 = tpu.vector_load %arg14[%get3A_163, %get3A_164] {strides = array<i32>} : memref<80x128xf32, #tpu.memory_space<vmem>>, vector<1x16xf32>,
      %get3A_166 = vector.shape_cast %get3A_165 : vector<1x16xf32> to vector<16xf32>
      %add3A_167 = arith.addf %get3A_162, %get3A_166 : vector<16xf32>
      %max3A = arith.constant 0.000000e+00 : f32
      %max3A_168 = vector.broadcast %max3A : f32 to vector<16xf32>
      %max3A_169 = arith.maximumf %add3A_167, %max3A_168 : vector<16xf32>
      %swap3A = arith.index_cast %scan3A_158 : i32 to index
      %swap3A_170 = arith.constant 0 : index
      %swap3A_171 = tpu.vector_load %arg12[%swap3A, %swap3A_170] {strides = array<i32>} : memref<80x128xf32, #tpu.memory_space<vmem>>, vector<1x16xf32>,
      %swap3A_172 = vector.shape_cast %swap3A_171 : vector<1x16xf32> to vector<16xf32>
      %swap3A_173 = vector.shape_cast %max3A_169 : vector<16xf32> to vector<1x16xf32>
      tpu.vector_store %arg12[%swap3A, %swap3A_170], %swap3A_173 {strides = array<i32>} : memref<80x128xf32, #tpu.memory_space<vmem>>, vector<1x16xf32>,
      %get3A_174 = arith.index_cast %scan3A_158 : i32 to index
      %get3A_175 = arith.constant 16 : index
      %get3A_176 = tpu.vector_load %arg12[%get3A_174, %get3A_175] {strides = array<i32>} : memref<80x128xf32, #tpu.memory_space<vmem>>, vector<1x16xf32>,
      %get3A_177 = vector.shape_cast %get3A_176 : vector<1x16xf32> to vector<16xf32>
      %get3A_178 = arith.index_cast %scan3A_158 : i32 to index
      %get3A_179 = arith.constant 16 : index
      %get3A_180 = tpu.vector_load %arg14[%get3A_178, %get3A_179] {strides = array<i32>} : memref<80x128xf32, #tpu.memory_space<vmem>>, vector<1x16xf32>,
      %get3A_181 = vector.shape_cast %get3A_180 : vector<1x16xf32> to vector<16xf32>
      %add3A_182 = arith.addf %get3A_177, %get3A_181 : vector<16xf32>
      %max3A_183 = arith.constant 0.000000e+00 : f32
      %max3A_184 = vector.broadcast %max3A_183 : f32 to vector<16xf32>
      %max3A_185 = arith.maximumf %add3A_182, %max3A_184 : vector<16xf32>
      %swap3A_186 = arith.index_cast %scan3A_158 : i32 to index
      %swap3A_187 = arith.constant 16 : index
      %swap3A_188 = tpu.vector_load %arg12[%swap3A_186, %swap3A_187] {strides = array<i32>} : memref<80x128xf32, #tpu.memory_space<vmem>>, vector<1x16xf32>,
      %swap3A_189 = vector.shape_cast %swap3A_188 : vector<1x16xf32> to vector<16xf32>
      %swap3A_190 = vector.shape_cast %max3A_185 : vector<16xf32> to vector<1x16xf32>
      tpu.vector_store %arg12[%swap3A_186, %swap3A_187], %swap3A_190 {strides = array<i32>} : memref<80x128xf32, #tpu.memory_space<vmem>>, vector<1x16xf32>,
      %get3A_191 = arith.index_cast %scan3A_158 : i32 to index
      %get3A_192 = arith.constant 32 : index
      %get3A_193 = tpu.vector_load %arg12[%get3A_191, %get3A_192] {strides = array<i32>} : memref<80x128xf32, #tpu.memory_space<vmem>>, vector<1x16xf32>,
      %get3A_194 = vector.shape_cast %get3A_193 : vector<1x16xf32> to vector<16xf32>
      %get3A_195 = arith.index_cast %scan3A_158 : i32 to index
      %get3A_196 = arith.constant 32 : index
      %get3A_197 = tpu.vector_load %arg14[%get3A_195, %get3A_196] {strides = array<i32>} : memref<80x128xf32, #tpu.memory_space<vmem>>, vector<1x16xf32>,
      %get3A_198 = vector.shape_cast %get3A_197 : vector<1x16xf32> to vector<16xf32>
      %add3A_199 = arith.addf %get3A_194, %get3A_198 : vector<16xf32>
      %max3A_200 = arith.constant 0.000000e+00 : f32
      %max3A_201 = vector.broadcast %max3A_200 : f32 to vector<16xf32>
      %max3A_202 = arith.maximumf %add3A_199, %max3A_201 : vector<16xf32>
      %swap3A_203 = arith.index_cast %scan3A_158 : i32 to index
      %swap3A_204 = arith.constant 32 : index
      %swap3A_205 = tpu.vector_load %arg12[%swap3A_203, %swap3A_204] {strides = array<i32>} : memref<80x128xf32, #tpu.memory_space<vmem>>, vector<1x16xf32>,
      %swap3A_206 = vector.shape_cast %swap3A_205 : vector<1x16xf32> to vector<16xf32>
      %swap3A_207 = vector.shape_cast %max3A_202 : vector<16xf32> to vector<1x16xf32>
      tpu.vector_store %arg12[%swap3A_203, %swap3A_204], %swap3A_207 {strides = array<i32>} : memref<80x128xf32, #tpu.memory_space<vmem>>, vector<1x16xf32>,
      %get3A_208 = arith.index_cast %scan3A_158 : i32 to index
      %get3A_209 = arith.constant 48 : index
      %get3A_210 = tpu.vector_load %arg12[%get3A_208, %get3A_209] {strides = array<i32>} : memref<80x128xf32, #tpu.memory_space<vmem>>, vector<1x16xf32>,
      %get3A_211 = vector.shape_cast %get3A_210 : vector<1x16xf32> to vector<16xf32>
      %get3A_212 = arith.index_cast %scan3A_158 : i32 to index
      %get3A_213 = arith.constant 48 : index
      %get3A_214 = tpu.vector_load %arg14[%get3A_212, %get3A_213] {strides = array<i32>} : memref<80x128xf32, #tpu.memory_space<vmem>>, vector<1x16xf32>,
      %get3A_215 = vector.shape_cast %get3A_214 : vector<1x16xf32> to vector<16xf32>
      %add3A_216 = arith.addf %get3A_211, %get3A_215 : vector<16xf32>
      %max3A_217 = arith.constant 0.000000e+00 : f32
      %max3A_218 = vector.broadcast %max3A_217 : f32 to vector<16xf32>
      %max3A_219 = arith.maximumf %add3A_216, %max3A_218 : vector<16xf32>
      %swap3A_220 = arith.index_cast %scan3A_158 : i32 to index
      %swap3A_221 = arith.constant 48 : index
      %swap3A_222 = tpu.vector_load %arg12[%swap3A_220, %swap3A_221] {strides = array<i32>} : memref<80x128xf32, #tpu.memory_space<vmem>>, vector<1x16xf32>,
      %swap3A_223 = vector.shape_cast %swap3A_222 : vector<1x16xf32> to vector<16xf32>
      %swap3A_224 = vector.shape_cast %max3A_219 : vector<16xf32> to vector<1x16xf32>
      tpu.vector_store %arg12[%swap3A_220, %swap3A_221], %swap3A_224 {strides = array<i32>} : memref<80x128xf32, #tpu.memory_space<vmem>>, vector<1x16xf32>,
      %get3A_225 = arith.index_cast %scan3A_158 : i32 to index
      %get3A_226 = arith.constant 64 : index
      %get3A_227 = tpu.vector_load %arg12[%get3A_225, %get3A_226] {strides = array<i32>} : memref<80x128xf32, #tpu.memory_space<vmem>>, vector<1x16xf32>,
      %get3A_228 = vector.shape_cast %get3A_227 : vector<1x16xf32> to vector<16xf32>
      %get3A_229 = arith.index_cast %scan3A_158 : i32 to index
      %get3A_230 = arith.constant 64 : index
      %get3A_231 = tpu.vector_load %arg14[%get3A_229, %get3A_230] {strides = array<i32>} : memref<80x128xf32, #tpu.memory_space<vmem>>, vector<1x16xf32>,
      %get3A_232 = vector.shape_cast %get3A_231 : vector<1x16xf32> to vector<16xf32>
      %add3A_233 = arith.addf %get3A_228, %get3A_232 : vector<16xf32>
      %max3A_234 = arith.constant 0.000000e+00 : f32
      %max3A_235 = vector.broadcast %max3A_234 : f32 to vector<16xf32>
      %max3A_236 = arith.maximumf %add3A_233, %max3A_235 : vector<16xf32>
      %swap3A_237 = arith.index_cast %scan3A_158 : i32 to index
      %swap3A_238 = arith.constant 64 : index
      %swap3A_239 = tpu.vector_load %arg12[%swap3A_237, %swap3A_238] {strides = array<i32>} : memref<80x128xf32, #tpu.memory_space<vmem>>, vector<1x16xf32>,
      %swap3A_240 = vector.shape_cast %swap3A_239 : vector<1x16xf32> to vector<16xf32>
      %swap3A_241 = vector.shape_cast %max3A_236 : vector<16xf32> to vector<1x16xf32>
      tpu.vector_store %arg12[%swap3A_237, %swap3A_238], %swap3A_241 {strides = array<i32>} : memref<80x128xf32, #tpu.memory_space<vmem>>, vector<1x16xf32>,
      %get3A_242 = arith.index_cast %scan3A_158 : i32 to index
      %get3A_243 = arith.constant 80 : index
      %get3A_244 = tpu.vector_load %arg12[%get3A_242, %get3A_243] {strides = array<i32>} : memref<80x128xf32, #tpu.memory_space<vmem>>, vector<1x16xf32>,
      %get3A_245 = vector.shape_cast %get3A_244 : vector<1x16xf32> to vector<16xf32>
      %get3A_246 = arith.index_cast %scan3A_158 : i32 to index
      %get3A_247 = arith.constant 80 : index
      %get3A_248 = tpu.vector_load %arg14[%get3A_246, %get3A_247] {strides = array<i32>} : memref<80x128xf32, #tpu.memory_space<vmem>>, vector<1x16xf32>,
      %get3A_249 = vector.shape_cast %get3A_248 : vector<1x16xf32> to vector<16xf32>
      %add3A_250 = arith.addf %get3A_245, %get3A_249 : vector<16xf32>
      %max3A_251 = arith.constant 0.000000e+00 : f32
      %max3A_252 = vector.broadcast %max3A_251 : f32 to vector<16xf32>
      %max3A_253 = arith.maximumf %add3A_250, %max3A_252 : vector<16xf32>
      %swap3A_254 = arith.index_cast %scan3A_158 : i32 to index
      %swap3A_255 = arith.constant 80 : index
      %swap3A_256 = tpu.vector_load %arg12[%swap3A_254, %swap3A_255] {strides = array<i32>} : memref<80x128xf32, #tpu.memory_space<vmem>>, vector<1x16xf32>,
      %swap3A_257 = vector.shape_cast %swap3A_256 : vector<1x16xf32> to vector<16xf32>
      %swap3A_258 = vector.shape_cast %max3A_253 : vector<16xf32> to vector<1x16xf32>
      tpu.vector_store %arg12[%swap3A_254, %swap3A_255], %swap3A_258 {strides = array<i32>} : memref<80x128xf32, #tpu.memory_space<vmem>>, vector<1x16xf32>,
      %get3A_259 = arith.index_cast %scan3A_158 : i32 to index
      %get3A_260 = arith.constant 96 : index
      %get3A_261 = tpu.vector_load %arg12[%get3A_259, %get3A_260] {strides = array<i32>} : memref<80x128xf32, #tpu.memory_space<vmem>>, vector<1x16xf32>,
      %get3A_262 = vector.shape_cast %get3A_261 : vector<1x16xf32> to vector<16xf32>
      %get3A_263 = arith.index_cast %scan3A_158 : i32 to index
      %get3A_264 = arith.constant 96 : index
      %get3A_265 = tpu.vector_load %arg14[%get3A_263, %get3A_264] {strides = array<i32>} : memref<80x128xf32, #tpu.memory_space<vmem>>, vector<1x16xf32>,
      %get3A_266 = vector.shape_cast %get3A_265 : vector<1x16xf32> to vector<16xf32>
      %add3A_267 = arith.addf %get3A_262, %get3A_266 : vector<16xf32>
      %max3A_268 = arith.constant 0.000000e+00 : f32
      %max3A_269 = vector.broadcast %max3A_268 : f32 to vector<16xf32>
      %max3A_270 = arith.maximumf %add3A_267, %max3A_269 : vector<16xf32>
      %swap3A_271 = arith.index_cast %scan3A_158 : i32 to index
      %swap3A_272 = arith.constant 96 : index
      %swap3A_273 = tpu.vector_load %arg12[%swap3A_271, %swap3A_272] {strides = array<i32>} : memref<80x128xf32, #tpu.memory_space<vmem>>, vector<1x16xf32>,
      %swap3A_274 = vector.shape_cast %swap3A_273 : vector<1x16xf32> to vector<16xf32>
      %swap3A_275 = vector.shape_cast %max3A_270 : vector<16xf32> to vector<1x16xf32>
      tpu.vector_store %arg12[%swap3A_271, %swap3A_272], %swap3A_275 {strides = array<i32>} : memref<80x128xf32, #tpu.memory_space<vmem>>, vector<1x16xf32>,
      %get3A_276 = arith.index_cast %scan3A_158 : i32 to index
      %get3A_277 = arith.constant 112 : index
      %get3A_278 = tpu.vector_load %arg12[%get3A_276, %get3A_277] {strides = array<i32>} : memref<80x128xf32, #tpu.memory_space<vmem>>, vector<1x16xf32>,
      %get3A_279 = vector.shape_cast %get3A_278 : vector<1x16xf32> to vector<16xf32>
      %get3A_280 = arith.index_cast %scan3A_158 : i32 to index
      %get3A_281 = arith.constant 112 : index
      %get3A_282 = tpu.vector_load %arg14[%get3A_280, %get3A_281] {strides = array<i32>} : memref<80x128xf32, #tpu.memory_space<vmem>>, vector<1x16xf32>,
      %get3A_283 = vector.shape_cast %get3A_282 : vector<1x16xf32> to vector<16xf32>
      %add3A_284 = arith.addf %get3A_279, %get3A_283 : vector<16xf32>
      %max3A_285 = arith.constant 0.000000e+00 : f32
      %max3A_286 = vector.broadcast %max3A_285 : f32 to vector<16xf32>
      %max3A_287 = arith.maximumf %add3A_284, %max3A_286 : vector<16xf32>
      %swap3A_288 = arith.index_cast %scan3A_158 : i32 to index
      %swap3A_289 = arith.constant 112 : index
      %swap3A_290 = tpu.vector_load %arg12[%swap3A_288, %swap3A_289] {strides = array<i32>} : memref<80x128xf32, #tpu.memory_space<vmem>>, vector<1x16xf32>,
      %swap3A_291 = vector.shape_cast %swap3A_290 : vector<1x16xf32> to vector<16xf32>
      %swap3A_292 = vector.shape_cast %max3A_287 : vector<16xf32> to vector<1x16xf32>
      tpu.vector_store %arg12[%swap3A_288, %swap3A_289], %swap3A_292 {strides = array<i32>} : memref<80x128xf32, #tpu.memory_space<vmem>>, vector<1x16xf32>,
      %scan3A_293 = arith.constant 0 : i32
      scf.yield %scan3A_293 : i32
    }
    %scan3A_129 = arith.constant 80 : i32
    "tpu.region"() ({
      %run_scoped3A = tpu.sem_alloc : memref<!tpu.dma_semaphore, #tpu.memory_space<semaphore_mem>>
      %dma_start3A_158 = arith.constant 0 : i32
      %dma_start3A_159 = arith.constant 0 : i32
      %dma_start3A_160 = tpu.memref_slice %arg16[%dma_start3A_158, %dma_start3A_159] : memref<10112x128xf32, #tpu.memory_space<vmem_shared>> -> memref<10112x128xf32, #tpu.memory_space<vmem_shared>>
      tpu.enqueue_indirect_dma source(%arg12 : memref<80x128xf32, #tpu.memory_space<vmem>>) target(%dma_start3A_160 : memref<10112x128xf32, #tpu.memory_space<vmem_shared>>) offsets(%arg10 : memref<80xi32, #tpu.memory_space<vmem>>) semaphore(%run_scoped3A : memref<!tpu.dma_semaphore, #tpu.memory_space<semaphore_mem>>) {add = true}
      %dma_wait3A_161 = arith.constant 0 : i32
      %dma_wait3A_162 = arith.constant 0 : i32
      %dma_wait3A_163 = tpu.memref_slice %arg16[%dma_wait3A_161, %dma_wait3A_162] : memref<10112x128xf32, #tpu.memory_space<vmem_shared>> -> memref<10112x128xf32, #tpu.memory_space<vmem_shared>>
      tpu.wait_indirect_dma semaphore(%run_scoped3A : memref<!tpu.dma_semaphore, #tpu.memory_space<semaphore_mem>>) src(%arg12 : memref<80x128xf32, #tpu.memory_space<vmem>>) dst(%dma_wait3A_163 : memref<10112x128xf32, #tpu.memory_space<vmem_shared>>)
      tpu.yield
    }) : () -> ()
    %dma_wait3A_130 = arith.constant 0 : i32
    %dma_wait3A_131 = arith.constant 0 : i32
    %dma_wait3A_132 = tpu.memref_slice %arg2[%dma_wait3A_130, %dma_wait3A_131] : memref<10000x128xf32, #tpu.memory_space<hbm>> -> memref<10000x128xf32, #tpu.memory_space<hbm>>
    tpu.wait_indirect_dma semaphore(%arg19 : memref<!tpu.dma_semaphore, #tpu.memory_space<semaphore_mem>>) src(%dma_wait3A_132 : memref<10000x128xf32, #tpu.memory_space<hbm>>) dst(%arg11 : memref<80x128xf32, #tpu.memory_space<vmem>>)
    %dma_wait3A_133 = arith.constant 0 : i32
    %dma_wait3A_134 = arith.constant 0 : i32
    %dma_wait3A_135 = tpu.memref_slice %arg3[%dma_wait3A_133, %dma_wait3A_134] : memref<320000x128xf32, #tpu.memory_space<hbm>> -> memref<80x128xf32, #tpu.memory_space<hbm>>
    %dma_wait3A_136 = arith.constant 0 : i32
    %dma_wait3A_137 = arith.constant 0 : i32
    %dma_wait3A_138 = tpu.memref_slice %arg3[%dma_wait3A_136, %dma_wait3A_137] : memref<320000x128xf32, #tpu.memory_space<hbm>> -> memref<80x128xf32, #tpu.memory_space<hbm>>
    tpu.wait_dma2 semaphore(%arg21 : memref<!tpu.dma_semaphore, #tpu.memory_space<semaphore_mem>>) src(%dma_wait3A_138 : memref<80x128xf32, #tpu.memory_space<hbm>>) dst(%arg13 : memref<80x128xf32, #tpu.memory_space<vmem>>)
    %scan3A_139 = arith.constant 0 : i32
    %scan3A_140 = arith.constant 0 : i32
    %scan3A_141 = arith.constant 80 : i32
    %scan3A_142 = arith.addi %scan3A_140, %scan3A_141 : i32
    %scan3A_143 = arith.constant 1 : i32
    %scan3A_144 = scf.for %scan3A_158 = %scan3A_140 to %scan3A_142 step %scan3A_143 iter_args(%scan3A_159 = %scan3A_139) -> (i32)  : i32 {
      %get3A = arith.index_cast %scan3A_158 : i32 to index
      %get3A_160 = arith.constant 0 : index
      %get3A_161 = tpu.vector_load %arg11[%get3A, %get3A_160] {strides = array<i32>} : memref<80x128xf32, #tpu.memory_space<vmem>>, vector<1x16xf32>,
      %get3A_162 = vector.shape_cast %get3A_161 : vector<1x16xf32> to vector<16xf32>
      %get3A_163 = arith.index_cast %scan3A_158 : i32 to index
      %get3A_164 = arith.constant 0 : index
      %get3A_165 = tpu.vector_load %arg13[%get3A_163, %get3A_164] {strides = array<i32>} : memref<80x128xf32, #tpu.memory_space<vmem>>, vector<1x16xf32>,
      %get3A_166 = vector.shape_cast %get3A_165 : vector<1x16xf32> to vector<16xf32>
      %add3A_167 = arith.addf %get3A_162, %get3A_166 : vector<16xf32>
      %max3A = arith.constant 0.000000e+00 : f32
      %max3A_168 = vector.broadcast %max3A : f32 to vector<16xf32>
      %max3A_169 = arith.maximumf %add3A_167, %max3A_168 : vector<16xf32>
      %swap3A = arith.index_cast %scan3A_158 : i32 to index
      %swap3A_170 = arith.constant 0 : index
      %swap3A_171 = tpu.vector_load %arg11[%swap3A, %swap3A_170] {strides = array<i32>} : memref<80x128xf32, #tpu.memory_space<vmem>>, vector<1x16xf32>,
      %swap3A_172 = vector.shape_cast %swap3A_171 : vector<1x16xf32> to vector<16xf32>
      %swap3A_173 = vector.shape_cast %max3A_169 : vector<16xf32> to vector<1x16xf32>
      tpu.vector_store %arg11[%swap3A, %swap3A_170], %swap3A_173 {strides = array<i32>} : memref<80x128xf32, #tpu.memory_space<vmem>>, vector<1x16xf32>,
      %get3A_174 = arith.index_cast %scan3A_158 : i32 to index
      %get3A_175 = arith.constant 16 : index
      %get3A_176 = tpu.vector_load %arg11[%get3A_174, %get3A_175] {strides = array<i32>} : memref<80x128xf32, #tpu.memory_space<vmem>>, vector<1x16xf32>,
      %get3A_177 = vector.shape_cast %get3A_176 : vector<1x16xf32> to vector<16xf32>
      %get3A_178 = arith.index_cast %scan3A_158 : i32 to index
      %get3A_179 = arith.constant 16 : index
      %get3A_180 = tpu.vector_load %arg13[%get3A_178, %get3A_179] {strides = array<i32>} : memref<80x128xf32, #tpu.memory_space<vmem>>, vector<1x16xf32>,
      %get3A_181 = vector.shape_cast %get3A_180 : vector<1x16xf32> to vector<16xf32>
      %add3A_182 = arith.addf %get3A_177, %get3A_181 : vector<16xf32>
      %max3A_183 = arith.constant 0.000000e+00 : f32
      %max3A_184 = vector.broadcast %max3A_183 : f32 to vector<16xf32>
      %max3A_185 = arith.maximumf %add3A_182, %max3A_184 : vector<16xf32>
      %swap3A_186 = arith.index_cast %scan3A_158 : i32 to index
      %swap3A_187 = arith.constant 16 : index
      %swap3A_188 = tpu.vector_load %arg11[%swap3A_186, %swap3A_187] {strides = array<i32>} : memref<80x128xf32, #tpu.memory_space<vmem>>, vector<1x16xf32>,
      %swap3A_189 = vector.shape_cast %swap3A_188 : vector<1x16xf32> to vector<16xf32>
      %swap3A_190 = vector.shape_cast %max3A_185 : vector<16xf32> to vector<1x16xf32>
      tpu.vector_store %arg11[%swap3A_186, %swap3A_187], %swap3A_190 {strides = array<i32>} : memref<80x128xf32, #tpu.memory_space<vmem>>, vector<1x16xf32>,
      %get3A_191 = arith.index_cast %scan3A_158 : i32 to index
      %get3A_192 = arith.constant 32 : index
      %get3A_193 = tpu.vector_load %arg11[%get3A_191, %get3A_192] {strides = array<i32>} : memref<80x128xf32, #tpu.memory_space<vmem>>, vector<1x16xf32>,
      %get3A_194 = vector.shape_cast %get3A_193 : vector<1x16xf32> to vector<16xf32>
      %get3A_195 = arith.index_cast %scan3A_158 : i32 to index
      %get3A_196 = arith.constant 32 : index
      %get3A_197 = tpu.vector_load %arg13[%get3A_195, %get3A_196] {strides = array<i32>} : memref<80x128xf32, #tpu.memory_space<vmem>>, vector<1x16xf32>,
      %get3A_198 = vector.shape_cast %get3A_197 : vector<1x16xf32> to vector<16xf32>
      %add3A_199 = arith.addf %get3A_194, %get3A_198 : vector<16xf32>
      %max3A_200 = arith.constant 0.000000e+00 : f32
      %max3A_201 = vector.broadcast %max3A_200 : f32 to vector<16xf32>
      %max3A_202 = arith.maximumf %add3A_199, %max3A_201 : vector<16xf32>
      %swap3A_203 = arith.index_cast %scan3A_158 : i32 to index
      %swap3A_204 = arith.constant 32 : index
      %swap3A_205 = tpu.vector_load %arg11[%swap3A_203, %swap3A_204] {strides = array<i32>} : memref<80x128xf32, #tpu.memory_space<vmem>>, vector<1x16xf32>,
      %swap3A_206 = vector.shape_cast %swap3A_205 : vector<1x16xf32> to vector<16xf32>
      %swap3A_207 = vector.shape_cast %max3A_202 : vector<16xf32> to vector<1x16xf32>
      tpu.vector_store %arg11[%swap3A_203, %swap3A_204], %swap3A_207 {strides = array<i32>} : memref<80x128xf32, #tpu.memory_space<vmem>>, vector<1x16xf32>,
      %get3A_208 = arith.index_cast %scan3A_158 : i32 to index
      %get3A_209 = arith.constant 48 : index
      %get3A_210 = tpu.vector_load %arg11[%get3A_208, %get3A_209] {strides = array<i32>} : memref<80x128xf32, #tpu.memory_space<vmem>>, vector<1x16xf32>,
      %get3A_211 = vector.shape_cast %get3A_210 : vector<1x16xf32> to vector<16xf32>
      %get3A_212 = arith.index_cast %scan3A_158 : i32 to index
      %get3A_213 = arith.constant 48 : index
      %get3A_214 = tpu.vector_load %arg13[%get3A_212, %get3A_213] {strides = array<i32>} : memref<80x128xf32, #tpu.memory_space<vmem>>, vector<1x16xf32>,
      %get3A_215 = vector.shape_cast %get3A_214 : vector<1x16xf32> to vector<16xf32>
      %add3A_216 = arith.addf %get3A_211, %get3A_215 : vector<16xf32>
      %max3A_217 = arith.constant 0.000000e+00 : f32
      %max3A_218 = vector.broadcast %max3A_217 : f32 to vector<16xf32>
      %max3A_219 = arith.maximumf %add3A_216, %max3A_218 : vector<16xf32>
      %swap3A_220 = arith.index_cast %scan3A_158 : i32 to index
      %swap3A_221 = arith.constant 48 : index
      %swap3A_222 = tpu.vector_load %arg11[%swap3A_220, %swap3A_221] {strides = array<i32>} : memref<80x128xf32, #tpu.memory_space<vmem>>, vector<1x16xf32>,
      %swap3A_223 = vector.shape_cast %swap3A_222 : vector<1x16xf32> to vector<16xf32>
      %swap3A_224 = vector.shape_cast %max3A_219 : vector<16xf32> to vector<1x16xf32>
      tpu.vector_store %arg11[%swap3A_220, %swap3A_221], %swap3A_224 {strides = array<i32>} : memref<80x128xf32, #tpu.memory_space<vmem>>, vector<1x16xf32>,
      %get3A_225 = arith.index_cast %scan3A_158 : i32 to index
      %get3A_226 = arith.constant 64 : index
      %get3A_227 = tpu.vector_load %arg11[%get3A_225, %get3A_226] {strides = array<i32>} : memref<80x128xf32, #tpu.memory_space<vmem>>, vector<1x16xf32>,
      %get3A_228 = vector.shape_cast %get3A_227 : vector<1x16xf32> to vector<16xf32>
      %get3A_229 = arith.index_cast %scan3A_158 : i32 to index
      %get3A_230 = arith.constant 64 : index
      %get3A_231 = tpu.vector_load %arg13[%get3A_229, %get3A_230] {strides = array<i32>} : memref<80x128xf32, #tpu.memory_space<vmem>>, vector<1x16xf32>,
      %get3A_232 = vector.shape_cast %get3A_231 : vector<1x16xf32> to vector<16xf32>
      %add3A_233 = arith.addf %get3A_228, %get3A_232 : vector<16xf32>
      %max3A_234 = arith.constant 0.000000e+00 : f32
      %max3A_235 = vector.broadcast %max3A_234 : f32 to vector<16xf32>
      %max3A_236 = arith.maximumf %add3A_233, %max3A_235 : vector<16xf32>
      %swap3A_237 = arith.index_cast %scan3A_158 : i32 to index
      %swap3A_238 = arith.constant 64 : index
      %swap3A_239 = tpu.vector_load %arg11[%swap3A_237, %swap3A_238] {strides = array<i32>} : memref<80x128xf32, #tpu.memory_space<vmem>>, vector<1x16xf32>,
      %swap3A_240 = vector.shape_cast %swap3A_239 : vector<1x16xf32> to vector<16xf32>
      %swap3A_241 = vector.shape_cast %max3A_236 : vector<16xf32> to vector<1x16xf32>
      tpu.vector_store %arg11[%swap3A_237, %swap3A_238], %swap3A_241 {strides = array<i32>} : memref<80x128xf32, #tpu.memory_space<vmem>>, vector<1x16xf32>,
      %get3A_242 = arith.index_cast %scan3A_158 : i32 to index
      %get3A_243 = arith.constant 80 : index
      %get3A_244 = tpu.vector_load %arg11[%get3A_242, %get3A_243] {strides = array<i32>} : memref<80x128xf32, #tpu.memory_space<vmem>>, vector<1x16xf32>,
      %get3A_245 = vector.shape_cast %get3A_244 : vector<1x16xf32> to vector<16xf32>
      %get3A_246 = arith.index_cast %scan3A_158 : i32 to index
      %get3A_247 = arith.constant 80 : index
      %get3A_248 = tpu.vector_load %arg13[%get3A_246, %get3A_247] {strides = array<i32>} : memref<80x128xf32, #tpu.memory_space<vmem>>, vector<1x16xf32>,
      %get3A_249 = vector.shape_cast %get3A_248 : vector<1x16xf32> to vector<16xf32>
      %add3A_250 = arith.addf %get3A_245, %get3A_249 : vector<16xf32>
      %max3A_251 = arith.constant 0.000000e+00 : f32
      %max3A_252 = vector.broadcast %max3A_251 : f32 to vector<16xf32>
      %max3A_253 = arith.maximumf %add3A_250, %max3A_252 : vector<16xf32>
      %swap3A_254 = arith.index_cast %scan3A_158 : i32 to index
      %swap3A_255 = arith.constant 80 : index
      %swap3A_256 = tpu.vector_load %arg11[%swap3A_254, %swap3A_255] {strides = array<i32>} : memref<80x128xf32, #tpu.memory_space<vmem>>, vector<1x16xf32>,
      %swap3A_257 = vector.shape_cast %swap3A_256 : vector<1x16xf32> to vector<16xf32>
      %swap3A_258 = vector.shape_cast %max3A_253 : vector<16xf32> to vector<1x16xf32>
      tpu.vector_store %arg11[%swap3A_254, %swap3A_255], %swap3A_258 {strides = array<i32>} : memref<80x128xf32, #tpu.memory_space<vmem>>, vector<1x16xf32>,
      %get3A_259 = arith.index_cast %scan3A_158 : i32 to index
      %get3A_260 = arith.constant 96 : index
      %get3A_261 = tpu.vector_load %arg11[%get3A_259, %get3A_260] {strides = array<i32>} : memref<80x128xf32, #tpu.memory_space<vmem>>, vector<1x16xf32>,
      %get3A_262 = vector.shape_cast %get3A_261 : vector<1x16xf32> to vector<16xf32>
      %get3A_263 = arith.index_cast %scan3A_158 : i32 to index
      %get3A_264 = arith.constant 96 : index
      %get3A_265 = tpu.vector_load %arg13[%get3A_263, %get3A_264] {strides = array<i32>} : memref<80x128xf32, #tpu.memory_space<vmem>>, vector<1x16xf32>,
      %get3A_266 = vector.shape_cast %get3A_265 : vector<1x16xf32> to vector<16xf32>
      %add3A_267 = arith.addf %get3A_262, %get3A_266 : vector<16xf32>
      %max3A_268 = arith.constant 0.000000e+00 : f32
      %max3A_269 = vector.broadcast %max3A_268 : f32 to vector<16xf32>
      %max3A_270 = arith.maximumf %add3A_267, %max3A_269 : vector<16xf32>
      %swap3A_271 = arith.index_cast %scan3A_158 : i32 to index
      %swap3A_272 = arith.constant 96 : index
      %swap3A_273 = tpu.vector_load %arg11[%swap3A_271, %swap3A_272] {strides = array<i32>} : memref<80x128xf32, #tpu.memory_space<vmem>>, vector<1x16xf32>,
      %swap3A_274 = vector.shape_cast %swap3A_273 : vector<1x16xf32> to vector<16xf32>
      %swap3A_275 = vector.shape_cast %max3A_270 : vector<16xf32> to vector<1x16xf32>
      tpu.vector_store %arg11[%swap3A_271, %swap3A_272], %swap3A_275 {strides = array<i32>} : memref<80x128xf32, #tpu.memory_space<vmem>>, vector<1x16xf32>,
      %get3A_276 = arith.index_cast %scan3A_158 : i32 to index
      %get3A_277 = arith.constant 112 : index
      %get3A_278 = tpu.vector_load %arg11[%get3A_276, %get3A_277] {strides = array<i32>} : memref<80x128xf32, #tpu.memory_space<vmem>>, vector<1x16xf32>,
      %get3A_279 = vector.shape_cast %get3A_278 : vector<1x16xf32> to vector<16xf32>
      %get3A_280 = arith.index_cast %scan3A_158 : i32 to index
      %get3A_281 = arith.constant 112 : index
      %get3A_282 = tpu.vector_load %arg13[%get3A_280, %get3A_281] {strides = array<i32>} : memref<80x128xf32, #tpu.memory_space<vmem>>, vector<1x16xf32>,
      %get3A_283 = vector.shape_cast %get3A_282 : vector<1x16xf32> to vector<16xf32>
      %add3A_284 = arith.addf %get3A_279, %get3A_283 : vector<16xf32>
      %max3A_285 = arith.constant 0.000000e+00 : f32
      %max3A_286 = vector.broadcast %max3A_285 : f32 to vector<16xf32>
      %max3A_287 = arith.maximumf %add3A_284, %max3A_286 : vector<16xf32>
      %swap3A_288 = arith.index_cast %scan3A_158 : i32 to index
      %swap3A_289 = arith.constant 112 : index
      %swap3A_290 = tpu.vector_load %arg11[%swap3A_288, %swap3A_289] {strides = array<i32>} : memref<80x128xf32, #tpu.memory_space<vmem>>, vector<1x16xf32>,
      %swap3A_291 = vector.shape_cast %swap3A_290 : vector<1x16xf32> to vector<16xf32>
      %swap3A_292 = vector.shape_cast %max3A_287 : vector<16xf32> to vector<1x16xf32>
      tpu.vector_store %arg11[%swap3A_288, %swap3A_289], %swap3A_292 {strides = array<i32>} : memref<80x128xf32, #tpu.memory_space<vmem>>, vector<1x16xf32>,
      %scan3A_293 = arith.constant 0 : i32
      scf.yield %scan3A_293 : i32
    }
    %scan3A_145 = arith.constant 80 : i32
    "tpu.region"() ({
      %run_scoped3A = tpu.sem_alloc : memref<!tpu.dma_semaphore, #tpu.memory_space<semaphore_mem>>
      %dma_start3A_158 = arith.constant 0 : i32
      %dma_start3A_159 = arith.constant 0 : i32
      %dma_start3A_160 = tpu.memref_slice %arg16[%dma_start3A_158, %dma_start3A_159] : memref<10112x128xf32, #tpu.memory_space<vmem_shared>> -> memref<10112x128xf32, #tpu.memory_space<vmem_shared>>
      tpu.enqueue_indirect_dma source(%arg11 : memref<80x128xf32, #tpu.memory_space<vmem>>) target(%dma_start3A_160 : memref<10112x128xf32, #tpu.memory_space<vmem_shared>>) offsets(%arg9 : memref<80xi32, #tpu.memory_space<vmem>>) semaphore(%run_scoped3A : memref<!tpu.dma_semaphore, #tpu.memory_space<semaphore_mem>>) {add = true}
      %dma_wait3A_161 = arith.constant 0 : i32
      %dma_wait3A_162 = arith.constant 0 : i32
      %dma_wait3A_163 = tpu.memref_slice %arg16[%dma_wait3A_161, %dma_wait3A_162] : memref<10112x128xf32, #tpu.memory_space<vmem_shared>> -> memref<10112x128xf32, #tpu.memory_space<vmem_shared>>
      tpu.wait_indirect_dma semaphore(%run_scoped3A : memref<!tpu.dma_semaphore, #tpu.memory_space<semaphore_mem>>) src(%arg11 : memref<80x128xf32, #tpu.memory_space<vmem>>) dst(%dma_wait3A_163 : memref<10112x128xf32, #tpu.memory_space<vmem_shared>>)
      tpu.yield
    }) : () -> ()
    %barrier3A_146 = arith.constant 0 : index
    tpu.barrier barrier_id(%barrier3A_146)
    %scan3A_147 = arith.constant 0 : i32
    %scan3A_148 = arith.constant 0 : i32
    %scan3A_149 = arith.constant 9 : i32
    %scan3A_150 = arith.addi %scan3A_148, %scan3A_149 : i32
    %scan3A_151 = arith.constant 1 : i32
    %scan3A_152 = scf.for %scan3A_158 = %scan3A_148 to %scan3A_150 step %scan3A_151 iter_args(%scan3A_159 = %scan3A_147) -> (i32)  : i32 {
      %mul3A_160 = arith.constant 632 : i32
      %mul3A_161 = arith.muli %arg1, %mul3A_160 : i32
      %mul3A_162 = arith.constant 64 : i32
      %mul3A_163 = arith.muli %scan3A_158, %mul3A_162 : i32
      %add3A_164 = arith.addi %mul3A_161, %mul3A_163 : i32
      "tpu.region"() ({
        %run_scoped3A = tpu.sem_alloc : memref<!tpu.dma_semaphore, #tpu.memory_space<semaphore_mem>>
        %dma_start3A_166 = arith.constant 0 : i32
        %dma_start3A_167 = tpu.memref_slice %arg6[%arg0, %add3A_164, %dma_start3A_166] : memref<2x10112x128xf32, #tpu.memory_space<hbm>> -> memref<1x64x128xf32, #tpu.memory_space<hbm>>
        %dma_start3A_168 = tpu.memref_squeeze %dma_start3A_167 : memref<1x64x128xf32, #tpu.memory_space<hbm>> -> memref<64x128xf32, #tpu.memory_space<hbm>>
        %dma_start3A_169 = arith.constant 0 : i32
        %dma_start3A_170 = tpu.memref_slice %arg16[%add3A_164, %dma_start3A_169] : memref<10112x128xf32, #tpu.memory_space<vmem_shared>> -> memref<64x128xf32, #tpu.memory_space<vmem_shared>>
        tpu.enqueue_dma source(%dma_start3A_170 : memref<64x128xf32, #tpu.memory_space<vmem_shared>>) target(%dma_start3A_168 : memref<64x128xf32, #tpu.memory_space<hbm>>) target_semaphore(%run_scoped3A : memref<!tpu.dma_semaphore, #tpu.memory_space<semaphore_mem>>)
        %dma_wait3A_171 = arith.constant 0 : i32
        %dma_wait3A_172 = tpu.memref_slice %arg6[%arg0, %add3A_164, %dma_wait3A_171] : memref<2x10112x128xf32, #tpu.memory_space<hbm>> -> memref<1x64x128xf32, #tpu.memory_space<hbm>>
        %dma_wait3A_173 = tpu.memref_squeeze %dma_wait3A_172 : memref<1x64x128xf32, #tpu.memory_space<hbm>> -> memref<64x128xf32, #tpu.memory_space<hbm>>
        %dma_wait3A_174 = arith.constant 0 : i32
        %dma_wait3A_175 = tpu.memref_slice %arg16[%add3A_164, %dma_wait3A_174] : memref<10112x128xf32, #tpu.memory_space<vmem_shared>> -> memref<64x128xf32, #tpu.memory_space<vmem_shared>>
        tpu.wait_dma2 semaphore(%run_scoped3A : memref<!tpu.dma_semaphore, #tpu.memory_space<semaphore_mem>>) src(%dma_wait3A_175 : memref<64x128xf32, #tpu.memory_space<vmem_shared>>) dst(%dma_wait3A_173 : memref<64x128xf32, #tpu.memory_space<hbm>>)
        tpu.yield
      }) : () -> ()
      %scan3A_165 = arith.constant 0 : i32
      scf.yield %scan3A_165 : i32
    }
    %scan3A_153 = arith.constant 9 : i32
    %mul3A_154 = arith.constant 632 : i32
    %mul3A_155 = arith.muli %arg1, %mul3A_154 : i32
    %add3A_156 = arith.constant 576 : i32
    %add3A_157 = arith.addi %mul3A_155, %add3A_156 : i32
    "tpu.region"() ({
      %run_scoped3A = tpu.sem_alloc : memref<!tpu.dma_semaphore, #tpu.memory_space<semaphore_mem>>
      %dma_start3A_158 = arith.constant 0 : i32
      %dma_start3A_159 = tpu.memref_slice %arg6[%arg0, %add3A_157, %dma_start3A_158] : memref<2x10112x128xf32, #tpu.memory_space<hbm>> -> memref<1x56x128xf32, #tpu.memory_space<hbm>>
      %dma_start3A_160 = tpu.memref_squeeze %dma_start3A_159 : memref<1x56x128xf32, #tpu.memory_space<hbm>> -> memref<56x128xf32, #tpu.memory_space<hbm>>
      %dma_start3A_161 = arith.constant 0 : i32
      %dma_start3A_162 = tpu.memref_slice %arg16[%add3A_157, %dma_start3A_161] : memref<10112x128xf32, #tpu.memory_space<vmem_shared>> -> memref<56x128xf32, #tpu.memory_space<vmem_shared>>
      tpu.enqueue_dma source(%dma_start3A_162 : memref<56x128xf32, #tpu.memory_space<vmem_shared>>) target(%dma_start3A_160 : memref<56x128xf32, #tpu.memory_space<hbm>>) target_semaphore(%run_scoped3A : memref<!tpu.dma_semaphore, #tpu.memory_space<semaphore_mem>>)
      %dma_wait3A_163 = arith.constant 0 : i32
      %dma_wait3A_164 = tpu.memref_slice %arg6[%arg0, %add3A_157, %dma_wait3A_163] : memref<2x10112x128xf32, #tpu.memory_space<hbm>> -> memref<1x56x128xf32, #tpu.memory_space<hbm>>
      %dma_wait3A_165 = tpu.memref_squeeze %dma_wait3A_164 : memref<1x56x128xf32, #tpu.memory_space<hbm>> -> memref<56x128xf32, #tpu.memory_space<hbm>>
      %dma_wait3A_166 = arith.constant 0 : i32
      %dma_wait3A_167 = tpu.memref_slice %arg16[%add3A_157, %dma_wait3A_166] : memref<10112x128xf32, #tpu.memory_space<vmem_shared>> -> memref<56x128xf32, #tpu.memory_space<vmem_shared>>
      tpu.wait_dma2 semaphore(%run_scoped3A : memref<!tpu.dma_semaphore, #tpu.memory_space<semaphore_mem>>) src(%dma_wait3A_167 : memref<56x128xf32, #tpu.memory_space<vmem_shared>>) dst(%dma_wait3A_165 : memref<56x128xf32, #tpu.memory_space<hbm>>)
      tpu.yield
    }) : () -> ()
    return
  }
}

module attributes {stable_mosaic.version = 14 : i64} {
  func.func @_node_mlp_body(%arg0: i32, %arg1: memref<1x1xf32, #tpu.memory_space<smem>>, %arg2: memref<2000x128xf32, #tpu.memory_space<vmem>>, %arg3: memref<2x2000x128xf32, #tpu.memory_space<vmem>>, %arg4: memref<128x128xf32, #tpu.memory_space<vmem>>, %arg5: memref<1x128xf32, #tpu.memory_space<vmem>>, %arg6: memref<128x128xf32, #tpu.memory_space<vmem>>, %arg7: memref<1x128xf32, #tpu.memory_space<vmem>>, %arg8: memref<2000x128xf32, #tpu.memory_space<vmem>>) attributes {dimension_semantics = [#tpu.dimension_semantics<arbitrary>], iteration_bounds = array<i64: 5>, scalar_prefetch = 0 : i64, scratch_operands = 0 : i64, tpu.core_type = #tpu.core_type<tc>, window_params = [{transform_indices = @transform_0, window_bounds = array<i64: 1, 1>}, {transform_indices = @transform_1, window_bounds = array<i64: 2000, 128>}, {transform_indices = @transform_2, window_bounds = array<i64: 2, 2000, 128>}, {pipeline_mode = #tpu.pipeline_mode<synchronous>, transform_indices = @transform_3, window_bounds = array<i64: 128, 128>}, {pipeline_mode = #tpu.pipeline_mode<synchronous>, transform_indices = @transform_4, window_bounds = array<i64: 1, 128>}, {pipeline_mode = #tpu.pipeline_mode<synchronous>, transform_indices = @transform_5, window_bounds = array<i64: 128, 128>}, {pipeline_mode = #tpu.pipeline_mode<synchronous>, transform_indices = @transform_6, window_bounds = array<i64: 1, 128>}, {transform_indices = @transform_7, window_bounds = array<i64: 2000, 128>}]} {
    %get3A = arith.constant 0 : index
    %get3A_0 = arith.constant 0 : index
    %get3A_1 = arith.constant 0 : index
    %get3A_2 = vector.load %arg3[%get3A, %get3A_0, %get3A_1] : memref<2x2000x128xf32, #tpu.memory_space<vmem>>, vector<1x2000x128xf32>
    %get3A_3 = vector.shape_cast %get3A_2 : vector<1x2000x128xf32> to vector<2000x128xf32>
    %get3A_4 = arith.constant 1 : index
    %get3A_5 = arith.constant 0 : index
    %get3A_6 = arith.constant 0 : index
    %get3A_7 = vector.load %arg3[%get3A_4, %get3A_5, %get3A_6] : memref<2x2000x128xf32, #tpu.memory_space<vmem>>, vector<1x2000x128xf32>
    %get3A_8 = vector.shape_cast %get3A_7 : vector<1x2000x128xf32> to vector<2000x128xf32>
    %add3A = arith.addf %get3A_3, %get3A_8 : vector<2000x128xf32>
    %get3A_9 = arith.constant 0 : index
    %get3A_10 = arith.constant 0 : index
    %get3A_11 = memref.load %arg1[%get3A_9, %get3A_10] : memref<1x1xf32, #tpu.memory_space<smem>>
    %add3A_12 = arith.constant 1.000000e+00 : f32
    %add3A_13 = arith.addf %add3A_12, %get3A_11 : f32
    %get3A_14 = arith.constant 0 : index
    %get3A_15 = arith.constant 0 : index
    %get3A_16 = vector.load %arg2[%get3A_14, %get3A_15] : memref<2000x128xf32, #tpu.memory_space<vmem>>, vector<2000x128xf32>
    %mul3A = vector.broadcast %add3A_13 : f32 to vector<2000x128xf32>
    %mul3A_17 = arith.mulf %mul3A, %get3A_16 : vector<2000x128xf32>
    %add3A_18 = arith.addf %mul3A_17, %add3A : vector<2000x128xf32>
    %get3A_19 = arith.constant 0 : index
    %get3A_20 = arith.constant 0 : index
    %get3A_21 = vector.load %arg4[%get3A_19, %get3A_20] : memref<128x128xf32, #tpu.memory_space<vmem>>, vector<128x128xf32>
    %dot_general3A = arith.constant dense<0.000000e+00> : vector<2000x128xf32>
    %dot_general3A_22 = tpu.matmul %add3A_18, %get3A_21, %dot_general3A {dimension_numbers = #tpu.dot_dimension_numbers<[1], [0], [0], [1], [0, 0, 1, 1], [], []>, transpose_lhs_hint = false} : vector<2000x128xf32>, vector<128x128xf32>, vector<2000x128xf32> -> vector<2000x128xf32>
    %get3A_23 = arith.constant 0 : index
    %get3A_24 = arith.constant 0 : index
    %get3A_25 = vector.load %arg5[%get3A_23, %get3A_24] : memref<1x128xf32, #tpu.memory_space<vmem>>, vector<1x128xf32>
    %add3A_26 = vector.broadcast %get3A_25 : vector<1x128xf32> to vector<2000x128xf32>
    %add3A_27 = arith.addf %dot_general3A_22, %add3A_26 : vector<2000x128xf32>
    %mul3A_28 = arith.constant 5.000000e-01 : f32
    %mul3A_29 = vector.broadcast %mul3A_28 : f32 to vector<2000x128xf32>
    %mul3A_30 = arith.mulf %mul3A_29, %add3A_27 : vector<2000x128xf32>
    %mul3A_31 = arith.constant 0.707106769 : f32
    %mul3A_32 = vector.broadcast %mul3A_31 : f32 to vector<2000x128xf32>
    %mul3A_33 = arith.mulf %add3A_27, %mul3A_32 : vector<2000x128xf32>
    %erf3A = math.erf %mul3A_33 : vector<2000x128xf32>
    %add3A_34 = arith.constant 1.000000e+00 : f32
    %add3A_35 = vector.broadcast %add3A_34 : f32 to vector<2000x128xf32>
    %add3A_36 = arith.addf %add3A_35, %erf3A : vector<2000x128xf32>
    %mul3A_37 = arith.mulf %mul3A_30, %add3A_36 : vector<2000x128xf32>
    %get3A_38 = arith.constant 0 : index
    %get3A_39 = arith.constant 0 : index
    %get3A_40 = vector.load %arg6[%get3A_38, %get3A_39] : memref<128x128xf32, #tpu.memory_space<vmem>>, vector<128x128xf32>
    %dot_general3A_41 = arith.constant dense<0.000000e+00> : vector<2000x128xf32>
    %dot_general3A_42 = tpu.matmul %mul3A_37, %get3A_40, %dot_general3A_41 {dimension_numbers = #tpu.dot_dimension_numbers<[1], [0], [0], [1], [0, 0, 1, 1], [], []>, transpose_lhs_hint = false} : vector<2000x128xf32>, vector<128x128xf32>, vector<2000x128xf32> -> vector<2000x128xf32>
    %get3A_43 = arith.constant 0 : index
    %get3A_44 = arith.constant 0 : index
    %get3A_45 = vector.load %arg7[%get3A_43, %get3A_44] : memref<1x128xf32, #tpu.memory_space<vmem>>, vector<1x128xf32>
    %add3A_46 = vector.broadcast %get3A_45 : vector<1x128xf32> to vector<2000x128xf32>
    %add3A_47 = arith.addf %dot_general3A_42, %add3A_46 : vector<2000x128xf32>
    %swap3A = arith.constant 0 : index
    %swap3A_48 = arith.constant 0 : index
    %swap3A_49 = vector.load %arg8[%swap3A, %swap3A_48] : memref<2000x128xf32, #tpu.memory_space<vmem>>, vector<2000x128xf32>
    tpu.vector_store %arg8[%swap3A, %swap3A_48], %add3A_47 {strides = array<i32>} : memref<2000x128xf32, #tpu.memory_space<vmem>>, vector<2000x128xf32>,
    return
  }
  func.func @transform_0(%arg0: i32) -> (i32, i32) {
    %c0_i32 = arith.constant 0 : i32
    %c0_i32_0 = arith.constant 0 : i32
    %c0_i32_1 = arith.constant 0 : i32
    return %c0_i32, %c0_i32_0 : i32, i32
  }
  func.func @transform_1(%arg0: i32) -> (i32, i32) {
    %c0_i32 = arith.constant 0 : i32
    %c0_i32_0 = arith.constant 0 : i32
    return %arg0, %c0_i32 : i32, i32
  }
  func.func @transform_2(%arg0: i32) -> (i32, i32, i32) {
    %c0_i32 = arith.constant 0 : i32
    %c0_i32_0 = arith.constant 0 : i32
    %c0_i32_1 = arith.constant 0 : i32
    return %c0_i32, %arg0, %c0_i32_0 : i32, i32, i32
  }
  func.func @transform_3(%arg0: i32) -> (i32, i32) {
    %c0_i32 = arith.constant 0 : i32
    %c0_i32_0 = arith.constant 0 : i32
    %c0_i32_1 = arith.constant 0 : i32
    return %c0_i32, %c0_i32_0 : i32, i32
  }
  func.func @transform_4(%arg0: i32) -> (i32, i32) {
    %c0_i32 = arith.constant 0 : i32
    %c0_i32_0 = arith.constant 0 : i32
    %c0_i32_1 = arith.constant 0 : i32
    return %c0_i32, %c0_i32_0 : i32, i32
  }
  func.func @transform_5(%arg0: i32) -> (i32, i32) {
    %c0_i32 = arith.constant 0 : i32
    %c0_i32_0 = arith.constant 0 : i32
    %c0_i32_1 = arith.constant 0 : i32
    return %c0_i32, %c0_i32_0 : i32, i32
  }
  func.func @transform_6(%arg0: i32) -> (i32, i32) {
    %c0_i32 = arith.constant 0 : i32
    %c0_i32_0 = arith.constant 0 : i32
    %c0_i32_1 = arith.constant 0 : i32
    return %c0_i32, %c0_i32_0 : i32, i32
  }
  func.func @transform_7(%arg0: i32) -> (i32, i32) {
    %c0_i32 = arith.constant 0 : i32
    %c0_i32_0 = arith.constant 0 : i32
    return %arg0, %c0_i32 : i32, i32
  }
}

module attributes {stable_mosaic.version = 14 : i64} {
  func.func @_edge_mlp_body(%arg0: i32, %arg1: memref<8000x16xf32, #tpu.memory_space<vmem>>, %arg2: memref<16x128xf32, #tpu.memory_space<vmem>>, %arg3: memref<1x128xf32, #tpu.memory_space<vmem>>, %arg4: memref<8000x128xf32, #tpu.memory_space<vmem>>) attributes {dimension_semantics = [#tpu.dimension_semantics<arbitrary>], iteration_bounds = array<i64: 40>, scalar_prefetch = 0 : i64, scratch_operands = 0 : i64, tpu.core_type = #tpu.core_type<tc>, window_params = [{transform_indices = @transform_0, window_bounds = array<i64: 8000, 16>}, {pipeline_mode = #tpu.pipeline_mode<synchronous>, transform_indices = @transform_1, window_bounds = array<i64: 16, 128>}, {pipeline_mode = #tpu.pipeline_mode<synchronous>, transform_indices = @transform_2, window_bounds = array<i64: 1, 128>}, {transform_indices = @transform_3, window_bounds = array<i64: 8000, 128>}]} {
    %get3A = arith.constant 0 : index
    %get3A_0 = arith.constant 0 : index
    %get3A_1 = vector.load %arg1[%get3A, %get3A_0] : memref<8000x16xf32, #tpu.memory_space<vmem>>, vector<8000x16xf32>
    %get3A_2 = arith.constant 0 : index
    %get3A_3 = arith.constant 0 : index
    %get3A_4 = vector.load %arg2[%get3A_2, %get3A_3] : memref<16x128xf32, #tpu.memory_space<vmem>>, vector<16x128xf32>
    %dot_general3A = arith.constant dense<0.000000e+00> : vector<8000x128xf32>
    %dot_general3A_5 = tpu.matmul %get3A_1, %get3A_4, %dot_general3A {dimension_numbers = #tpu.dot_dimension_numbers<[1], [0], [0], [1], [0, 0, 1, 1], [], []>, transpose_lhs_hint = false} : vector<8000x16xf32>, vector<16x128xf32>, vector<8000x128xf32> -> vector<8000x128xf32>
    %get3A_6 = arith.constant 0 : index
    %get3A_7 = arith.constant 0 : index
    %get3A_8 = vector.load %arg3[%get3A_6, %get3A_7] : memref<1x128xf32, #tpu.memory_space<vmem>>, vector<1x128xf32>
    %add3A = vector.broadcast %get3A_8 : vector<1x128xf32> to vector<8000x128xf32>
    %add3A_9 = arith.addf %dot_general3A_5, %add3A : vector<8000x128xf32>
    %swap3A = arith.constant 0 : index
    %swap3A_10 = arith.constant 0 : index
    %swap3A_11 = vector.load %arg4[%swap3A, %swap3A_10] : memref<8000x128xf32, #tpu.memory_space<vmem>>, vector<8000x128xf32>
    tpu.vector_store %arg4[%swap3A, %swap3A_10], %add3A_9 {strides = array<i32>} : memref<8000x128xf32, #tpu.memory_space<vmem>>, vector<8000x128xf32>,
    return
  }
  func.func @transform_0(%arg0: i32) -> (i32, i32) {
    %c0_i32 = arith.constant 0 : i32
    %c0_i32_0 = arith.constant 0 : i32
    return %arg0, %c0_i32 : i32, i32
  }
  func.func @transform_1(%arg0: i32) -> (i32, i32) {
    %c0_i32 = arith.constant 0 : i32
    %c0_i32_0 = arith.constant 0 : i32
    %c0_i32_1 = arith.constant 0 : i32
    return %c0_i32, %c0_i32_0 : i32, i32
  }
  func.func @transform_2(%arg0: i32) -> (i32, i32) {
    %c0_i32 = arith.constant 0 : i32
    %c0_i32_0 = arith.constant 0 : i32
    %c0_i32_1 = arith.constant 0 : i32
    return %c0_i32, %c0_i32_0 : i32, i32
  }
  func.func @transform_3(%arg0: i32) -> (i32, i32) {
    %c0_i32 = arith.constant 0 : i32
    %c0_i32_0 = arith.constant 0 : i32
    return %arg0, %c0_i32 : i32, i32
  }
}

module attributes {stable_mosaic.version = 14 : i64} {
  func.func @_node_mlp_body(%arg0: i32, %arg1: memref<1x1xf32, #tpu.memory_space<smem>>, %arg2: memref<2000x128xf32, #tpu.memory_space<vmem>>, %arg3: memref<2x2000x128xf32, #tpu.memory_space<vmem>>, %arg4: memref<128x128xf32, #tpu.memory_space<vmem>>, %arg5: memref<1x128xf32, #tpu.memory_space<vmem>>, %arg6: memref<128x128xf32, #tpu.memory_space<vmem>>, %arg7: memref<1x128xf32, #tpu.memory_space<vmem>>, %arg8: memref<2000x128xf32, #tpu.memory_space<vmem>>) attributes {dimension_semantics = [#tpu.dimension_semantics<arbitrary>], iteration_bounds = array<i64: 5>, scalar_prefetch = 0 : i64, scratch_operands = 0 : i64, tpu.core_type = #tpu.core_type<tc>, window_params = [{transform_indices = @transform_0, window_bounds = array<i64: 1, 1>}, {transform_indices = @transform_1, window_bounds = array<i64: 2000, 128>}, {transform_indices = @transform_2, window_bounds = array<i64: 2, 2000, 128>}, {pipeline_mode = #tpu.pipeline_mode<synchronous>, transform_indices = @transform_3, window_bounds = array<i64: 128, 128>}, {pipeline_mode = #tpu.pipeline_mode<synchronous>, transform_indices = @transform_4, window_bounds = array<i64: 1, 128>}, {pipeline_mode = #tpu.pipeline_mode<synchronous>, transform_indices = @transform_5, window_bounds = array<i64: 128, 128>}, {pipeline_mode = #tpu.pipeline_mode<synchronous>, transform_indices = @transform_6, window_bounds = array<i64: 1, 128>}, {transform_indices = @transform_7, window_bounds = array<i64: 2000, 128>}]} {
    %get3A = arith.constant 0 : index
    %get3A_0 = arith.constant 0 : index
    %get3A_1 = arith.constant 0 : index
    %get3A_2 = vector.load %arg3[%get3A, %get3A_0, %get3A_1] : memref<2x2000x128xf32, #tpu.memory_space<vmem>>, vector<1x2000x128xf32>
    %get3A_3 = vector.shape_cast %get3A_2 : vector<1x2000x128xf32> to vector<2000x128xf32>
    %get3A_4 = arith.constant 1 : index
    %get3A_5 = arith.constant 0 : index
    %get3A_6 = arith.constant 0 : index
    %get3A_7 = vector.load %arg3[%get3A_4, %get3A_5, %get3A_6] : memref<2x2000x128xf32, #tpu.memory_space<vmem>>, vector<1x2000x128xf32>
    %get3A_8 = vector.shape_cast %get3A_7 : vector<1x2000x128xf32> to vector<2000x128xf32>
    %add3A = arith.addf %get3A_3, %get3A_8 : vector<2000x128xf32>
    %get3A_9 = arith.constant 0 : index
    %get3A_10 = arith.constant 0 : index
    %get3A_11 = memref.load %arg1[%get3A_9, %get3A_10] : memref<1x1xf32, #tpu.memory_space<smem>>
    %add3A_12 = arith.constant 1.000000e+00 : f32
    %add3A_13 = arith.addf %add3A_12, %get3A_11 : f32
    %get3A_14 = arith.constant 0 : index
    %get3A_15 = arith.constant 0 : index
    %get3A_16 = vector.load %arg2[%get3A_14, %get3A_15] : memref<2000x128xf32, #tpu.memory_space<vmem>>, vector<2000x128xf32>
    %mul3A = vector.broadcast %add3A_13 : f32 to vector<2000x128xf32>
    %mul3A_17 = arith.mulf %mul3A, %get3A_16 : vector<2000x128xf32>
    %add3A_18 = arith.addf %mul3A_17, %add3A : vector<2000x128xf32>
    %get3A_19 = arith.constant 0 : index
    %get3A_20 = arith.constant 0 : index
    %get3A_21 = vector.load %arg4[%get3A_19, %get3A_20] : memref<128x128xf32, #tpu.memory_space<vmem>>, vector<128x128xf32>
    %dot_general3A = arith.constant dense<0.000000e+00> : vector<2000x128xf32>
    %dot_general3A_22 = tpu.matmul %add3A_18, %get3A_21, %dot_general3A {dimension_numbers = #tpu.dot_dimension_numbers<[1], [0], [0], [1], [0, 0, 1, 1], [], []>, transpose_lhs_hint = false} : vector<2000x128xf32>, vector<128x128xf32>, vector<2000x128xf32> -> vector<2000x128xf32>
    %get3A_23 = arith.constant 0 : index
    %get3A_24 = arith.constant 0 : index
    %get3A_25 = vector.load %arg5[%get3A_23, %get3A_24] : memref<1x128xf32, #tpu.memory_space<vmem>>, vector<1x128xf32>
    %add3A_26 = vector.broadcast %get3A_25 : vector<1x128xf32> to vector<2000x128xf32>
    %add3A_27 = arith.addf %dot_general3A_22, %add3A_26 : vector<2000x128xf32>
    %mul3A_28 = arith.constant 5.000000e-01 : f32
    %mul3A_29 = vector.broadcast %mul3A_28 : f32 to vector<2000x128xf32>
    %mul3A_30 = arith.mulf %mul3A_29, %add3A_27 : vector<2000x128xf32>
    %mul3A_31 = arith.constant 0.707106769 : f32
    %mul3A_32 = vector.broadcast %mul3A_31 : f32 to vector<2000x128xf32>
    %mul3A_33 = arith.mulf %add3A_27, %mul3A_32 : vector<2000x128xf32>
    %erf3A = math.erf %mul3A_33 : vector<2000x128xf32>
    %add3A_34 = arith.constant 1.000000e+00 : f32
    %add3A_35 = vector.broadcast %add3A_34 : f32 to vector<2000x128xf32>
    %add3A_36 = arith.addf %add3A_35, %erf3A : vector<2000x128xf32>
    %mul3A_37 = arith.mulf %mul3A_30, %add3A_36 : vector<2000x128xf32>
    %get3A_38 = arith.constant 0 : index
    %get3A_39 = arith.constant 0 : index
    %get3A_40 = vector.load %arg6[%get3A_38, %get3A_39] : memref<128x128xf32, #tpu.memory_space<vmem>>, vector<128x128xf32>
    %dot_general3A_41 = arith.constant dense<0.000000e+00> : vector<2000x128xf32>
    %dot_general3A_42 = tpu.matmul %mul3A_37, %get3A_40, %dot_general3A_41 {dimension_numbers = #tpu.dot_dimension_numbers<[1], [0], [0], [1], [0, 0, 1, 1], [], []>, transpose_lhs_hint = false} : vector<2000x128xf32>, vector<128x128xf32>, vector<2000x128xf32> -> vector<2000x128xf32>
    %get3A_43 = arith.constant 0 : index
    %get3A_44 = arith.constant 0 : index
    %get3A_45 = vector.load %arg7[%get3A_43, %get3A_44] : memref<1x128xf32, #tpu.memory_space<vmem>>, vector<1x128xf32>
    %add3A_46 = vector.broadcast %get3A_45 : vector<1x128xf32> to vector<2000x128xf32>
    %add3A_47 = arith.addf %dot_general3A_42, %add3A_46 : vector<2000x128xf32>
    %swap3A = arith.constant 0 : index
    %swap3A_48 = arith.constant 0 : index
    %swap3A_49 = vector.load %arg8[%swap3A, %swap3A_48] : memref<2000x128xf32, #tpu.memory_space<vmem>>, vector<2000x128xf32>
    tpu.vector_store %arg8[%swap3A, %swap3A_48], %add3A_47 {strides = array<i32>} : memref<2000x128xf32, #tpu.memory_space<vmem>>, vector<2000x128xf32>,
    return
  }
  func.func @transform_0(%arg0: i32) -> (i32, i32) {
    %c0_i32 = arith.constant 0 : i32
    %c0_i32_0 = arith.constant 0 : i32
    %c0_i32_1 = arith.constant 0 : i32
    return %c0_i32, %c0_i32_0 : i32, i32
  }
  func.func @transform_1(%arg0: i32) -> (i32, i32) {
    %c0_i32 = arith.constant 0 : i32
    %c0_i32_0 = arith.constant 0 : i32
    return %arg0, %c0_i32 : i32, i32
  }
  func.func @transform_2(%arg0: i32) -> (i32, i32, i32) {
    %c0_i32 = arith.constant 0 : i32
    %c0_i32_0 = arith.constant 0 : i32
    %c0_i32_1 = arith.constant 0 : i32
    return %c0_i32, %arg0, %c0_i32_0 : i32, i32, i32
  }
  func.func @transform_3(%arg0: i32) -> (i32, i32) {
    %c0_i32 = arith.constant 0 : i32
    %c0_i32_0 = arith.constant 0 : i32
    %c0_i32_1 = arith.constant 0 : i32
    return %c0_i32, %c0_i32_0 : i32, i32
  }
  func.func @transform_4(%arg0: i32) -> (i32, i32) {
    %c0_i32 = arith.constant 0 : i32
    %c0_i32_0 = arith.constant 0 : i32
    %c0_i32_1 = arith.constant 0 : i32
    return %c0_i32, %c0_i32_0 : i32, i32
  }
  func.func @transform_5(%arg0: i32) -> (i32, i32) {
    %c0_i32 = arith.constant 0 : i32
    %c0_i32_0 = arith.constant 0 : i32
    %c0_i32_1 = arith.constant 0 : i32
    return %c0_i32, %c0_i32_0 : i32, i32
  }
  func.func @transform_6(%arg0: i32) -> (i32, i32) {
    %c0_i32 = arith.constant 0 : i32
    %c0_i32_0 = arith.constant 0 : i32
    %c0_i32_1 = arith.constant 0 : i32
    return %c0_i32, %c0_i32_0 : i32, i32
  }
  func.func @transform_7(%arg0: i32) -> (i32, i32) {
    %c0_i32 = arith.constant 0 : i32
    %c0_i32_0 = arith.constant 0 : i32
    return %arg0, %c0_i32 : i32, i32
  }
}

</mosaic_0001>

<sc_bundles>
// kernel: kernel.11.cloned.1.call-start
scs
__scs_entry_jumppad:
0x0: {  	(pc) =	sbr.rel $0x88, $3  }
0x1: {  	(tag) =	ssettag $0x0;
	lr =	simm.s32 $0x1  }
0x2: {  	[smem:$0x3F90] =	sst lr;
	_ =	strace $0xD0000000  }
0x3: {  	_ = 	snop  }
0x4: {  	_ = 	snop  }
0x5: {  	_ = 	snop  }
0x6: {  	_ = 	snop  }
0x7: {  	_ = 	snop  }
__scs_overlays_trampoline_lowered:
0x8: {  	[smem:$0x3F9F] =	sst s0  }
0x9: {  	[smem:$0x3FA0] =	sst s1  }
0xa: {  	[smem:$0x3FA1] =	sst s2  }
0xb: {  	[smem:$0x3FA2] =	sst s3  }
0xc: {  	[smem:$0x3FA3] =	sst s4  }
0xd: {  	[smem:$0x3FA4] =	sst s5  }
0xe: {  	[smem:$0x3FA5] =	sst s6  }
0xf: {  	[smem:$0x3FA6] =	sst s7  }
0x10: {  	[smem:$0x3FA7] =	sst s8  }
0x11: {  	[smem:$0x3FA8] =	sst s9;
	s0 =	simm.s32 @!p0 $0x0  }
0x12: {  	s1 =	sld [smem:$0x3F8E];
	s0 =	simm.s32 @p0 $0x1  }
0x13: {  	[smem:$0x3FA9] =	sst s0;
	s0 =	simm.s32 @!p1 $0x0  }
0x14: {  	s2 =	sld [smem:$0x3F8D];
	s0 =	simm.s32 @p1 $0x1  }
0x15: {  	[smem:$0x3FAA] =	sst s0;
	s0 =	simm.s32 @!p2 $0x0  }
0x16: {  	s3 =	sld [smem:$0x3FDB];
	s0 =	simm.s32 @p2 $0x1  }
0x17: {  	s4 =	simm.s32 $0x1BF5;
	[smem:$0x3FAC] =	sst s0  }
0x18: {  	s0 =	sld [smem:$0x3F8F];
	_ =	swait.ge [sflag:s4], $0x0  }
0x19: {  	s7 =	sld [smem:$0x3F90]  }
0x1a: {  	s8 =	sadd.s32 $0xFFFFE003, lr  }
0x1b: {  	s9 =	sadd.s32 $0xFFFFFEF7, lr;
	s5 =	simm.s32 $0xFFFFFFFF;
	p2 =	slt.u32 s8, $0xFFFFF086  }
0x1c: {  	p1 =	slt.u32 s9, $0xF7A;
	s5 =	simm.s32 @!p2 $0x0  }
0x1d: {  	s5 =	simm.s32 @p1 $0x1;
	p0 =	seq.s32 s7, s2  }
0x1e: {  	s7 =	smul.u32 @!p0 $0xF7A, s2;
	p2 =	seq.s32 @!p0 s5, $0x0  }
0x1f: {  	s9 =	smul.u32 $0xF7A, s1;
	s8 =	simm.s32 @!p0 $0x1BF5;
	p2 =	por !p2, p0  }
0x20: {  	[sflag:s8] =	ssyncset.s32 @!p0 $0xFFFFF086;
	s6 =	sadd.s32 @!p0 s3, s7;
	s7 =	simm.s32 @!p0 $0x108  }
0x21: {  	s3 =	sadd.s32 s3, s9;
	s6 =	sadd.s32 @!p0 $0x88, s6;
	s7 =	simm.s32 @p2 $0x1082  }
0x22: {  	[simem:s7], [sflag:s8] =	dma.local @!p0 [hbm:s6], $0xF7A  }
0x23: {  	s9 =	sor.u32 $0xD0000000, s2;
	s6 =	simm.s32 $0x108;
	_ =	swait.ge @!p0 [sflag:s8], $0x0  }
0x24: {  	s3 =	sadd.s32 $0x88, s3;
	s6 =	simm.s32 @!p1 $0x1082;
	[sflag:s4] =	ssyncset.s32 $0xFFFFF086  }
0x25: {  	[simem:s6], [sflag:s4] =	dma.local [hbm:s3], $0xF7A  }
0x26: {  	[smem:$0x3F90] =	sst s1;
	(tag) =	ssettag s2;
	_ =	strace s9  }
0x27: {  	s1 =	sld [smem:$0x3FA0]  }
0x28: {  	s2 =	sld [smem:$0x3FA1]  }
0x29: {  	s4 =	sld [smem:$0x3FA3]  }
0x2a: {  	p0 =	seq.s32 s5, $0x0;
	s5 =	sld [smem:$0x3FA4]  }
0x2b: {  	s6 =	sld [smem:$0x3FA5]  }
0x2c: {  	s7 =	sld [smem:$0x3FA6]  }
0x2d: {  	s3 =	simm.s32 $0x108;
	s8 =	sld [smem:$0x3FA7]  }
0x2e: {  	s3 =	simm.s32 @!p0 $0x1082;
	s9 =	sld [smem:$0x3FA8]  }
0x2f: {  	lr =	sadd.s32 s0, s3;
	s0 =	sld [smem:$0x3F9F]  }
0x30: {  	s3 =	sld [smem:$0x3FA2]  }
0x31: {  	[smem:$0x3FAB] =	sst s10  }
0x32: {  	s10 =	sld [smem:$0x3FA9];
	_ =	sdelay $0x3  }
0x33: {  	p0 =	seq.s32 s10, $0x1;
	s10 =	sld [smem:$0x3FAB];
	_ =	sdelay $0x3  }
0x34: {  	[smem:$0x3FAB] =	sst s10  }
0x35: {  	s10 =	sld [smem:$0x3FAA];
	_ =	sdelay $0x3  }
0x36: {  	p1 =	seq.s32 s10, $0x1;
	s10 =	sld [smem:$0x3FAB];
	_ =	sdelay $0x3  }
0x37: {  	[smem:$0x3FAB] =	sst s10  }
0x38: {  	s10 =	sld [smem:$0x3FAC]  }
0x39: {  	_ = 	snop;
	(pc) =	sbr.ind lr, $3  }
0x3a: {  	_ = 	snop  }
0x3b: {  	_ = 	snop  }
0x3c: {  	p2 =	seq.s32 s10, $0x1;
	s10 =	sld [smem:$0x3FAB]  }
0x3d: {  	_ =	shalt  }
0x3e: {  	_ =	shalt  }
0x3f: {  	_ =	shalt  }
0x40: {  	_ =	shalt  }
0x41: {  	_ =	shalt  }
0x42: {  	_ =	shalt  }
0x43: {  	_ =	shalt  }
0x44: {  	_ =	shalt  }
0x45: {  	_ =	shalt  }
0x46: {  	_ =	shalt  }
0x47: {  	_ =	shalt  }
0x48: {  	_ =	shalt  }
0x49: {  	_ =	shalt  }
0x4a: {  	_ =	shalt  }
0x4b: {  	_ =	shalt  }
0x4c: {  	_ =	shalt  }
0x4d: {  	_ =	shalt  }
0x4e: {  	_ =	shalt  }
0x4f: {  	_ =	shalt  }
0x50: {  	_ =	shalt  }
0x51: {  	_ =	shalt  }
0x52: {  	_ =	shalt  }
0x53: {  	_ =	shalt  }
0x54: {  	_ =	shalt  }
0x55: {  	_ =	shalt  }
0x56: {  	_ =	shalt  }
0x57: {  	_ =	shalt  }
0x58: {  	_ =	shalt  }
0x59: {  	_ =	shalt  }
0x5a: {  	_ =	shalt  }
0x5b: {  	_ =	shalt  }
0x5c: {  	_ =	shalt  }
0x5d: {  	_ =	shalt  }
0x5e: {  	_ =	shalt  }
0x5f: {  	_ =	shalt  }
0x60: {  	_ =	shalt  }
0x61: {  	_ =	shalt  }
0x62: {  	_ =	shalt  }
0x63: {  	_ =	shalt  }
0x64: {  	_ =	shalt  }
0x65: {  	_ =	shalt  }
0x66: {  	_ =	shalt  }
0x67: {  	_ =	shalt  }
0x68: {  	_ =	shalt  }
0x69: {  	_ =	shalt  }
0x6a: {  	_ =	shalt  }
0x6b: {  	_ =	shalt  }
0x6c: {  	_ =	shalt  }
0x6d: {  	_ =	shalt  }
0x6e: {  	_ =	shalt  }
0x6f: {  	_ =	shalt  }
0x70: {  	_ =	shalt  }
0x71: {  	_ =	shalt  }
0x72: {  	_ =	shalt  }
0x73: {  	_ =	shalt  }
0x74: {  	_ =	shalt  }
0x75: {  	_ =	shalt  }
0x76: {  	_ =	shalt  }
0x77: {  	_ =	shalt  }
0x78: {  	_ =	shalt  }
0x79: {  	_ =	shalt  }
0x7a: {  	_ =	shalt  }
0x7b: {  	_ =	shalt  }
0x7c: {  	_ =	shalt  }
0x7d: {  	_ =	shalt  }
0x7e: {  	_ =	shalt  }
0x7f: {  	_ =	shalt  }
0x80: {  	_ =	shalt  }
0x81: {  	_ =	shalt  }
0x82: {  	_ =	shalt  }
0x83: {  	_ =	shalt  }
0x84: {  	_ =	shalt  }
0x85: {  	_ =	shalt  }
0x86: {  	_ =	shalt  }
0x87: {  	_ =	shalt  }
.Lfunc_end0:
.L_simem_size_0:
called_computation.1_lowered:
.L_overlay_start_0:
0x88: {  	s2 =	sld [smem:$0x3FD9]  }
0x89: {  	s3 =	sld [smem:$0x3FFE];
	_ =	sdelay $0x1  }
0x8a: {  	s1 =	srdreg.scid  }
0x8b: {  	s0 =	sand.u32 $0x1, s1  }
0x8c: {  	s17 =	sshll.u32 s0, $0xA;
	s2 =	sadd.s32 s3, s2  }
0x8d: {  	s2 =	sadd.s32 s2, s17  }
0x8e: {  	[smem:$0x3FB7] =	sst s2  }
0x8f: {  	_ = 	snop  }
0x90: {  	s2 =	sld [smem:$0x3FD0];
	(tm) =	ssettm $0x1  }
0x91: {  	s18 =	sld [smem:$0x3FFB];
	_ =	sdelay $0x3  }
0x92: {  	_ =	strace s18  }
0x93: {  	s3 =	sld [smem:$0x3FFC];
	_ =	sdelay $0x3  }
0x94: {  	_ =	strace s3  }
0x95: {  	s3 =	sld [smem:$0x3FFD];
	_ =	sdelay $0x3  }
0x96: {  	_ =	strace s3  }
0x97: {  	_ =	strace $0x8FFFFFFF  }
0x98: {  	s19 =	sld [smem:$0x3FDB];
	_ =	sdelay $0x1  }
0x99: {  	s4 =	simm.s32 $_scs_section_size  }
0x9a: {  	s5 =	simm.s32 $_size__tile_overlayer_lowered;
	s6 =	simm.s32 $_tile_overlayer_lowered  }
0x9b: {  	s22 =	simm.s32 $0x1BFF;
	s21 =	sshll.u32 s6, $0x1;
	s3 =	sadd.s32 s4, s19  }
0x9c: {  	s7 =	simm.s32 $0x0;
	s20 =	sshll.u32 s5, $0x1;
	s5 =	sadd.s32 s21, s3  }
0x9d: {  	[timem:s7], [sflag:s22] =	dma.local [hbm:s5], s20  }
0x9e: {  	_ =	swait.ge [sflag:s22], s20  }
0x9f: {  	s4 =	ssub.s32 $0x0, s20;
	[sflag:s22] =	ssyncset.done $0x0  }
0xa0: {  	[sflag:s22] =	ssyncadd.s32 s4;
	_ =	sdelay $0x1  }
0xa1: {  	s23 =	simm.s32 $0x1B8B  }
0xa2: {  	_ =	swait.ge [sflag:s23], $0x1  }
0xa3: {  	[sflag:s23] =	ssyncset.done $0x0  }
0xa4: {  	s25 =	simm.s32 $0x1B8E;
	s24 =	sld [smem:$0x3FFE];
	[sflag:s23] =	ssyncadd.s32 $0xFFFFFFFF  }
0xa5: {  	s26 =	simm.s32 $execute0_lowered;
	[smem:$0x3FD2] =	sst s25  }
0xa6: {  	s5 =	sshll.u32 s26, $0x1;
	_ =	strace $0x80000049;
	[dreg:$0x1] =	wrdreg $0xFFFFFFFF  }
0xa7: {  	s28 =	simm.s32 $_size_execute0_lowered;
	s3 =	sadd.s32 s3, s5;
	[dreg:$0x0] =	wrdreg $0x0  }
0xa8: {  	s5 =	sshll.u32 s28, $0x1;
	[dreg:$0x2] =	wrdreg s3  }
0xa9: {  	[dreg:$0x3] =	wrdreg s5  }
0xaa: {  	[dreg:$0x4] =	wrdreg $0xC0  }
0xab: {  	_ =	task [dreg:s7], $0x5FFFF  }
0xac: {  	[dreg:$0x1] =	wrdreg $0xFFFFFFFF  }
0xad: {  	[dreg:$0x0] =	wrdreg $0x60  }
0xae: {  	[dreg:$0x2] =	wrdreg s2  }
0xaf: {  	[dreg:$0x3] =	wrdreg s24  }
0xb0: {  	[dreg:$0x4] =	wrdreg $0xA6000  }
0xb1: {  	[dreg:$0x5] =	wrdreg $0x9  }
0xb2: {  	_ =	task.clear_ibuf [dreg:s7], $0x6FFFF;
	_ =	strace $0x90000049  }
0xb3: {  	s29 =	simm.s32 $0x9;
	_ =	strace $0x8000004B  }
0xb4: {  	_ =	swait.ge [sflag:s29], $0x1  }
0xb5: {  	[sflag:s29] =	ssyncadd.s32 $0xFFFFFFFF  }
0xb6: {  	_ =	strace $0x9000004B  }
0xb7: {  	_ =	sfence  }
0xb8: {  	s30 =	sld [smem:$0x0];
	_ =	sdelay $0x2  }
0xb9: {  	s31 =	sshll.u32 s1, $0xD;
	s1 =	sshrl.u32 s1, $0x2  }
0xba: {  	s3 =	sand.u32 $0x4000, s31;
	s1 =	sadd.s32 s1, s30  }
0xbb: {  	s0 =	sor.u32 s3, s0;
	s1 =	sshll.u32 s1, $0x11  }
0xbc: {  	s0 =	sor.u32 s1, s0  }
0xbd: {  	s0 =	sadd.s32 $0x8F2B, s0  }
0xbe: {  	[sflag:s0] =	ssyncadd.remote.s32 $0x1  }
0xbf: {  	_ =	sfence.sel $0xFFFF  }
0xc0: {  	[dreg:$0x0] =	wrdreg $0xFFFFFFFF;
	(pc) =	sbr.abs _section_cstart, $3  }
0xc1: {  	[dreg:$0x1] =	wrdreg $0xFFFFFFFF  }
0xc2: {  	_ =	task.clear_ibuf [dreg:s7], $0x2FFFF;
	_ =	strace $0x9FFFFFFF  }
0xc3: {  	(tm) =	ssettm $0x7FFFFFFF  }
tec
execute0_lowered:
.L_overlay_start_1:
0x0: {  	(tag) =	ssettag $0x1  }
0x1: {  	s1 =	rddreg [dreg:$0x0]  }
0x2: {  	s6 =	rddreg [dreg:$0x1]  }
0x3: {  	s0 =	srdreg.scid;
	s15 =	stileid.u32  }
0x4: {  	s2 =	simm.s32 $0x0;
	s28 =	simm.s32 $0x200;
	s30 =	simm.s32 $0x2  }
0x5: {  	s31 =	simm.s32 $0x2A00;
	s29 =	simm.s32 $0x0;
	s4 =	sand.u32 $0x1, s0  }
0x6: {  	s7 =	smul.u32 $0x13C00, s15;
	[smem:$0x7FF] =	sst s2;
	s9 =	sadd.s32 $0x15E00, s6  }
0x7: {  	s18 =	sshll.u32 s15, $0x1;
	s15 =	smul.u32 $0x4F000, s15;
	s0 =	ssub.s32 $0x2, s4  }
0x8: {  	s8 =	smul.u32 $0x13C000, s4;
	s11 =	sor.u32 s4, s18;
	s5 =	sshrl.u32 s0, $0x1  }
0x9: {  	s3 =	sadd.s32 $0x12000, s7;
	s13 =	sadd.s32 $0x6000, s7;
	s14 =	sadd.s32 $0x8000, s7  }
0xa: {  	s0 =	ssub.s32 s0, s5;
	s10 =	sadd.s32 s8, s3;
	s20 =	sadd.s32 s8, s7  }
0xb: {  	s23 =	sadd.s32 s8, s13;
	s25 =	sadd.s32 s8, s14;
	s19 =	sshrl.u32 s10, $0x3  }
0xc: {  	s5 =	sshrl.u32 s20, $0x3;
	s24 =	sshrl.u32 s23, $0x3;
	s20 =	sadd.s32 $0xA000, s7  }
0xd: {  	s23 =	sshrl.u32 s15, $0x2;
	s15 =	sadd.s32 $0xA28E00, s6;
	s4 =	sadd.s32 s9, s19  }
0xe: {  	s0 =	smax.u32 s0, $0x1;
	s5 =	sadd.s32 s9, s5;
	[dreg:$0x4] =	wrdreg s4  }
0xf: {  	s4 =	sadd.s32 $0x2000, s7;
	[dreg:$0x5] =	wrdreg s5;
	s5 =	sadd.s32 $0x4000, s7  }
0x10: {  	s26 =	sadd.s32 s8, s20;
	s21 =	sadd.s32 s8, s4;
	s12 =	sadd.s32 s8, s5  }
0x11: {  	s16 =	sshrl.u32 s26, $0x3;
	s10 =	sshrl.u32 s21, $0x3;
	s22 =	sshrl.u32 s12, $0x3  }
0x12: {  	s21 =	sadd.s32 $0xC000, s7;
	s12 =	rddreg [dreg:$0x2];
	s10 =	sadd.s32 s9, s10  }
0x13: {  	s17 =	sadd.s32 s8, s21;
	s3 =	sadd.s32 s3, s12;
	s13 =	sadd.s32 s13, s12  }
0x14: {  	s14 =	sadd.s32 s14, s12;
	s20 =	sadd.s32 s20, s12;
	[dreg:$0x6] =	wrdreg s10  }
0x15: {  	s10 =	sadd.s32 s9, s22;
	s18 =	sshrl.u32 s17, $0x3;
	s22 =	sadd.s32 $0xE000, s7  }
0x16: {  	s7 =	sadd.s32 $0x10000, s7;
	s17 =	sadd.s32 $0x2200, s6;
	s13 =	sshrl.u32 s13, $0x3  }
0x17: {  	s14 =	sshrl.u32 s14, $0x3;
	[dreg:$0x7] =	wrdreg s10;
	s10 =	sadd.s32 s9, s24  }
0x18: {  	s20 =	sshrl.u32 s20, $0x3;
	[dreg:$0x8] =	wrdreg s10;
	s10 =	sshrl.u32 s25, $0x3  }
0x19: {  	s19 =	sadd.s32 s8, s22;
	s8 =	sadd.s32 s8, s7;
	s10 =	sadd.s32 s9, s10  }
0x1a: {  	s7 =	sadd.s32 s7, s12;
	[dreg:$0x9] =	wrdreg s10;
	s10 =	sadd.s32 s9, s16  }
0x1b: {  	s8 =	sshrl.u32 s8, $0x3;
	[dreg:$0xa] =	wrdreg s10;
	s10 =	sadd.s32 s9, s18  }
0x1c: {  	s8 =	sadd.s32 s9, s8;
	[dreg:$0xb] =	wrdreg s10;
	s10 =	sshrl.u32 s19, $0x3  }
0x1d: {  	s25 =	smul.u32 $0x138800, s11;
	[dreg:$0xd] =	wrdreg s8;
	s10 =	sadd.s32 s9, s10  }
0x1e: {  	s16 =	sadd.s32 $0xC000, s6;
	s9 =	smul.u32 $0x2710, s11;
	[dreg:$0xc] =	wrdreg s10  }
0x1f: {  	s18 =	sadd.s32 s23, s12;
	_ =	strace $0x8000004A;
	[dreg:$0x17] =	wrdreg s0  }
0x20: {  	s10 =	smul.u32 $0x27100, s11;
	s24 =	sshrl.u32 s9, $0x3;
	[dreg:$0x1a] =	wrdreg s13  }
0x21: {  	s19 =	sadd.s32 $0x50, s9;
	s11 =	sadd.s32 $0x26C0, s9;
	[dreg:$0x1b] =	wrdreg s14  }
0x22: {  	[dreg:$0x1c] =	wrdreg s20;
	s13 =	simm.s32 $0xA200;
	s14 =	simm.s32 $0x7  }
0x23: {  	s20 =	simm.s32 $0x100;
	s26 =	sadd.s32 s16, s24;
	s23 =	sshrl.u32 s19, $0x3  }
0x24: {  	s6 =	sadd.s32 s17, s24;
	s24 =	sshrl.u32 s25, $0x3;
	[dreg:$0xe] =	wrdreg s26  }
0x25: {  	s10 =	sadd.s32 s15, s10;
	s8 =	sshll.u32 s11, $0x4;
	[dreg:$0xf] =	wrdreg s6  }
0x26: {  	s25 =	sadd.s32 s16, s23;
	s26 =	sadd.s32 s17, s23;
	[dreg:$0x12] =	wrdreg s10  }
0x27: {  	s6 =	sadd.s32 s15, s24;
	s23 =	sshrl.u32 s11, $0x3;
	[dreg:$0x10] =	wrdreg s25  }
0x28: {  	s10 =	sadd.s32 s4, s12;
	[dreg:$0x11] =	wrdreg s26;
	s6 =	sadd.s32 $0x26700, s6  }
0x29: {  	s25 =	sadd.s32 $0xA0, s9;
	s24 =	sadd.s32 s16, s23;
	[dreg:$0x13] =	wrdreg s6  }
0x2a: {  	s26 =	sadd.s32 $0xF0, s9;
	s9 =	sadd.s32 s15, s8;
	[dreg:$0x14] =	wrdreg s24  }
0x2b: {  	s11 =	sadd.s32 s5, s12;
	s0 =	sshrl.u32 s10, $0x3;
	[dreg:$0x16] =	wrdreg s9  }
0x2c: {  	s4 =	simm.s32 $0x4;
	s11 =	sshrl.u32 s11, $0x3;
	[dreg:$0x18] =	wrdreg s0  }
0x2d: {  	s6 =	sadd.s32 s17, s23;
	s23 =	sadd.s32 s21, s12;
	[dreg:$0x19] =	wrdreg s11  }
0x2e: {  	s24 =	sadd.s32 s22, s12;
	[dreg:$0x15] =	wrdreg s6;
	s21 =	sshrl.u32 s23, $0x3  }
0x2f: {  	s5 =	simm.s32 $0x6;
	s22 =	sshrl.u32 s24, $0x3;
	[dreg:$0x1d] =	wrdreg s21  }
0x30: {  	s0 =	simm.s32 $0x3;
	s23 =	sshrl.u32 s7, $0x3;
	[dreg:$0x1e] =	wrdreg s22  }
0x31: {  	s24 =	sshrl.u32 s3, $0x3;
	s3 =	simm.s32 $0x5;
	[dreg:$0x1f] =	wrdreg s23  }
0x32: {  	s7 =	simm.s32 $0x0;
	[smem:$0x7FD] =	sst s24;
	s21 =	simm.s32 $0x80  }
0x33: {  	v0 =	vimm.f32 $0.0e+00;
	s22 =	simm.s32 $0x180;
	s23 =	simm.s32 $0x1;
	s24 =	simm.s32 $0x50  }
.LBB2_1:
0x34: {  	[tilespmem:$0xA200] =	vst v0  }
0x35: {  	[tilespmem:$0xA210] =	vst v0  }
0x36: {  	[tilespmem:$0xA220] =	vst v0  }
0x37: {  	[tilespmem:$0xA230] =	vst v0  }
0x38: {  	[tilespmem:$0xA240] =	vst v0  }
0x39: {  	[tilespmem:$0xA250] =	vst v0  }
0x3a: {  	[tilespmem:$0xA260] =	vst v0  }
0x3b: {  	[tilespmem:$0xA270] =	vst v0  }
0x3c: {  	[tilespmem:$0xA280] =	vst v0  }
0x3d: {  	[tilespmem:$0xA290] =	vst v0  }
0x3e: {  	[tilespmem:$0xA2A0] =	vst v0  }
0x3f: {  	[tilespmem:$0xA2B0] =	vst v0  }
0x40: {  	[tilespmem:$0xA2C0] =	vst v0  }
0x41: {  	[tilespmem:$0xA2D0] =	vst v0  }
0x42: {  	[tilespmem:$0xA2E0] =	vst v0  }
0x43: {  	[tilespmem:$0xA2F0] =	vst v0  }
0x44: {  	[tilespmem:$0xA300] =	vst v0  }
0x45: {  	[tilespmem:$0xA310] =	vst v0  }
0x46: {  	[tilespmem:$0xA320] =	vst v0  }
0x47: {  	[tilespmem:$0xA330] =	vst v0  }
0x48: {  	[tilespmem:$0xA340] =	vst v0  }
0x49: {  	[tilespmem:$0xA350] =	vst v0  }
0x4a: {  	[tilespmem:$0xA360] =	vst v0  }
0x4b: {  	[tilespmem:$0xA370] =	vst v0  }
0x4c: {  	[tilespmem:$0xA380] =	vst v0  }
0x4d: {  	[tilespmem:$0xA390] =	vst v0  }
0x4e: {  	[tilespmem:$0xA3A0] =	vst v0  }
0x4f: {  	[tilespmem:$0xA3B0] =	vst v0  }
0x50: {  	[tilespmem:$0xA3C0] =	vst v0  }
0x51: {  	[tilespmem:$0xA3D0] =	vst v0  }
0x52: {  	[tilespmem:$0xA3E0] =	vst v0  }
0x53: {  	[tilespmem:$0xA3F0] =	vst v0  }
0x54: {  	[tilespmem:$0xA400] =	vst v0  }
0x55: {  	[tilespmem:$0xA410] =	vst v0  }
0x56: {  	[tilespmem:$0xA420] =	vst v0  }
0x57: {  	[tilespmem:$0xA430] =	vst v0  }
0x58: {  	[tilespmem:$0xA440] =	vst v0  }
0x59: {  	[tilespmem:$0xA450] =	vst v0  }
0x5a: {  	[tilespmem:$0xA460] =	vst v0  }
0x5b: {  	[tilespmem:$0xA470] =	vst v0  }
0x5c: {  	[tilespmem:$0xA480] =	vst v0  }
0x5d: {  	[tilespmem:$0xA490] =	vst v0  }
0x5e: {  	[tilespmem:$0xA4A0] =	vst v0  }
0x5f: {  	[tilespmem:$0xA4B0] =	vst v0  }
0x60: {  	[tilespmem:$0xA4C0] =	vst v0  }
0x61: {  	[tilespmem:$0xA4D0] =	vst v0  }
0x62: {  	[tilespmem:$0xA4E0] =	vst v0  }
0x63: {  	[tilespmem:$0xA4F0] =	vst v0  }
0x64: {  	[tilespmem:$0xA500] =	vst v0  }
0x65: {  	[tilespmem:$0xA510] =	vst v0  }
0x66: {  	[tilespmem:$0xA520] =	vst v0  }
0x67: {  	[tilespmem:$0xA530] =	vst v0  }
0x68: {  	[tilespmem:$0xA540] =	vst v0  }
0x69: {  	[tilespmem:$0xA550] =	vst v0  }
0x6a: {  	[tilespmem:$0xA560] =	vst v0  }
0x6b: {  	[tilespmem:$0xA570] =	vst v0  }
0x6c: {  	[tilespmem:$0xA580] =	vst v0  }
0x6d: {  	[tilespmem:$0xA590] =	vst v0  }
0x6e: {  	[tilespmem:$0xA5A0] =	vst v0  }
0x6f: {  	[tilespmem:$0xA5B0] =	vst v0  }
0x70: {  	[tilespmem:$0xA5C0] =	vst v0  }
0x71: {  	[tilespmem:$0xA5D0] =	vst v0  }
0x72: {  	[tilespmem:$0xA5E0] =	vst v0  }
0x73: {  	[smem:$0x7FC] =	sst s7;
	[tilespmem:$0xA5F0] =	vst v0;
	s6 =	sadd.s32 $0x0, s18  }
0x74: {  	[spmem:s6] =	stream.linear.scatter [tilespmem:s13], [sflag:$0x7], $0x400, $0x38;
	[tilespmem:$0x1E200] =	vst v63  }
0x75: {  	s6 =	simm.s32 $0x1000;
	_ =	swait.ge [sflag:s14], $0x400  }
.LBB2_2:
0x76: {  	s7 =	sshra.s32 s6, $0x2;
	[sflag:s14] =	ssyncset.done $0x0;
	p0 =	sne.s32 s6, $0x4E000  }
.Ltmp0:
0x77: {  	s7 =	sadd.s32 s7, s18;
	[sflag:s14] =	ssyncadd.s32 $0xFFFFFC00;
	(pc) =	sbr.rel @p0 .LBB2_2-.Ltmp0, $3  }
0x78: {  	[spmem:s7] =	stream.linear.scatter [tilespmem:s13], [sflag:$0x7], $0x400, $0x38;
	[tilespmem:$0x1E200] =	vst v63  }
0x79: {  	s6 =	sadd.s32 $0x1000, s6;
	_ =	sdelay $0x1  }
0x7a: {  	_ =	swait.ge [sflag:s14], $0x400  }
0x7b: {  	[sflag:s14] =	ssyncset.done $0x0  }
0x7c: {  	[sflag:s14] =	ssyncadd.s32 $0xFFFFFC00  }
0x7d: {  	[bflag:$0x0] =	sbarrier.arrive $0xFFFF  }
0x7e: {  	s7 =	simm.s32 $0x0;
	s6 =	rddreg [dreg:$0xe]  }
0x7f: {  	[tilespmem:s7], [sflag:$0x1] =	stream.linear.gather [hbm4b:s6+s7], $0x50, $0x38;
	[tilespmem:$0x1E200] =	vst v63  }
0x80: {  	s8 =	rddreg [dreg:$0xf]  }
0x81: {  	[tilespmem:s20], [sflag:$0x1] =	stream.linear.gather [hbm4b:s8+s7], $0x50, $0x38;
	[tilespmem:$0x1E200] =	vst v63  }
0x82: {  	s9 =	rddreg [dreg:$0x10]  }
0x83: {  	[tilespmem:s21], [sflag:$0x2] =	stream.linear.gather [hbm4b:s9+s7], $0x50, $0x38;
	[tilespmem:$0x1E200] =	vst v63  }
0x84: {  	s10 =	rddreg [dreg:$0x11]  }
0x85: {  	[tilespmem:s22], [sflag:$0x2] =	stream.linear.gather [hbm4b:s10+s7], $0x50, $0x38;
	[tilespmem:$0x1E200] =	vst v63  }
0x86: {  	_ =	swait.ge [sflag:s23], $0x50  }
0x87: {  	[sflag:s23] =	ssyncset.done $0x0  }
0x88: {  	[sflag:s23] =	ssyncadd.s32 $0xFFFFFFB0  }
0x89: {  	_ =	swait.ge [sflag:s23], $0x50  }
0x8a: {  	[sflag:s23] =	ssyncset.done $0x0  }
0x8b: {  	[sflag:s23] =	ssyncadd.s32 $0xFFFFFFB0  }
0x8c: {  	[tilespmem:s28], [sflag:$0x3] =	stream.indirect.gather [hbm4b:s1+s24], $0x80, s7, s24, $0xb8;
	[tilespmem:$0x1E200] =	vst v63  }
0x8d: {  	s8 =	simm.s32 $0x5200;
	s11 =	rddreg [dreg:$0x12]  }
0x8e: {  	[tilespmem:s8], [sflag:$0x5] =	stream.linear.gather [hbm4b:s11+s7], $0x2800, $0x38;
	[tilespmem:$0x1E200] =	vst v63  }
0x8f: {  	s8 =	simm.s32 $0x0  }
.LBB2_4:
0x90: {  	_ =	swait.ge [sflag:s30], $0x50  }
0x91: {  	[sflag:s30] =	ssyncset.done $0x0  }
0x92: {  	s9 =	smul.u32 $0xA0, s8;
	[sflag:s30] =	ssyncadd.s32 $0xFFFFFFB0  }
0x93: {  	_ =	swait.ge [sflag:s30], $0x50  }
0x94: {  	s6 =	sadd.s32 s9, s19;
	[sflag:s30] =	ssyncset.done $0x0  }
0x95: {  	s6 =	sshll.u32 s6, $0x4;
	[sflag:s30] =	ssyncadd.s32 $0xFFFFFFB0  }
0x96: {  	[tilespmem:s31], [sflag:$0x4] =	stream.indirect.gather [hbm4b:s1+s24], $0x80, s21, s24, $0xb8;
	[tilespmem:$0x1E200] =	vst v63  }
0x97: {  	s10 =	simm.s32 $0x7A00;
	s6 =	sadd.s32 s15, s6  }
0x98: {  	[tilespmem:s10], [sflag:$0x6] =	stream.linear.gather [hbm4b:s6+s7], $0x2800, $0x38;
	[tilespmem:$0x1E200] =	vst v63  }
0x99: {  	_ =	swait.ge [sflag:s0], $0x2800  }
0x9a: {  	[sflag:s0] =	ssyncset.done $0x0  }
0x9b: {  	[sflag:s0] =	ssyncadd.s32 $0xFFFFD800  }
0x9c: {  	_ =	swait.ge [sflag:s3], $0x2800  }
0x9d: {  	[sflag:s3] =	ssyncset.done $0x0  }
0x9e: {  	s10 =	simm.s32 $0x0;
	[sflag:s3] =	ssyncadd.s32 $0xFFFFD800  }
0x9f: {  	v7 =	vld [tilespmem:s10+$0x5200]  }
0xa0: {  	v12 =	vld [tilespmem:s10+$0x5210]  }
0xa1: {  	v6 =	vld [tilespmem:s10+$0x5220]  }
0xa2: {  	v5 =	vld [tilespmem:s10+$0x5230]  }
0xa3: {  	v4 =	vld [tilespmem:s10+$0x5240]  }
0xa4: {  	v3 =	vld [tilespmem:s10+$0x5250]  }
0xa5: {  	v2 =	vld [tilespmem:s10+$0x5260]  }
0xa6: {  	v1 =	vld [tilespmem:s10+$0x5270]  }
0xa7: {  	v13 =	vld [tilespmem:s10+$0x200]  }
0xa8: {  	v14 =	vld [tilespmem:s10+$0x210]  }
0xa9: {  	v11 =	vld [tilespmem:s10+$0x220]  }
0xaa: {  	v10 =	vld [tilespmem:s10+$0x230]  }
0xab: {  	v9 =	vld [tilespmem:s10+$0x240]  }
0xac: {  	v8 =	vld [tilespmem:s10+$0x250];
	v13 =	vadd.f32 v7, v13  }
0xad: {  	s6 =	simm.s32 $0x200;
	v12 =	vadd.f32 v12, v14;
	v7 =	vld [tilespmem:s10+$0x260]  }
.LBB2_5:
0xae: {  	s11 =	sshra.s32 s6, $0x2;
	p0 =	sne.s32 s6, $0x9E00;
	v13 =	vmax.f32 v13, $0.0e+00;
	v6 =	vadd.f32 v6, v11;
	v11 =	vld [tilespmem:s10+$0x270]  }
0xaf: {  	v14 =	vld [tilespmem:s11+$0x5200];
	[tilespmem:s10+$0x200] =	vst v13;
	v12 =	vmax.f32 v12, $0.0e+00;
	v5 =	vadd.f32 v5, v10  }
0xb0: {  	v15 =	vld [tilespmem:s11+$0x5210];
	[tilespmem:s10+$0x210] =	vst v12;
	v10 =	vmax.f32 v6, $0.0e+00;
	v4 =	vadd.f32 v4, v9  }
0xb1: {  	v6 =	vld [tilespmem:s11+$0x5220];
	[tilespmem:s10+$0x220] =	vst v10;
	v9 =	vmax.f32 v5, $0.0e+00;
	v3 =	vadd.f32 v3, v8  }
0xb2: {  	v5 =	vld [tilespmem:s11+$0x5230];
	[tilespmem:s10+$0x230] =	vst v9;
	v8 =	vmax.f32 v4, $0.0e+00;
	v2 =	vadd.f32 v2, v7  }
0xb3: {  	v4 =	vld [tilespmem:s11+$0x5240];
	[tilespmem:s10+$0x240] =	vst v8;
	v7 =	vmax.f32 v3, $0.0e+00;
	v1 =	vadd.f32 v1, v11  }
0xb4: {  	v3 =	vld [tilespmem:s11+$0x5250];
	[tilespmem:s10+$0x250] =	vst v7;
	v7 =	vmax.f32 v2, $0.0e+00  }
0xb5: {  	v2 =	vld [tilespmem:s11+$0x5260];
	[tilespmem:s10+$0x260] =	vst v7;
	v7 =	vmax.f32 v1, $0.0e+00  }
0xb6: {  	v1 =	vld [tilespmem:s11+$0x5270];
	[tilespmem:s10+$0x270] =	vst v7;
	s10 =	smov.u32 s11  }
0xb7: {  	v7 =	vld [tilespmem:s10+$0x200]  }
0xb8: {  	v12 =	vld [tilespmem:s10+$0x210]  }
.Ltmp1:
0xb9: {  	v11 =	vld [tilespmem:s10+$0x220];
	(pc) =	sbr.rel @p0 .LBB2_5-.Ltmp1, $4  }
0xba: {  	v10 =	vld [tilespmem:s10+$0x230]  }
0xbb: {  	v9 =	vld [tilespmem:s10+$0x240]  }
0xbc: {  	v13 =	vadd.f32 v14, v7;
	v8 =	vld [tilespmem:s10+$0x250]  }
0xbd: {  	s6 =	sadd.s32 $0x200, s6;
	v12 =	vadd.f32 v15, v12;
	v7 =	vld [tilespmem:s10+$0x260]  }
0xbe: {  	v13 =	vmax.f32 v13, $0.0e+00;
	v6 =	vadd.f32 v6, v11;
	v11 =	vld [tilespmem:s10+$0x270]  }
0xbf: {  	[tilespmem:s10+$0x200] =	vst v13;
	v12 =	vmax.f32 v12, $0.0e+00;
	v5 =	vadd.f32 v5, v10  }
0xc0: {  	[tilespmem:s10+$0x210] =	vst v12;
	v6 =	vmax.f32 v6, $0.0e+00;
	v4 =	vadd.f32 v4, v9  }
0xc1: {  	[tilespmem:s10+$0x220] =	vst v6;
	v5 =	vmax.f32 v5, $0.0e+00;
	v3 =	vadd.f32 v3, v8  }
0xc2: {  	[tilespmem:s10+$0x230] =	vst v5;
	v4 =	vmax.f32 v4, $0.0e+00;
	v2 =	vadd.f32 v2, v7  }
0xc3: {  	[tilespmem:s10+$0x240] =	vst v4;
	v3 =	vmax.f32 v3, $0.0e+00;
	v1 =	vadd.f32 v1, v11  }
0xc4: {  	[tilespmem:s10+$0x250] =	vst v3;
	v2 =	vmax.f32 v2, $0.0e+00  }
0xc5: {  	[tilespmem:s10+$0x260] =	vst v2;
	v1 =	vmax.f32 v1, $0.0e+00  }
0xc6: {  	[tilespmem:s10+$0x270] =	vst v1  }
0xc7: {  	[spmem:s12] =	stream.indirect.scatter.add.f32 [tilespmem:s28], [sflag:$0x7], $0x80, s20, s24, $0xb8;
	[tilespmem:$0x1E200] =	vst v63  }
0xc8: {  	s6 =	sadd.s32 s9, s25;
	_ =	swait.ge [sflag:s14], $0x2800  }
0xc9: {  	s10 =	sshrl.u32 s6, $0x3;
	[sflag:s14] =	ssyncset.done $0x0  }
0xca: {  	s11 =	sadd.s32 s16, s10;
	[sflag:s14] =	ssyncadd.s32 $0xFFFFD800  }
0xcb: {  	[tilespmem:s29], [sflag:$0x1] =	stream.linear.gather [hbm4b:s11+s29], $0x50, $0x38;
	[tilespmem:$0x1E200] =	vst v63  }
0xcc: {  	s10 =	sadd.s32 s17, s10  }
0xcd: {  	[tilespmem:s20], [sflag:$0x1] =	stream.linear.gather [hbm4b:s10+s29], $0x50, $0x38;
	[tilespmem:$0x1E200] =	vst v63  }
0xce: {  	_ =	swait.ge [sflag:s23], $0x50  }
0xcf: {  	[sflag:s23] =	ssyncset.done $0x0  }
0xd0: {  	[sflag:s23] =	ssyncadd.s32 $0xFFFFFFB0  }
0xd1: {  	_ =	swait.ge [sflag:s23], $0x50  }
0xd2: {  	[sflag:s23] =	ssyncset.done $0x0  }
0xd3: {  	s6 =	sshll.u32 s6, $0x4;
	[sflag:s23] =	ssyncadd.s32 $0xFFFFFFB0  }
0xd4: {  	[tilespmem:s28], [sflag:$0x3] =	stream.indirect.gather [hbm4b:s1+s24], $0x80, s29, s24, $0xb8;
	[tilespmem:$0x1E200] =	vst v63  }
0xd5: {  	s6 =	sadd.s32 s15, s6;
	s11 =	simm.s32 $0x5200  }
0xd6: {  	[tilespmem:s11], [sflag:$0x5] =	stream.linear.gather [hbm4b:s6+s29], $0x2800, $0x38;
	[tilespmem:$0x1E200] =	vst v63  }
0xd7: {  	_ =	swait.ge [sflag:s4], $0x2800  }
0xd8: {  	[sflag:s4] =	ssyncset.done $0x0  }
0xd9: {  	[sflag:s4] =	ssyncadd.s32 $0xFFFFD800  }
0xda: {  	_ =	swait.ge [sflag:s5], $0x2800  }
0xdb: {  	[sflag:s5] =	ssyncset.done $0x0  }
0xdc: {  	s10 =	simm.s32 $0x0;
	[sflag:s5] =	ssyncadd.s32 $0xFFFFD800  }
0xdd: {  	v7 =	vld [tilespmem:s10+$0x7A00]  }
0xde: {  	v12 =	vld [tilespmem:s10+$0x7A10]  }
0xdf: {  	v6 =	vld [tilespmem:s10+$0x7A20]  }
0xe0: {  	v5 =	vld [tilespmem:s10+$0x7A30]  }
0xe1: {  	v4 =	vld [tilespmem:s10+$0x7A40]  }
0xe2: {  	v3 =	vld [tilespmem:s10+$0x7A50]  }
0xe3: {  	v2 =	vld [tilespmem:s10+$0x7A60]  }
0xe4: {  	v1 =	vld [tilespmem:s10+$0x7A70]  }
0xe5: {  	v13 =	vld [tilespmem:s10+$0x2A00]  }
0xe6: {  	v14 =	vld [tilespmem:s10+$0x2A10]  }
0xe7: {  	v11 =	vld [tilespmem:s10+$0x2A20]  }
0xe8: {  	v10 =	vld [tilespmem:s10+$0x2A30]  }
0xe9: {  	v9 =	vld [tilespmem:s10+$0x2A40]  }
0xea: {  	v8 =	vld [tilespmem:s10+$0x2A50];
	v13 =	vadd.f32 v7, v13  }
0xeb: {  	s6 =	simm.s32 $0x200;
	v12 =	vadd.f32 v12, v14;
	v7 =	vld [tilespmem:s10+$0x2A60]  }
.LBB2_7:
0xec: {  	s11 =	sshra.s32 s6, $0x2;
	p0 =	sne.s32 s6, $0x9E00;
	v13 =	vmax.f32 v13, $0.0e+00;
	v6 =	vadd.f32 v6, v11;
	v11 =	vld [tilespmem:s10+$0x2A70]  }
0xed: {  	v14 =	vld [tilespmem:s11+$0x7A00];
	[tilespmem:s10+$0x2A00] =	vst v13;
	v12 =	vmax.f32 v12, $0.0e+00;
	v5 =	vadd.f32 v5, v10  }
0xee: {  	v15 =	vld [tilespmem:s11+$0x7A10];
	[tilespmem:s10+$0x2A10] =	vst v12;
	v10 =	vmax.f32 v6, $0.0e+00;
	v4 =	vadd.f32 v4, v9  }
0xef: {  	v6 =	vld [tilespmem:s11+$0x7A20];
	[tilespmem:s10+$0x2A20] =	vst v10;
	v9 =	vmax.f32 v5, $0.0e+00;
	v3 =	vadd.f32 v3, v8  }
0xf0: {  	v5 =	vld [tilespmem:s11+$0x7A30];
	[tilespmem:s10+$0x2A30] =	vst v9;
	v8 =	vmax.f32 v4, $0.0e+00;
	v2 =	vadd.f32 v2, v7  }
0xf1: {  	v4 =	vld [tilespmem:s11+$0x7A40];
	[tilespmem:s10+$0x2A40] =	vst v8;
	v7 =	vmax.f32 v3, $0.0e+00;
	v1 =	vadd.f32 v1, v11  }
0xf2: {  	v3 =	vld [tilespmem:s11+$0x7A50];
	[tilespmem:s10+$0x2A50] =	vst v7;
	v7 =	vmax.f32 v2, $0.0e+00  }
0xf3: {  	v2 =	vld [tilespmem:s11+$0x7A60];
	[tilespmem:s10+$0x2A60] =	vst v7;
	v7 =	vmax.f32 v1, $0.0e+00  }
0xf4: {  	v1 =	vld [tilespmem:s11+$0x7A70];
	[tilespmem:s10+$0x2A70] =	vst v7;
	s10 =	smov.u32 s11  }
0xf5: {  	v7 =	vld [tilespmem:s10+$0x2A00]  }
0xf6: {  	v12 =	vld [tilespmem:s10+$0x2A10]  }
.Ltmp2:
0xf7: {  	v11 =	vld [tilespmem:s10+$0x2A20];
	(pc) =	sbr.rel @p0 .LBB2_7-.Ltmp2, $4  }
0xf8: {  	v10 =	vld [tilespmem:s10+$0x2A30]  }
0xf9: {  	v9 =	vld [tilespmem:s10+$0x2A40]  }
0xfa: {  	v13 =	vadd.f32 v14, v7;
	v8 =	vld [tilespmem:s10+$0x2A50]  }
0xfb: {  	s6 =	sadd.s32 $0x200, s6;
	v12 =	vadd.f32 v15, v12;
	v7 =	vld [tilespmem:s10+$0x2A60]  }
0xfc: {  	v13 =	vmax.f32 v13, $0.0e+00;
	v6 =	vadd.f32 v6, v11;
	v63 =	vld [tilespmem:s10+$0x2A70]  }
0xfd: {  	[tilespmem:s10+$0x2A00] =	vst v13;
	v12 =	vmax.f32 v12, $0.0e+00;
	v5 =	vadd.f32 v5, v10  }
0xfe: {  	[tilespmem:s10+$0x2A10] =	vst v12;
	v6 =	vmax.f32 v6, $0.0e+00;
	v4 =	vadd.f32 v4, v9  }
0xff: {  	[tilespmem:s10+$0x2A20] =	vst v6;
	v5 =	vmax.f32 v5, $0.0e+00;
	v3 =	vadd.f32 v3, v8  }
0x100: {  	[tilespmem:s10+$0x2A30] =	vst v5;
	v4 =	vmax.f32 v4, $0.0e+00;
	v2 =	vadd.f32 v2, v7  }
0x101: {  	[tilespmem:s10+$0x2A40] =	vst v4;
	v3 =	vmax.f32 v3, $0.0e+00;
	v1 =	vadd.f32 v1, v63  }
0x102: {  	[tilespmem:s10+$0x2A50] =	vst v3;
	v2 =	vmax.f32 v2, $0.0e+00  }
0x103: {  	[tilespmem:s10+$0x2A60] =	vst v2;
	v1 =	vmax.f32 v1, $0.0e+00  }
0x104: {  	s8 =	sadd.s32 $0x1, s8;
	[tilespmem:s10+$0x2A70] =	vst v1  }
0x105: {  	[spmem:s12] =	stream.indirect.scatter.add.f32 [tilespmem:s31], [sflag:$0x7], $0x80, s22, s24, $0xb8;
	[tilespmem:$0x1E200] =	vst v63  }
0x106: {  	s6 =	sadd.s32 s9, s26;
	p0 =	sne.s32 s8, $0x3D;
	_ =	swait.ge [sflag:s14], $0x2800  }
.Ltmp3:
0x107: {  	s6 =	sshrl.u32 s6, $0x3;
	[sflag:s14] =	ssyncset.done $0x0;
	(pc) =	sbr.rel @p0 .LBB2_4-.Ltmp3, $4  }
0x108: {  	s11 =	sadd.s32 s16, s6;
	[sflag:s14] =	ssyncadd.s32 $0xFFFFD800  }
0x109: {  	[tilespmem:s21], [sflag:$0x2] =	stream.linear.gather [hbm4b:s11+s2], $0x50, $0x38;
	[tilespmem:$0x1E200] =	vst v63  }
0x10a: {  	s6 =	sadd.s32 s17, s6  }
0x10b: {  	[tilespmem:s22], [sflag:$0x2] =	stream.linear.gather [hbm4b:s6+s2], $0x50, $0x38;
	[tilespmem:$0x1E200] =	vst v63  }
0x10c: {  	_ =	swait.ge [sflag:s30], $0x50  }
0x10d: {  	[sflag:s30] =	ssyncset.done $0x0  }
0x10e: {  	[sflag:s30] =	ssyncadd.s32 $0xFFFFFFB0  }
0x10f: {  	_ =	swait.ge [sflag:s30], $0x50  }
0x110: {  	[sflag:s30] =	ssyncset.done $0x0  }
0x111: {  	[sflag:s30] =	ssyncadd.s32 $0xFFFFFFB0  }
0x112: {  	[tilespmem:s31], [sflag:$0x4] =	stream.indirect.gather [hbm4b:s1+s24], $0x80, s21, s24, $0xb8;
	[tilespmem:$0x1E200] =	vst v63  }
0x113: {  	s6 =	simm.s32 $0x0;
	s8 =	simm.s32 $0x7A00;
	s7 =	rddreg [dreg:$0x13]  }
0x114: {  	[tilespmem:s8], [sflag:$0x6] =	stream.linear.gather [hbm4b:s7+s6], $0x2800, $0x38;
	[tilespmem:$0x1E200] =	vst v63  }
0x115: {  	_ =	swait.ge [sflag:s0], $0x2800  }
0x116: {  	[sflag:s0] =	ssyncset.done $0x0  }
0x117: {  	[sflag:s0] =	ssyncadd.s32 $0xFFFFD800  }
0x118: {  	_ =	swait.ge [sflag:s3], $0x2800  }
0x119: {  	[sflag:s3] =	ssyncset.done $0x0  }
0x11a: {  	s7 =	simm.s32 $0x0;
	[sflag:s3] =	ssyncadd.s32 $0xFFFFD800  }
0x11b: {  	v7 =	vld [tilespmem:s7+$0x5200]  }
0x11c: {  	v12 =	vld [tilespmem:s7+$0x5210]  }
0x11d: {  	v6 =	vld [tilespmem:s7+$0x5220]  }
0x11e: {  	v5 =	vld [tilespmem:s7+$0x5230]  }
0x11f: {  	v4 =	vld [tilespmem:s7+$0x5240]  }
0x120: {  	v3 =	vld [tilespmem:s7+$0x5250]  }
0x121: {  	v2 =	vld [tilespmem:s7+$0x5260]  }
0x122: {  	v1 =	vld [tilespmem:s7+$0x5270]  }
0x123: {  	v13 =	vld [tilespmem:s7+$0x200]  }
0x124: {  	v14 =	vld [tilespmem:s7+$0x210]  }
0x125: {  	v11 =	vld [tilespmem:s7+$0x220]  }
0x126: {  	v10 =	vld [tilespmem:s7+$0x230]  }
0x127: {  	v9 =	vld [tilespmem:s7+$0x240]  }
0x128: {  	v8 =	vld [tilespmem:s7+$0x250];
	v13 =	vadd.f32 v7, v13  }
0x129: {  	s6 =	simm.s32 $0x200;
	v12 =	vadd.f32 v12, v14;
	v7 =	vld [tilespmem:s7+$0x260]  }
.LBB2_10:
0x12a: {  	s8 =	sshra.s32 s6, $0x2;
	p0 =	sne.s32 s6, $0x9E00;
	v13 =	vmax.f32 v13, $0.0e+00;
	v6 =	vadd.f32 v6, v11;
	v11 =	vld [tilespmem:s7+$0x270]  }
0x12b: {  	v14 =	vld [tilespmem:s8+$0x5200];
	[tilespmem:s7+$0x200] =	vst v13;
	v12 =	vmax.f32 v12, $0.0e+00;
	v5 =	vadd.f32 v5, v10  }
0x12c: {  	v15 =	vld [tilespmem:s8+$0x5210];
	[tilespmem:s7+$0x210] =	vst v12;
	v10 =	vmax.f32 v6, $0.0e+00;
	v4 =	vadd.f32 v4, v9  }
0x12d: {  	v6 =	vld [tilespmem:s8+$0x5220];
	[tilespmem:s7+$0x220] =	vst v10;
	v9 =	vmax.f32 v5, $0.0e+00;
	v3 =	vadd.f32 v3, v8  }
0x12e: {  	v5 =	vld [tilespmem:s8+$0x5230];
	[tilespmem:s7+$0x230] =	vst v9;
	v8 =	vmax.f32 v4, $0.0e+00;
	v2 =	vadd.f32 v2, v7  }
0x12f: {  	v4 =	vld [tilespmem:s8+$0x5240];
	[tilespmem:s7+$0x240] =	vst v8;
	v7 =	vmax.f32 v3, $0.0e+00;
	v1 =	vadd.f32 v1, v11  }
0x130: {  	v3 =	vld [tilespmem:s8+$0x5250];
	[tilespmem:s7+$0x250] =	vst v7;
	v7 =	vmax.f32 v2, $0.0e+00  }
0x131: {  	v2 =	vld [tilespmem:s8+$0x5260];
	[tilespmem:s7+$0x260] =	vst v7;
	v7 =	vmax.f32 v1, $0.0e+00  }
0x132: {  	v1 =	vld [tilespmem:s8+$0x5270];
	[tilespmem:s7+$0x270] =	vst v7;
	s7 =	smov.u32 s8  }
0x133: {  	v7 =	vld [tilespmem:s7+$0x200]  }
0x134: {  	v12 =	vld [tilespmem:s7+$0x210]  }
.Ltmp4:
0x135: {  	v11 =	vld [tilespmem:s7+$0x220];
	(pc) =	sbr.rel @p0 .LBB2_10-.Ltmp4, $4  }
0x136: {  	v10 =	vld [tilespmem:s7+$0x230]  }
0x137: {  	v9 =	vld [tilespmem:s7+$0x240]  }
0x138: {  	v13 =	vadd.f32 v14, v7;
	v8 =	vld [tilespmem:s7+$0x250]  }
0x139: {  	s6 =	sadd.s32 $0x200, s6;
	v12 =	vadd.f32 v15, v12;
	v7 =	vld [tilespmem:s7+$0x260]  }
0x13a: {  	v13 =	vmax.f32 v13, $0.0e+00;
	v6 =	vadd.f32 v6, v11;
	v11 =	vld [tilespmem:s7+$0x270]  }
0x13b: {  	[tilespmem:s7+$0x200] =	vst v13;
	v12 =	vmax.f32 v12, $0.0e+00;
	v5 =	vadd.f32 v5, v10  }
0x13c: {  	[tilespmem:s7+$0x210] =	vst v12;
	v6 =	vmax.f32 v6, $0.0e+00;
	v4 =	vadd.f32 v4, v9  }
0x13d: {  	[tilespmem:s7+$0x220] =	vst v6;
	v5 =	vmax.f32 v5, $0.0e+00;
	v3 =	vadd.f32 v3, v8  }
0x13e: {  	[tilespmem:s7+$0x230] =	vst v5;
	v4 =	vmax.f32 v4, $0.0e+00;
	v2 =	vadd.f32 v2, v7  }
0x13f: {  	[tilespmem:s7+$0x240] =	vst v4;
	v3 =	vmax.f32 v3, $0.0e+00;
	v1 =	vadd.f32 v1, v11  }
0x140: {  	[tilespmem:s7+$0x250] =	vst v3;
	v2 =	vmax.f32 v2, $0.0e+00  }
0x141: {  	[tilespmem:s7+$0x260] =	vst v2;
	v1 =	vmax.f32 v1, $0.0e+00  }
0x142: {  	[tilespmem:s7+$0x270] =	vst v1  }
0x143: {  	[spmem:s12] =	stream.indirect.scatter.add.f32 [tilespmem:s28], [sflag:$0x7], $0x80, s20, s24, $0xb8;
	[tilespmem:$0x1E200] =	vst v63  }
0x144: {  	_ =	swait.ge [sflag:s14], $0x2800  }
0x145: {  	[sflag:s14] =	ssyncset.done $0x0  }
0x146: {  	s6 =	simm.s32 $0x0;
	s9 =	rddreg [dreg:$0x14];
	[sflag:s14] =	ssyncadd.s32 $0xFFFFD800  }
0x147: {  	[tilespmem:s6], [sflag:$0x1] =	stream.linear.gather [hbm4b:s9+s6], $0x50, $0x38;
	[tilespmem:$0x1E200] =	vst v63  }
0x148: {  	s10 =	rddreg [dreg:$0x15]  }
0x149: {  	[tilespmem:s20], [sflag:$0x1] =	stream.linear.gather [hbm4b:s10+s6], $0x50, $0x38;
	[tilespmem:$0x1E200] =	vst v63  }
0x14a: {  	_ =	swait.ge [sflag:s23], $0x50  }
0x14b: {  	[sflag:s23] =	ssyncset.done $0x0  }
0x14c: {  	[sflag:s23] =	ssyncadd.s32 $0xFFFFFFB0  }
0x14d: {  	_ =	swait.ge [sflag:s23], $0x50  }
0x14e: {  	[sflag:s23] =	ssyncset.done $0x0  }
0x14f: {  	[sflag:s23] =	ssyncadd.s32 $0xFFFFFFB0  }
0x150: {  	[tilespmem:s28], [sflag:$0x3] =	stream.indirect.gather [hbm4b:s1+s24], $0x80, s6, s24, $0xb8;
	[tilespmem:$0x1E200] =	vst v63  }
0x151: {  	s8 =	simm.s32 $0x5200;
	s11 =	rddreg [dreg:$0x16]  }
0x152: {  	[tilespmem:s8], [sflag:$0x5] =	stream.linear.gather [hbm4b:s11+s6], $0x2800, $0x38;
	[tilespmem:$0x1E200] =	vst v63  }
0x153: {  	_ =	swait.ge [sflag:s4], $0x2800  }
0x154: {  	[sflag:s4] =	ssyncset.done $0x0  }
0x155: {  	[sflag:s4] =	ssyncadd.s32 $0xFFFFD800  }
0x156: {  	_ =	swait.ge [sflag:s5], $0x2800  }
0x157: {  	[sflag:s5] =	ssyncset.done $0x0  }
0x158: {  	s7 =	simm.s32 $0x0;
	[sflag:s5] =	ssyncadd.s32 $0xFFFFD800  }
0x159: {  	v7 =	vld [tilespmem:s7+$0x7A00]  }
0x15a: {  	v12 =	vld [tilespmem:s7+$0x7A10]  }
0x15b: {  	v6 =	vld [tilespmem:s7+$0x7A20]  }
0x15c: {  	v5 =	vld [tilespmem:s7+$0x7A30]  }
0x15d: {  	v4 =	vld [tilespmem:s7+$0x7A40]  }
0x15e: {  	v3 =	vld [tilespmem:s7+$0x7A50]  }
0x15f: {  	v2 =	vld [tilespmem:s7+$0x7A60]  }
0x160: {  	v1 =	vld [tilespmem:s7+$0x7A70]  }
0x161: {  	v13 =	vld [tilespmem:s7+$0x2A00]  }
0x162: {  	v14 =	vld [tilespmem:s7+$0x2A10]  }
0x163: {  	v11 =	vld [tilespmem:s7+$0x2A20]  }
0x164: {  	v10 =	vld [tilespmem:s7+$0x2A30]  }
0x165: {  	v9 =	vld [tilespmem:s7+$0x2A40]  }
0x166: {  	v8 =	vld [tilespmem:s7+$0x2A50];
	v13 =	vadd.f32 v7, v13  }
0x167: {  	s6 =	simm.s32 $0x200;
	v12 =	vadd.f32 v12, v14;
	v7 =	vld [tilespmem:s7+$0x2A60]  }
.LBB2_12:
0x168: {  	s8 =	sshra.s32 s6, $0x2;
	p0 =	sne.s32 s6, $0x9E00;
	v13 =	vmax.f32 v13, $0.0e+00;
	v6 =	vadd.f32 v6, v11;
	v11 =	vld [tilespmem:s7+$0x2A70]  }
0x169: {  	v14 =	vld [tilespmem:s8+$0x7A00];
	[tilespmem:s7+$0x2A00] =	vst v13;
	v12 =	vmax.f32 v12, $0.0e+00;
	v5 =	vadd.f32 v5, v10  }
0x16a: {  	v15 =	vld [tilespmem:s8+$0x7A10];
	[tilespmem:s7+$0x2A10] =	vst v12;
	v10 =	vmax.f32 v6, $0.0e+00;
	v4 =	vadd.f32 v4, v9  }
0x16b: {  	v6 =	vld [tilespmem:s8+$0x7A20];
	[tilespmem:s7+$0x2A20] =	vst v10;
	v9 =	vmax.f32 v5, $0.0e+00;
	v3 =	vadd.f32 v3, v8  }
0x16c: {  	v5 =	vld [tilespmem:s8+$0x7A30];
	[tilespmem:s7+$0x2A30] =	vst v9;
	v8 =	vmax.f32 v4, $0.0e+00;
	v2 =	vadd.f32 v2, v7  }
0x16d: {  	v4 =	vld [tilespmem:s8+$0x7A40];
	[tilespmem:s7+$0x2A40] =	vst v8;
	v7 =	vmax.f32 v3, $0.0e+00;
	v1 =	vadd.f32 v1, v11  }
0x16e: {  	v3 =	vld [tilespmem:s8+$0x7A50];
	[tilespmem:s7+$0x2A50] =	vst v7;
	v7 =	vmax.f32 v2, $0.0e+00  }
0x16f: {  	v2 =	vld [tilespmem:s8+$0x7A60];
	[tilespmem:s7+$0x2A60] =	vst v7;
	v7 =	vmax.f32 v1, $0.0e+00  }
0x170: {  	v1 =	vld [tilespmem:s8+$0x7A70];
	[tilespmem:s7+$0x2A70] =	vst v7;
	s7 =	smov.u32 s8  }
0x171: {  	v7 =	vld [tilespmem:s7+$0x2A00]  }
0x172: {  	v12 =	vld [tilespmem:s7+$0x2A10]  }
.Ltmp5:
0x173: {  	v11 =	vld [tilespmem:s7+$0x2A20];
	(pc) =	sbr.rel @p0 .LBB2_12-.Ltmp5, $4  }
0x174: {  	v10 =	vld [tilespmem:s7+$0x2A30]  }
0x175: {  	v9 =	vld [tilespmem:s7+$0x2A40]  }
0x176: {  	v13 =	vadd.f32 v14, v7;
	v8 =	vld [tilespmem:s7+$0x2A50]  }
0x177: {  	s6 =	sadd.s32 $0x200, s6;
	v12 =	vadd.f32 v15, v12;
	v7 =	vld [tilespmem:s7+$0x2A60]  }
0x178: {  	v13 =	vmax.f32 v13, $0.0e+00;
	v6 =	vadd.f32 v6, v11;
	v11 =	vld [tilespmem:s7+$0x2A70]  }
0x179: {  	[tilespmem:s7+$0x2A00] =	vst v13;
	v12 =	vmax.f32 v12, $0.0e+00;
	v5 =	vadd.f32 v5, v10  }
0x17a: {  	[tilespmem:s7+$0x2A10] =	vst v12;
	v6 =	vmax.f32 v6, $0.0e+00;
	v4 =	vadd.f32 v4, v9  }
0x17b: {  	[tilespmem:s7+$0x2A20] =	vst v6;
	v5 =	vmax.f32 v5, $0.0e+00;
	v3 =	vadd.f32 v3, v8  }
0x17c: {  	[tilespmem:s7+$0x2A30] =	vst v5;
	v4 =	vmax.f32 v4, $0.0e+00;
	v2 =	vadd.f32 v2, v7  }
0x17d: {  	[tilespmem:s7+$0x2A40] =	vst v4;
	v3 =	vmax.f32 v3, $0.0e+00;
	v1 =	vadd.f32 v1, v11  }
0x17e: {  	[tilespmem:s7+$0x2A50] =	vst v3;
	v2 =	vmax.f32 v2, $0.0e+00  }
0x17f: {  	[tilespmem:s7+$0x2A60] =	vst v2;
	v1 =	vmax.f32 v1, $0.0e+00  }
0x180: {  	[tilespmem:s7+$0x2A70] =	vst v1  }
0x181: {  	[spmem:s12] =	stream.indirect.scatter.add.f32 [tilespmem:s31], [sflag:$0x7], $0x80, s22, s24, $0xb8;
	[tilespmem:$0x1E200] =	vst v63  }
0x182: {  	_ =	swait.ge [sflag:s14], $0x2800  }
0x183: {  	[sflag:s14] =	ssyncset.done $0x0  }
0x184: {  	[sflag:s14] =	ssyncadd.s32 $0xFFFFD800  }
0x185: {  	_ =	swait.ge [sflag:s0], $0x2800  }
0x186: {  	[sflag:s0] =	ssyncset.done $0x0  }
0x187: {  	[sflag:s0] =	ssyncadd.s32 $0xFFFFD800  }
0x188: {  	_ =	swait.ge [sflag:s3], $0x2800  }
0x189: {  	[sflag:s3] =	ssyncset.done $0x0  }
0x18a: {  	s7 =	simm.s32 $0x0;
	[sflag:s3] =	ssyncadd.s32 $0xFFFFD800  }
0x18b: {  	v7 =	vld [tilespmem:s7+$0x5200]  }
0x18c: {  	v12 =	vld [tilespmem:s7+$0x5210]  }
0x18d: {  	v6 =	vld [tilespmem:s7+$0x5220]  }
0x18e: {  	v5 =	vld [tilespmem:s7+$0x5230]  }
0x18f: {  	v4 =	vld [tilespmem:s7+$0x5240]  }
0x190: {  	v3 =	vld [tilespmem:s7+$0x5250]  }
0x191: {  	v2 =	vld [tilespmem:s7+$0x5260]  }
0x192: {  	v1 =	vld [tilespmem:s7+$0x5270]  }
0x193: {  	v13 =	vld [tilespmem:s7+$0x200]  }
0x194: {  	v14 =	vld [tilespmem:s7+$0x210]  }
0x195: {  	v11 =	vld [tilespmem:s7+$0x220]  }
0x196: {  	v10 =	vld [tilespmem:s7+$0x230]  }
0x197: {  	v9 =	vld [tilespmem:s7+$0x240]  }
0x198: {  	v8 =	vld [tilespmem:s7+$0x250];
	v13 =	vadd.f32 v7, v13  }
0x199: {  	s6 =	simm.s32 $0x200;
	v12 =	vadd.f32 v12, v14;
	v7 =	vld [tilespmem:s7+$0x260]  }
.LBB2_14:
0x19a: {  	s8 =	sshra.s32 s6, $0x2;
	p0 =	sne.s32 s6, $0x9E00;
	v13 =	vmax.f32 v13, $0.0e+00;
	v6 =	vadd.f32 v6, v11;
	v11 =	vld [tilespmem:s7+$0x270]  }
0x19b: {  	v14 =	vld [tilespmem:s8+$0x5200];
	[tilespmem:s7+$0x200] =	vst v13;
	v12 =	vmax.f32 v12, $0.0e+00;
	v5 =	vadd.f32 v5, v10  }
0x19c: {  	v15 =	vld [tilespmem:s8+$0x5210];
	[tilespmem:s7+$0x210] =	vst v12;
	v10 =	vmax.f32 v6, $0.0e+00;
	v4 =	vadd.f32 v4, v9  }
0x19d: {  	v6 =	vld [tilespmem:s8+$0x5220];
	[tilespmem:s7+$0x220] =	vst v10;
	v9 =	vmax.f32 v5, $0.0e+00;
	v3 =	vadd.f32 v3, v8  }
0x19e: {  	v5 =	vld [tilespmem:s8+$0x5230];
	[tilespmem:s7+$0x230] =	vst v9;
	v8 =	vmax.f32 v4, $0.0e+00;
	v2 =	vadd.f32 v2, v7  }
0x19f: {  	v4 =	vld [tilespmem:s8+$0x5240];
	[tilespmem:s7+$0x240] =	vst v8;
	v7 =	vmax.f32 v3, $0.0e+00;
	v1 =	vadd.f32 v1, v11  }
0x1a0: {  	v3 =	vld [tilespmem:s8+$0x5250];
	[tilespmem:s7+$0x250] =	vst v7;
	v7 =	vmax.f32 v2, $0.0e+00  }
0x1a1: {  	v2 =	vld [tilespmem:s8+$0x5260];
	[tilespmem:s7+$0x260] =	vst v7;
	v7 =	vmax.f32 v1, $0.0e+00  }
0x1a2: {  	v1 =	vld [tilespmem:s8+$0x5270];
	[tilespmem:s7+$0x270] =	vst v7;
	s7 =	smov.u32 s8  }
0x1a3: {  	v7 =	vld [tilespmem:s7+$0x200]  }
0x1a4: {  	v12 =	vld [tilespmem:s7+$0x210]  }
.Ltmp6:
0x1a5: {  	v11 =	vld [tilespmem:s7+$0x220];
	(pc) =	sbr.rel @p0 .LBB2_14-.Ltmp6, $4  }
0x1a6: {  	v10 =	vld [tilespmem:s7+$0x230]  }
0x1a7: {  	v9 =	vld [tilespmem:s7+$0x240]  }
0x1a8: {  	v13 =	vadd.f32 v14, v7;
	v8 =	vld [tilespmem:s7+$0x250]  }
0x1a9: {  	s6 =	sadd.s32 $0x200, s6;
	v12 =	vadd.f32 v15, v12;
	v7 =	vld [tilespmem:s7+$0x260]  }
0x1aa: {  	v13 =	vmax.f32 v13, $0.0e+00;
	v6 =	vadd.f32 v6, v11;
	v63 =	vld [tilespmem:s7+$0x270]  }
0x1ab: {  	[tilespmem:s7+$0x200] =	vst v13;
	v12 =	vmax.f32 v12, $0.0e+00;
	v5 =	vadd.f32 v5, v10  }
0x1ac: {  	[tilespmem:s7+$0x210] =	vst v12;
	v6 =	vmax.f32 v6, $0.0e+00;
	v4 =	vadd.f32 v4, v9  }
0x1ad: {  	[tilespmem:s7+$0x220] =	vst v6;
	v5 =	vmax.f32 v5, $0.0e+00;
	v3 =	vadd.f32 v3, v8  }
0x1ae: {  	[tilespmem:s7+$0x230] =	vst v5;
	v4 =	vmax.f32 v4, $0.0e+00;
	v2 =	vadd.f32 v2, v7  }
0x1af: {  	[tilespmem:s7+$0x240] =	vst v4;
	v3 =	vmax.f32 v3, $0.0e+00;
	v1 =	vadd.f32 v1, v63  }
0x1b0: {  	[tilespmem:s7+$0x250] =	vst v3;
	v2 =	vmax.f32 v2, $0.0e+00  }
0x1b1: {  	[tilespmem:s7+$0x260] =	vst v2;
	v1 =	vmax.f32 v1, $0.0e+00  }
0x1b2: {  	[tilespmem:s7+$0x270] =	vst v1  }
0x1b3: {  	[spmem:s12] =	stream.indirect.scatter.add.f32 [tilespmem:s28], [sflag:$0x7], $0x80, s20, s24, $0xb8;
	[tilespmem:$0x1E200] =	vst v63  }
0x1b4: {  	_ =	swait.ge [sflag:s14], $0x2800  }
0x1b5: {  	[sflag:s14] =	ssyncset.done $0x0  }
0x1b6: {  	s6 =	stileid.u32;
	[sflag:s14] =	ssyncadd.s32 $0xFFFFD800  }
0x1b7: {  	s6 =	sshll.u32 s6, $0x6;
	[bflag:$0x0] =	sbarrier.arrive $0xFFFF  }
0x1b8: {  	s11 =	sshrl.u32 s18, $0x3;
	s6 =	sor.u32 $0x1C07, s6;
	s8 =	rddreg [dreg:$0x5]  }
0x1b9: {  	[hbm:s8], [sflag:s6] =	dma.local [spmem:s11], $0x400  }
0x1ba: {  	_ =	swait.ge [sflag:s14], $0x400  }
0x1bb: {  	[sflag:s14] =	ssyncset.done $0x0;
	s8 =	rddreg [dreg:$0x6]  }
0x1bc: {  	s9 =	rddreg [dreg:$0x18];
	[sflag:s14] =	ssyncadd.s32 $0xFFFFFC00  }
0x1bd: {  	[hbm:s8], [sflag:s6] =	dma.local [spmem:s9], $0x400  }
0x1be: {  	_ =	swait.ge [sflag:s14], $0x400  }
0x1bf: {  	[sflag:s14] =	ssyncset.done $0x0;
	s10 =	rddreg [dreg:$0x7]  }
0x1c0: {  	s11 =	rddreg [dreg:$0x19];
	[sflag:s14] =	ssyncadd.s32 $0xFFFFFC00  }
0x1c1: {  	[hbm:s10], [sflag:s6] =	dma.local [spmem:s11], $0x400  }
0x1c2: {  	_ =	swait.ge [sflag:s14], $0x400  }
0x1c3: {  	[sflag:s14] =	ssyncset.done $0x0;
	s8 =	rddreg [dreg:$0x8]  }
0x1c4: {  	s9 =	rddreg [dreg:$0x1a];
	[sflag:s14] =	ssyncadd.s32 $0xFFFFFC00  }
0x1c5: {  	[hbm:s8], [sflag:s6] =	dma.local [spmem:s9], $0x400  }
0x1c6: {  	_ =	swait.ge [sflag:s14], $0x400  }
0x1c7: {  	[sflag:s14] =	ssyncset.done $0x0;
	s10 =	rddreg [dreg:$0x9]  }
0x1c8: {  	s11 =	rddreg [dreg:$0x1b];
	[sflag:s14] =	ssyncadd.s32 $0xFFFFFC00  }
0x1c9: {  	[hbm:s10], [sflag:s6] =	dma.local [spmem:s11], $0x400  }
0x1ca: {  	_ =	swait.ge [sflag:s14], $0x400  }
0x1cb: {  	[sflag:s14] =	ssyncset.done $0x0;
	s8 =	rddreg [dreg:$0xa]  }
0x1cc: {  	s9 =	rddreg [dreg:$0x1c];
	[sflag:s14] =	ssyncadd.s32 $0xFFFFFC00  }
0x1cd: {  	[hbm:s8], [sflag:s6] =	dma.local [spmem:s9], $0x400  }
0x1ce: {  	_ =	swait.ge [sflag:s14], $0x400  }
0x1cf: {  	[sflag:s14] =	ssyncset.done $0x0;
	s10 =	rddreg [dreg:$0xb]  }
0x1d0: {  	s11 =	rddreg [dreg:$0x1d];
	[sflag:s14] =	ssyncadd.s32 $0xFFFFFC00  }
0x1d1: {  	[hbm:s10], [sflag:s6] =	dma.local [spmem:s11], $0x400  }
0x1d2: {  	_ =	swait.ge [sflag:s14], $0x400  }
0x1d3: {  	[sflag:s14] =	ssyncset.done $0x0;
	s8 =	rddreg [dreg:$0xc]  }
0x1d4: {  	s9 =	rddreg [dreg:$0x1e];
	[sflag:s14] =	ssyncadd.s32 $0xFFFFFC00  }
0x1d5: {  	[hbm:s8], [sflag:s6] =	dma.local [spmem:s9], $0x400  }
0x1d6: {  	_ =	swait.ge [sflag:s14], $0x400  }
0x1d7: {  	[sflag:s14] =	ssyncset.done $0x0;
	s10 =	rddreg [dreg:$0xd]  }
0x1d8: {  	s11 =	rddreg [dreg:$0x1f];
	[sflag:s14] =	ssyncadd.s32 $0xFFFFFC00  }
0x1d9: {  	[hbm:s10], [sflag:s6] =	dma.local [spmem:s11], $0x400  }
0x1da: {  	_ =	swait.ge [sflag:s14], $0x400  }
0x1db: {  	s9 =	sld [smem:$0x7FD]  }
0x1dc: {  	[sflag:s14] =	ssyncset.done $0x0  }
0x1dd: {  	s8 =	rddreg [dreg:$0x4];
	[sflag:s14] =	ssyncadd.s32 $0xFFFFFC00  }
0x1de: {  	[hbm:s8], [sflag:s6] =	dma.local [spmem:s9], $0x380  }
0x1df: {  	_ =	swait.ge [sflag:s14], $0x380  }
0x1e0: {  	s10 =	sld [smem:$0x7FC];
	_ =	sdelay $0x2  }
0x1e1: {  	s11 =	rddreg [dreg:$0x17];
	s7 =	sadd.s32 $0x1, s10  }
0x1e2: {  	p0 =	sne.s32 s7, s11  }
.Ltmp7:
0x1e3: {  	_ = 	snop;
	(pc) =	sbr.rel @p0 .LBB2_1-.Ltmp7, $3  }
0x1e4: {  	_ =	sdelay $0x1  }
0x1e5: {  	[sflag:s14] =	ssyncset.done $0x0  }
0x1e6: {  	[sflag:s14] =	ssyncadd.s32 $0xFFFFFC80  }
0x1e7: {  	_ =	sfence.sel $0x180000  }
0x1e8: {  	[bflag:$0x0] =	sbarrier.arrive $0xFFFF  }
0x1e9: {  	_ =	strace $0x9000004A  }
0x1ea: {  	s0 =	stileid.u32;
	[bflag:$0x2] =	sbarrier.arrive $0xFFFF  }
0x1eb: {  	p0 =	sne.s32 s0, $0x0;
	s0 =	rddreg [dreg:$0x3]  }
0x1ec: {  	s0 =	sadd.s32 @!p0 $0x100000, s0  }
0x1ed: {  	[sflag:s0] =	ssyncadd.tile.s32 @!p0 $0x1;
	_ =	shalt  }
.Lfunc_end2:
_tile_overlayer_lowered:
.L_overlay_start_2:
0x1ee: {  	(tag) =	ssettag $0x2  }
0x1ef: {  	s0 =	rddreg [dreg:$0x0];
	s2 =	stileid.u32  }
0x1f0: {  	s1 =	rddreg [dreg:$0x1];
	p0 =	sne.s32 s2, $0x0  }
0x1f1: {  	s3 =	rddreg [dreg:$0x2];
	[bflag:$0x3] =	sbarrier.arrive $0xFFFF;
	s2 =	simm.s32 @!p0 $0x1C07  }
0x1f2: {  	[timem:s3], [sflag:s2] =	dma.local @!p0 [hbm:s0], s1  }
0x1f3: {  	s0 =	simm.s32 @!p0 $0x7  }
0x1f4: {  	_ =	swait.ge @!p0 [sflag:s0], s1  }
0x1f5: {  	s1 =	ssub.s32 @!p0 $0x0, s1;
	[sflag:s0] =	ssyncset.done @!p0 $0x0  }
0x1f6: {  	[sflag:s0] =	ssyncadd.s32 @!p0 s1  }
0x1f7: {  	[bflag:$0x3] =	sbarrier.arrive $0xFFFF  }
0x1f8: {  	_ =	shalt  }

// kernel: kernel.8.cloned.1.call-start
scs
__scs_entry_jumppad:
0x0: {  	(pc) =	sbr.rel $0x88, $3  }
0x1: {  	(tag) =	ssettag $0x0;
	lr =	simm.s32 $0x1  }
0x2: {  	[smem:$0x3F90] =	sst lr;
	_ =	strace $0xD0000000  }
0x3: {  	_ = 	snop  }
0x4: {  	_ = 	snop  }
0x5: {  	_ = 	snop  }
0x6: {  	_ = 	snop  }
0x7: {  	_ = 	snop  }
__scs_overlays_trampoline_lowered:
0x8: {  	[smem:$0x3F9F] =	sst s0  }
0x9: {  	[smem:$0x3FA0] =	sst s1  }
0xa: {  	[smem:$0x3FA1] =	sst s2  }
0xb: {  	[smem:$0x3FA2] =	sst s3  }
0xc: {  	[smem:$0x3FA3] =	sst s4  }
0xd: {  	[smem:$0x3FA4] =	sst s5  }
0xe: {  	[smem:$0x3FA5] =	sst s6  }
0xf: {  	[smem:$0x3FA6] =	sst s7  }
0x10: {  	[smem:$0x3FA7] =	sst s8  }
0x11: {  	[smem:$0x3FA8] =	sst s9;
	s0 =	simm.s32 @!p0 $0x0  }
0x12: {  	s1 =	sld [smem:$0x3F8E];
	s0 =	simm.s32 @p0 $0x1  }
0x13: {  	[smem:$0x3FA9] =	sst s0;
	s0 =	simm.s32 @!p1 $0x0  }
0x14: {  	s2 =	sld [smem:$0x3F8D];
	s0 =	simm.s32 @p1 $0x1  }
0x15: {  	[smem:$0x3FAA] =	sst s0;
	s0 =	simm.s32 @!p2 $0x0  }
0x16: {  	s3 =	sld [smem:$0x3FDB];
	s0 =	simm.s32 @p2 $0x1  }
0x17: {  	s4 =	simm.s32 $0x1BF5;
	[smem:$0x3FAC] =	sst s0  }
0x18: {  	s0 =	sld [smem:$0x3F8F];
	_ =	swait.ge [sflag:s4], $0x0  }
0x19: {  	s7 =	sld [smem:$0x3F90]  }
0x1a: {  	s8 =	sadd.s32 $0xFFFFE003, lr  }
0x1b: {  	s9 =	sadd.s32 $0xFFFFFEF7, lr;
	s5 =	simm.s32 $0xFFFFFFFF;
	p2 =	slt.u32 s8, $0xFFFFF086  }
0x1c: {  	p1 =	slt.u32 s9, $0xF7A;
	s5 =	simm.s32 @!p2 $0x0  }
0x1d: {  	s5 =	simm.s32 @p1 $0x1;
	p0 =	seq.s32 s7, s2  }
0x1e: {  	s7 =	smul.u32 @!p0 $0xF7A, s2;
	p2 =	seq.s32 @!p0 s5, $0x0  }
0x1f: {  	s9 =	smul.u32 $0xF7A, s1;
	s8 =	simm.s32 @!p0 $0x1BF5;
	p2 =	por !p2, p0  }
0x20: {  	[sflag:s8] =	ssyncset.s32 @!p0 $0xFFFFF086;
	s6 =	sadd.s32 @!p0 s3, s7;
	s7 =	simm.s32 @!p0 $0x108  }
0x21: {  	s3 =	sadd.s32 s3, s9;
	s6 =	sadd.s32 @!p0 $0x88, s6;
	s7 =	simm.s32 @p2 $0x1082  }
0x22: {  	[simem:s7], [sflag:s8] =	dma.local @!p0 [hbm:s6], $0xF7A  }
0x23: {  	s9 =	sor.u32 $0xD0000000, s2;
	s6 =	simm.s32 $0x108;
	_ =	swait.ge @!p0 [sflag:s8], $0x0  }
0x24: {  	s3 =	sadd.s32 $0x88, s3;
	s6 =	simm.s32 @!p1 $0x1082;
	[sflag:s4] =	ssyncset.s32 $0xFFFFF086  }
0x25: {  	[simem:s6], [sflag:s4] =	dma.local [hbm:s3], $0xF7A  }
0x26: {  	[smem:$0x3F90] =	sst s1;
	(tag) =	ssettag s2;
	_ =	strace s9  }
0x27: {  	s1 =	sld [smem:$0x3FA0]  }
0x28: {  	s2 =	sld [smem:$0x3FA1]  }
0x29: {  	s4 =	sld [smem:$0x3FA3]  }
0x2a: {  	p0 =	seq.s32 s5, $0x0;
	s5 =	sld [smem:$0x3FA4]  }
0x2b: {  	s6 =	sld [smem:$0x3FA5]  }
0x2c: {  	s7 =	sld [smem:$0x3FA6]  }
0x2d: {  	s3 =	simm.s32 $0x108;
	s8 =	sld [smem:$0x3FA7]  }
0x2e: {  	s3 =	simm.s32 @!p0 $0x1082;
	s9 =	sld [smem:$0x3FA8]  }
0x2f: {  	lr =	sadd.s32 s0, s3;
	s0 =	sld [smem:$0x3F9F]  }
0x30: {  	s3 =	sld [smem:$0x3FA2]  }
0x31: {  	[smem:$0x3FAB] =	sst s10  }
0x32: {  	s10 =	sld [smem:$0x3FA9];
	_ =	sdelay $0x3  }
0x33: {  	p0 =	seq.s32 s10, $0x1;
	s10 =	sld [smem:$0x3FAB];
	_ =	sdelay $0x3  }
0x34: {  	[smem:$0x3FAB] =	sst s10  }
0x35: {  	s10 =	sld [smem:$0x3FAA];
	_ =	sdelay $0x3  }
0x36: {  	p1 =	seq.s32 s10, $0x1;
	s10 =	sld [smem:$0x3FAB];
	_ =	sdelay $0x3  }
0x37: {  	[smem:$0x3FAB] =	sst s10  }
0x38: {  	s10 =	sld [smem:$0x3FAC]  }
0x39: {  	_ = 	snop;
	(pc) =	sbr.ind lr, $3  }
0x3a: {  	_ = 	snop  }
0x3b: {  	_ = 	snop  }
0x3c: {  	p2 =	seq.s32 s10, $0x1;
	s10 =	sld [smem:$0x3FAB]  }
0x3d: {  	_ =	shalt  }
0x3e: {  	_ =	shalt  }
0x3f: {  	_ =	shalt  }
0x40: {  	_ =	shalt  }
0x41: {  	_ =	shalt  }
0x42: {  	_ =	shalt  }
0x43: {  	_ =	shalt  }
0x44: {  	_ =	shalt  }
0x45: {  	_ =	shalt  }
0x46: {  	_ =	shalt  }
0x47: {  	_ =	shalt  }
0x48: {  	_ =	shalt  }
0x49: {  	_ =	shalt  }
0x4a: {  	_ =	shalt  }
0x4b: {  	_ =	shalt  }
0x4c: {  	_ =	shalt  }
0x4d: {  	_ =	shalt  }
0x4e: {  	_ =	shalt  }
0x4f: {  	_ =	shalt  }
0x50: {  	_ =	shalt  }
0x51: {  	_ =	shalt  }
0x52: {  	_ =	shalt  }
0x53: {  	_ =	shalt  }
0x54: {  	_ =	shalt  }
0x55: {  	_ =	shalt  }
0x56: {  	_ =	shalt  }
0x57: {  	_ =	shalt  }
0x58: {  	_ =	shalt  }
0x59: {  	_ =	shalt  }
0x5a: {  	_ =	shalt  }
0x5b: {  	_ =	shalt  }
0x5c: {  	_ =	shalt  }
0x5d: {  	_ =	shalt  }
0x5e: {  	_ =	shalt  }
0x5f: {  	_ =	shalt  }
0x60: {  	_ =	shalt  }
0x61: {  	_ =	shalt  }
0x62: {  	_ =	shalt  }
0x63: {  	_ =	shalt  }
0x64: {  	_ =	shalt  }
0x65: {  	_ =	shalt  }
0x66: {  	_ =	shalt  }
0x67: {  	_ =	shalt  }
0x68: {  	_ =	shalt  }
0x69: {  	_ =	shalt  }
0x6a: {  	_ =	shalt  }
0x6b: {  	_ =	shalt  }
0x6c: {  	_ =	shalt  }
0x6d: {  	_ =	shalt  }
0x6e: {  	_ =	shalt  }
0x6f: {  	_ =	shalt  }
0x70: {  	_ =	shalt  }
0x71: {  	_ =	shalt  }
0x72: {  	_ =	shalt  }
0x73: {  	_ =	shalt  }
0x74: {  	_ =	shalt  }
0x75: {  	_ =	shalt  }
0x76: {  	_ =	shalt  }
0x77: {  	_ =	shalt  }
0x78: {  	_ =	shalt  }
0x79: {  	_ =	shalt  }
0x7a: {  	_ =	shalt  }
0x7b: {  	_ =	shalt  }
0x7c: {  	_ =	shalt  }
0x7d: {  	_ =	shalt  }
0x7e: {  	_ =	shalt  }
0x7f: {  	_ =	shalt  }
0x80: {  	_ =	shalt  }
0x81: {  	_ =	shalt  }
0x82: {  	_ =	shalt  }
0x83: {  	_ =	shalt  }
0x84: {  	_ =	shalt  }
0x85: {  	_ =	shalt  }
0x86: {  	_ =	shalt  }
0x87: {  	_ =	shalt  }
.Lfunc_end0:
.L_simem_size_0:
called_computation_lowered:
.L_overlay_start_0:
0x88: {  	s2 =	sld [smem:$0x3FD9]  }
0x89: {  	s3 =	sld [smem:$0x3FFE];
	_ =	sdelay $0x1  }
0x8a: {  	s1 =	srdreg.scid  }
0x8b: {  	s0 =	sand.u32 $0x1, s1  }
0x8c: {  	s17 =	sshll.u32 s0, $0xA;
	s2 =	sadd.s32 s3, s2  }
0x8d: {  	s2 =	sadd.s32 s2, s17  }
0x8e: {  	[smem:$0x3FB7] =	sst s2  }
0x8f: {  	_ = 	snop  }
0x90: {  	s2 =	sld [smem:$0x3FC9];
	(tm) =	ssettm $0x1  }
0x91: {  	s18 =	sld [smem:$0x3FFB];
	_ =	sdelay $0x3  }
0x92: {  	_ =	strace s18  }
0x93: {  	s3 =	sld [smem:$0x3FFC];
	_ =	sdelay $0x3  }
0x94: {  	_ =	strace s3  }
0x95: {  	s3 =	sld [smem:$0x3FFD];
	_ =	sdelay $0x3  }
0x96: {  	_ =	strace s3  }
0x97: {  	_ =	strace $0x8FFFFFFF  }
0x98: {  	s19 =	sld [smem:$0x3FDB];
	_ =	sdelay $0x1  }
0x99: {  	s4 =	simm.s32 $_scs_section_size  }
0x9a: {  	s5 =	simm.s32 $_size__tile_overlayer_lowered;
	s6 =	simm.s32 $_tile_overlayer_lowered  }
0x9b: {  	s22 =	simm.s32 $0x1BFF;
	s21 =	sshll.u32 s6, $0x1;
	s3 =	sadd.s32 s4, s19  }
0x9c: {  	s7 =	simm.s32 $0x0;
	s20 =	sshll.u32 s5, $0x1;
	s5 =	sadd.s32 s21, s3  }
0x9d: {  	[timem:s7], [sflag:s22] =	dma.local [hbm:s5], s20  }
0x9e: {  	_ =	swait.ge [sflag:s22], s20  }
0x9f: {  	s4 =	ssub.s32 $0x0, s20;
	[sflag:s22] =	ssyncset.done $0x0  }
0xa0: {  	[sflag:s22] =	ssyncadd.s32 s4;
	_ =	sdelay $0x1  }
0xa1: {  	s23 =	simm.s32 $0x1B8B  }
0xa2: {  	_ =	swait.ge [sflag:s23], $0x1  }
0xa3: {  	[sflag:s23] =	ssyncset.done $0x0  }
0xa4: {  	s25 =	simm.s32 $0x1B8E;
	s24 =	sld [smem:$0x3FFE];
	[sflag:s23] =	ssyncadd.s32 $0xFFFFFFFF  }
0xa5: {  	s26 =	simm.s32 $execute0_lowered;
	[smem:$0x3FD2] =	sst s25  }
0xa6: {  	s5 =	sshll.u32 s26, $0x1;
	_ =	strace $0x80000046;
	[dreg:$0x1] =	wrdreg $0xFFFFFFFF  }
0xa7: {  	s28 =	simm.s32 $_size_execute0_lowered;
	s3 =	sadd.s32 s3, s5;
	[dreg:$0x0] =	wrdreg $0x0  }
0xa8: {  	s5 =	sshll.u32 s28, $0x1;
	[dreg:$0x2] =	wrdreg s3  }
0xa9: {  	[dreg:$0x3] =	wrdreg s5  }
0xaa: {  	[dreg:$0x4] =	wrdreg $0xC0  }
0xab: {  	_ =	task [dreg:s7], $0x5FFFF  }
0xac: {  	[dreg:$0x1] =	wrdreg $0xFFFFFFFF  }
0xad: {  	[dreg:$0x0] =	wrdreg $0x60  }
0xae: {  	[dreg:$0x2] =	wrdreg s2  }
0xaf: {  	[dreg:$0x3] =	wrdreg s24  }
0xb0: {  	[dreg:$0x4] =	wrdreg $0xA6000  }
0xb1: {  	[dreg:$0x5] =	wrdreg $0x9  }
0xb2: {  	_ =	task.clear_ibuf [dreg:s7], $0x6FFFF;
	_ =	strace $0x90000046  }
0xb3: {  	s29 =	simm.s32 $0x9;
	_ =	strace $0x80000048  }
0xb4: {  	_ =	swait.ge [sflag:s29], $0x1  }
0xb5: {  	[sflag:s29] =	ssyncadd.s32 $0xFFFFFFFF  }
0xb6: {  	_ =	strace $0x90000048  }
0xb7: {  	_ =	sfence  }
0xb8: {  	s30 =	sld [smem:$0x0];
	_ =	sdelay $0x2  }
0xb9: {  	s31 =	sshll.u32 s1, $0xD;
	s1 =	sshrl.u32 s1, $0x2  }
0xba: {  	s3 =	sand.u32 $0x4000, s31;
	s1 =	sadd.s32 s1, s30  }
0xbb: {  	s0 =	sor.u32 s3, s0;
	s1 =	sshll.u32 s1, $0x11  }
0xbc: {  	s0 =	sor.u32 s1, s0  }
0xbd: {  	s0 =	sadd.s32 $0x8F2B, s0  }
0xbe: {  	[sflag:s0] =	ssyncadd.remote.s32 $0x1  }
0xbf: {  	_ =	sfence.sel $0xFFFF  }
0xc0: {  	[dreg:$0x0] =	wrdreg $0xFFFFFFFF;
	(pc) =	sbr.abs _section_cstart, $3  }
0xc1: {  	[dreg:$0x1] =	wrdreg $0xFFFFFFFF  }
0xc2: {  	_ =	task.clear_ibuf [dreg:s7], $0x2FFFF;
	_ =	strace $0x9FFFFFFF  }
0xc3: {  	(tm) =	ssettm $0x7FFFFFFF  }
tec
execute0_lowered:
.L_overlay_start_1:
0x0: {  	(tag) =	ssettag $0x1  }
0x1: {  	s1 =	rddreg [dreg:$0x0]  }
0x2: {  	s6 =	rddreg [dreg:$0x1]  }
0x3: {  	s0 =	srdreg.scid;
	s15 =	stileid.u32  }
0x4: {  	s2 =	simm.s32 $0x0;
	s28 =	simm.s32 $0x200;
	s30 =	simm.s32 $0x2  }
0x5: {  	s31 =	simm.s32 $0x2A00;
	s29 =	simm.s32 $0x0;
	s4 =	sand.u32 $0x1, s0  }
0x6: {  	s7 =	smul.u32 $0x13C00, s15;
	[smem:$0x7FF] =	sst s2;
	s9 =	sadd.s32 $0x9D9E00, s6  }
0x7: {  	s18 =	sshll.u32 s15, $0x1;
	s15 =	smul.u32 $0x4F000, s15;
	s0 =	ssub.s32 $0x2, s4  }
0x8: {  	s8 =	smul.u32 $0x13C000, s4;
	s11 =	sor.u32 s4, s18;
	s5 =	sshrl.u32 s0, $0x1  }
0x9: {  	s3 =	sadd.s32 $0x12000, s7;
	s13 =	sadd.s32 $0x6000, s7;
	s14 =	sadd.s32 $0x8000, s7  }
0xa: {  	s0 =	ssub.s32 s0, s5;
	s10 =	sadd.s32 s8, s3;
	s20 =	sadd.s32 s8, s7  }
0xb: {  	s23 =	sadd.s32 s8, s13;
	s25 =	sadd.s32 s8, s14;
	s19 =	sshrl.u32 s10, $0x3  }
0xc: {  	s5 =	sshrl.u32 s20, $0x3;
	s24 =	sshrl.u32 s23, $0x3;
	s20 =	sadd.s32 $0xA000, s7  }
0xd: {  	s23 =	sshrl.u32 s15, $0x2;
	s15 =	sadd.s32 $0x4F7E00, s6;
	s4 =	sadd.s32 s9, s19  }
0xe: {  	s0 =	smax.u32 s0, $0x1;
	s5 =	sadd.s32 s9, s5;
	[dreg:$0x4] =	wrdreg s4  }
0xf: {  	s4 =	sadd.s32 $0x2000, s7;
	[dreg:$0x5] =	wrdreg s5;
	s5 =	sadd.s32 $0x4000, s7  }
0x10: {  	s26 =	sadd.s32 s8, s20;
	s21 =	sadd.s32 s8, s4;
	s12 =	sadd.s32 s8, s5  }
0x11: {  	s16 =	sshrl.u32 s26, $0x3;
	s10 =	sshrl.u32 s21, $0x3;
	s22 =	sshrl.u32 s12, $0x3  }
0x12: {  	s21 =	sadd.s32 $0xC000, s7;
	s12 =	rddreg [dreg:$0x2];
	s10 =	sadd.s32 s9, s10  }
0x13: {  	s17 =	sadd.s32 s8, s21;
	s3 =	sadd.s32 s3, s12;
	s13 =	sadd.s32 s13, s12  }
0x14: {  	s14 =	sadd.s32 s14, s12;
	s20 =	sadd.s32 s20, s12;
	[dreg:$0x6] =	wrdreg s10  }
0x15: {  	s10 =	sadd.s32 s9, s22;
	s18 =	sshrl.u32 s17, $0x3;
	s22 =	sadd.s32 $0xE000, s7  }
0x16: {  	s7 =	sadd.s32 $0x10000, s7;
	s17 =	sadd.s32 $0x2200, s6;
	s13 =	sshrl.u32 s13, $0x3  }
0x17: {  	s14 =	sshrl.u32 s14, $0x3;
	[dreg:$0x7] =	wrdreg s10;
	s10 =	sadd.s32 s9, s24  }
0x18: {  	s20 =	sshrl.u32 s20, $0x3;
	[dreg:$0x8] =	wrdreg s10;
	s10 =	sshrl.u32 s25, $0x3  }
0x19: {  	s19 =	sadd.s32 s8, s22;
	s8 =	sadd.s32 s8, s7;
	s10 =	sadd.s32 s9, s10  }
0x1a: {  	s7 =	sadd.s32 s7, s12;
	[dreg:$0x9] =	wrdreg s10;
	s10 =	sadd.s32 s9, s16  }
0x1b: {  	s8 =	sshrl.u32 s8, $0x3;
	[dreg:$0xa] =	wrdreg s10;
	s10 =	sadd.s32 s9, s18  }
0x1c: {  	s8 =	sadd.s32 s9, s8;
	[dreg:$0xb] =	wrdreg s10;
	s10 =	sshrl.u32 s19, $0x3  }
0x1d: {  	s25 =	smul.u32 $0x138800, s11;
	[dreg:$0xd] =	wrdreg s8;
	s10 =	sadd.s32 s9, s10  }
0x1e: {  	s16 =	sadd.s32 $0xC000, s6;
	s9 =	smul.u32 $0x2710, s11;
	[dreg:$0xc] =	wrdreg s10  }
0x1f: {  	s18 =	sadd.s32 s23, s12;
	_ =	strace $0x80000047;
	[dreg:$0x17] =	wrdreg s0  }
0x20: {  	s10 =	smul.u32 $0x27100, s11;
	s24 =	sshrl.u32 s9, $0x3;
	[dreg:$0x1a] =	wrdreg s13  }
0x21: {  	s19 =	sadd.s32 $0x50, s9;
	s11 =	sadd.s32 $0x26C0, s9;
	[dreg:$0x1b] =	wrdreg s14  }
0x22: {  	[dreg:$0x1c] =	wrdreg s20;
	s13 =	simm.s32 $0xA200;
	s14 =	simm.s32 $0x7  }
0x23: {  	s20 =	simm.s32 $0x100;
	s26 =	sadd.s32 s16, s24;
	s23 =	sshrl.u32 s19, $0x3  }
0x24: {  	s6 =	sadd.s32 s17, s24;
	s24 =	sshrl.u32 s25, $0x3;
	[dreg:$0xe] =	wrdreg s26  }
0x25: {  	s10 =	sadd.s32 s15, s10;
	s8 =	sshll.u32 s11, $0x4;
	[dreg:$0xf] =	wrdreg s6  }
0x26: {  	s25 =	sadd.s32 s16, s23;
	s26 =	sadd.s32 s17, s23;
	[dreg:$0x12] =	wrdreg s10  }
0x27: {  	s6 =	sadd.s32 s15, s24;
	s23 =	sshrl.u32 s11, $0x3;
	[dreg:$0x10] =	wrdreg s25  }
0x28: {  	s10 =	sadd.s32 s4, s12;
	[dreg:$0x11] =	wrdreg s26;
	s6 =	sadd.s32 $0x26700, s6  }
0x29: {  	s25 =	sadd.s32 $0xA0, s9;
	s24 =	sadd.s32 s16, s23;
	[dreg:$0x13] =	wrdreg s6  }
0x2a: {  	s26 =	sadd.s32 $0xF0, s9;
	s9 =	sadd.s32 s15, s8;
	[dreg:$0x14] =	wrdreg s24  }
0x2b: {  	s11 =	sadd.s32 s5, s12;
	s0 =	sshrl.u32 s10, $0x3;
	[dreg:$0x16] =	wrdreg s9  }
0x2c: {  	s4 =	simm.s32 $0x4;
	s11 =	sshrl.u32 s11, $0x3;
	[dreg:$0x18] =	wrdreg s0  }
0x2d: {  	s6 =	sadd.s32 s17, s23;
	s23 =	sadd.s32 s21, s12;
	[dreg:$0x19] =	wrdreg s11  }
0x2e: {  	s24 =	sadd.s32 s22, s12;
	[dreg:$0x15] =	wrdreg s6;
	s21 =	sshrl.u32 s23, $0x3  }
0x2f: {  	s5 =	simm.s32 $0x6;
	s22 =	sshrl.u32 s24, $0x3;
	[dreg:$0x1d] =	wrdreg s21  }
0x30: {  	s0 =	simm.s32 $0x3;
	s23 =	sshrl.u32 s7, $0x3;
	[dreg:$0x1e] =	wrdreg s22  }
0x31: {  	s24 =	sshrl.u32 s3, $0x3;
	s3 =	simm.s32 $0x5;
	[dreg:$0x1f] =	wrdreg s23  }
0x32: {  	s7 =	simm.s32 $0x0;
	[smem:$0x7FD] =	sst s24;
	s21 =	simm.s32 $0x80  }
0x33: {  	v0 =	vimm.f32 $0.0e+00;
	s22 =	simm.s32 $0x180;
	s23 =	simm.s32 $0x1;
	s24 =	simm.s32 $0x50  }
.LBB2_1:
0x34: {  	[tilespmem:$0xA200] =	vst v0  }
0x35: {  	[tilespmem:$0xA210] =	vst v0  }
0x36: {  	[tilespmem:$0xA220] =	vst v0  }
0x37: {  	[tilespmem:$0xA230] =	vst v0  }
0x38: {  	[tilespmem:$0xA240] =	vst v0  }
0x39: {  	[tilespmem:$0xA250] =	vst v0  }
0x3a: {  	[tilespmem:$0xA260] =	vst v0  }
0x3b: {  	[tilespmem:$0xA270] =	vst v0  }
0x3c: {  	[tilespmem:$0xA280] =	vst v0  }
0x3d: {  	[tilespmem:$0xA290] =	vst v0  }
0x3e: {  	[tilespmem:$0xA2A0] =	vst v0  }
0x3f: {  	[tilespmem:$0xA2B0] =	vst v0  }
0x40: {  	[tilespmem:$0xA2C0] =	vst v0  }
0x41: {  	[tilespmem:$0xA2D0] =	vst v0  }
0x42: {  	[tilespmem:$0xA2E0] =	vst v0  }
0x43: {  	[tilespmem:$0xA2F0] =	vst v0  }
0x44: {  	[tilespmem:$0xA300] =	vst v0  }
0x45: {  	[tilespmem:$0xA310] =	vst v0  }
0x46: {  	[tilespmem:$0xA320] =	vst v0  }
0x47: {  	[tilespmem:$0xA330] =	vst v0  }
0x48: {  	[tilespmem:$0xA340] =	vst v0  }
0x49: {  	[tilespmem:$0xA350] =	vst v0  }
0x4a: {  	[tilespmem:$0xA360] =	vst v0  }
0x4b: {  	[tilespmem:$0xA370] =	vst v0  }
0x4c: {  	[tilespmem:$0xA380] =	vst v0  }
0x4d: {  	[tilespmem:$0xA390] =	vst v0  }
0x4e: {  	[tilespmem:$0xA3A0] =	vst v0  }
0x4f: {  	[tilespmem:$0xA3B0] =	vst v0  }
0x50: {  	[tilespmem:$0xA3C0] =	vst v0  }
0x51: {  	[tilespmem:$0xA3D0] =	vst v0  }
0x52: {  	[tilespmem:$0xA3E0] =	vst v0  }
0x53: {  	[tilespmem:$0xA3F0] =	vst v0  }
0x54: {  	[tilespmem:$0xA400] =	vst v0  }
0x55: {  	[tilespmem:$0xA410] =	vst v0  }
0x56: {  	[tilespmem:$0xA420] =	vst v0  }
0x57: {  	[tilespmem:$0xA430] =	vst v0  }
0x58: {  	[tilespmem:$0xA440] =	vst v0  }
0x59: {  	[tilespmem:$0xA450] =	vst v0  }
0x5a: {  	[tilespmem:$0xA460] =	vst v0  }
0x5b: {  	[tilespmem:$0xA470] =	vst v0  }
0x5c: {  	[tilespmem:$0xA480] =	vst v0  }
0x5d: {  	[tilespmem:$0xA490] =	vst v0  }
0x5e: {  	[tilespmem:$0xA4A0] =	vst v0  }
0x5f: {  	[tilespmem:$0xA4B0] =	vst v0  }
0x60: {  	[tilespmem:$0xA4C0] =	vst v0  }
0x61: {  	[tilespmem:$0xA4D0] =	vst v0  }
0x62: {  	[tilespmem:$0xA4E0] =	vst v0  }
0x63: {  	[tilespmem:$0xA4F0] =	vst v0  }
0x64: {  	[tilespmem:$0xA500] =	vst v0  }
0x65: {  	[tilespmem:$0xA510] =	vst v0  }
0x66: {  	[tilespmem:$0xA520] =	vst v0  }
0x67: {  	[tilespmem:$0xA530] =	vst v0  }
0x68: {  	[tilespmem:$0xA540] =	vst v0  }
0x69: {  	[tilespmem:$0xA550] =	vst v0  }
0x6a: {  	[tilespmem:$0xA560] =	vst v0  }
0x6b: {  	[tilespmem:$0xA570] =	vst v0  }
0x6c: {  	[tilespmem:$0xA580] =	vst v0  }
0x6d: {  	[tilespmem:$0xA590] =	vst v0  }
0x6e: {  	[tilespmem:$0xA5A0] =	vst v0  }
0x6f: {  	[tilespmem:$0xA5B0] =	vst v0  }
0x70: {  	[tilespmem:$0xA5C0] =	vst v0  }
0x71: {  	[tilespmem:$0xA5D0] =	vst v0  }
0x72: {  	[tilespmem:$0xA5E0] =	vst v0  }
0x73: {  	[smem:$0x7FC] =	sst s7;
	[tilespmem:$0xA5F0] =	vst v0;
	s6 =	sadd.s32 $0x0, s18  }
0x74: {  	[spmem:s6] =	stream.linear.scatter [tilespmem:s13], [sflag:$0x7], $0x400, $0x38;
	[tilespmem:$0x1E200] =	vst v63  }
0x75: {  	s6 =	simm.s32 $0x1000;
	_ =	swait.ge [sflag:s14], $0x400  }
.LBB2_2:
0x76: {  	s7 =	sshra.s32 s6, $0x2;
	[sflag:s14] =	ssyncset.done $0x0;
	p0 =	sne.s32 s6, $0x4E000  }
.Ltmp0:
0x77: {  	s7 =	sadd.s32 s7, s18;
	[sflag:s14] =	ssyncadd.s32 $0xFFFFFC00;
	(pc) =	sbr.rel @p0 .LBB2_2-.Ltmp0, $3  }
0x78: {  	[spmem:s7] =	stream.linear.scatter [tilespmem:s13], [sflag:$0x7], $0x400, $0x38;
	[tilespmem:$0x1E200] =	vst v63  }
0x79: {  	s6 =	sadd.s32 $0x1000, s6;
	_ =	sdelay $0x1  }
0x7a: {  	_ =	swait.ge [sflag:s14], $0x400  }
0x7b: {  	[sflag:s14] =	ssyncset.done $0x0  }
0x7c: {  	[sflag:s14] =	ssyncadd.s32 $0xFFFFFC00  }
0x7d: {  	[bflag:$0x0] =	sbarrier.arrive $0xFFFF  }
0x7e: {  	s7 =	simm.s32 $0x0;
	s6 =	rddreg [dreg:$0xe]  }
0x7f: {  	[tilespmem:s7], [sflag:$0x1] =	stream.linear.gather [hbm4b:s6+s7], $0x50, $0x38;
	[tilespmem:$0x1E200] =	vst v63  }
0x80: {  	s8 =	rddreg [dreg:$0xf]  }
0x81: {  	[tilespmem:s20], [sflag:$0x1] =	stream.linear.gather [hbm4b:s8+s7], $0x50, $0x38;
	[tilespmem:$0x1E200] =	vst v63  }
0x82: {  	s9 =	rddreg [dreg:$0x10]  }
0x83: {  	[tilespmem:s21], [sflag:$0x2] =	stream.linear.gather [hbm4b:s9+s7], $0x50, $0x38;
	[tilespmem:$0x1E200] =	vst v63  }
0x84: {  	s10 =	rddreg [dreg:$0x11]  }
0x85: {  	[tilespmem:s22], [sflag:$0x2] =	stream.linear.gather [hbm4b:s10+s7], $0x50, $0x38;
	[tilespmem:$0x1E200] =	vst v63  }
0x86: {  	_ =	swait.ge [sflag:s23], $0x50  }
0x87: {  	[sflag:s23] =	ssyncset.done $0x0  }
0x88: {  	[sflag:s23] =	ssyncadd.s32 $0xFFFFFFB0  }
0x89: {  	_ =	swait.ge [sflag:s23], $0x50  }
0x8a: {  	[sflag:s23] =	ssyncset.done $0x0  }
0x8b: {  	[sflag:s23] =	ssyncadd.s32 $0xFFFFFFB0  }
0x8c: {  	[tilespmem:s28], [sflag:$0x3] =	stream.indirect.gather [hbm4b:s1+s24], $0x80, s7, s24, $0xb8;
	[tilespmem:$0x1E200] =	vst v63  }
0x8d: {  	s8 =	simm.s32 $0x5200;
	s11 =	rddreg [dreg:$0x12]  }
0x8e: {  	[tilespmem:s8], [sflag:$0x5] =	stream.linear.gather [hbm4b:s11+s7], $0x2800, $0x38;
	[tilespmem:$0x1E200] =	vst v63  }
0x8f: {  	s8 =	simm.s32 $0x0  }
.LBB2_4:
0x90: {  	_ =	swait.ge [sflag:s30], $0x50  }
0x91: {  	[sflag:s30] =	ssyncset.done $0x0  }
0x92: {  	s9 =	smul.u32 $0xA0, s8;
	[sflag:s30] =	ssyncadd.s32 $0xFFFFFFB0  }
0x93: {  	_ =	swait.ge [sflag:s30], $0x50  }
0x94: {  	s6 =	sadd.s32 s9, s19;
	[sflag:s30] =	ssyncset.done $0x0  }
0x95: {  	s6 =	sshll.u32 s6, $0x4;
	[sflag:s30] =	ssyncadd.s32 $0xFFFFFFB0  }
0x96: {  	[tilespmem:s31], [sflag:$0x4] =	stream.indirect.gather [hbm4b:s1+s24], $0x80, s21, s24, $0xb8;
	[tilespmem:$0x1E200] =	vst v63  }
0x97: {  	s10 =	simm.s32 $0x7A00;
	s6 =	sadd.s32 s15, s6  }
0x98: {  	[tilespmem:s10], [sflag:$0x6] =	stream.linear.gather [hbm4b:s6+s7], $0x2800, $0x38;
	[tilespmem:$0x1E200] =	vst v63  }
0x99: {  	_ =	swait.ge [sflag:s0], $0x2800  }
0x9a: {  	[sflag:s0] =	ssyncset.done $0x0  }
0x9b: {  	[sflag:s0] =	ssyncadd.s32 $0xFFFFD800  }
0x9c: {  	_ =	swait.ge [sflag:s3], $0x2800  }
0x9d: {  	[sflag:s3] =	ssyncset.done $0x0  }
0x9e: {  	s10 =	simm.s32 $0x0;
	[sflag:s3] =	ssyncadd.s32 $0xFFFFD800  }
0x9f: {  	v7 =	vld [tilespmem:s10+$0x5200]  }
0xa0: {  	v12 =	vld [tilespmem:s10+$0x5210]  }
0xa1: {  	v6 =	vld [tilespmem:s10+$0x5220]  }
0xa2: {  	v5 =	vld [tilespmem:s10+$0x5230]  }
0xa3: {  	v4 =	vld [tilespmem:s10+$0x5240]  }
0xa4: {  	v3 =	vld [tilespmem:s10+$0x5250]  }
0xa5: {  	v2 =	vld [tilespmem:s10+$0x5260]  }
0xa6: {  	v1 =	vld [tilespmem:s10+$0x5270]  }
0xa7: {  	v13 =	vld [tilespmem:s10+$0x200]  }
0xa8: {  	v14 =	vld [tilespmem:s10+$0x210]  }
0xa9: {  	v11 =	vld [tilespmem:s10+$0x220]  }
0xaa: {  	v10 =	vld [tilespmem:s10+$0x230]  }
0xab: {  	v9 =	vld [tilespmem:s10+$0x240]  }
0xac: {  	v8 =	vld [tilespmem:s10+$0x250];
	v13 =	vadd.f32 v7, v13  }
0xad: {  	s6 =	simm.s32 $0x200;
	v12 =	vadd.f32 v12, v14;
	v7 =	vld [tilespmem:s10+$0x260]  }
.LBB2_5:
0xae: {  	s11 =	sshra.s32 s6, $0x2;
	p0 =	sne.s32 s6, $0x9E00;
	v13 =	vmax.f32 v13, $0.0e+00;
	v6 =	vadd.f32 v6, v11;
	v11 =	vld [tilespmem:s10+$0x270]  }
0xaf: {  	v14 =	vld [tilespmem:s11+$0x5200];
	[tilespmem:s10+$0x200] =	vst v13;
	v12 =	vmax.f32 v12, $0.0e+00;
	v5 =	vadd.f32 v5, v10  }
0xb0: {  	v15 =	vld [tilespmem:s11+$0x5210];
	[tilespmem:s10+$0x210] =	vst v12;
	v10 =	vmax.f32 v6, $0.0e+00;
	v4 =	vadd.f32 v4, v9  }
0xb1: {  	v6 =	vld [tilespmem:s11+$0x5220];
	[tilespmem:s10+$0x220] =	vst v10;
	v9 =	vmax.f32 v5, $0.0e+00;
	v3 =	vadd.f32 v3, v8  }
0xb2: {  	v5 =	vld [tilespmem:s11+$0x5230];
	[tilespmem:s10+$0x230] =	vst v9;
	v8 =	vmax.f32 v4, $0.0e+00;
	v2 =	vadd.f32 v2, v7  }
0xb3: {  	v4 =	vld [tilespmem:s11+$0x5240];
	[tilespmem:s10+$0x240] =	vst v8;
	v7 =	vmax.f32 v3, $0.0e+00;
	v1 =	vadd.f32 v1, v11  }
0xb4: {  	v3 =	vld [tilespmem:s11+$0x5250];
	[tilespmem:s10+$0x250] =	vst v7;
	v7 =	vmax.f32 v2, $0.0e+00  }
0xb5: {  	v2 =	vld [tilespmem:s11+$0x5260];
	[tilespmem:s10+$0x260] =	vst v7;
	v7 =	vmax.f32 v1, $0.0e+00  }
0xb6: {  	v1 =	vld [tilespmem:s11+$0x5270];
	[tilespmem:s10+$0x270] =	vst v7;
	s10 =	smov.u32 s11  }
0xb7: {  	v7 =	vld [tilespmem:s10+$0x200]  }
0xb8: {  	v12 =	vld [tilespmem:s10+$0x210]  }
.Ltmp1:
0xb9: {  	v11 =	vld [tilespmem:s10+$0x220];
	(pc) =	sbr.rel @p0 .LBB2_5-.Ltmp1, $4  }
0xba: {  	v10 =	vld [tilespmem:s10+$0x230]  }
0xbb: {  	v9 =	vld [tilespmem:s10+$0x240]  }
0xbc: {  	v13 =	vadd.f32 v14, v7;
	v8 =	vld [tilespmem:s10+$0x250]  }
0xbd: {  	s6 =	sadd.s32 $0x200, s6;
	v12 =	vadd.f32 v15, v12;
	v7 =	vld [tilespmem:s10+$0x260]  }
0xbe: {  	v13 =	vmax.f32 v13, $0.0e+00;
	v6 =	vadd.f32 v6, v11;
	v11 =	vld [tilespmem:s10+$0x270]  }
0xbf: {  	[tilespmem:s10+$0x200] =	vst v13;
	v12 =	vmax.f32 v12, $0.0e+00;
	v5 =	vadd.f32 v5, v10  }
0xc0: {  	[tilespmem:s10+$0x210] =	vst v12;
	v6 =	vmax.f32 v6, $0.0e+00;
	v4 =	vadd.f32 v4, v9  }
0xc1: {  	[tilespmem:s10+$0x220] =	vst v6;
	v5 =	vmax.f32 v5, $0.0e+00;
	v3 =	vadd.f32 v3, v8  }
0xc2: {  	[tilespmem:s10+$0x230] =	vst v5;
	v4 =	vmax.f32 v4, $0.0e+00;
	v2 =	vadd.f32 v2, v7  }
0xc3: {  	[tilespmem:s10+$0x240] =	vst v4;
	v3 =	vmax.f32 v3, $0.0e+00;
	v1 =	vadd.f32 v1, v11  }
0xc4: {  	[tilespmem:s10+$0x250] =	vst v3;
	v2 =	vmax.f32 v2, $0.0e+00  }
0xc5: {  	[tilespmem:s10+$0x260] =	vst v2;
	v1 =	vmax.f32 v1, $0.0e+00  }
0xc6: {  	[tilespmem:s10+$0x270] =	vst v1  }
0xc7: {  	[spmem:s12] =	stream.indirect.scatter.add.f32 [tilespmem:s28], [sflag:$0x7], $0x80, s20, s24, $0xb8;
	[tilespmem:$0x1E200] =	vst v63  }
0xc8: {  	s6 =	sadd.s32 s9, s25;
	_ =	swait.ge [sflag:s14], $0x2800  }
0xc9: {  	s10 =	sshrl.u32 s6, $0x3;
	[sflag:s14] =	ssyncset.done $0x0  }
0xca: {  	s11 =	sadd.s32 s16, s10;
	[sflag:s14] =	ssyncadd.s32 $0xFFFFD800  }
0xcb: {  	[tilespmem:s29], [sflag:$0x1] =	stream.linear.gather [hbm4b:s11+s29], $0x50, $0x38;
	[tilespmem:$0x1E200] =	vst v63  }
0xcc: {  	s10 =	sadd.s32 s17, s10  }
0xcd: {  	[tilespmem:s20], [sflag:$0x1] =	stream.linear.gather [hbm4b:s10+s29], $0x50, $0x38;
	[tilespmem:$0x1E200] =	vst v63  }
0xce: {  	_ =	swait.ge [sflag:s23], $0x50  }
0xcf: {  	[sflag:s23] =	ssyncset.done $0x0  }
0xd0: {  	[sflag:s23] =	ssyncadd.s32 $0xFFFFFFB0  }
0xd1: {  	_ =	swait.ge [sflag:s23], $0x50  }
0xd2: {  	[sflag:s23] =	ssyncset.done $0x0  }
0xd3: {  	s6 =	sshll.u32 s6, $0x4;
	[sflag:s23] =	ssyncadd.s32 $0xFFFFFFB0  }
0xd4: {  	[tilespmem:s28], [sflag:$0x3] =	stream.indirect.gather [hbm4b:s1+s24], $0x80, s29, s24, $0xb8;
	[tilespmem:$0x1E200] =	vst v63  }
0xd5: {  	s6 =	sadd.s32 s15, s6;
	s11 =	simm.s32 $0x5200  }
0xd6: {  	[tilespmem:s11], [sflag:$0x5] =	stream.linear.gather [hbm4b:s6+s29], $0x2800, $0x38;
	[tilespmem:$0x1E200] =	vst v63  }
0xd7: {  	_ =	swait.ge [sflag:s4], $0x2800  }
0xd8: {  	[sflag:s4] =	ssyncset.done $0x0  }
0xd9: {  	[sflag:s4] =	ssyncadd.s32 $0xFFFFD800  }
0xda: {  	_ =	swait.ge [sflag:s5], $0x2800  }
0xdb: {  	[sflag:s5] =	ssyncset.done $0x0  }
0xdc: {  	s10 =	simm.s32 $0x0;
	[sflag:s5] =	ssyncadd.s32 $0xFFFFD800  }
0xdd: {  	v7 =	vld [tilespmem:s10+$0x7A00]  }
0xde: {  	v12 =	vld [tilespmem:s10+$0x7A10]  }
0xdf: {  	v6 =	vld [tilespmem:s10+$0x7A20]  }
0xe0: {  	v5 =	vld [tilespmem:s10+$0x7A30]  }
0xe1: {  	v4 =	vld [tilespmem:s10+$0x7A40]  }
0xe2: {  	v3 =	vld [tilespmem:s10+$0x7A50]  }
0xe3: {  	v2 =	vld [tilespmem:s10+$0x7A60]  }
0xe4: {  	v1 =	vld [tilespmem:s10+$0x7A70]  }
0xe5: {  	v13 =	vld [tilespmem:s10+$0x2A00]  }
0xe6: {  	v14 =	vld [tilespmem:s10+$0x2A10]  }
0xe7: {  	v11 =	vld [tilespmem:s10+$0x2A20]  }
0xe8: {  	v10 =	vld [tilespmem:s10+$0x2A30]  }
0xe9: {  	v9 =	vld [tilespmem:s10+$0x2A40]  }
0xea: {  	v8 =	vld [tilespmem:s10+$0x2A50];
	v13 =	vadd.f32 v7, v13  }
0xeb: {  	s6 =	simm.s32 $0x200;
	v12 =	vadd.f32 v12, v14;
	v7 =	vld [tilespmem:s10+$0x2A60]  }
.LBB2_7:
0xec: {  	s11 =	sshra.s32 s6, $0x2;
	p0 =	sne.s32 s6, $0x9E00;
	v13 =	vmax.f32 v13, $0.0e+00;
	v6 =	vadd.f32 v6, v11;
	v11 =	vld [tilespmem:s10+$0x2A70]  }
0xed: {  	v14 =	vld [tilespmem:s11+$0x7A00];
	[tilespmem:s10+$0x2A00] =	vst v13;
	v12 =	vmax.f32 v12, $0.0e+00;
	v5 =	vadd.f32 v5, v10  }
0xee: {  	v15 =	vld [tilespmem:s11+$0x7A10];
	[tilespmem:s10+$0x2A10] =	vst v12;
	v10 =	vmax.f32 v6, $0.0e+00;
	v4 =	vadd.f32 v4, v9  }
0xef: {  	v6 =	vld [tilespmem:s11+$0x7A20];
	[tilespmem:s10+$0x2A20] =	vst v10;
	v9 =	vmax.f32 v5, $0.0e+00;
	v3 =	vadd.f32 v3, v8  }
0xf0: {  	v5 =	vld [tilespmem:s11+$0x7A30];
	[tilespmem:s10+$0x2A30] =	vst v9;
	v8 =	vmax.f32 v4, $0.0e+00;
	v2 =	vadd.f32 v2, v7  }
0xf1: {  	v4 =	vld [tilespmem:s11+$0x7A40];
	[tilespmem:s10+$0x2A40] =	vst v8;
	v7 =	vmax.f32 v3, $0.0e+00;
	v1 =	vadd.f32 v1, v11  }
0xf2: {  	v3 =	vld [tilespmem:s11+$0x7A50];
	[tilespmem:s10+$0x2A50] =	vst v7;
	v7 =	vmax.f32 v2, $0.0e+00  }
0xf3: {  	v2 =	vld [tilespmem:s11+$0x7A60];
	[tilespmem:s10+$0x2A60] =	vst v7;
	v7 =	vmax.f32 v1, $0.0e+00  }
0xf4: {  	v1 =	vld [tilespmem:s11+$0x7A70];
	[tilespmem:s10+$0x2A70] =	vst v7;
	s10 =	smov.u32 s11  }
0xf5: {  	v7 =	vld [tilespmem:s10+$0x2A00]  }
0xf6: {  	v12 =	vld [tilespmem:s10+$0x2A10]  }
.Ltmp2:
0xf7: {  	v11 =	vld [tilespmem:s10+$0x2A20];
	(pc) =	sbr.rel @p0 .LBB2_7-.Ltmp2, $4  }
0xf8: {  	v10 =	vld [tilespmem:s10+$0x2A30]  }
0xf9: {  	v9 =	vld [tilespmem:s10+$0x2A40]  }
0xfa: {  	v13 =	vadd.f32 v14, v7;
	v8 =	vld [tilespmem:s10+$0x2A50]  }
0xfb: {  	s6 =	sadd.s32 $0x200, s6;
	v12 =	vadd.f32 v15, v12;
	v7 =	vld [tilespmem:s10+$0x2A60]  }
0xfc: {  	v13 =	vmax.f32 v13, $0.0e+00;
	v6 =	vadd.f32 v6, v11;
	v63 =	vld [tilespmem:s10+$0x2A70]  }
0xfd: {  	[tilespmem:s10+$0x2A00] =	vst v13;
	v12 =	vmax.f32 v12, $0.0e+00;
	v5 =	vadd.f32 v5, v10  }
0xfe: {  	[tilespmem:s10+$0x2A10] =	vst v12;
	v6 =	vmax.f32 v6, $0.0e+00;
	v4 =	vadd.f32 v4, v9  }
0xff: {  	[tilespmem:s10+$0x2A20] =	vst v6;
	v5 =	vmax.f32 v5, $0.0e+00;
	v3 =	vadd.f32 v3, v8  }
0x100: {  	[tilespmem:s10+$0x2A30] =	vst v5;
	v4 =	vmax.f32 v4, $0.0e+00;
	v2 =	vadd.f32 v2, v7  }
0x101: {  	[tilespmem:s10+$0x2A40] =	vst v4;
	v3 =	vmax.f32 v3, $0.0e+00;
	v1 =	vadd.f32 v1, v63  }
0x102: {  	[tilespmem:s10+$0x2A50] =	vst v3;
	v2 =	vmax.f32 v2, $0.0e+00  }
0x103: {  	[tilespmem:s10+$0x2A60] =	vst v2;
	v1 =	vmax.f32 v1, $0.0e+00  }
0x104: {  	s8 =	sadd.s32 $0x1, s8;
	[tilespmem:s10+$0x2A70] =	vst v1  }
0x105: {  	[spmem:s12] =	stream.indirect.scatter.add.f32 [tilespmem:s31], [sflag:$0x7], $0x80, s22, s24, $0xb8;
	[tilespmem:$0x1E200] =	vst v63  }
0x106: {  	s6 =	sadd.s32 s9, s26;
	p0 =	sne.s32 s8, $0x3D;
	_ =	swait.ge [sflag:s14], $0x2800  }
.Ltmp3:
0x107: {  	s6 =	sshrl.u32 s6, $0x3;
	[sflag:s14] =	ssyncset.done $0x0;
	(pc) =	sbr.rel @p0 .LBB2_4-.Ltmp3, $4  }
0x108: {  	s11 =	sadd.s32 s16, s6;
	[sflag:s14] =	ssyncadd.s32 $0xFFFFD800  }
0x109: {  	[tilespmem:s21], [sflag:$0x2] =	stream.linear.gather [hbm4b:s11+s2], $0x50, $0x38;
	[tilespmem:$0x1E200] =	vst v63  }
0x10a: {  	s6 =	sadd.s32 s17, s6  }
0x10b: {  	[tilespmem:s22], [sflag:$0x2] =	stream.linear.gather [hbm4b:s6+s2], $0x50, $0x38;
	[tilespmem:$0x1E200] =	vst v63  }
0x10c: {  	_ =	swait.ge [sflag:s30], $0x50  }
0x10d: {  	[sflag:s30] =	ssyncset.done $0x0  }
0x10e: {  	[sflag:s30] =	ssyncadd.s32 $0xFFFFFFB0  }
0x10f: {  	_ =	swait.ge [sflag:s30], $0x50  }
0x110: {  	[sflag:s30] =	ssyncset.done $0x0  }
0x111: {  	[sflag:s30] =	ssyncadd.s32 $0xFFFFFFB0  }
0x112: {  	[tilespmem:s31], [sflag:$0x4] =	stream.indirect.gather [hbm4b:s1+s24], $0x80, s21, s24, $0xb8;
	[tilespmem:$0x1E200] =	vst v63  }
0x113: {  	s6 =	simm.s32 $0x0;
	s8 =	simm.s32 $0x7A00;
	s7 =	rddreg [dreg:$0x13]  }
0x114: {  	[tilespmem:s8], [sflag:$0x6] =	stream.linear.gather [hbm4b:s7+s6], $0x2800, $0x38;
	[tilespmem:$0x1E200] =	vst v63  }
0x115: {  	_ =	swait.ge [sflag:s0], $0x2800  }
0x116: {  	[sflag:s0] =	ssyncset.done $0x0  }
0x117: {  	[sflag:s0] =	ssyncadd.s32 $0xFFFFD800  }
0x118: {  	_ =	swait.ge [sflag:s3], $0x2800  }
0x119: {  	[sflag:s3] =	ssyncset.done $0x0  }
0x11a: {  	s7 =	simm.s32 $0x0;
	[sflag:s3] =	ssyncadd.s32 $0xFFFFD800  }
0x11b: {  	v7 =	vld [tilespmem:s7+$0x5200]  }
0x11c: {  	v12 =	vld [tilespmem:s7+$0x5210]  }
0x11d: {  	v6 =	vld [tilespmem:s7+$0x5220]  }
0x11e: {  	v5 =	vld [tilespmem:s7+$0x5230]  }
0x11f: {  	v4 =	vld [tilespmem:s7+$0x5240]  }
0x120: {  	v3 =	vld [tilespmem:s7+$0x5250]  }
0x121: {  	v2 =	vld [tilespmem:s7+$0x5260]  }
0x122: {  	v1 =	vld [tilespmem:s7+$0x5270]  }
0x123: {  	v13 =	vld [tilespmem:s7+$0x200]  }
0x124: {  	v14 =	vld [tilespmem:s7+$0x210]  }
0x125: {  	v11 =	vld [tilespmem:s7+$0x220]  }
0x126: {  	v10 =	vld [tilespmem:s7+$0x230]  }
0x127: {  	v9 =	vld [tilespmem:s7+$0x240]  }
0x128: {  	v8 =	vld [tilespmem:s7+$0x250];
	v13 =	vadd.f32 v7, v13  }
0x129: {  	s6 =	simm.s32 $0x200;
	v12 =	vadd.f32 v12, v14;
	v7 =	vld [tilespmem:s7+$0x260]  }
.LBB2_10:
0x12a: {  	s8 =	sshra.s32 s6, $0x2;
	p0 =	sne.s32 s6, $0x9E00;
	v13 =	vmax.f32 v13, $0.0e+00;
	v6 =	vadd.f32 v6, v11;
	v11 =	vld [tilespmem:s7+$0x270]  }
0x12b: {  	v14 =	vld [tilespmem:s8+$0x5200];
	[tilespmem:s7+$0x200] =	vst v13;
	v12 =	vmax.f32 v12, $0.0e+00;
	v5 =	vadd.f32 v5, v10  }
0x12c: {  	v15 =	vld [tilespmem:s8+$0x5210];
	[tilespmem:s7+$0x210] =	vst v12;
	v10 =	vmax.f32 v6, $0.0e+00;
	v4 =	vadd.f32 v4, v9  }
0x12d: {  	v6 =	vld [tilespmem:s8+$0x5220];
	[tilespmem:s7+$0x220] =	vst v10;
	v9 =	vmax.f32 v5, $0.0e+00;
	v3 =	vadd.f32 v3, v8  }
0x12e: {  	v5 =	vld [tilespmem:s8+$0x5230];
	[tilespmem:s7+$0x230] =	vst v9;
	v8 =	vmax.f32 v4, $0.0e+00;
	v2 =	vadd.f32 v2, v7  }
0x12f: {  	v4 =	vld [tilespmem:s8+$0x5240];
	[tilespmem:s7+$0x240] =	vst v8;
	v7 =	vmax.f32 v3, $0.0e+00;
	v1 =	vadd.f32 v1, v11  }
0x130: {  	v3 =	vld [tilespmem:s8+$0x5250];
	[tilespmem:s7+$0x250] =	vst v7;
	v7 =	vmax.f32 v2, $0.0e+00  }
0x131: {  	v2 =	vld [tilespmem:s8+$0x5260];
	[tilespmem:s7+$0x260] =	vst v7;
	v7 =	vmax.f32 v1, $0.0e+00  }
0x132: {  	v1 =	vld [tilespmem:s8+$0x5270];
	[tilespmem:s7+$0x270] =	vst v7;
	s7 =	smov.u32 s8  }
0x133: {  	v7 =	vld [tilespmem:s7+$0x200]  }
0x134: {  	v12 =	vld [tilespmem:s7+$0x210]  }
.Ltmp4:
0x135: {  	v11 =	vld [tilespmem:s7+$0x220];
	(pc) =	sbr.rel @p0 .LBB2_10-.Ltmp4, $4  }
0x136: {  	v10 =	vld [tilespmem:s7+$0x230]  }
0x137: {  	v9 =	vld [tilespmem:s7+$0x240]  }
0x138: {  	v13 =	vadd.f32 v14, v7;
	v8 =	vld [tilespmem:s7+$0x250]  }
0x139: {  	s6 =	sadd.s32 $0x200, s6;
	v12 =	vadd.f32 v15, v12;
	v7 =	vld [tilespmem:s7+$0x260]  }
0x13a: {  	v13 =	vmax.f32 v13, $0.0e+00;
	v6 =	vadd.f32 v6, v11;
	v11 =	vld [tilespmem:s7+$0x270]  }
0x13b: {  	[tilespmem:s7+$0x200] =	vst v13;
	v12 =	vmax.f32 v12, $0.0e+00;
	v5 =	vadd.f32 v5, v10  }
0x13c: {  	[tilespmem:s7+$0x210] =	vst v12;
	v6 =	vmax.f32 v6, $0.0e+00;
	v4 =	vadd.f32 v4, v9  }
0x13d: {  	[tilespmem:s7+$0x220] =	vst v6;
	v5 =	vmax.f32 v5, $0.0e+00;
	v3 =	vadd.f32 v3, v8  }
0x13e: {  	[tilespmem:s7+$0x230] =	vst v5;
	v4 =	vmax.f32 v4, $0.0e+00;
	v2 =	vadd.f32 v2, v7  }
0x13f: {  	[tilespmem:s7+$0x240] =	vst v4;
	v3 =	vmax.f32 v3, $0.0e+00;
	v1 =	vadd.f32 v1, v11  }
0x140: {  	[tilespmem:s7+$0x250] =	vst v3;
	v2 =	vmax.f32 v2, $0.0e+00  }
0x141: {  	[tilespmem:s7+$0x260] =	vst v2;
	v1 =	vmax.f32 v1, $0.0e+00  }
0x142: {  	[tilespmem:s7+$0x270] =	vst v1  }
0x143: {  	[spmem:s12] =	stream.indirect.scatter.add.f32 [tilespmem:s28], [sflag:$0x7], $0x80, s20, s24, $0xb8;
	[tilespmem:$0x1E200] =	vst v63  }
0x144: {  	_ =	swait.ge [sflag:s14], $0x2800  }
0x145: {  	[sflag:s14] =	ssyncset.done $0x0  }
0x146: {  	s6 =	simm.s32 $0x0;
	s9 =	rddreg [dreg:$0x14];
	[sflag:s14] =	ssyncadd.s32 $0xFFFFD800  }
0x147: {  	[tilespmem:s6], [sflag:$0x1] =	stream.linear.gather [hbm4b:s9+s6], $0x50, $0x38;
	[tilespmem:$0x1E200] =	vst v63  }
0x148: {  	s10 =	rddreg [dreg:$0x15]  }
0x149: {  	[tilespmem:s20], [sflag:$0x1] =	stream.linear.gather [hbm4b:s10+s6], $0x50, $0x38;
	[tilespmem:$0x1E200] =	vst v63  }
0x14a: {  	_ =	swait.ge [sflag:s23], $0x50  }
0x14b: {  	[sflag:s23] =	ssyncset.done $0x0  }
0x14c: {  	[sflag:s23] =	ssyncadd.s32 $0xFFFFFFB0  }
0x14d: {  	_ =	swait.ge [sflag:s23], $0x50  }
0x14e: {  	[sflag:s23] =	ssyncset.done $0x0  }
0x14f: {  	[sflag:s23] =	ssyncadd.s32 $0xFFFFFFB0  }
0x150: {  	[tilespmem:s28], [sflag:$0x3] =	stream.indirect.gather [hbm4b:s1+s24], $0x80, s6, s24, $0xb8;
	[tilespmem:$0x1E200] =	vst v63  }
0x151: {  	s8 =	simm.s32 $0x5200;
	s11 =	rddreg [dreg:$0x16]  }
0x152: {  	[tilespmem:s8], [sflag:$0x5] =	stream.linear.gather [hbm4b:s11+s6], $0x2800, $0x38;
	[tilespmem:$0x1E200] =	vst v63  }
0x153: {  	_ =	swait.ge [sflag:s4], $0x2800  }
0x154: {  	[sflag:s4] =	ssyncset.done $0x0  }
0x155: {  	[sflag:s4] =	ssyncadd.s32 $0xFFFFD800  }
0x156: {  	_ =	swait.ge [sflag:s5], $0x2800  }
0x157: {  	[sflag:s5] =	ssyncset.done $0x0  }
0x158: {  	s7 =	simm.s32 $0x0;
	[sflag:s5] =	ssyncadd.s32 $0xFFFFD800  }
0x159: {  	v7 =	vld [tilespmem:s7+$0x7A00]  }
0x15a: {  	v12 =	vld [tilespmem:s7+$0x7A10]  }
0x15b: {  	v6 =	vld [tilespmem:s7+$0x7A20]  }
0x15c: {  	v5 =	vld [tilespmem:s7+$0x7A30]  }
0x15d: {  	v4 =	vld [tilespmem:s7+$0x7A40]  }
0x15e: {  	v3 =	vld [tilespmem:s7+$0x7A50]  }
0x15f: {  	v2 =	vld [tilespmem:s7+$0x7A60]  }
0x160: {  	v1 =	vld [tilespmem:s7+$0x7A70]  }
0x161: {  	v13 =	vld [tilespmem:s7+$0x2A00]  }
0x162: {  	v14 =	vld [tilespmem:s7+$0x2A10]  }
0x163: {  	v11 =	vld [tilespmem:s7+$0x2A20]  }
0x164: {  	v10 =	vld [tilespmem:s7+$0x2A30]  }
0x165: {  	v9 =	vld [tilespmem:s7+$0x2A40]  }
0x166: {  	v8 =	vld [tilespmem:s7+$0x2A50];
	v13 =	vadd.f32 v7, v13  }
0x167: {  	s6 =	simm.s32 $0x200;
	v12 =	vadd.f32 v12, v14;
	v7 =	vld [tilespmem:s7+$0x2A60]  }
.LBB2_12:
0x168: {  	s8 =	sshra.s32 s6, $0x2;
	p0 =	sne.s32 s6, $0x9E00;
	v13 =	vmax.f32 v13, $0.0e+00;
	v6 =	vadd.f32 v6, v11;
	v11 =	vld [tilespmem:s7+$0x2A70]  }
0x169: {  	v14 =	vld [tilespmem:s8+$0x7A00];
	[tilespmem:s7+$0x2A00] =	vst v13;
	v12 =	vmax.f32 v12, $0.0e+00;
	v5 =	vadd.f32 v5, v10  }
0x16a: {  	v15 =	vld [tilespmem:s8+$0x7A10];
	[tilespmem:s7+$0x2A10] =	vst v12;
	v10 =	vmax.f32 v6, $0.0e+00;
	v4 =	vadd.f32 v4, v9  }
0x16b: {  	v6 =	vld [tilespmem:s8+$0x7A20];
	[tilespmem:s7+$0x2A20] =	vst v10;
	v9 =	vmax.f32 v5, $0.0e+00;
	v3 =	vadd.f32 v3, v8  }
0x16c: {  	v5 =	vld [tilespmem:s8+$0x7A30];
	[tilespmem:s7+$0x2A30] =	vst v9;
	v8 =	vmax.f32 v4, $0.0e+00;
	v2 =	vadd.f32 v2, v7  }
0x16d: {  	v4 =	vld [tilespmem:s8+$0x7A40];
	[tilespmem:s7+$0x2A40] =	vst v8;
	v7 =	vmax.f32 v3, $0.0e+00;
	v1 =	vadd.f32 v1, v11  }
0x16e: {  	v3 =	vld [tilespmem:s8+$0x7A50];
	[tilespmem:s7+$0x2A50] =	vst v7;
	v7 =	vmax.f32 v2, $0.0e+00  }
0x16f: {  	v2 =	vld [tilespmem:s8+$0x7A60];
	[tilespmem:s7+$0x2A60] =	vst v7;
	v7 =	vmax.f32 v1, $0.0e+00  }
0x170: {  	v1 =	vld [tilespmem:s8+$0x7A70];
	[tilespmem:s7+$0x2A70] =	vst v7;
	s7 =	smov.u32 s8  }
0x171: {  	v7 =	vld [tilespmem:s7+$0x2A00]  }
0x172: {  	v12 =	vld [tilespmem:s7+$0x2A10]  }
.Ltmp5:
0x173: {  	v11 =	vld [tilespmem:s7+$0x2A20];
	(pc) =	sbr.rel @p0 .LBB2_12-.Ltmp5, $4  }
0x174: {  	v10 =	vld [tilespmem:s7+$0x2A30]  }
0x175: {  	v9 =	vld [tilespmem:s7+$0x2A40]  }
0x176: {  	v13 =	vadd.f32 v14, v7;
	v8 =	vld [tilespmem:s7+$0x2A50]  }
0x177: {  	s6 =	sadd.s32 $0x200, s6;
	v12 =	vadd.f32 v15, v12;
	v7 =	vld [tilespmem:s7+$0x2A60]  }
0x178: {  	v13 =	vmax.f32 v13, $0.0e+00;
	v6 =	vadd.f32 v6, v11;
	v11 =	vld [tilespmem:s7+$0x2A70]  }
0x179: {  	[tilespmem:s7+$0x2A00] =	vst v13;
	v12 =	vmax.f32 v12, $0.0e+00;
	v5 =	vadd.f32 v5, v10  }
0x17a: {  	[tilespmem:s7+$0x2A10] =	vst v12;
	v6 =	vmax.f32 v6, $0.0e+00;
	v4 =	vadd.f32 v4, v9  }
0x17b: {  	[tilespmem:s7+$0x2A20] =	vst v6;
	v5 =	vmax.f32 v5, $0.0e+00;
	v3 =	vadd.f32 v3, v8  }
0x17c: {  	[tilespmem:s7+$0x2A30] =	vst v5;
	v4 =	vmax.f32 v4, $0.0e+00;
	v2 =	vadd.f32 v2, v7  }
0x17d: {  	[tilespmem:s7+$0x2A40] =	vst v4;
	v3 =	vmax.f32 v3, $0.0e+00;
	v1 =	vadd.f32 v1, v11  }
0x17e: {  	[tilespmem:s7+$0x2A50] =	vst v3;
	v2 =	vmax.f32 v2, $0.0e+00  }
0x17f: {  	[tilespmem:s7+$0x2A60] =	vst v2;
	v1 =	vmax.f32 v1, $0.0e+00  }
0x180: {  	[tilespmem:s7+$0x2A70] =	vst v1  }
0x181: {  	[spmem:s12] =	stream.indirect.scatter.add.f32 [tilespmem:s31], [sflag:$0x7], $0x80, s22, s24, $0xb8;
	[tilespmem:$0x1E200] =	vst v63  }
0x182: {  	_ =	swait.ge [sflag:s14], $0x2800  }
0x183: {  	[sflag:s14] =	ssyncset.done $0x0  }
0x184: {  	[sflag:s14] =	ssyncadd.s32 $0xFFFFD800  }
0x185: {  	_ =	swait.ge [sflag:s0], $0x2800  }
0x186: {  	[sflag:s0] =	ssyncset.done $0x0  }
0x187: {  	[sflag:s0] =	ssyncadd.s32 $0xFFFFD800  }
0x188: {  	_ =	swait.ge [sflag:s3], $0x2800  }
0x189: {  	[sflag:s3] =	ssyncset.done $0x0  }
0x18a: {  	s7 =	simm.s32 $0x0;
	[sflag:s3] =	ssyncadd.s32 $0xFFFFD800  }
0x18b: {  	v7 =	vld [tilespmem:s7+$0x5200]  }
0x18c: {  	v12 =	vld [tilespmem:s7+$0x5210]  }
0x18d: {  	v6 =	vld [tilespmem:s7+$0x5220]  }
0x18e: {  	v5 =	vld [tilespmem:s7+$0x5230]  }
0x18f: {  	v4 =	vld [tilespmem:s7+$0x5240]  }
0x190: {  	v3 =	vld [tilespmem:s7+$0x5250]  }
0x191: {  	v2 =	vld [tilespmem:s7+$0x5260]  }
0x192: {  	v1 =	vld [tilespmem:s7+$0x5270]  }
0x193: {  	v13 =	vld [tilespmem:s7+$0x200]  }
0x194: {  	v14 =	vld [tilespmem:s7+$0x210]  }
0x195: {  	v11 =	vld [tilespmem:s7+$0x220]  }
0x196: {  	v10 =	vld [tilespmem:s7+$0x230]  }
0x197: {  	v9 =	vld [tilespmem:s7+$0x240]  }
0x198: {  	v8 =	vld [tilespmem:s7+$0x250];
	v13 =	vadd.f32 v7, v13  }
0x199: {  	s6 =	simm.s32 $0x200;
	v12 =	vadd.f32 v12, v14;
	v7 =	vld [tilespmem:s7+$0x260]  }
.LBB2_14:
0x19a: {  	s8 =	sshra.s32 s6, $0x2;
	p0 =	sne.s32 s6, $0x9E00;
	v13 =	vmax.f32 v13, $0.0e+00;
	v6 =	vadd.f32 v6, v11;
	v11 =	vld [tilespmem:s7+$0x270]  }
0x19b: {  	v14 =	vld [tilespmem:s8+$0x5200];
	[tilespmem:s7+$0x200] =	vst v13;
	v12 =	vmax.f32 v12, $0.0e+00;
	v5 =	vadd.f32 v5, v10  }
0x19c: {  	v15 =	vld [tilespmem:s8+$0x5210];
	[tilespmem:s7+$0x210] =	vst v12;
	v10 =	vmax.f32 v6, $0.0e+00;
	v4 =	vadd.f32 v4, v9  }
0x19d: {  	v6 =	vld [tilespmem:s8+$0x5220];
	[tilespmem:s7+$0x220] =	vst v10;
	v9 =	vmax.f32 v5, $0.0e+00;
	v3 =	vadd.f32 v3, v8  }
0x19e: {  	v5 =	vld [tilespmem:s8+$0x5230];
	[tilespmem:s7+$0x230] =	vst v9;
	v8 =	vmax.f32 v4, $0.0e+00;
	v2 =	vadd.f32 v2, v7  }
0x19f: {  	v4 =	vld [tilespmem:s8+$0x5240];
	[tilespmem:s7+$0x240] =	vst v8;
	v7 =	vmax.f32 v3, $0.0e+00;
	v1 =	vadd.f32 v1, v11  }
0x1a0: {  	v3 =	vld [tilespmem:s8+$0x5250];
	[tilespmem:s7+$0x250] =	vst v7;
	v7 =	vmax.f32 v2, $0.0e+00  }
0x1a1: {  	v2 =	vld [tilespmem:s8+$0x5260];
	[tilespmem:s7+$0x260] =	vst v7;
	v7 =	vmax.f32 v1, $0.0e+00  }
0x1a2: {  	v1 =	vld [tilespmem:s8+$0x5270];
	[tilespmem:s7+$0x270] =	vst v7;
	s7 =	smov.u32 s8  }
0x1a3: {  	v7 =	vld [tilespmem:s7+$0x200]  }
0x1a4: {  	v12 =	vld [tilespmem:s7+$0x210]  }
.Ltmp6:
0x1a5: {  	v11 =	vld [tilespmem:s7+$0x220];
	(pc) =	sbr.rel @p0 .LBB2_14-.Ltmp6, $4  }
0x1a6: {  	v10 =	vld [tilespmem:s7+$0x230]  }
0x1a7: {  	v9 =	vld [tilespmem:s7+$0x240]  }
0x1a8: {  	v13 =	vadd.f32 v14, v7;
	v8 =	vld [tilespmem:s7+$0x250]  }
0x1a9: {  	s6 =	sadd.s32 $0x200, s6;
	v12 =	vadd.f32 v15, v12;
	v7 =	vld [tilespmem:s7+$0x260]  }
0x1aa: {  	v13 =	vmax.f32 v13, $0.0e+00;
	v6 =	vadd.f32 v6, v11;
	v63 =	vld [tilespmem:s7+$0x270]  }
0x1ab: {  	[tilespmem:s7+$0x200] =	vst v13;
	v12 =	vmax.f32 v12, $0.0e+00;
	v5 =	vadd.f32 v5, v10  }
0x1ac: {  	[tilespmem:s7+$0x210] =	vst v12;
	v6 =	vmax.f32 v6, $0.0e+00;
	v4 =	vadd.f32 v4, v9  }
0x1ad: {  	[tilespmem:s7+$0x220] =	vst v6;
	v5 =	vmax.f32 v5, $0.0e+00;
	v3 =	vadd.f32 v3, v8  }
0x1ae: {  	[tilespmem:s7+$0x230] =	vst v5;
	v4 =	vmax.f32 v4, $0.0e+00;
	v2 =	vadd.f32 v2, v7  }
0x1af: {  	[tilespmem:s7+$0x240] =	vst v4;
	v3 =	vmax.f32 v3, $0.0e+00;
	v1 =	vadd.f32 v1, v63  }
0x1b0: {  	[tilespmem:s7+$0x250] =	vst v3;
	v2 =	vmax.f32 v2, $0.0e+00  }
0x1b1: {  	[tilespmem:s7+$0x260] =	vst v2;
	v1 =	vmax.f32 v1, $0.0e+00  }
0x1b2: {  	[tilespmem:s7+$0x270] =	vst v1  }
0x1b3: {  	[spmem:s12] =	stream.indirect.scatter.add.f32 [tilespmem:s28], [sflag:$0x7], $0x80, s20, s24, $0xb8;
	[tilespmem:$0x1E200] =	vst v63  }
0x1b4: {  	_ =	swait.ge [sflag:s14], $0x2800  }
0x1b5: {  	[sflag:s14] =	ssyncset.done $0x0  }
0x1b6: {  	s6 =	stileid.u32;
	[sflag:s14] =	ssyncadd.s32 $0xFFFFD800  }
0x1b7: {  	s6 =	sshll.u32 s6, $0x6;
	[bflag:$0x0] =	sbarrier.arrive $0xFFFF  }
0x1b8: {  	s11 =	sshrl.u32 s18, $0x3;
	s6 =	sor.u32 $0x1C07, s6;
	s8 =	rddreg [dreg:$0x5]  }
0x1b9: {  	[hbm:s8], [sflag:s6] =	dma.local [spmem:s11], $0x400  }
0x1ba: {  	_ =	swait.ge [sflag:s14], $0x400  }
0x1bb: {  	[sflag:s14] =	ssyncset.done $0x0;
	s8 =	rddreg [dreg:$0x6]  }
0x1bc: {  	s9 =	rddreg [dreg:$0x18];
	[sflag:s14] =	ssyncadd.s32 $0xFFFFFC00  }
0x1bd: {  	[hbm:s8], [sflag:s6] =	dma.local [spmem:s9], $0x400  }
0x1be: {  	_ =	swait.ge [sflag:s14], $0x400  }
0x1bf: {  	[sflag:s14] =	ssyncset.done $0x0;
	s10 =	rddreg [dreg:$0x7]  }
0x1c0: {  	s11 =	rddreg [dreg:$0x19];
	[sflag:s14] =	ssyncadd.s32 $0xFFFFFC00  }
0x1c1: {  	[hbm:s10], [sflag:s6] =	dma.local [spmem:s11], $0x400  }
0x1c2: {  	_ =	swait.ge [sflag:s14], $0x400  }
0x1c3: {  	[sflag:s14] =	ssyncset.done $0x0;
	s8 =	rddreg [dreg:$0x8]  }
0x1c4: {  	s9 =	rddreg [dreg:$0x1a];
	[sflag:s14] =	ssyncadd.s32 $0xFFFFFC00  }
0x1c5: {  	[hbm:s8], [sflag:s6] =	dma.local [spmem:s9], $0x400  }
0x1c6: {  	_ =	swait.ge [sflag:s14], $0x400  }
0x1c7: {  	[sflag:s14] =	ssyncset.done $0x0;
	s10 =	rddreg [dreg:$0x9]  }
0x1c8: {  	s11 =	rddreg [dreg:$0x1b];
	[sflag:s14] =	ssyncadd.s32 $0xFFFFFC00  }
0x1c9: {  	[hbm:s10], [sflag:s6] =	dma.local [spmem:s11], $0x400  }
0x1ca: {  	_ =	swait.ge [sflag:s14], $0x400  }
0x1cb: {  	[sflag:s14] =	ssyncset.done $0x0;
	s8 =	rddreg [dreg:$0xa]  }
0x1cc: {  	s9 =	rddreg [dreg:$0x1c];
	[sflag:s14] =	ssyncadd.s32 $0xFFFFFC00  }
0x1cd: {  	[hbm:s8], [sflag:s6] =	dma.local [spmem:s9], $0x400  }
0x1ce: {  	_ =	swait.ge [sflag:s14], $0x400  }
0x1cf: {  	[sflag:s14] =	ssyncset.done $0x0;
	s10 =	rddreg [dreg:$0xb]  }
0x1d0: {  	s11 =	rddreg [dreg:$0x1d];
	[sflag:s14] =	ssyncadd.s32 $0xFFFFFC00  }
0x1d1: {  	[hbm:s10], [sflag:s6] =	dma.local [spmem:s11], $0x400  }
0x1d2: {  	_ =	swait.ge [sflag:s14], $0x400  }
0x1d3: {  	[sflag:s14] =	ssyncset.done $0x0;
	s8 =	rddreg [dreg:$0xc]  }
0x1d4: {  	s9 =	rddreg [dreg:$0x1e];
	[sflag:s14] =	ssyncadd.s32 $0xFFFFFC00  }
0x1d5: {  	[hbm:s8], [sflag:s6] =	dma.local [spmem:s9], $0x400  }
0x1d6: {  	_ =	swait.ge [sflag:s14], $0x400  }
0x1d7: {  	[sflag:s14] =	ssyncset.done $0x0;
	s10 =	rddreg [dreg:$0xd]  }
0x1d8: {  	s11 =	rddreg [dreg:$0x1f];
	[sflag:s14] =	ssyncadd.s32 $0xFFFFFC00  }
0x1d9: {  	[hbm:s10], [sflag:s6] =	dma.local [spmem:s11], $0x400  }
0x1da: {  	_ =	swait.ge [sflag:s14], $0x400  }
0x1db: {  	s9 =	sld [smem:$0x7FD]  }
0x1dc: {  	[sflag:s14] =	ssyncset.done $0x0  }
0x1dd: {  	s8 =	rddreg [dreg:$0x4];
	[sflag:s14] =	ssyncadd.s32 $0xFFFFFC00  }
0x1de: {  	[hbm:s8], [sflag:s6] =	dma.local [spmem:s9], $0x380  }
0x1df: {  	_ =	swait.ge [sflag:s14], $0x380  }
0x1e0: {  	s10 =	sld [smem:$0x7FC];
	_ =	sdelay $0x2  }
0x1e1: {  	s11 =	rddreg [dreg:$0x17];
	s7 =	sadd.s32 $0x1, s10  }
0x1e2: {  	p0 =	sne.s32 s7, s11  }
.Ltmp7:
0x1e3: {  	_ = 	snop;
	(pc) =	sbr.rel @p0 .LBB2_1-.Ltmp7, $3  }
0x1e4: {  	_ =	sdelay $0x1  }
0x1e5: {  	[sflag:s14] =	ssyncset.done $0x0  }
0x1e6: {  	[sflag:s14] =	ssyncadd.s32 $0xFFFFFC80  }
0x1e7: {  	_ =	sfence.sel $0x180000  }
0x1e8: {  	[bflag:$0x0] =	sbarrier.arrive $0xFFFF  }
0x1e9: {  	_ =	strace $0x90000047  }
0x1ea: {  	s0 =	stileid.u32;
	[bflag:$0x2] =	sbarrier.arrive $0xFFFF  }
0x1eb: {  	p0 =	sne.s32 s0, $0x0;
	s0 =	rddreg [dreg:$0x3]  }
0x1ec: {  	s0 =	sadd.s32 @!p0 $0x100000, s0  }
0x1ed: {  	[sflag:s0] =	ssyncadd.tile.s32 @!p0 $0x1;
	_ =	shalt  }
.Lfunc_end2:
_tile_overlayer_lowered:
.L_overlay_start_2:
0x1ee: {  	(tag) =	ssettag $0x2  }
0x1ef: {  	s0 =	rddreg [dreg:$0x0];
	s2 =	stileid.u32  }
0x1f0: {  	s1 =	rddreg [dreg:$0x1];
	p0 =	sne.s32 s2, $0x0  }
0x1f1: {  	s3 =	rddreg [dreg:$0x2];
	[bflag:$0x3] =	sbarrier.arrive $0xFFFF;
	s2 =	simm.s32 @!p0 $0x1C07  }
0x1f2: {  	[timem:s3], [sflag:s2] =	dma.local @!p0 [hbm:s0], s1  }
0x1f3: {  	s0 =	simm.s32 @!p0 $0x7  }
0x1f4: {  	_ =	swait.ge @!p0 [sflag:s0], s1  }
0x1f5: {  	s1 =	ssub.s32 @!p0 $0x0, s1;
	[sflag:s0] =	ssyncset.done @!p0 $0x0  }
0x1f6: {  	[sflag:s0] =	ssyncadd.s32 @!p0 s1  }
0x1f7: {  	[bflag:$0x3] =	sbarrier.arrive $0xFFFF  }
0x1f8: {  	_ =	shalt  }

</sc_bundles>
